<compile_context>
chip_gen: v7x
topology: tpu7x:2x2x1
jax: 0.10.2.dev20260603
libtpu: 0.0.44.dev20260713+nightly
codegen_flags: <defaults>
</compile_context>

<pallas_src>
import functools

import jax
import jax.numpy as jnp
from jax import lax
from jax.experimental import pallas as pl
from jax.experimental.pallas import tpu as pltpu
from jax.experimental.pallas import tpu_sc as plsc

_N = 8388608
_NTAB = 2000
_PAD = 2048
_L = 16
_NC, _NS = 2, 16
_NW = _NC * _NS
_PER_W = _N // _NW
_CH = 8192
_NCH = _PER_W // _CH
_VEC = 4


def _body(x_hbm, means_hbm, weights_hbm, out_hbm,
          means16_v, cw16_v, sl16_v, xb0, xb1, ob0, ob1,
          sem_in0, sem_in1, sem_out0, sem_out1):
  wid = lax.axis_index("s") * _NC + lax.axis_index("c")
  base = wid * _PER_W

  means_v = ob1
  cw_v = ob0
  pltpu.sync_copy(means_hbm, means_v.at[pl.ds(0, _NTAB)])
  pltpu.sync_copy(weights_hbm, cw_v.at[pl.ds(0, _NTAB)])
  for j in range(_NTAB, _PAD, _L):
    means_v[pl.ds(j, _L)] = jnp.full((_L,), jnp.inf, jnp.float32)

  def cw_step(j, carry):
    v = cw_v[pl.ds(j * _L, _L)]
    cw_v[pl.ds(j * _L, _L)] = plsc.cumsum(v) - v * 0.5 + carry
    return carry + jnp.sum(v)

  total_w = lax.fori_loop(0, _NTAB // _L, cw_step, jnp.float32(0.0))
  inv_w = jnp.ones((_L,), jnp.float32) / jnp.broadcast_to(total_w, (_L,))
  m0 = means_v[pl.ds(0, _L)][0]
  mn = means_v[pl.ds(_NTAB - _L, _L)][_L - 1]

  def scale_step(j, _):
    cw_v[pl.ds(j * _L, _L)] = cw_v[pl.ds(j * _L, _L)] * inv_w
    return _

  lax.fori_loop(0, _NTAB // _L, scale_step, jnp.float32(0.0))
  cw_v[pl.ds(_NTAB, _L)] = jnp.ones((_L,), jnp.float32)

  def rep_step(jj, _):
    v = means_v[pl.ds(jj * _L, _L)]
    for k in range(_L):
      means16_v[pl.ds((jj * _L + k + 1) * _L, _L)] = jnp.broadcast_to(v[k], (_L,))
    return _

  lax.fori_loop(0, _PAD // _L, rep_step, jnp.float32(0.0))

  def tab_step(j, _):
    a = cw_v[pl.ds(j * _L, _L)]
    b = cw_v[pl.ds(j * _L + 1, _L)]
    ma = means_v[pl.ds(j * _L, _L)]
    mb = means_v[pl.ds(j * _L + 1, _L)]
    gap = mb - ma
    sl = jnp.where(gap > 0.0, (b - a) / jnp.where(gap > 0.0, gap, 1.0), 0.0)
    for k in range(_L):
      cw16_v[pl.ds((j * _L + k) * _L, _L)] = jnp.broadcast_to(a[k], (_L,))
      sl16_v[pl.ds((j * _L + k + 1) * _L, _L)] = jnp.broadcast_to(sl[k], (_L,))
    return _

  lax.fori_loop(0, _NTAB // _L, tab_step, jnp.float32(0.0))

  lane = lax.iota(jnp.int32, _L)
  lane_hi = lane + _L * 1024
  lob = lane + _L
  hib = lane + _L * (_NTAB - 1)
  b1023 = jnp.broadcast_to(means_v[pl.ds(1008, _L)][_L - 1], (_L,))
  b511 = jnp.broadcast_to(means_v[pl.ds(496, _L)][_L - 1], (_L,))
  b1535 = jnp.broadcast_to(means_v[pl.ds(1520, _L)][_L - 1], (_L,))

  xbufs = (xb0, xb1)
  obufs = (ob0, ob1)
  sems_in = (sem_in0, sem_in1)
  sems_out = (sem_out0, sem_out1)

  def in_copy(g, b):
    return pltpu.make_async_copy(
        x_hbm.at[pl.ds(base + g * _CH, _CH)], xbufs[b], sems_in[b])

  def out_copy(g, b):
    return pltpu.make_async_copy(
        obufs[b], out_hbm.at[pl.ds(base + g * _CH, _CH)], sems_out[b])

  in_copy(0, 0).start()

  @pl.loop(0, _NCH, step=2)
  def _(g):
    for b in (0, 1):
      gg = g + b
      nxt = 1 - b

      @pl.when(gg + 1 < _NCH)
      def _():
        in_copy(gg + 1, nxt).start()

      in_copy(gg, b).wait()

      @pl.when(gg >= 2)
      def _():
        out_copy(gg - 2, b).wait()

      xbuf = xbufs[b]
      obuf = obufs[b]

      @plsc.parallel_loop(0, _CH // (_L * _VEC), unroll=2)
      def _(i):
        xs = [xbuf[pl.ds((i * _VEC + k) * _L, _L)] for k in range(_VEC)]
        preds1 = [b1023 < xs[k] for k in range(_VEC)]
        poss = [jnp.where(preds1[k], lane_hi, lane) for k in range(_VEC)]
        mv2s = [jnp.where(preds1[k], b1535, b511) for k in range(_VEC)]
        poss = [jnp.where(mv2s[k] < xs[k], poss[k] + _L * 512, poss[k])
                for k in range(_VEC)]
        for w in (256, 128, 64, 32, 16, 8, 4, 2, 1):
          idxs = [poss[k] + _L * w for k in range(_VEC)]
          mvs = [plsc.load_gather(means16_v, [idxs[k]]) for k in range(_VEC)]
          poss = [jnp.where(mvs[k] < xs[k], idxs[k], poss[k])
                  for k in range(_VEC)]
        for k in range(_VEC):
          xv = xs[k]
          poslc = jnp.minimum(jnp.maximum(poss[k], lob), hib)
          m1 = plsc.load_gather(means16_v, [poslc])
          c2 = plsc.load_gather(cw16_v, [poslc])
          sl = plsc.load_gather(sl16_v, [poslc])
          wa = c2 - (xv - m1) * sl
          res = jnp.where(xv <= m0, 0.0, wa)
          res = jnp.where(xv >= mn, 1.0, res)
          obuf[pl.ds((i * _VEC + k) * _L, _L)] = res

      out_copy(gg, b).start()

  out_copy(_NCH - 2, 0).wait()
  out_copy(_NCH - 1, 1).wait()


@functools.cache
def _build():
  return pl.kernel(
      _body,
      out_type=jax.ShapeDtypeStruct((_N,), jnp.float32),
      mesh=plsc.VectorSubcoreMesh(core_axis_name="c", subcore_axis_name="s",
                                  num_cores=_NC, num_subcores=_NS),
      scratch_types=[
          pltpu.VMEM(((_PAD + 1) * _L,), jnp.float32),
          pltpu.VMEM((_NTAB * _L,), jnp.float32),
          pltpu.VMEM(((_NTAB + 1) * _L,), jnp.float32),
          pltpu.VMEM((_CH,), jnp.float32),
          pltpu.VMEM((_CH,), jnp.float32),
          pltpu.VMEM((_CH,), jnp.float32),
          pltpu.VMEM((_CH,), jnp.float32),
          pltpu.SemaphoreType.DMA,
          pltpu.SemaphoreType.DMA,
          pltpu.SemaphoreType.DMA,
          pltpu.SemaphoreType.DMA,
      ],
      compiler_params=pltpu.CompilerParams(needs_layout_passes=False),
  )


def kernel(x, processed_means, processed_weights):
  return _build()(x, processed_means, processed_weights)

# --- scband reference (transcript-rebuilt; emitter-appended) ---
"""Pipeline reference for scband-tdigest-11982958756761 (READ-ONLY COPY).

The authoritative reference and input builder live on the scoring server;
editing this copy changes nothing except your own understanding.
"""

import jax, jax.numpy as jnp
import numpy as np


def _weighted_average(x1, w1, x2, w2):
    # t-digest weightedAverage: interpolate and clamp to the [min,max] of endpoints
    denom = w1 + w2
    safe = jnp.where(denom == 0.0, 1.0, denom)
    wa = (x1 * w1 + x2 * w2) / safe
    lo = jnp.minimum(x1, x2)
    hi = jnp.maximum(x1, x2)
    return jnp.clip(wa, lo, hi)


def setup_inputs(seed: int = 0) -> dict:
    key = jax.random.key(seed)
    k1, k2, k3 = jax.random.split(key, 3)
    x = jax.random.normal(k1, (8388608,), dtype=jnp.float32)
    # processed digest state: compression=1000 -> up to 2000 processed centroids
    processed_means = jnp.sort(jax.random.normal(k2, (2000,), dtype=jnp.float32))
    processed_weights = jax.random.uniform(k3, (2000,), dtype=jnp.float32) * 100.0 + 1.0
    return {"x": x, "processed_means": processed_means, "processed_weights": processed_weights}


def reference(x, processed_means, processed_weights):
    # Faithful translation of TDigest.cdf for a processed digest with n_processed > 1.
    means = processed_means
    weights = processed_weights
    processed_weight = jnp.sum(weights)
    # midpoint cumulative weights as maintained by the digest after _process
    cumulative_weights = jnp.cumsum(weights) - weights / 2.0
    mean_min = means[0] - 1.0
    mean_max = means[-1] + 1.0
    n = means.shape[0]

    at_min = x <= mean_min
    at_max = x >= mean_max
    mask = ~(at_min | at_max)

    # left tail: mask & (x <= m0)
    m0 = means[0]
    w0 = weights[0]
    tail_l = mask & (x <= m0)
    denom_l = m0 - mean_min
    safe_l = jnp.where(denom_l == 0.0, 1.0, denom_l)
    val_l = jnp.where(denom_l > 0.0, 0.0,
                      (x - mean_min) / safe_l * w0 / processed_weight / 2.0)

    # right tail: mask & (x >= mn)
    mn = means[-1]
    wn = weights[-1]
    tail_r = mask & (x >= mn)
    denom_r = mean_max - mn
    safe_r = jnp.where(denom_r == 0.0, 1.0, denom_r)
    val_r = jnp.where(denom_r > 0.0, 1.0,
                      1.0 - (mean_max - x) / safe_r * wn / processed_weight / 2.0)

    mid = mask & ~(tail_l | tail_r)
    upper = jnp.clip(jnp.searchsorted(means, x), 1, n - 1)
    z1 = x - means[upper - 1]
    z2 = means[upper] - x
    interp = _weighted_average(cumulative_weights[upper - 1], z1,
                               cumulative_weights[upper], z2) / processed_weight

    out = jnp.zeros_like(x)
    out = jnp.where(at_max, 1.0, out)
    out = jnp.where(tail_l, val_l, out)
    out = jnp.where(tail_r, val_r, out)
    out = jnp.where(mid, interp, out)
    return out

if __name__ == "__main__":
    import jax
    _d = setup_inputs()
    print(jax.jit(kernel)(*tuple(_d.values())))

</pallas_src>

<mosaic_0001>
#map = affine_map<(d0, d1) -> (0)>
module attributes {stable_mosaic.version = 14 : i64} {
  func.func @_body(%arg0: i32, %arg1: i32, %arg2: memref<8388608xf32, #tpu.memory_space<hbm>>, %arg3: memref<2000xf32, #tpu.memory_space<hbm>>, %arg4: memref<2000xf32, #tpu.memory_space<hbm>>, %arg5: memref<8388608xf32, #tpu.memory_space<hbm>>, %arg6: memref<32784xf32, #tpu.memory_space<vmem>>, %arg7: memref<32000xf32, #tpu.memory_space<vmem>>, %arg8: memref<32016xf32, #tpu.memory_space<vmem>>, %arg9: memref<8192xf32, #tpu.memory_space<vmem>>, %arg10: memref<8192xf32, #tpu.memory_space<vmem>>, %arg11: memref<8192xf32, #tpu.memory_space<vmem>>, %arg12: memref<8192xf32, #tpu.memory_space<vmem>>, %arg13: memref<!tpu.dma_semaphore, #tpu.memory_space<semaphore_mem>>, %arg14: memref<!tpu.dma_semaphore, #tpu.memory_space<semaphore_mem>>, %arg15: memref<!tpu.dma_semaphore, #tpu.memory_space<semaphore_mem>>, %arg16: memref<!tpu.dma_semaphore, #tpu.memory_space<semaphore_mem>>) attributes {dimension_semantics = [#tpu.dimension_semantics<core_parallel>, #tpu.dimension_semantics<subcore_parallel>], iteration_bounds = array<i64: 2, 16>, scalar_prefetch = 0 : i64, scratch_operands = 11 : i64, tpu.core_type = #tpu.core_type<sc_vector_subcore>, window_params = [{transform_indices = #map}, {transform_indices = #map}, {transform_indices = #map}, {transform_indices = #map}]} {
    %mul3A = arith.constant 2 : i32
    %mul3A_0 = arith.muli %arg1, %mul3A : i32
    %add3A = arith.addi %mul3A_0, %arg0 : i32
    %mul3A_1 = arith.constant 262144 : i32
    %mul3A_2 = arith.muli %add3A, %mul3A_1 : i32
    "tpu.region"() ({
      %run_scoped3A = tpu.sem_alloc : memref<!tpu.dma_semaphore, #tpu.memory_space<semaphore_mem>>
      %dma_start3A_88 = arith.constant 0 : i32
      %dma_start3A_89 = tpu.memref_slice %arg12[%dma_start3A_88] : memref<8192xf32, #tpu.memory_space<vmem>> -> memref<2000xf32, #tpu.memory_space<vmem>>
      %dma_start3A_90 = arith.constant 0 : i32
      %dma_start3A_91 = tpu.memref_slice %arg12[%dma_start3A_90] : memref<8192xf32, #tpu.memory_space<vmem>> -> memref<2000xf32, #tpu.memory_space<vmem>>
      tpu.enqueue_dma source(%arg3 : memref<2000xf32, #tpu.memory_space<hbm>>) target(%dma_start3A_91 : memref<2000xf32, #tpu.memory_space<vmem>>) target_semaphore(%run_scoped3A : memref<!tpu.dma_semaphore, #tpu.memory_space<semaphore_mem>>)
      %dma_wait3A_92 = arith.constant 0 : i32
      %dma_wait3A_93 = tpu.memref_slice %arg12[%dma_wait3A_92] : memref<8192xf32, #tpu.memory_space<vmem>> -> memref<2000xf32, #tpu.memory_space<vmem>>
      %dma_wait3A_94 = arith.constant 0 : i32
      %dma_wait3A_95 = tpu.memref_slice %arg12[%dma_wait3A_94] : memref<8192xf32, #tpu.memory_space<vmem>> -> memref<2000xf32, #tpu.memory_space<vmem>>
      tpu.wait_dma2 semaphore(%run_scoped3A : memref<!tpu.dma_semaphore, #tpu.memory_space<semaphore_mem>>) src(%arg3 : memref<2000xf32, #tpu.memory_space<hbm>>) dst(%dma_wait3A_95 : memref<2000xf32, #tpu.memory_space<vmem>>)
      tpu.yield
    }) : () -> ()
    "tpu.region"() ({
      %run_scoped3A = tpu.sem_alloc : memref<!tpu.dma_semaphore, #tpu.memory_space<semaphore_mem>>
      %dma_start3A_88 = arith.constant 0 : i32
      %dma_start3A_89 = tpu.memref_slice %arg11[%dma_start3A_88] : memref<8192xf32, #tpu.memory_space<vmem>> -> memref<2000xf32, #tpu.memory_space<vmem>>
      %dma_start3A_90 = arith.constant 0 : i32
      %dma_start3A_91 = tpu.memref_slice %arg11[%dma_start3A_90] : memref<8192xf32, #tpu.memory_space<vmem>> -> memref<2000xf32, #tpu.memory_space<vmem>>
      tpu.enqueue_dma source(%arg4 : memref<2000xf32, #tpu.memory_space<hbm>>) target(%dma_start3A_91 : memref<2000xf32, #tpu.memory_space<vmem>>) target_semaphore(%run_scoped3A : memref<!tpu.dma_semaphore, #tpu.memory_space<semaphore_mem>>)
      %dma_wait3A_92 = arith.constant 0 : i32
      %dma_wait3A_93 = tpu.memref_slice %arg11[%dma_wait3A_92] : memref<8192xf32, #tpu.memory_space<vmem>> -> memref<2000xf32, #tpu.memory_space<vmem>>
      %dma_wait3A_94 = arith.constant 0 : i32
      %dma_wait3A_95 = tpu.memref_slice %arg11[%dma_wait3A_94] : memref<8192xf32, #tpu.memory_space<vmem>> -> memref<2000xf32, #tpu.memory_space<vmem>>
      tpu.wait_dma2 semaphore(%run_scoped3A : memref<!tpu.dma_semaphore, #tpu.memory_space<semaphore_mem>>) src(%arg4 : memref<2000xf32, #tpu.memory_space<hbm>>) dst(%dma_wait3A_95 : memref<2000xf32, #tpu.memory_space<vmem>>)
      tpu.yield
    }) : () -> ()
    %broadcast_in_dim3A = arith.constant 0x7F800000 : f32
    %broadcast_in_dim3A_3 = vector.broadcast %broadcast_in_dim3A : f32 to vector<16xf32>
    %swap3A = arith.constant 2000 : index
    %swap3A_4 = tpu.vector_load %arg12[%swap3A] {strides = array<i32>} : memref<8192xf32, #tpu.memory_space<vmem>>, vector<16xf32>,
    tpu.vector_store %arg12[%swap3A], %broadcast_in_dim3A_3 {strides = array<i32>} : memref<8192xf32, #tpu.memory_space<vmem>>, vector<16xf32>,
    %broadcast_in_dim3A_5 = arith.constant 0x7F800000 : f32
    %broadcast_in_dim3A_6 = vector.broadcast %broadcast_in_dim3A_5 : f32 to vector<16xf32>
    %swap3A_7 = arith.constant 2016 : index
    %swap3A_8 = tpu.vector_load %arg12[%swap3A_7] {strides = array<i32>} : memref<8192xf32, #tpu.memory_space<vmem>>, vector<16xf32>,
    tpu.vector_store %arg12[%swap3A_7], %broadcast_in_dim3A_6 {strides = array<i32>} : memref<8192xf32, #tpu.memory_space<vmem>>, vector<16xf32>,
    %broadcast_in_dim3A_9 = arith.constant 0x7F800000 : f32
    %broadcast_in_dim3A_10 = vector.broadcast %broadcast_in_dim3A_9 : f32 to vector<16xf32>
    %swap3A_11 = arith.constant 2032 : index
    %swap3A_12 = tpu.vector_load %arg12[%swap3A_11] {strides = array<i32>} : memref<8192xf32, #tpu.memory_space<vmem>>, vector<16xf32>,
    tpu.vector_store %arg12[%swap3A_11], %broadcast_in_dim3A_10 {strides = array<i32>} : memref<8192xf32, #tpu.memory_space<vmem>>, vector<16xf32>,
    %scan3A = arith.constant 0.000000e+00 : f32
    %scan3A_13 = arith.constant 0 : i32
    %scan3A_14 = arith.constant 125 : i32
    %scan3A_15 = arith.addi %scan3A_13, %scan3A_14 : i32
    %scan3A_16 = arith.constant 1 : i32
    %scan3A_17 = scf.for %scan3A_88 = %scan3A_13 to %scan3A_15 step %scan3A_16 iter_args(%scan3A_89 = %scan3A) -> (f32)  : i32 {
      %mul3A_90 = arith.constant 16 : i32
      %mul3A_91 = arith.muli %scan3A_88, %mul3A_90 : i32
      %get3A_92 = arith.index_cast %mul3A_91 : i32 to index
      %get3A_93 = tpu.vector_load %arg11[%get3A_92] {strides = array<i32>} : memref<8192xf32, #tpu.memory_space<vmem>>, vector<16xf32>,
      %broadcast_in_dim3A_94 = arith.constant true
      %broadcast_in_dim3A_95 = vector.broadcast %broadcast_in_dim3A_94 : i1 to vector<16xi1>
      %masked_cumsum3A = tpu.scan <sum>, %get3A_93 masked %broadcast_in_dim3A_95 : vector<16xf32>, vector<16xi1> -> vector<16xf32>
      %mul3A_96 = arith.constant 5.000000e-01 : f32
      %mul3A_97 = vector.broadcast %mul3A_96 : f32 to vector<16xf32>
      %mul3A_98 = arith.mulf %get3A_93, %mul3A_97 : vector<16xf32>
      %sub3A = arith.subf %masked_cumsum3A, %mul3A_98 : vector<16xf32>
      %add3A_99 = vector.broadcast %scan3A_89 : f32 to vector<16xf32>
      %add3A_100 = arith.addf %sub3A, %add3A_99 : vector<16xf32>
      %mul3A_101 = arith.constant 16 : i32
      %mul3A_102 = arith.muli %scan3A_88, %mul3A_101 : i32
      %swap3A_103 = arith.index_cast %mul3A_102 : i32 to index
      %swap3A_104 = tpu.vector_load %arg11[%swap3A_103] {strides = array<i32>} : memref<8192xf32, #tpu.memory_space<vmem>>, vector<16xf32>,
      tpu.vector_store %arg11[%swap3A_103], %add3A_100 {strides = array<i32>} : memref<8192xf32, #tpu.memory_space<vmem>>, vector<16xf32>,
      %reduce_sum3A = arith.constant true
      %reduce_sum3A_105 = vector.broadcast %reduce_sum3A : i1 to vector<16xi1>
      %reduce_sum3A_106 = tpu.scan <sum>, %get3A_93 masked %reduce_sum3A_105 : vector<16xf32>, vector<16xi1> -> vector<16xf32>
      %reduce_sum3A_107 = vector.extract %reduce_sum3A_106[15] : f32 from vector<16xf32>
      %add3A_108 = arith.addf %scan3A_89, %reduce_sum3A_107 : f32
      scf.yield %add3A_108 : f32
    }
    %scan3A_18 = arith.constant 125 : i32
    %broadcast_in_dim3A_19 = arith.constant 1.000000e+00 : f32
    %broadcast_in_dim3A_20 = vector.broadcast %broadcast_in_dim3A_19 : f32 to vector<16xf32>
    %broadcast_in_dim3A_21 = vector.broadcast %scan3A_17 : f32 to vector<16xf32>
    %div3A = arith.divf %broadcast_in_dim3A_20, %broadcast_in_dim3A_21 : vector<16xf32>
    %get3A = arith.constant 0 : index
    %get3A_22 = tpu.vector_load %arg12[%get3A] {strides = array<i32>} : memref<8192xf32, #tpu.memory_space<vmem>>, vector<16xf32>,
    %slice3A = vector.extract_strided_slice %get3A_22 {offsets = [0], sizes = [1], strides = [1]} : vector<16xf32> to vector<1xf32>
    %squeeze3A = vector.extract %slice3A[0] : f32 from vector<1xf32>
    %get3A_23 = arith.constant 1984 : index
    %get3A_24 = tpu.vector_load %arg12[%get3A_23] {strides = array<i32>} : memref<8192xf32, #tpu.memory_space<vmem>>, vector<16xf32>,
    %slice3A_25 = vector.extract_strided_slice %get3A_24 {offsets = [15], sizes = [1], strides = [1]} : vector<16xf32> to vector<1xf32>
    %squeeze3A_26 = vector.extract %slice3A_25[0] : f32 from vector<1xf32>
    %scan3A_27 = arith.constant 0.000000e+00 : f32
    %scan3A_28 = arith.constant 0 : i32
    %scan3A_29 = arith.constant 125 : i32
    %scan3A_30 = arith.addi %scan3A_28, %scan3A_29 : i32
    %scan3A_31 = arith.constant 1 : i32
    scf.for %scan3A_88 = %scan3A_28 to %scan3A_30 step %scan3A_31  : i32 {
      %mul3A_89 = arith.constant 16 : i32
      %mul3A_90 = arith.muli %scan3A_88, %mul3A_89 : i32
      %get3A_91 = arith.index_cast %mul3A_90 : i32 to index
      %get3A_92 = tpu.vector_load %arg11[%get3A_91] {strides = array<i32>} : memref<8192xf32, #tpu.memory_space<vmem>>, vector<16xf32>,
      %mul3A_93 = arith.mulf %get3A_92, %div3A : vector<16xf32>
      %mul3A_94 = arith.constant 16 : i32
      %mul3A_95 = arith.muli %scan3A_88, %mul3A_94 : i32
      %swap3A_96 = arith.index_cast %mul3A_95 : i32 to index
      %swap3A_97 = tpu.vector_load %arg11[%swap3A_96] {strides = array<i32>} : memref<8192xf32, #tpu.memory_space<vmem>>, vector<16xf32>,
      tpu.vector_store %arg11[%swap3A_96], %mul3A_93 {strides = array<i32>} : memref<8192xf32, #tpu.memory_space<vmem>>, vector<16xf32>,
    }
    %scan3A_32 = arith.constant 125 : i32
    %broadcast_in_dim3A_33 = arith.constant 1.000000e+00 : f32
    %broadcast_in_dim3A_34 = vector.broadcast %broadcast_in_dim3A_33 : f32 to vector<16xf32>
    %swap3A_35 = arith.constant 2000 : index
    %swap3A_36 = tpu.vector_load %arg11[%swap3A_35] {strides = array<i32>} : memref<8192xf32, #tpu.memory_space<vmem>>, vector<16xf32>,
    tpu.vector_store %arg11[%swap3A_35], %broadcast_in_dim3A_34 {strides = array<i32>} : memref<8192xf32, #tpu.memory_space<vmem>>, vector<16xf32>,
    %scan3A_37 = arith.constant 0.000000e+00 : f32
    %scan3A_38 = arith.constant 0 : i32
    %scan3A_39 = arith.constant 128 : i32
    %scan3A_40 = arith.addi %scan3A_38, %scan3A_39 : i32
    %scan3A_41 = arith.constant 1 : i32
    scf.for %scan3A_88 = %scan3A_38 to %scan3A_40 step %scan3A_41  : i32 {
      %mul3A_89 = arith.constant 16 : i32
      %mul3A_90 = arith.muli %scan3A_88, %mul3A_89 : i32
      %get3A_91 = arith.index_cast %mul3A_90 : i32 to index
      %get3A_92 = tpu.vector_load %arg12[%get3A_91] {strides = array<i32>} : memref<8192xf32, #tpu.memory_space<vmem>>, vector<16xf32>,
      %slice3A_93 = vector.extract_strided_slice %get3A_92 {offsets = [0], sizes = [1], strides = [1]} : vector<16xf32> to vector<1xf32>
      %squeeze3A_94 = vector.extract %slice3A_93[0] : f32 from vector<1xf32>
      %broadcast_in_dim3A_95 = vector.broadcast %squeeze3A_94 : f32 to vector<16xf32>
      %mul3A_96 = arith.constant 16 : i32
      %mul3A_97 = arith.muli %scan3A_88, %mul3A_96 : i32
      %add3A_98 = arith.constant 0 : i32
      %add3A_99 = arith.addi %mul3A_97, %add3A_98 : i32
      %add3A_100 = arith.constant 1 : i32
      %add3A_101 = arith.addi %add3A_99, %add3A_100 : i32
      %mul3A_102 = arith.constant 16 : i32
      %mul3A_103 = arith.muli %add3A_101, %mul3A_102 : i32
      %swap3A_104 = arith.index_cast %mul3A_103 : i32 to index
      %swap3A_105 = tpu.vector_load %arg6[%swap3A_104] {strides = array<i32>} : memref<32784xf32, #tpu.memory_space<vmem>>, vector<16xf32>,
      tpu.vector_store %arg6[%swap3A_104], %broadcast_in_dim3A_95 {strides = array<i32>} : memref<32784xf32, #tpu.memory_space<vmem>>, vector<16xf32>,
      %slice3A_106 = vector.extract_strided_slice %get3A_92 {offsets = [1], sizes = [1], strides = [1]} : vector<16xf32> to vector<1xf32>
      %squeeze3A_107 = vector.extract %slice3A_106[0] : f32 from vector<1xf32>
      %broadcast_in_dim3A_108 = vector.broadcast %squeeze3A_107 : f32 to vector<16xf32>
      %mul3A_109 = arith.constant 16 : i32
      %mul3A_110 = arith.muli %scan3A_88, %mul3A_109 : i32
      %add3A_111 = arith.constant 1 : i32
      %add3A_112 = arith.addi %mul3A_110, %add3A_111 : i32
      %add3A_113 = arith.constant 1 : i32
      %add3A_114 = arith.addi %add3A_112, %add3A_113 : i32
      %mul3A_115 = arith.constant 16 : i32
      %mul3A_116 = arith.muli %add3A_114, %mul3A_115 : i32
      %swap3A_117 = arith.index_cast %mul3A_116 : i32 to index
      %swap3A_118 = tpu.vector_load %arg6[%swap3A_117] {strides = array<i32>} : memref<32784xf32, #tpu.memory_space<vmem>>, vector<16xf32>,
      tpu.vector_store %arg6[%swap3A_117], %broadcast_in_dim3A_108 {strides = array<i32>} : memref<32784xf32, #tpu.memory_space<vmem>>, vector<16xf32>,
      %slice3A_119 = vector.extract_strided_slice %get3A_92 {offsets = [2], sizes = [1], strides = [1]} : vector<16xf32> to vector<1xf32>
      %squeeze3A_120 = vector.extract %slice3A_119[0] : f32 from vector<1xf32>
      %broadcast_in_dim3A_121 = vector.broadcast %squeeze3A_120 : f32 to vector<16xf32>
      %mul3A_122 = arith.constant 16 : i32
      %mul3A_123 = arith.muli %scan3A_88, %mul3A_122 : i32
      %add3A_124 = arith.constant 2 : i32
      %add3A_125 = arith.addi %mul3A_123, %add3A_124 : i32
      %add3A_126 = arith.constant 1 : i32
      %add3A_127 = arith.addi %add3A_125, %add3A_126 : i32
      %mul3A_128 = arith.constant 16 : i32
      %mul3A_129 = arith.muli %add3A_127, %mul3A_128 : i32
      %swap3A_130 = arith.index_cast %mul3A_129 : i32 to index
      %swap3A_131 = tpu.vector_load %arg6[%swap3A_130] {strides = array<i32>} : memref<32784xf32, #tpu.memory_space<vmem>>, vector<16xf32>,
      tpu.vector_store %arg6[%swap3A_130], %broadcast_in_dim3A_121 {strides = array<i32>} : memref<32784xf32, #tpu.memory_space<vmem>>, vector<16xf32>,
      %slice3A_132 = vector.extract_strided_slice %get3A_92 {offsets = [3], sizes = [1], strides = [1]} : vector<16xf32> to vector<1xf32>
      %squeeze3A_133 = vector.extract %slice3A_132[0] : f32 from vector<1xf32>
      %broadcast_in_dim3A_134 = vector.broadcast %squeeze3A_133 : f32 to vector<16xf32>
      %mul3A_135 = arith.constant 16 : i32
      %mul3A_136 = arith.muli %scan3A_88, %mul3A_135 : i32
      %add3A_137 = arith.constant 3 : i32
      %add3A_138 = arith.addi %mul3A_136, %add3A_137 : i32
      %add3A_139 = arith.constant 1 : i32
      %add3A_140 = arith.addi %add3A_138, %add3A_139 : i32
      %mul3A_141 = arith.constant 16 : i32
      %mul3A_142 = arith.muli %add3A_140, %mul3A_141 : i32
      %swap3A_143 = arith.index_cast %mul3A_142 : i32 to index
      %swap3A_144 = tpu.vector_load %arg6[%swap3A_143] {strides = array<i32>} : memref<32784xf32, #tpu.memory_space<vmem>>, vector<16xf32>,
      tpu.vector_store %arg6[%swap3A_143], %broadcast_in_dim3A_134 {strides = array<i32>} : memref<32784xf32, #tpu.memory_space<vmem>>, vector<16xf32>,
      %slice3A_145 = vector.extract_strided_slice %get3A_92 {offsets = [4], sizes = [1], strides = [1]} : vector<16xf32> to vector<1xf32>
      %squeeze3A_146 = vector.extract %slice3A_145[0] : f32 from vector<1xf32>
      %broadcast_in_dim3A_147 = vector.broadcast %squeeze3A_146 : f32 to vector<16xf32>
      %mul3A_148 = arith.constant 16 : i32
      %mul3A_149 = arith.muli %scan3A_88, %mul3A_148 : i32
      %add3A_150 = arith.constant 4 : i32
      %add3A_151 = arith.addi %mul3A_149, %add3A_150 : i32
      %add3A_152 = arith.constant 1 : i32
      %add3A_153 = arith.addi %add3A_151, %add3A_152 : i32
      %mul3A_154 = arith.constant 16 : i32
      %mul3A_155 = arith.muli %add3A_153, %mul3A_154 : i32
      %swap3A_156 = arith.index_cast %mul3A_155 : i32 to index
      %swap3A_157 = tpu.vector_load %arg6[%swap3A_156] {strides = array<i32>} : memref<32784xf32, #tpu.memory_space<vmem>>, vector<16xf32>,
      tpu.vector_store %arg6[%swap3A_156], %broadcast_in_dim3A_147 {strides = array<i32>} : memref<32784xf32, #tpu.memory_space<vmem>>, vector<16xf32>,
      %slice3A_158 = vector.extract_strided_slice %get3A_92 {offsets = [5], sizes = [1], strides = [1]} : vector<16xf32> to vector<1xf32>
      %squeeze3A_159 = vector.extract %slice3A_158[0] : f32 from vector<1xf32>
      %broadcast_in_dim3A_160 = vector.broadcast %squeeze3A_159 : f32 to vector<16xf32>
      %mul3A_161 = arith.constant 16 : i32
      %mul3A_162 = arith.muli %scan3A_88, %mul3A_161 : i32
      %add3A_163 = arith.constant 5 : i32
      %add3A_164 = arith.addi %mul3A_162, %add3A_163 : i32
      %add3A_165 = arith.constant 1 : i32
      %add3A_166 = arith.addi %add3A_164, %add3A_165 : i32
      %mul3A_167 = arith.constant 16 : i32
      %mul3A_168 = arith.muli %add3A_166, %mul3A_167 : i32
      %swap3A_169 = arith.index_cast %mul3A_168 : i32 to index
      %swap3A_170 = tpu.vector_load %arg6[%swap3A_169] {strides = array<i32>} : memref<32784xf32, #tpu.memory_space<vmem>>, vector<16xf32>,
      tpu.vector_store %arg6[%swap3A_169], %broadcast_in_dim3A_160 {strides = array<i32>} : memref<32784xf32, #tpu.memory_space<vmem>>, vector<16xf32>,
      %slice3A_171 = vector.extract_strided_slice %get3A_92 {offsets = [6], sizes = [1], strides = [1]} : vector<16xf32> to vector<1xf32>
      %squeeze3A_172 = vector.extract %slice3A_171[0] : f32 from vector<1xf32>
      %broadcast_in_dim3A_173 = vector.broadcast %squeeze3A_172 : f32 to vector<16xf32>
      %mul3A_174 = arith.constant 16 : i32
      %mul3A_175 = arith.muli %scan3A_88, %mul3A_174 : i32
      %add3A_176 = arith.constant 6 : i32
      %add3A_177 = arith.addi %mul3A_175, %add3A_176 : i32
      %add3A_178 = arith.constant 1 : i32
      %add3A_179 = arith.addi %add3A_177, %add3A_178 : i32
      %mul3A_180 = arith.constant 16 : i32
      %mul3A_181 = arith.muli %add3A_179, %mul3A_180 : i32
      %swap3A_182 = arith.index_cast %mul3A_181 : i32 to index
      %swap3A_183 = tpu.vector_load %arg6[%swap3A_182] {strides = array<i32>} : memref<32784xf32, #tpu.memory_space<vmem>>, vector<16xf32>,
      tpu.vector_store %arg6[%swap3A_182], %broadcast_in_dim3A_173 {strides = array<i32>} : memref<32784xf32, #tpu.memory_space<vmem>>, vector<16xf32>,
      %slice3A_184 = vector.extract_strided_slice %get3A_92 {offsets = [7], sizes = [1], strides = [1]} : vector<16xf32> to vector<1xf32>
      %squeeze3A_185 = vector.extract %slice3A_184[0] : f32 from vector<1xf32>
      %broadcast_in_dim3A_186 = vector.broadcast %squeeze3A_185 : f32 to vector<16xf32>
      %mul3A_187 = arith.constant 16 : i32
      %mul3A_188 = arith.muli %scan3A_88, %mul3A_187 : i32
      %add3A_189 = arith.constant 7 : i32
      %add3A_190 = arith.addi %mul3A_188, %add3A_189 : i32
      %add3A_191 = arith.constant 1 : i32
      %add3A_192 = arith.addi %add3A_190, %add3A_191 : i32
      %mul3A_193 = arith.constant 16 : i32
      %mul3A_194 = arith.muli %add3A_192, %mul3A_193 : i32
      %swap3A_195 = arith.index_cast %mul3A_194 : i32 to index
      %swap3A_196 = tpu.vector_load %arg6[%swap3A_195] {strides = array<i32>} : memref<32784xf32, #tpu.memory_space<vmem>>, vector<16xf32>,
      tpu.vector_store %arg6[%swap3A_195], %broadcast_in_dim3A_186 {strides = array<i32>} : memref<32784xf32, #tpu.memory_space<vmem>>, vector<16xf32>,
      %slice3A_197 = vector.extract_strided_slice %get3A_92 {offsets = [8], sizes = [1], strides = [1]} : vector<16xf32> to vector<1xf32>
      %squeeze3A_198 = vector.extract %slice3A_197[0] : f32 from vector<1xf32>
      %broadcast_in_dim3A_199 = vector.broadcast %squeeze3A_198 : f32 to vector<16xf32>
      %mul3A_200 = arith.constant 16 : i32
      %mul3A_201 = arith.muli %scan3A_88, %mul3A_200 : i32
      %add3A_202 = arith.constant 8 : i32
      %add3A_203 = arith.addi %mul3A_201, %add3A_202 : i32
      %add3A_204 = arith.constant 1 : i32
      %add3A_205 = arith.addi %add3A_203, %add3A_204 : i32
      %mul3A_206 = arith.constant 16 : i32
      %mul3A_207 = arith.muli %add3A_205, %mul3A_206 : i32
      %swap3A_208 = arith.index_cast %mul3A_207 : i32 to index
      %swap3A_209 = tpu.vector_load %arg6[%swap3A_208] {strides = array<i32>} : memref<32784xf32, #tpu.memory_space<vmem>>, vector<16xf32>,
      tpu.vector_store %arg6[%swap3A_208], %broadcast_in_dim3A_199 {strides = array<i32>} : memref<32784xf32, #tpu.memory_space<vmem>>, vector<16xf32>,
      %slice3A_210 = vector.extract_strided_slice %get3A_92 {offsets = [9], sizes = [1], strides = [1]} : vector<16xf32> to vector<1xf32>
      %squeeze3A_211 = vector.extract %slice3A_210[0] : f32 from vector<1xf32>
      %broadcast_in_dim3A_212 = vector.broadcast %squeeze3A_211 : f32 to vector<16xf32>
      %mul3A_213 = arith.constant 16 : i32
      %mul3A_214 = arith.muli %scan3A_88, %mul3A_213 : i32
      %add3A_215 = arith.constant 9 : i32
      %add3A_216 = arith.addi %mul3A_214, %add3A_215 : i32
      %add3A_217 = arith.constant 1 : i32
      %add3A_218 = arith.addi %add3A_216, %add3A_217 : i32
      %mul3A_219 = arith.constant 16 : i32
      %mul3A_220 = arith.muli %add3A_218, %mul3A_219 : i32
      %swap3A_221 = arith.index_cast %mul3A_220 : i32 to index
      %swap3A_222 = tpu.vector_load %arg6[%swap3A_221] {strides = array<i32>} : memref<32784xf32, #tpu.memory_space<vmem>>, vector<16xf32>,
      tpu.vector_store %arg6[%swap3A_221], %broadcast_in_dim3A_212 {strides = array<i32>} : memref<32784xf32, #tpu.memory_space<vmem>>, vector<16xf32>,
      %slice3A_223 = vector.extract_strided_slice %get3A_92 {offsets = [10], sizes = [1], strides = [1]} : vector<16xf32> to vector<1xf32>
      %squeeze3A_224 = vector.extract %slice3A_223[0] : f32 from vector<1xf32>
      %broadcast_in_dim3A_225 = vector.broadcast %squeeze3A_224 : f32 to vector<16xf32>
      %mul3A_226 = arith.constant 16 : i32
      %mul3A_227 = arith.muli %scan3A_88, %mul3A_226 : i32
      %add3A_228 = arith.constant 10 : i32
      %add3A_229 = arith.addi %mul3A_227, %add3A_228 : i32
      %add3A_230 = arith.constant 1 : i32
      %add3A_231 = arith.addi %add3A_229, %add3A_230 : i32
      %mul3A_232 = arith.constant 16 : i32
      %mul3A_233 = arith.muli %add3A_231, %mul3A_232 : i32
      %swap3A_234 = arith.index_cast %mul3A_233 : i32 to index
      %swap3A_235 = tpu.vector_load %arg6[%swap3A_234] {strides = array<i32>} : memref<32784xf32, #tpu.memory_space<vmem>>, vector<16xf32>,
      tpu.vector_store %arg6[%swap3A_234], %broadcast_in_dim3A_225 {strides = array<i32>} : memref<32784xf32, #tpu.memory_space<vmem>>, vector<16xf32>,
      %slice3A_236 = vector.extract_strided_slice %get3A_92 {offsets = [11], sizes = [1], strides = [1]} : vector<16xf32> to vector<1xf32>
      %squeeze3A_237 = vector.extract %slice3A_236[0] : f32 from vector<1xf32>
      %broadcast_in_dim3A_238 = vector.broadcast %squeeze3A_237 : f32 to vector<16xf32>
      %mul3A_239 = arith.constant 16 : i32
      %mul3A_240 = arith.muli %scan3A_88, %mul3A_239 : i32
      %add3A_241 = arith.constant 11 : i32
      %add3A_242 = arith.addi %mul3A_240, %add3A_241 : i32
      %add3A_243 = arith.constant 1 : i32
      %add3A_244 = arith.addi %add3A_242, %add3A_243 : i32
      %mul3A_245 = arith.constant 16 : i32
      %mul3A_246 = arith.muli %add3A_244, %mul3A_245 : i32
      %swap3A_247 = arith.index_cast %mul3A_246 : i32 to index
      %swap3A_248 = tpu.vector_load %arg6[%swap3A_247] {strides = array<i32>} : memref<32784xf32, #tpu.memory_space<vmem>>, vector<16xf32>,
      tpu.vector_store %arg6[%swap3A_247], %broadcast_in_dim3A_238 {strides = array<i32>} : memref<32784xf32, #tpu.memory_space<vmem>>, vector<16xf32>,
      %slice3A_249 = vector.extract_strided_slice %get3A_92 {offsets = [12], sizes = [1], strides = [1]} : vector<16xf32> to vector<1xf32>
      %squeeze3A_250 = vector.extract %slice3A_249[0] : f32 from vector<1xf32>
      %broadcast_in_dim3A_251 = vector.broadcast %squeeze3A_250 : f32 to vector<16xf32>
      %mul3A_252 = arith.constant 16 : i32
      %mul3A_253 = arith.muli %scan3A_88, %mul3A_252 : i32
      %add3A_254 = arith.constant 12 : i32
      %add3A_255 = arith.addi %mul3A_253, %add3A_254 : i32
      %add3A_256 = arith.constant 1 : i32
      %add3A_257 = arith.addi %add3A_255, %add3A_256 : i32
      %mul3A_258 = arith.constant 16 : i32
      %mul3A_259 = arith.muli %add3A_257, %mul3A_258 : i32
      %swap3A_260 = arith.index_cast %mul3A_259 : i32 to index
      %swap3A_261 = tpu.vector_load %arg6[%swap3A_260] {strides = array<i32>} : memref<32784xf32, #tpu.memory_space<vmem>>, vector<16xf32>,
      tpu.vector_store %arg6[%swap3A_260], %broadcast_in_dim3A_251 {strides = array<i32>} : memref<32784xf32, #tpu.memory_space<vmem>>, vector<16xf32>,
      %slice3A_262 = vector.extract_strided_slice %get3A_92 {offsets = [13], sizes = [1], strides = [1]} : vector<16xf32> to vector<1xf32>
      %squeeze3A_263 = vector.extract %slice3A_262[0] : f32 from vector<1xf32>
      %broadcast_in_dim3A_264 = vector.broadcast %squeeze3A_263 : f32 to vector<16xf32>
      %mul3A_265 = arith.constant 16 : i32
      %mul3A_266 = arith.muli %scan3A_88, %mul3A_265 : i32
      %add3A_267 = arith.constant 13 : i32
      %add3A_268 = arith.addi %mul3A_266, %add3A_267 : i32
      %add3A_269 = arith.constant 1 : i32
      %add3A_270 = arith.addi %add3A_268, %add3A_269 : i32
      %mul3A_271 = arith.constant 16 : i32
      %mul3A_272 = arith.muli %add3A_270, %mul3A_271 : i32
      %swap3A_273 = arith.index_cast %mul3A_272 : i32 to index
      %swap3A_274 = tpu.vector_load %arg6[%swap3A_273] {strides = array<i32>} : memref<32784xf32, #tpu.memory_space<vmem>>, vector<16xf32>,
      tpu.vector_store %arg6[%swap3A_273], %broadcast_in_dim3A_264 {strides = array<i32>} : memref<32784xf32, #tpu.memory_space<vmem>>, vector<16xf32>,
      %slice3A_275 = vector.extract_strided_slice %get3A_92 {offsets = [14], sizes = [1], strides = [1]} : vector<16xf32> to vector<1xf32>
      %squeeze3A_276 = vector.extract %slice3A_275[0] : f32 from vector<1xf32>
      %broadcast_in_dim3A_277 = vector.broadcast %squeeze3A_276 : f32 to vector<16xf32>
      %mul3A_278 = arith.constant 16 : i32
      %mul3A_279 = arith.muli %scan3A_88, %mul3A_278 : i32
      %add3A_280 = arith.constant 14 : i32
      %add3A_281 = arith.addi %mul3A_279, %add3A_280 : i32
      %add3A_282 = arith.constant 1 : i32
      %add3A_283 = arith.addi %add3A_281, %add3A_282 : i32
      %mul3A_284 = arith.constant 16 : i32
      %mul3A_285 = arith.muli %add3A_283, %mul3A_284 : i32
      %swap3A_286 = arith.index_cast %mul3A_285 : i32 to index
      %swap3A_287 = tpu.vector_load %arg6[%swap3A_286] {strides = array<i32>} : memref<32784xf32, #tpu.memory_space<vmem>>, vector<16xf32>,
      tpu.vector_store %arg6[%swap3A_286], %broadcast_in_dim3A_277 {strides = array<i32>} : memref<32784xf32, #tpu.memory_space<vmem>>, vector<16xf32>,
      %slice3A_288 = vector.extract_strided_slice %get3A_92 {offsets = [15], sizes = [1], strides = [1]} : vector<16xf32> to vector<1xf32>
      %squeeze3A_289 = vector.extract %slice3A_288[0] : f32 from vector<1xf32>
      %broadcast_in_dim3A_290 = vector.broadcast %squeeze3A_289 : f32 to vector<16xf32>
      %mul3A_291 = arith.constant 16 : i32
      %mul3A_292 = arith.muli %scan3A_88, %mul3A_291 : i32
      %add3A_293 = arith.constant 15 : i32
      %add3A_294 = arith.addi %mul3A_292, %add3A_293 : i32
      %add3A_295 = arith.constant 1 : i32
      %add3A_296 = arith.addi %add3A_294, %add3A_295 : i32
      %mul3A_297 = arith.constant 16 : i32
      %mul3A_298 = arith.muli %add3A_296, %mul3A_297 : i32
      %swap3A_299 = arith.index_cast %mul3A_298 : i32 to index
      %swap3A_300 = tpu.vector_load %arg6[%swap3A_299] {strides = array<i32>} : memref<32784xf32, #tpu.memory_space<vmem>>, vector<16xf32>,
      tpu.vector_store %arg6[%swap3A_299], %broadcast_in_dim3A_290 {strides = array<i32>} : memref<32784xf32, #tpu.memory_space<vmem>>, vector<16xf32>,
    }
    %scan3A_42 = arith.constant 128 : i32
    %scan3A_43 = arith.constant 0.000000e+00 : f32
    %scan3A_44 = arith.constant 0 : i32
    %scan3A_45 = arith.constant 125 : i32
    %scan3A_46 = arith.addi %scan3A_44, %scan3A_45 : i32
    %scan3A_47 = arith.constant 1 : i32
    scf.for %scan3A_88 = %scan3A_44 to %scan3A_46 step %scan3A_47  : i32 {
      %mul3A_89 = arith.constant 16 : i32
      %mul3A_90 = arith.muli %scan3A_88, %mul3A_89 : i32
      %get3A_91 = arith.index_cast %mul3A_90 : i32 to index
      %get3A_92 = tpu.vector_load %arg11[%get3A_91] {strides = array<i32>} : memref<8192xf32, #tpu.memory_space<vmem>>, vector<16xf32>,
      %mul3A_93 = arith.constant 16 : i32
      %mul3A_94 = arith.muli %scan3A_88, %mul3A_93 : i32
      %add3A_95 = arith.constant 1 : i32
      %add3A_96 = arith.addi %mul3A_94, %add3A_95 : i32
      %get3A_97 = arith.index_cast %add3A_96 : i32 to index
      %get3A_98 = tpu.vector_load %arg11[%get3A_97] {strides = array<i32>} : memref<8192xf32, #tpu.memory_space<vmem>>, vector<16xf32>,
      %mul3A_99 = arith.constant 16 : i32
      %mul3A_100 = arith.muli %scan3A_88, %mul3A_99 : i32
      %get3A_101 = arith.index_cast %mul3A_100 : i32 to index
      %get3A_102 = tpu.vector_load %arg12[%get3A_101] {strides = array<i32>} : memref<8192xf32, #tpu.memory_space<vmem>>, vector<16xf32>,
      %mul3A_103 = arith.constant 16 : i32
      %mul3A_104 = arith.muli %scan3A_88, %mul3A_103 : i32
      %add3A_105 = arith.constant 1 : i32
      %add3A_106 = arith.addi %mul3A_104, %add3A_105 : i32
      %get3A_107 = arith.index_cast %add3A_106 : i32 to index
      %get3A_108 = tpu.vector_load %arg12[%get3A_107] {strides = array<i32>} : memref<8192xf32, #tpu.memory_space<vmem>>, vector<16xf32>,
      %sub3A = arith.subf %get3A_108, %get3A_102 : vector<16xf32>
      %gt3A = arith.constant 0.000000e+00 : f32
      %gt3A_109 = vector.broadcast %gt3A : f32 to vector<16xf32>
      %gt3A_110 = arith.cmpf ogt, %sub3A, %gt3A_109 : vector<16xf32>
      %sub3A_111 = arith.subf %get3A_98, %get3A_92 : vector<16xf32>
      %gt3A_112 = arith.constant 0.000000e+00 : f32
      %gt3A_113 = vector.broadcast %gt3A_112 : f32 to vector<16xf32>
      %gt3A_114 = arith.cmpf ogt, %sub3A, %gt3A_113 : vector<16xf32>
      %jit3A = arith.constant 1.000000e+00 : f32
      %broadcast_in_dim3A_115 = vector.broadcast %jit3A : f32 to vector<16xf32>
      %select_n3A = arith.select %gt3A_114, %sub3A, %broadcast_in_dim3A_115 : vector<16xi1>, vector<16xf32>
      %div3A_116 = arith.divf %sub3A_111, %select_n3A : vector<16xf32>
      %jit3A_117 = arith.constant 0.000000e+00 : f32
      %broadcast_in_dim3A_118 = vector.broadcast %jit3A_117 : f32 to vector<16xf32>
      %select_n3A_119 = arith.select %gt3A_110, %div3A_116, %broadcast_in_dim3A_118 : vector<16xi1>, vector<16xf32>
      %slice3A_120 = vector.extract_strided_slice %get3A_92 {offsets = [0], sizes = [1], strides = [1]} : vector<16xf32> to vector<1xf32>
      %squeeze3A_121 = vector.extract %slice3A_120[0] : f32 from vector<1xf32>
      %broadcast_in_dim3A_122 = vector.broadcast %squeeze3A_121 : f32 to vector<16xf32>
      %mul3A_123 = arith.constant 16 : i32
      %mul3A_124 = arith.muli %scan3A_88, %mul3A_123 : i32
      %add3A_125 = arith.constant 0 : i32
      %add3A_126 = arith.addi %mul3A_124, %add3A_125 : i32
      %mul3A_127 = arith.constant 16 : i32
      %mul3A_128 = arith.muli %add3A_126, %mul3A_127 : i32
      %swap3A_129 = arith.index_cast %mul3A_128 : i32 to index
      %swap3A_130 = tpu.vector_load %arg7[%swap3A_129] {strides = array<i32>} : memref<32000xf32, #tpu.memory_space<vmem>>, vector<16xf32>,
      tpu.vector_store %arg7[%swap3A_129], %broadcast_in_dim3A_122 {strides = array<i32>} : memref<32000xf32, #tpu.memory_space<vmem>>, vector<16xf32>,
      %slice3A_131 = vector.extract_strided_slice %select_n3A_119 {offsets = [0], sizes = [1], strides = [1]} : vector<16xf32> to vector<1xf32>
      %squeeze3A_132 = vector.extract %slice3A_131[0] : f32 from vector<1xf32>
      %broadcast_in_dim3A_133 = vector.broadcast %squeeze3A_132 : f32 to vector<16xf32>
      %mul3A_134 = arith.constant 16 : i32
      %mul3A_135 = arith.muli %scan3A_88, %mul3A_134 : i32
      %add3A_136 = arith.constant 0 : i32
      %add3A_137 = arith.addi %mul3A_135, %add3A_136 : i32
      %add3A_138 = arith.constant 1 : i32
      %add3A_139 = arith.addi %add3A_137, %add3A_138 : i32
      %mul3A_140 = arith.constant 16 : i32
      %mul3A_141 = arith.muli %add3A_139, %mul3A_140 : i32
      %swap3A_142 = arith.index_cast %mul3A_141 : i32 to index
      %swap3A_143 = tpu.vector_load %arg8[%swap3A_142] {strides = array<i32>} : memref<32016xf32, #tpu.memory_space<vmem>>, vector<16xf32>,
      tpu.vector_store %arg8[%swap3A_142], %broadcast_in_dim3A_133 {strides = array<i32>} : memref<32016xf32, #tpu.memory_space<vmem>>, vector<16xf32>,
      %slice3A_144 = vector.extract_strided_slice %get3A_92 {offsets = [1], sizes = [1], strides = [1]} : vector<16xf32> to vector<1xf32>
      %squeeze3A_145 = vector.extract %slice3A_144[0] : f32 from vector<1xf32>
      %broadcast_in_dim3A_146 = vector.broadcast %squeeze3A_145 : f32 to vector<16xf32>
      %mul3A_147 = arith.constant 16 : i32
      %mul3A_148 = arith.muli %scan3A_88, %mul3A_147 : i32
      %add3A_149 = arith.constant 1 : i32
      %add3A_150 = arith.addi %mul3A_148, %add3A_149 : i32
      %mul3A_151 = arith.constant 16 : i32
      %mul3A_152 = arith.muli %add3A_150, %mul3A_151 : i32
      %swap3A_153 = arith.index_cast %mul3A_152 : i32 to index
      %swap3A_154 = tpu.vector_load %arg7[%swap3A_153] {strides = array<i32>} : memref<32000xf32, #tpu.memory_space<vmem>>, vector<16xf32>,
      tpu.vector_store %arg7[%swap3A_153], %broadcast_in_dim3A_146 {strides = array<i32>} : memref<32000xf32, #tpu.memory_space<vmem>>, vector<16xf32>,
      %slice3A_155 = vector.extract_strided_slice %select_n3A_119 {offsets = [1], sizes = [1], strides = [1]} : vector<16xf32> to vector<1xf32>
      %squeeze3A_156 = vector.extract %slice3A_155[0] : f32 from vector<1xf32>
      %broadcast_in_dim3A_157 = vector.broadcast %squeeze3A_156 : f32 to vector<16xf32>
      %mul3A_158 = arith.constant 16 : i32
      %mul3A_159 = arith.muli %scan3A_88, %mul3A_158 : i32
      %add3A_160 = arith.constant 1 : i32
      %add3A_161 = arith.addi %mul3A_159, %add3A_160 : i32
      %add3A_162 = arith.constant 1 : i32
      %add3A_163 = arith.addi %add3A_161, %add3A_162 : i32
      %mul3A_164 = arith.constant 16 : i32
      %mul3A_165 = arith.muli %add3A_163, %mul3A_164 : i32
      %swap3A_166 = arith.index_cast %mul3A_165 : i32 to index
      %swap3A_167 = tpu.vector_load %arg8[%swap3A_166] {strides = array<i32>} : memref<32016xf32, #tpu.memory_space<vmem>>, vector<16xf32>,
      tpu.vector_store %arg8[%swap3A_166], %broadcast_in_dim3A_157 {strides = array<i32>} : memref<32016xf32, #tpu.memory_space<vmem>>, vector<16xf32>,
      %slice3A_168 = vector.extract_strided_slice %get3A_92 {offsets = [2], sizes = [1], strides = [1]} : vector<16xf32> to vector<1xf32>
      %squeeze3A_169 = vector.extract %slice3A_168[0] : f32 from vector<1xf32>
      %broadcast_in_dim3A_170 = vector.broadcast %squeeze3A_169 : f32 to vector<16xf32>
      %mul3A_171 = arith.constant 16 : i32
      %mul3A_172 = arith.muli %scan3A_88, %mul3A_171 : i32
      %add3A_173 = arith.constant 2 : i32
      %add3A_174 = arith.addi %mul3A_172, %add3A_173 : i32
      %mul3A_175 = arith.constant 16 : i32
      %mul3A_176 = arith.muli %add3A_174, %mul3A_175 : i32
      %swap3A_177 = arith.index_cast %mul3A_176 : i32 to index
      %swap3A_178 = tpu.vector_load %arg7[%swap3A_177] {strides = array<i32>} : memref<32000xf32, #tpu.memory_space<vmem>>, vector<16xf32>,
      tpu.vector_store %arg7[%swap3A_177], %broadcast_in_dim3A_170 {strides = array<i32>} : memref<32000xf32, #tpu.memory_space<vmem>>, vector<16xf32>,
      %slice3A_179 = vector.extract_strided_slice %select_n3A_119 {offsets = [2], sizes = [1], strides = [1]} : vector<16xf32> to vector<1xf32>
      %squeeze3A_180 = vector.extract %slice3A_179[0] : f32 from vector<1xf32>
      %broadcast_in_dim3A_181 = vector.broadcast %squeeze3A_180 : f32 to vector<16xf32>
      %mul3A_182 = arith.constant 16 : i32
      %mul3A_183 = arith.muli %scan3A_88, %mul3A_182 : i32
      %add3A_184 = arith.constant 2 : i32
      %add3A_185 = arith.addi %mul3A_183, %add3A_184 : i32
      %add3A_186 = arith.constant 1 : i32
      %add3A_187 = arith.addi %add3A_185, %add3A_186 : i32
      %mul3A_188 = arith.constant 16 : i32
      %mul3A_189 = arith.muli %add3A_187, %mul3A_188 : i32
      %swap3A_190 = arith.index_cast %mul3A_189 : i32 to index
      %swap3A_191 = tpu.vector_load %arg8[%swap3A_190] {strides = array<i32>} : memref<32016xf32, #tpu.memory_space<vmem>>, vector<16xf32>,
      tpu.vector_store %arg8[%swap3A_190], %broadcast_in_dim3A_181 {strides = array<i32>} : memref<32016xf32, #tpu.memory_space<vmem>>, vector<16xf32>,
      %slice3A_192 = vector.extract_strided_slice %get3A_92 {offsets = [3], sizes = [1], strides = [1]} : vector<16xf32> to vector<1xf32>
      %squeeze3A_193 = vector.extract %slice3A_192[0] : f32 from vector<1xf32>
      %broadcast_in_dim3A_194 = vector.broadcast %squeeze3A_193 : f32 to vector<16xf32>
      %mul3A_195 = arith.constant 16 : i32
      %mul3A_196 = arith.muli %scan3A_88, %mul3A_195 : i32
      %add3A_197 = arith.constant 3 : i32
      %add3A_198 = arith.addi %mul3A_196, %add3A_197 : i32
      %mul3A_199 = arith.constant 16 : i32
      %mul3A_200 = arith.muli %add3A_198, %mul3A_199 : i32
      %swap3A_201 = arith.index_cast %mul3A_200 : i32 to index
      %swap3A_202 = tpu.vector_load %arg7[%swap3A_201] {strides = array<i32>} : memref<32000xf32, #tpu.memory_space<vmem>>, vector<16xf32>,
      tpu.vector_store %arg7[%swap3A_201], %broadcast_in_dim3A_194 {strides = array<i32>} : memref<32000xf32, #tpu.memory_space<vmem>>, vector<16xf32>,
      %slice3A_203 = vector.extract_strided_slice %select_n3A_119 {offsets = [3], sizes = [1], strides = [1]} : vector<16xf32> to vector<1xf32>
      %squeeze3A_204 = vector.extract %slice3A_203[0] : f32 from vector<1xf32>
      %broadcast_in_dim3A_205 = vector.broadcast %squeeze3A_204 : f32 to vector<16xf32>
      %mul3A_206 = arith.constant 16 : i32
      %mul3A_207 = arith.muli %scan3A_88, %mul3A_206 : i32
      %add3A_208 = arith.constant 3 : i32
      %add3A_209 = arith.addi %mul3A_207, %add3A_208 : i32
      %add3A_210 = arith.constant 1 : i32
      %add3A_211 = arith.addi %add3A_209, %add3A_210 : i32
      %mul3A_212 = arith.constant 16 : i32
      %mul3A_213 = arith.muli %add3A_211, %mul3A_212 : i32
      %swap3A_214 = arith.index_cast %mul3A_213 : i32 to index
      %swap3A_215 = tpu.vector_load %arg8[%swap3A_214] {strides = array<i32>} : memref<32016xf32, #tpu.memory_space<vmem>>, vector<16xf32>,
      tpu.vector_store %arg8[%swap3A_214], %broadcast_in_dim3A_205 {strides = array<i32>} : memref<32016xf32, #tpu.memory_space<vmem>>, vector<16xf32>,
      %slice3A_216 = vector.extract_strided_slice %get3A_92 {offsets = [4], sizes = [1], strides = [1]} : vector<16xf32> to vector<1xf32>
      %squeeze3A_217 = vector.extract %slice3A_216[0] : f32 from vector<1xf32>
      %broadcast_in_dim3A_218 = vector.broadcast %squeeze3A_217 : f32 to vector<16xf32>
      %mul3A_219 = arith.constant 16 : i32
      %mul3A_220 = arith.muli %scan3A_88, %mul3A_219 : i32
      %add3A_221 = arith.constant 4 : i32
      %add3A_222 = arith.addi %mul3A_220, %add3A_221 : i32
      %mul3A_223 = arith.constant 16 : i32
      %mul3A_224 = arith.muli %add3A_222, %mul3A_223 : i32
      %swap3A_225 = arith.index_cast %mul3A_224 : i32 to index
      %swap3A_226 = tpu.vector_load %arg7[%swap3A_225] {strides = array<i32>} : memref<32000xf32, #tpu.memory_space<vmem>>, vector<16xf32>,
      tpu.vector_store %arg7[%swap3A_225], %broadcast_in_dim3A_218 {strides = array<i32>} : memref<32000xf32, #tpu.memory_space<vmem>>, vector<16xf32>,
      %slice3A_227 = vector.extract_strided_slice %select_n3A_119 {offsets = [4], sizes = [1], strides = [1]} : vector<16xf32> to vector<1xf32>
      %squeeze3A_228 = vector.extract %slice3A_227[0] : f32 from vector<1xf32>
      %broadcast_in_dim3A_229 = vector.broadcast %squeeze3A_228 : f32 to vector<16xf32>
      %mul3A_230 = arith.constant 16 : i32
      %mul3A_231 = arith.muli %scan3A_88, %mul3A_230 : i32
      %add3A_232 = arith.constant 4 : i32
      %add3A_233 = arith.addi %mul3A_231, %add3A_232 : i32
      %add3A_234 = arith.constant 1 : i32
      %add3A_235 = arith.addi %add3A_233, %add3A_234 : i32
      %mul3A_236 = arith.constant 16 : i32
      %mul3A_237 = arith.muli %add3A_235, %mul3A_236 : i32
      %swap3A_238 = arith.index_cast %mul3A_237 : i32 to index
      %swap3A_239 = tpu.vector_load %arg8[%swap3A_238] {strides = array<i32>} : memref<32016xf32, #tpu.memory_space<vmem>>, vector<16xf32>,
      tpu.vector_store %arg8[%swap3A_238], %broadcast_in_dim3A_229 {strides = array<i32>} : memref<32016xf32, #tpu.memory_space<vmem>>, vector<16xf32>,
      %slice3A_240 = vector.extract_strided_slice %get3A_92 {offsets = [5], sizes = [1], strides = [1]} : vector<16xf32> to vector<1xf32>
      %squeeze3A_241 = vector.extract %slice3A_240[0] : f32 from vector<1xf32>
      %broadcast_in_dim3A_242 = vector.broadcast %squeeze3A_241 : f32 to vector<16xf32>
      %mul3A_243 = arith.constant 16 : i32
      %mul3A_244 = arith.muli %scan3A_88, %mul3A_243 : i32
      %add3A_245 = arith.constant 5 : i32
      %add3A_246 = arith.addi %mul3A_244, %add3A_245 : i32
      %mul3A_247 = arith.constant 16 : i32
      %mul3A_248 = arith.muli %add3A_246, %mul3A_247 : i32
      %swap3A_249 = arith.index_cast %mul3A_248 : i32 to index
      %swap3A_250 = tpu.vector_load %arg7[%swap3A_249] {strides = array<i32>} : memref<32000xf32, #tpu.memory_space<vmem>>, vector<16xf32>,
      tpu.vector_store %arg7[%swap3A_249], %broadcast_in_dim3A_242 {strides = array<i32>} : memref<32000xf32, #tpu.memory_space<vmem>>, vector<16xf32>,
      %slice3A_251 = vector.extract_strided_slice %select_n3A_119 {offsets = [5], sizes = [1], strides = [1]} : vector<16xf32> to vector<1xf32>
      %squeeze3A_252 = vector.extract %slice3A_251[0] : f32 from vector<1xf32>
      %broadcast_in_dim3A_253 = vector.broadcast %squeeze3A_252 : f32 to vector<16xf32>
      %mul3A_254 = arith.constant 16 : i32
      %mul3A_255 = arith.muli %scan3A_88, %mul3A_254 : i32
      %add3A_256 = arith.constant 5 : i32
      %add3A_257 = arith.addi %mul3A_255, %add3A_256 : i32
      %add3A_258 = arith.constant 1 : i32
      %add3A_259 = arith.addi %add3A_257, %add3A_258 : i32
      %mul3A_260 = arith.constant 16 : i32
      %mul3A_261 = arith.muli %add3A_259, %mul3A_260 : i32
      %swap3A_262 = arith.index_cast %mul3A_261 : i32 to index
      %swap3A_263 = tpu.vector_load %arg8[%swap3A_262] {strides = array<i32>} : memref<32016xf32, #tpu.memory_space<vmem>>, vector<16xf32>,
      tpu.vector_store %arg8[%swap3A_262], %broadcast_in_dim3A_253 {strides = array<i32>} : memref<32016xf32, #tpu.memory_space<vmem>>, vector<16xf32>,
      %slice3A_264 = vector.extract_strided_slice %get3A_92 {offsets = [6], sizes = [1], strides = [1]} : vector<16xf32> to vector<1xf32>
      %squeeze3A_265 = vector.extract %slice3A_264[0] : f32 from vector<1xf32>
      %broadcast_in_dim3A_266 = vector.broadcast %squeeze3A_265 : f32 to vector<16xf32>
      %mul3A_267 = arith.constant 16 : i32
      %mul3A_268 = arith.muli %scan3A_88, %mul3A_267 : i32
      %add3A_269 = arith.constant 6 : i32
      %add3A_270 = arith.addi %mul3A_268, %add3A_269 : i32
      %mul3A_271 = arith.constant 16 : i32
      %mul3A_272 = arith.muli %add3A_270, %mul3A_271 : i32
      %swap3A_273 = arith.index_cast %mul3A_272 : i32 to index
      %swap3A_274 = tpu.vector_load %arg7[%swap3A_273] {strides = array<i32>} : memref<32000xf32, #tpu.memory_space<vmem>>, vector<16xf32>,
      tpu.vector_store %arg7[%swap3A_273], %broadcast_in_dim3A_266 {strides = array<i32>} : memref<32000xf32, #tpu.memory_space<vmem>>, vector<16xf32>,
      %slice3A_275 = vector.extract_strided_slice %select_n3A_119 {offsets = [6], sizes = [1], strides = [1]} : vector<16xf32> to vector<1xf32>
      %squeeze3A_276 = vector.extract %slice3A_275[0] : f32 from vector<1xf32>
      %broadcast_in_dim3A_277 = vector.broadcast %squeeze3A_276 : f32 to vector<16xf32>
      %mul3A_278 = arith.constant 16 : i32
      %mul3A_279 = arith.muli %scan3A_88, %mul3A_278 : i32
      %add3A_280 = arith.constant 6 : i32
      %add3A_281 = arith.addi %mul3A_279, %add3A_280 : i32
      %add3A_282 = arith.constant 1 : i32
      %add3A_283 = arith.addi %add3A_281, %add3A_282 : i32
      %mul3A_284 = arith.constant 16 : i32
      %mul3A_285 = arith.muli %add3A_283, %mul3A_284 : i32
      %swap3A_286 = arith.index_cast %mul3A_285 : i32 to index
      %swap3A_287 = tpu.vector_load %arg8[%swap3A_286] {strides = array<i32>} : memref<32016xf32, #tpu.memory_space<vmem>>, vector<16xf32>,
      tpu.vector_store %arg8[%swap3A_286], %broadcast_in_dim3A_277 {strides = array<i32>} : memref<32016xf32, #tpu.memory_space<vmem>>, vector<16xf32>,
      %slice3A_288 = vector.extract_strided_slice %get3A_92 {offsets = [7], sizes = [1], strides = [1]} : vector<16xf32> to vector<1xf32>
      %squeeze3A_289 = vector.extract %slice3A_288[0] : f32 from vector<1xf32>
      %broadcast_in_dim3A_290 = vector.broadcast %squeeze3A_289 : f32 to vector<16xf32>
      %mul3A_291 = arith.constant 16 : i32
      %mul3A_292 = arith.muli %scan3A_88, %mul3A_291 : i32
      %add3A_293 = arith.constant 7 : i32
      %add3A_294 = arith.addi %mul3A_292, %add3A_293 : i32
      %mul3A_295 = arith.constant 16 : i32
      %mul3A_296 = arith.muli %add3A_294, %mul3A_295 : i32
      %swap3A_297 = arith.index_cast %mul3A_296 : i32 to index
      %swap3A_298 = tpu.vector_load %arg7[%swap3A_297] {strides = array<i32>} : memref<32000xf32, #tpu.memory_space<vmem>>, vector<16xf32>,
      tpu.vector_store %arg7[%swap3A_297], %broadcast_in_dim3A_290 {strides = array<i32>} : memref<32000xf32, #tpu.memory_space<vmem>>, vector<16xf32>,
      %slice3A_299 = vector.extract_strided_slice %select_n3A_119 {offsets = [7], sizes = [1], strides = [1]} : vector<16xf32> to vector<1xf32>
      %squeeze3A_300 = vector.extract %slice3A_299[0] : f32 from vector<1xf32>
      %broadcast_in_dim3A_301 = vector.broadcast %squeeze3A_300 : f32 to vector<16xf32>
      %mul3A_302 = arith.constant 16 : i32
      %mul3A_303 = arith.muli %scan3A_88, %mul3A_302 : i32
      %add3A_304 = arith.constant 7 : i32
      %add3A_305 = arith.addi %mul3A_303, %add3A_304 : i32
      %add3A_306 = arith.constant 1 : i32
      %add3A_307 = arith.addi %add3A_305, %add3A_306 : i32
      %mul3A_308 = arith.constant 16 : i32
      %mul3A_309 = arith.muli %add3A_307, %mul3A_308 : i32
      %swap3A_310 = arith.index_cast %mul3A_309 : i32 to index
      %swap3A_311 = tpu.vector_load %arg8[%swap3A_310] {strides = array<i32>} : memref<32016xf32, #tpu.memory_space<vmem>>, vector<16xf32>,
      tpu.vector_store %arg8[%swap3A_310], %broadcast_in_dim3A_301 {strides = array<i32>} : memref<32016xf32, #tpu.memory_space<vmem>>, vector<16xf32>,
      %slice3A_312 = vector.extract_strided_slice %get3A_92 {offsets = [8], sizes = [1], strides = [1]} : vector<16xf32> to vector<1xf32>
      %squeeze3A_313 = vector.extract %slice3A_312[0] : f32 from vector<1xf32>
      %broadcast_in_dim3A_314 = vector.broadcast %squeeze3A_313 : f32 to vector<16xf32>
      %mul3A_315 = arith.constant 16 : i32
      %mul3A_316 = arith.muli %scan3A_88, %mul3A_315 : i32
      %add3A_317 = arith.constant 8 : i32
      %add3A_318 = arith.addi %mul3A_316, %add3A_317 : i32
      %mul3A_319 = arith.constant 16 : i32
      %mul3A_320 = arith.muli %add3A_318, %mul3A_319 : i32
      %swap3A_321 = arith.index_cast %mul3A_320 : i32 to index
      %swap3A_322 = tpu.vector_load %arg7[%swap3A_321] {strides = array<i32>} : memref<32000xf32, #tpu.memory_space<vmem>>, vector<16xf32>,
      tpu.vector_store %arg7[%swap3A_321], %broadcast_in_dim3A_314 {strides = array<i32>} : memref<32000xf32, #tpu.memory_space<vmem>>, vector<16xf32>,
      %slice3A_323 = vector.extract_strided_slice %select_n3A_119 {offsets = [8], sizes = [1], strides = [1]} : vector<16xf32> to vector<1xf32>
      %squeeze3A_324 = vector.extract %slice3A_323[0] : f32 from vector<1xf32>
      %broadcast_in_dim3A_325 = vector.broadcast %squeeze3A_324 : f32 to vector<16xf32>
      %mul3A_326 = arith.constant 16 : i32
      %mul3A_327 = arith.muli %scan3A_88, %mul3A_326 : i32
      %add3A_328 = arith.constant 8 : i32
      %add3A_329 = arith.addi %mul3A_327, %add3A_328 : i32
      %add3A_330 = arith.constant 1 : i32
      %add3A_331 = arith.addi %add3A_329, %add3A_330 : i32
      %mul3A_332 = arith.constant 16 : i32
      %mul3A_333 = arith.muli %add3A_331, %mul3A_332 : i32
      %swap3A_334 = arith.index_cast %mul3A_333 : i32 to index
      %swap3A_335 = tpu.vector_load %arg8[%swap3A_334] {strides = array<i32>} : memref<32016xf32, #tpu.memory_space<vmem>>, vector<16xf32>,
      tpu.vector_store %arg8[%swap3A_334], %broadcast_in_dim3A_325 {strides = array<i32>} : memref<32016xf32, #tpu.memory_space<vmem>>, vector<16xf32>,
      %slice3A_336 = vector.extract_strided_slice %get3A_92 {offsets = [9], sizes = [1], strides = [1]} : vector<16xf32> to vector<1xf32>
      %squeeze3A_337 = vector.extract %slice3A_336[0] : f32 from vector<1xf32>
      %broadcast_in_dim3A_338 = vector.broadcast %squeeze3A_337 : f32 to vector<16xf32>
      %mul3A_339 = arith.constant 16 : i32
      %mul3A_340 = arith.muli %scan3A_88, %mul3A_339 : i32
      %add3A_341 = arith.constant 9 : i32
      %add3A_342 = arith.addi %mul3A_340, %add3A_341 : i32
      %mul3A_343 = arith.constant 16 : i32
      %mul3A_344 = arith.muli %add3A_342, %mul3A_343 : i32
      %swap3A_345 = arith.index_cast %mul3A_344 : i32 to index
      %swap3A_346 = tpu.vector_load %arg7[%swap3A_345] {strides = array<i32>} : memref<32000xf32, #tpu.memory_space<vmem>>, vector<16xf32>,
      tpu.vector_store %arg7[%swap3A_345], %broadcast_in_dim3A_338 {strides = array<i32>} : memref<32000xf32, #tpu.memory_space<vmem>>, vector<16xf32>,
      %slice3A_347 = vector.extract_strided_slice %select_n3A_119 {offsets = [9], sizes = [1], strides = [1]} : vector<16xf32> to vector<1xf32>
      %squeeze3A_348 = vector.extract %slice3A_347[0] : f32 from vector<1xf32>
      %broadcast_in_dim3A_349 = vector.broadcast %squeeze3A_348 : f32 to vector<16xf32>
      %mul3A_350 = arith.constant 16 : i32
      %mul3A_351 = arith.muli %scan3A_88, %mul3A_350 : i32
      %add3A_352 = arith.constant 9 : i32
      %add3A_353 = arith.addi %mul3A_351, %add3A_352 : i32
      %add3A_354 = arith.constant 1 : i32
      %add3A_355 = arith.addi %add3A_353, %add3A_354 : i32
      %mul3A_356 = arith.constant 16 : i32
      %mul3A_357 = arith.muli %add3A_355, %mul3A_356 : i32
      %swap3A_358 = arith.index_cast %mul3A_357 : i32 to index
      %swap3A_359 = tpu.vector_load %arg8[%swap3A_358] {strides = array<i32>} : memref<32016xf32, #tpu.memory_space<vmem>>, vector<16xf32>,
      tpu.vector_store %arg8[%swap3A_358], %broadcast_in_dim3A_349 {strides = array<i32>} : memref<32016xf32, #tpu.memory_space<vmem>>, vector<16xf32>,
      %slice3A_360 = vector.extract_strided_slice %get3A_92 {offsets = [10], sizes = [1], strides = [1]} : vector<16xf32> to vector<1xf32>
      %squeeze3A_361 = vector.extract %slice3A_360[0] : f32 from vector<1xf32>
      %broadcast_in_dim3A_362 = vector.broadcast %squeeze3A_361 : f32 to vector<16xf32>
      %mul3A_363 = arith.constant 16 : i32
      %mul3A_364 = arith.muli %scan3A_88, %mul3A_363 : i32
      %add3A_365 = arith.constant 10 : i32
      %add3A_366 = arith.addi %mul3A_364, %add3A_365 : i32
      %mul3A_367 = arith.constant 16 : i32
      %mul3A_368 = arith.muli %add3A_366, %mul3A_367 : i32
      %swap3A_369 = arith.index_cast %mul3A_368 : i32 to index
      %swap3A_370 = tpu.vector_load %arg7[%swap3A_369] {strides = array<i32>} : memref<32000xf32, #tpu.memory_space<vmem>>, vector<16xf32>,
      tpu.vector_store %arg7[%swap3A_369], %broadcast_in_dim3A_362 {strides = array<i32>} : memref<32000xf32, #tpu.memory_space<vmem>>, vector<16xf32>,
      %slice3A_371 = vector.extract_strided_slice %select_n3A_119 {offsets = [10], sizes = [1], strides = [1]} : vector<16xf32> to vector<1xf32>
      %squeeze3A_372 = vector.extract %slice3A_371[0] : f32 from vector<1xf32>
      %broadcast_in_dim3A_373 = vector.broadcast %squeeze3A_372 : f32 to vector<16xf32>
      %mul3A_374 = arith.constant 16 : i32
      %mul3A_375 = arith.muli %scan3A_88, %mul3A_374 : i32
      %add3A_376 = arith.constant 10 : i32
      %add3A_377 = arith.addi %mul3A_375, %add3A_376 : i32
      %add3A_378 = arith.constant 1 : i32
      %add3A_379 = arith.addi %add3A_377, %add3A_378 : i32
      %mul3A_380 = arith.constant 16 : i32
      %mul3A_381 = arith.muli %add3A_379, %mul3A_380 : i32
      %swap3A_382 = arith.index_cast %mul3A_381 : i32 to index
      %swap3A_383 = tpu.vector_load %arg8[%swap3A_382] {strides = array<i32>} : memref<32016xf32, #tpu.memory_space<vmem>>, vector<16xf32>,
      tpu.vector_store %arg8[%swap3A_382], %broadcast_in_dim3A_373 {strides = array<i32>} : memref<32016xf32, #tpu.memory_space<vmem>>, vector<16xf32>,
      %slice3A_384 = vector.extract_strided_slice %get3A_92 {offsets = [11], sizes = [1], strides = [1]} : vector<16xf32> to vector<1xf32>
      %squeeze3A_385 = vector.extract %slice3A_384[0] : f32 from vector<1xf32>
      %broadcast_in_dim3A_386 = vector.broadcast %squeeze3A_385 : f32 to vector<16xf32>
      %mul3A_387 = arith.constant 16 : i32
      %mul3A_388 = arith.muli %scan3A_88, %mul3A_387 : i32
      %add3A_389 = arith.constant 11 : i32
      %add3A_390 = arith.addi %mul3A_388, %add3A_389 : i32
      %mul3A_391 = arith.constant 16 : i32
      %mul3A_392 = arith.muli %add3A_390, %mul3A_391 : i32
      %swap3A_393 = arith.index_cast %mul3A_392 : i32 to index
      %swap3A_394 = tpu.vector_load %arg7[%swap3A_393] {strides = array<i32>} : memref<32000xf32, #tpu.memory_space<vmem>>, vector<16xf32>,
      tpu.vector_store %arg7[%swap3A_393], %broadcast_in_dim3A_386 {strides = array<i32>} : memref<32000xf32, #tpu.memory_space<vmem>>, vector<16xf32>,
      %slice3A_395 = vector.extract_strided_slice %select_n3A_119 {offsets = [11], sizes = [1], strides = [1]} : vector<16xf32> to vector<1xf32>
      %squeeze3A_396 = vector.extract %slice3A_395[0] : f32 from vector<1xf32>
      %broadcast_in_dim3A_397 = vector.broadcast %squeeze3A_396 : f32 to vector<16xf32>
      %mul3A_398 = arith.constant 16 : i32
      %mul3A_399 = arith.muli %scan3A_88, %mul3A_398 : i32
      %add3A_400 = arith.constant 11 : i32
      %add3A_401 = arith.addi %mul3A_399, %add3A_400 : i32
      %add3A_402 = arith.constant 1 : i32
      %add3A_403 = arith.addi %add3A_401, %add3A_402 : i32
      %mul3A_404 = arith.constant 16 : i32
      %mul3A_405 = arith.muli %add3A_403, %mul3A_404 : i32
      %swap3A_406 = arith.index_cast %mul3A_405 : i32 to index
      %swap3A_407 = tpu.vector_load %arg8[%swap3A_406] {strides = array<i32>} : memref<32016xf32, #tpu.memory_space<vmem>>, vector<16xf32>,
      tpu.vector_store %arg8[%swap3A_406], %broadcast_in_dim3A_397 {strides = array<i32>} : memref<32016xf32, #tpu.memory_space<vmem>>, vector<16xf32>,
      %slice3A_408 = vector.extract_strided_slice %get3A_92 {offsets = [12], sizes = [1], strides = [1]} : vector<16xf32> to vector<1xf32>
      %squeeze3A_409 = vector.extract %slice3A_408[0] : f32 from vector<1xf32>
      %broadcast_in_dim3A_410 = vector.broadcast %squeeze3A_409 : f32 to vector<16xf32>
      %mul3A_411 = arith.constant 16 : i32
      %mul3A_412 = arith.muli %scan3A_88, %mul3A_411 : i32
      %add3A_413 = arith.constant 12 : i32
      %add3A_414 = arith.addi %mul3A_412, %add3A_413 : i32
      %mul3A_415 = arith.constant 16 : i32
      %mul3A_416 = arith.muli %add3A_414, %mul3A_415 : i32
      %swap3A_417 = arith.index_cast %mul3A_416 : i32 to index
      %swap3A_418 = tpu.vector_load %arg7[%swap3A_417] {strides = array<i32>} : memref<32000xf32, #tpu.memory_space<vmem>>, vector<16xf32>,
      tpu.vector_store %arg7[%swap3A_417], %broadcast_in_dim3A_410 {strides = array<i32>} : memref<32000xf32, #tpu.memory_space<vmem>>, vector<16xf32>,
      %slice3A_419 = vector.extract_strided_slice %select_n3A_119 {offsets = [12], sizes = [1], strides = [1]} : vector<16xf32> to vector<1xf32>
      %squeeze3A_420 = vector.extract %slice3A_419[0] : f32 from vector<1xf32>
      %broadcast_in_dim3A_421 = vector.broadcast %squeeze3A_420 : f32 to vector<16xf32>
      %mul3A_422 = arith.constant 16 : i32
      %mul3A_423 = arith.muli %scan3A_88, %mul3A_422 : i32
      %add3A_424 = arith.constant 12 : i32
      %add3A_425 = arith.addi %mul3A_423, %add3A_424 : i32
      %add3A_426 = arith.constant 1 : i32
      %add3A_427 = arith.addi %add3A_425, %add3A_426 : i32
      %mul3A_428 = arith.constant 16 : i32
      %mul3A_429 = arith.muli %add3A_427, %mul3A_428 : i32
      %swap3A_430 = arith.index_cast %mul3A_429 : i32 to index
      %swap3A_431 = tpu.vector_load %arg8[%swap3A_430] {strides = array<i32>} : memref<32016xf32, #tpu.memory_space<vmem>>, vector<16xf32>,
      tpu.vector_store %arg8[%swap3A_430], %broadcast_in_dim3A_421 {strides = array<i32>} : memref<32016xf32, #tpu.memory_space<vmem>>, vector<16xf32>,
      %slice3A_432 = vector.extract_strided_slice %get3A_92 {offsets = [13], sizes = [1], strides = [1]} : vector<16xf32> to vector<1xf32>
      %squeeze3A_433 = vector.extract %slice3A_432[0] : f32 from vector<1xf32>
      %broadcast_in_dim3A_434 = vector.broadcast %squeeze3A_433 : f32 to vector<16xf32>
      %mul3A_435 = arith.constant 16 : i32
      %mul3A_436 = arith.muli %scan3A_88, %mul3A_435 : i32
      %add3A_437 = arith.constant 13 : i32
      %add3A_438 = arith.addi %mul3A_436, %add3A_437 : i32
      %mul3A_439 = arith.constant 16 : i32
      %mul3A_440 = arith.muli %add3A_438, %mul3A_439 : i32
      %swap3A_441 = arith.index_cast %mul3A_440 : i32 to index
      %swap3A_442 = tpu.vector_load %arg7[%swap3A_441] {strides = array<i32>} : memref<32000xf32, #tpu.memory_space<vmem>>, vector<16xf32>,
      tpu.vector_store %arg7[%swap3A_441], %broadcast_in_dim3A_434 {strides = array<i32>} : memref<32000xf32, #tpu.memory_space<vmem>>, vector<16xf32>,
      %slice3A_443 = vector.extract_strided_slice %select_n3A_119 {offsets = [13], sizes = [1], strides = [1]} : vector<16xf32> to vector<1xf32>
      %squeeze3A_444 = vector.extract %slice3A_443[0] : f32 from vector<1xf32>
      %broadcast_in_dim3A_445 = vector.broadcast %squeeze3A_444 : f32 to vector<16xf32>
      %mul3A_446 = arith.constant 16 : i32
      %mul3A_447 = arith.muli %scan3A_88, %mul3A_446 : i32
      %add3A_448 = arith.constant 13 : i32
      %add3A_449 = arith.addi %mul3A_447, %add3A_448 : i32
      %add3A_450 = arith.constant 1 : i32
      %add3A_451 = arith.addi %add3A_449, %add3A_450 : i32
      %mul3A_452 = arith.constant 16 : i32
      %mul3A_453 = arith.muli %add3A_451, %mul3A_452 : i32
      %swap3A_454 = arith.index_cast %mul3A_453 : i32 to index
      %swap3A_455 = tpu.vector_load %arg8[%swap3A_454] {strides = array<i32>} : memref<32016xf32, #tpu.memory_space<vmem>>, vector<16xf32>,
      tpu.vector_store %arg8[%swap3A_454], %broadcast_in_dim3A_445 {strides = array<i32>} : memref<32016xf32, #tpu.memory_space<vmem>>, vector<16xf32>,
      %slice3A_456 = vector.extract_strided_slice %get3A_92 {offsets = [14], sizes = [1], strides = [1]} : vector<16xf32> to vector<1xf32>
      %squeeze3A_457 = vector.extract %slice3A_456[0] : f32 from vector<1xf32>
      %broadcast_in_dim3A_458 = vector.broadcast %squeeze3A_457 : f32 to vector<16xf32>
      %mul3A_459 = arith.constant 16 : i32
      %mul3A_460 = arith.muli %scan3A_88, %mul3A_459 : i32
      %add3A_461 = arith.constant 14 : i32
      %add3A_462 = arith.addi %mul3A_460, %add3A_461 : i32
      %mul3A_463 = arith.constant 16 : i32
      %mul3A_464 = arith.muli %add3A_462, %mul3A_463 : i32
      %swap3A_465 = arith.index_cast %mul3A_464 : i32 to index
      %swap3A_466 = tpu.vector_load %arg7[%swap3A_465] {strides = array<i32>} : memref<32000xf32, #tpu.memory_space<vmem>>, vector<16xf32>,
      tpu.vector_store %arg7[%swap3A_465], %broadcast_in_dim3A_458 {strides = array<i32>} : memref<32000xf32, #tpu.memory_space<vmem>>, vector<16xf32>,
      %slice3A_467 = vector.extract_strided_slice %select_n3A_119 {offsets = [14], sizes = [1], strides = [1]} : vector<16xf32> to vector<1xf32>
      %squeeze3A_468 = vector.extract %slice3A_467[0] : f32 from vector<1xf32>
      %broadcast_in_dim3A_469 = vector.broadcast %squeeze3A_468 : f32 to vector<16xf32>
      %mul3A_470 = arith.constant 16 : i32
      %mul3A_471 = arith.muli %scan3A_88, %mul3A_470 : i32
      %add3A_472 = arith.constant 14 : i32
      %add3A_473 = arith.addi %mul3A_471, %add3A_472 : i32
      %add3A_474 = arith.constant 1 : i32
      %add3A_475 = arith.addi %add3A_473, %add3A_474 : i32
      %mul3A_476 = arith.constant 16 : i32
      %mul3A_477 = arith.muli %add3A_475, %mul3A_476 : i32
      %swap3A_478 = arith.index_cast %mul3A_477 : i32 to index
      %swap3A_479 = tpu.vector_load %arg8[%swap3A_478] {strides = array<i32>} : memref<32016xf32, #tpu.memory_space<vmem>>, vector<16xf32>,
      tpu.vector_store %arg8[%swap3A_478], %broadcast_in_dim3A_469 {strides = array<i32>} : memref<32016xf32, #tpu.memory_space<vmem>>, vector<16xf32>,
      %slice3A_480 = vector.extract_strided_slice %get3A_92 {offsets = [15], sizes = [1], strides = [1]} : vector<16xf32> to vector<1xf32>
      %squeeze3A_481 = vector.extract %slice3A_480[0] : f32 from vector<1xf32>
      %broadcast_in_dim3A_482 = vector.broadcast %squeeze3A_481 : f32 to vector<16xf32>
      %mul3A_483 = arith.constant 16 : i32
      %mul3A_484 = arith.muli %scan3A_88, %mul3A_483 : i32
      %add3A_485 = arith.constant 15 : i32
      %add3A_486 = arith.addi %mul3A_484, %add3A_485 : i32
      %mul3A_487 = arith.constant 16 : i32
      %mul3A_488 = arith.muli %add3A_486, %mul3A_487 : i32
      %swap3A_489 = arith.index_cast %mul3A_488 : i32 to index
      %swap3A_490 = tpu.vector_load %arg7[%swap3A_489] {strides = array<i32>} : memref<32000xf32, #tpu.memory_space<vmem>>, vector<16xf32>,
      tpu.vector_store %arg7[%swap3A_489], %broadcast_in_dim3A_482 {strides = array<i32>} : memref<32000xf32, #tpu.memory_space<vmem>>, vector<16xf32>,
      %slice3A_491 = vector.extract_strided_slice %select_n3A_119 {offsets = [15], sizes = [1], strides = [1]} : vector<16xf32> to vector<1xf32>
      %squeeze3A_492 = vector.extract %slice3A_491[0] : f32 from vector<1xf32>
      %broadcast_in_dim3A_493 = vector.broadcast %squeeze3A_492 : f32 to vector<16xf32>
      %mul3A_494 = arith.constant 16 : i32
      %mul3A_495 = arith.muli %scan3A_88, %mul3A_494 : i32
      %add3A_496 = arith.constant 15 : i32
      %add3A_497 = arith.addi %mul3A_495, %add3A_496 : i32
      %add3A_498 = arith.constant 1 : i32
      %add3A_499 = arith.addi %add3A_497, %add3A_498 : i32
      %mul3A_500 = arith.constant 16 : i32
      %mul3A_501 = arith.muli %add3A_499, %mul3A_500 : i32
      %swap3A_502 = arith.index_cast %mul3A_501 : i32 to index
      %swap3A_503 = tpu.vector_load %arg8[%swap3A_502] {strides = array<i32>} : memref<32016xf32, #tpu.memory_space<vmem>>, vector<16xf32>,
      tpu.vector_store %arg8[%swap3A_502], %broadcast_in_dim3A_493 {strides = array<i32>} : memref<32016xf32, #tpu.memory_space<vmem>>, vector<16xf32>,
    }
    %scan3A_48 = arith.constant 125 : i32
    %iota3A = tpu.iota {dimensions = array<i32: 0>} : vector<16xi32>
    %add3A_49 = arith.constant 16384 : i32
    %add3A_50 = vector.broadcast %add3A_49 : i32 to vector<16xi32>
    %add3A_51 = arith.addi %iota3A, %add3A_50 : vector<16xi32>
    %add3A_52 = arith.constant 16 : i32
    %add3A_53 = vector.broadcast %add3A_52 : i32 to vector<16xi32>
    %add3A_54 = arith.addi %iota3A, %add3A_53 : vector<16xi32>
    %add3A_55 = arith.constant 31984 : i32
    %add3A_56 = vector.broadcast %add3A_55 : i32 to vector<16xi32>
    %add3A_57 = arith.addi %iota3A, %add3A_56 : vector<16xi32>
    %get3A_58 = arith.constant 1008 : index
    %get3A_59 = tpu.vector_load %arg12[%get3A_58] {strides = array<i32>} : memref<8192xf32, #tpu.memory_space<vmem>>, vector<16xf32>,
    %slice3A_60 = vector.extract_strided_slice %get3A_59 {offsets = [15], sizes = [1], strides = [1]} : vector<16xf32> to vector<1xf32>
    %squeeze3A_61 = vector.extract %slice3A_60[0] : f32 from vector<1xf32>
    %broadcast_in_dim3A_62 = vector.broadcast %squeeze3A_61 : f32 to vector<16xf32>
    %get3A_63 = arith.constant 496 : index
    %get3A_64 = tpu.vector_load %arg12[%get3A_63] {strides = array<i32>} : memref<8192xf32, #tpu.memory_space<vmem>>, vector<16xf32>,
    %slice3A_65 = vector.extract_strided_slice %get3A_64 {offsets = [15], sizes = [1], strides = [1]} : vector<16xf32> to vector<1xf32>
    %squeeze3A_66 = vector.extract %slice3A_65[0] : f32 from vector<1xf32>
    %broadcast_in_dim3A_67 = vector.broadcast %squeeze3A_66 : f32 to vector<16xf32>
    %get3A_68 = arith.constant 1520 : index
    %get3A_69 = tpu.vector_load %arg12[%get3A_68] {strides = array<i32>} : memref<8192xf32, #tpu.memory_space<vmem>>, vector<16xf32>,
    %slice3A_70 = vector.extract_strided_slice %get3A_69 {offsets = [15], sizes = [1], strides = [1]} : vector<16xf32> to vector<1xf32>
    %squeeze3A_71 = vector.extract %slice3A_70[0] : f32 from vector<1xf32>
    %broadcast_in_dim3A_72 = vector.broadcast %squeeze3A_71 : f32 to vector<16xf32>
    %add3A_73 = arith.constant 0 : i32
    %add3A_74 = arith.addi %mul3A_2, %add3A_73 : i32
    %dma_start3A = tpu.memref_slice %arg2[%add3A_74] : memref<8388608xf32, #tpu.memory_space<hbm>> -> memref<8192xf32, #tpu.memory_space<hbm>>
    %dma_start3A_75 = tpu.memref_slice %arg2[%add3A_74] : memref<8388608xf32, #tpu.memory_space<hbm>> -> memref<8192xf32, #tpu.memory_space<hbm>>
    tpu.enqueue_dma source(%dma_start3A_75 : memref<8192xf32, #tpu.memory_space<hbm>>) target(%arg9 : memref<8192xf32, #tpu.memory_space<vmem>>) target_semaphore(%arg13 : memref<!tpu.dma_semaphore, #tpu.memory_space<semaphore_mem>>)
    %scan3A_76 = arith.constant 0 : i32
    %scan3A_77 = arith.constant 16 : i32
    %scan3A_78 = arith.addi %scan3A_76, %scan3A_77 : i32
    %scan3A_79 = arith.constant 1 : i32
    scf.for %scan3A_88 = %scan3A_76 to %scan3A_78 step %scan3A_79  : i32 {
      %mul3A_89 = arith.constant 2 : i32
      %mul3A_90 = arith.muli %scan3A_88, %mul3A_89 : i32
      %add3A_91 = arith.constant 0 : i32
      %add3A_92 = arith.addi %add3A_91, %mul3A_90 : i32
      %add3A_93 = arith.constant 0 : i32
      %add3A_94 = arith.addi %add3A_92, %add3A_93 : i32
      %add3A_95 = arith.constant 1 : i32
      %add3A_96 = arith.addi %add3A_94, %add3A_95 : i32
      %lt3A = arith.constant 32 : i32
      %lt3A_97 = arith.cmpi slt, %add3A_96, %lt3A : i32
      %convert_element_type3A = arith.extui %lt3A_97 : i1 to i32
      %cond3A = arith.constant 0 : i32
      %cond3A_98 = arith.cmpi ne, %convert_element_type3A, %cond3A : i32
      scf.if %cond3A_98 {
        %add3A_142 = arith.constant 1 : i32
        %add3A_143 = arith.addi %add3A_94, %add3A_142 : i32
        %mul3A_144 = arith.constant 8192 : i32
        %mul3A_145 = arith.muli %add3A_143, %mul3A_144 : i32
        %add3A_146 = arith.addi %mul3A_2, %mul3A_145 : i32
        %dma_start3A_147 = tpu.memref_slice %arg2[%add3A_146] : memref<8388608xf32, #tpu.memory_space<hbm>> -> memref<8192xf32, #tpu.memory_space<hbm>>
        %dma_start3A_148 = tpu.memref_slice %arg2[%add3A_146] : memref<8388608xf32, #tpu.memory_space<hbm>> -> memref<8192xf32, #tpu.memory_space<hbm>>
        tpu.enqueue_dma source(%dma_start3A_148 : memref<8192xf32, #tpu.memory_space<hbm>>) target(%arg10 : memref<8192xf32, #tpu.memory_space<vmem>>) target_semaphore(%arg14 : memref<!tpu.dma_semaphore, #tpu.memory_space<semaphore_mem>>)
      } else {
      }
      %mul3A_99 = arith.constant 8192 : i32
      %mul3A_100 = arith.muli %add3A_94, %mul3A_99 : i32
      %add3A_101 = arith.addi %mul3A_2, %mul3A_100 : i32
      %dma_wait3A_102 = tpu.memref_slice %arg2[%add3A_101] : memref<8388608xf32, #tpu.memory_space<hbm>> -> memref<8192xf32, #tpu.memory_space<hbm>>
      %dma_wait3A_103 = tpu.memref_slice %arg2[%add3A_101] : memref<8388608xf32, #tpu.memory_space<hbm>> -> memref<8192xf32, #tpu.memory_space<hbm>>
      tpu.wait_dma2 semaphore(%arg13 : memref<!tpu.dma_semaphore, #tpu.memory_space<semaphore_mem>>) src(%dma_wait3A_103 : memref<8192xf32, #tpu.memory_space<hbm>>) dst(%arg9 : memref<8192xf32, #tpu.memory_space<vmem>>)
      %ge3A = arith.constant 2 : i32
      %ge3A_104 = arith.cmpi sge, %add3A_94, %ge3A : i32
      %convert_element_type3A_105 = arith.extui %ge3A_104 : i1 to i32
      %cond3A_106 = arith.constant 0 : i32
      %cond3A_107 = arith.cmpi ne, %convert_element_type3A_105, %cond3A_106 : i32
      scf.if %cond3A_107 {
        %sub3A = arith.constant 2 : i32
        %sub3A_142 = arith.subi %add3A_94, %sub3A : i32
        %mul3A_143 = arith.constant 8192 : i32
        %mul3A_144 = arith.muli %sub3A_142, %mul3A_143 : i32
        %add3A_145 = arith.addi %mul3A_2, %mul3A_144 : i32
        %dma_wait3A_146 = tpu.memref_slice %arg5[%add3A_145] : memref<8388608xf32, #tpu.memory_space<hbm>> -> memref<8192xf32, #tpu.memory_space<hbm>>
        %dma_wait3A_147 = tpu.memref_slice %arg5[%add3A_145] : memref<8388608xf32, #tpu.memory_space<hbm>> -> memref<8192xf32, #tpu.memory_space<hbm>>
        tpu.wait_dma2 semaphore(%arg15 : memref<!tpu.dma_semaphore, #tpu.memory_space<semaphore_mem>>) src(%arg11 : memref<8192xf32, #tpu.memory_space<vmem>>) dst(%dma_wait3A_147 : memref<8192xf32, #tpu.memory_space<hbm>>)
      } else {
      }
      %parallel_loop3A = arith.constant 0 : i32
      %parallel_loop3A_108 = arith.constant 128 : i32
      %parallel_loop3A_109 = arith.constant 1 : i32
      scf.for %parallel_loop3A_142 = %parallel_loop3A to %parallel_loop3A_108 step %parallel_loop3A_109  : i32 {
        %parallel_loop3A_143 = arith.constant 4 : i32
        %parallel_loop3A_144 = arith.muli %parallel_loop3A_142, %parallel_loop3A_143 : i32
        %parallel_loop3A_145 = arith.constant 0 : i32
        %parallel_loop3A_146 = arith.addi %parallel_loop3A_144, %parallel_loop3A_145 : i32
        %parallel_loop3A_147 = arith.constant 16 : i32
        %parallel_loop3A_148 = arith.muli %parallel_loop3A_146, %parallel_loop3A_147 : i32
        %parallel_loop3A_149 = arith.index_cast %parallel_loop3A_148 : i32 to index
        %parallel_loop3A_150 = tpu.vector_load %arg9[%parallel_loop3A_149] {strides = array<i32>} : memref<8192xf32, #tpu.memory_space<vmem>>, vector<16xf32>,
        %parallel_loop3A_151 = arith.constant 4 : i32
        %parallel_loop3A_152 = arith.muli %parallel_loop3A_142, %parallel_loop3A_151 : i32
        %parallel_loop3A_153 = arith.constant 1 : i32
        %parallel_loop3A_154 = arith.addi %parallel_loop3A_152, %parallel_loop3A_153 : i32
        %parallel_loop3A_155 = arith.constant 16 : i32
        %parallel_loop3A_156 = arith.muli %parallel_loop3A_154, %parallel_loop3A_155 : i32
        %parallel_loop3A_157 = arith.index_cast %parallel_loop3A_156 : i32 to index
        %parallel_loop3A_158 = tpu.vector_load %arg9[%parallel_loop3A_157] {strides = array<i32>} : memref<8192xf32, #tpu.memory_space<vmem>>, vector<16xf32>,
        %parallel_loop3A_159 = arith.constant 4 : i32
        %parallel_loop3A_160 = arith.muli %parallel_loop3A_142, %parallel_loop3A_159 : i32
        %parallel_loop3A_161 = arith.constant 2 : i32
        %parallel_loop3A_162 = arith.addi %parallel_loop3A_160, %parallel_loop3A_161 : i32
        %parallel_loop3A_163 = arith.constant 16 : i32
        %parallel_loop3A_164 = arith.muli %parallel_loop3A_162, %parallel_loop3A_163 : i32
        %parallel_loop3A_165 = arith.index_cast %parallel_loop3A_164 : i32 to index
        %parallel_loop3A_166 = tpu.vector_load %arg9[%parallel_loop3A_165] {strides = array<i32>} : memref<8192xf32, #tpu.memory_space<vmem>>, vector<16xf32>,
        %parallel_loop3A_167 = arith.constant 4 : i32
        %parallel_loop3A_168 = arith.muli %parallel_loop3A_142, %parallel_loop3A_167 : i32
        %parallel_loop3A_169 = arith.constant 3 : i32
        %parallel_loop3A_170 = arith.addi %parallel_loop3A_168, %parallel_loop3A_169 : i32
        %parallel_loop3A_171 = arith.constant 16 : i32
        %parallel_loop3A_172 = arith.muli %parallel_loop3A_170, %parallel_loop3A_171 : i32
        %parallel_loop3A_173 = arith.index_cast %parallel_loop3A_172 : i32 to index
        %parallel_loop3A_174 = tpu.vector_load %arg9[%parallel_loop3A_173] {strides = array<i32>} : memref<8192xf32, #tpu.memory_space<vmem>>, vector<16xf32>,
        %parallel_loop3A_175 = arith.cmpf olt, %broadcast_in_dim3A_62, %parallel_loop3A_150 : vector<16xf32>
        %parallel_loop3A_176 = arith.cmpf olt, %broadcast_in_dim3A_62, %parallel_loop3A_158 : vector<16xf32>
        %parallel_loop3A_177 = arith.cmpf olt, %broadcast_in_dim3A_62, %parallel_loop3A_166 : vector<16xf32>
        %parallel_loop3A_178 = arith.cmpf olt, %broadcast_in_dim3A_62, %parallel_loop3A_174 : vector<16xf32>
        %parallel_loop3A_179 = arith.select %parallel_loop3A_175, %add3A_51, %iota3A : vector<16xi1>, vector<16xi32>
        %parallel_loop3A_180 = arith.select %parallel_loop3A_176, %add3A_51, %iota3A : vector<16xi1>, vector<16xi32>
        %parallel_loop3A_181 = arith.select %parallel_loop3A_177, %add3A_51, %iota3A : vector<16xi1>, vector<16xi32>
        %parallel_loop3A_182 = arith.select %parallel_loop3A_178, %add3A_51, %iota3A : vector<16xi1>, vector<16xi32>
        %parallel_loop3A_183 = arith.select %parallel_loop3A_175, %broadcast_in_dim3A_72, %broadcast_in_dim3A_67 : vector<16xi1>, vector<16xf32>
        %parallel_loop3A_184 = arith.select %parallel_loop3A_176, %broadcast_in_dim3A_72, %broadcast_in_dim3A_67 : vector<16xi1>, vector<16xf32>
        %parallel_loop3A_185 = arith.select %parallel_loop3A_177, %broadcast_in_dim3A_72, %broadcast_in_dim3A_67 : vector<16xi1>, vector<16xf32>
        %parallel_loop3A_186 = arith.select %parallel_loop3A_178, %broadcast_in_dim3A_72, %broadcast_in_dim3A_67 : vector<16xi1>, vector<16xf32>
        %parallel_loop3A_187 = arith.cmpf olt, %parallel_loop3A_183, %parallel_loop3A_150 : vector<16xf32>
        %parallel_loop3A_188 = arith.constant 8192 : i32
        %parallel_loop3A_189 = vector.broadcast %parallel_loop3A_188 : i32 to vector<16xi32>
        %parallel_loop3A_190 = arith.addi %parallel_loop3A_179, %parallel_loop3A_189 : vector<16xi32>
        %parallel_loop3A_191 = arith.select %parallel_loop3A_187, %parallel_loop3A_190, %parallel_loop3A_179 : vector<16xi1>, vector<16xi32>
        %parallel_loop3A_192 = arith.cmpf olt, %parallel_loop3A_184, %parallel_loop3A_158 : vector<16xf32>
        %parallel_loop3A_193 = arith.constant 8192 : i32
        %parallel_loop3A_194 = vector.broadcast %parallel_loop3A_193 : i32 to vector<16xi32>
        %parallel_loop3A_195 = arith.addi %parallel_loop3A_180, %parallel_loop3A_194 : vector<16xi32>
        %parallel_loop3A_196 = arith.select %parallel_loop3A_192, %parallel_loop3A_195, %parallel_loop3A_180 : vector<16xi1>, vector<16xi32>
        %parallel_loop3A_197 = arith.cmpf olt, %parallel_loop3A_185, %parallel_loop3A_166 : vector<16xf32>
        %parallel_loop3A_198 = arith.constant 8192 : i32
        %parallel_loop3A_199 = vector.broadcast %parallel_loop3A_198 : i32 to vector<16xi32>
        %parallel_loop3A_200 = arith.addi %parallel_loop3A_181, %parallel_loop3A_199 : vector<16xi32>
        %parallel_loop3A_201 = arith.select %parallel_loop3A_197, %parallel_loop3A_200, %parallel_loop3A_181 : vector<16xi1>, vector<16xi32>
        %parallel_loop3A_202 = arith.cmpf olt, %parallel_loop3A_186, %parallel_loop3A_174 : vector<16xf32>
        %parallel_loop3A_203 = arith.constant 8192 : i32
        %parallel_loop3A_204 = vector.broadcast %parallel_loop3A_203 : i32 to vector<16xi32>
        %parallel_loop3A_205 = arith.addi %parallel_loop3A_182, %parallel_loop3A_204 : vector<16xi32>
        %parallel_loop3A_206 = arith.select %parallel_loop3A_202, %parallel_loop3A_205, %parallel_loop3A_182 : vector<16xi1>, vector<16xi32>
        %parallel_loop3A_207 = arith.constant 4096 : i32
        %parallel_loop3A_208 = vector.broadcast %parallel_loop3A_207 : i32 to vector<16xi32>
        %parallel_loop3A_209 = arith.addi %parallel_loop3A_191, %parallel_loop3A_208 : vector<16xi32>
        %parallel_loop3A_210 = arith.constant 4096 : i32
        %parallel_loop3A_211 = vector.broadcast %parallel_loop3A_210 : i32 to vector<16xi32>
        %parallel_loop3A_212 = arith.addi %parallel_loop3A_196, %parallel_loop3A_211 : vector<16xi32>
        %parallel_loop3A_213 = arith.constant 4096 : i32
        %parallel_loop3A_214 = vector.broadcast %parallel_loop3A_213 : i32 to vector<16xi32>
        %parallel_loop3A_215 = arith.addi %parallel_loop3A_201, %parallel_loop3A_214 : vector<16xi32>
        %parallel_loop3A_216 = arith.constant 4096 : i32
        %parallel_loop3A_217 = vector.broadcast %parallel_loop3A_216 : i32 to vector<16xi32>
        %parallel_loop3A_218 = arith.addi %parallel_loop3A_206, %parallel_loop3A_217 : vector<16xi32>
        %parallel_loop3A_219 = tpu.vector_load_idx %arg6[%parallel_loop3A_209] : memref<32784xf32, #tpu.memory_space<vmem>>[vector<16xi32>], vector<16xf32>,
        %parallel_loop3A_220 = tpu.vector_load_idx %arg6[%parallel_loop3A_212] : memref<32784xf32, #tpu.memory_space<vmem>>[vector<16xi32>], vector<16xf32>,
        %parallel_loop3A_221 = tpu.vector_load_idx %arg6[%parallel_loop3A_215] : memref<32784xf32, #tpu.memory_space<vmem>>[vector<16xi32>], vector<16xf32>,
        %parallel_loop3A_222 = tpu.vector_load_idx %arg6[%parallel_loop3A_218] : memref<32784xf32, #tpu.memory_space<vmem>>[vector<16xi32>], vector<16xf32>,
        %parallel_loop3A_223 = arith.cmpf olt, %parallel_loop3A_219, %parallel_loop3A_150 : vector<16xf32>
        %parallel_loop3A_224 = arith.select %parallel_loop3A_223, %parallel_loop3A_209, %parallel_loop3A_191 : vector<16xi1>, vector<16xi32>
        %parallel_loop3A_225 = arith.cmpf olt, %parallel_loop3A_220, %parallel_loop3A_158 : vector<16xf32>
        %parallel_loop3A_226 = arith.select %parallel_loop3A_225, %parallel_loop3A_212, %parallel_loop3A_196 : vector<16xi1>, vector<16xi32>
        %parallel_loop3A_227 = arith.cmpf olt, %parallel_loop3A_221, %parallel_loop3A_166 : vector<16xf32>
        %parallel_loop3A_228 = arith.select %parallel_loop3A_227, %parallel_loop3A_215, %parallel_loop3A_201 : vector<16xi1>, vector<16xi32>
        %parallel_loop3A_229 = arith.cmpf olt, %parallel_loop3A_222, %parallel_loop3A_174 : vector<16xf32>
        %parallel_loop3A_230 = arith.select %parallel_loop3A_229, %parallel_loop3A_218, %parallel_loop3A_206 : vector<16xi1>, vector<16xi32>
        %parallel_loop3A_231 = arith.constant 2048 : i32
        %parallel_loop3A_232 = vector.broadcast %parallel_loop3A_231 : i32 to vector<16xi32>
        %parallel_loop3A_233 = arith.addi %parallel_loop3A_224, %parallel_loop3A_232 : vector<16xi32>
        %parallel_loop3A_234 = arith.constant 2048 : i32
        %parallel_loop3A_235 = vector.broadcast %parallel_loop3A_234 : i32 to vector<16xi32>
        %parallel_loop3A_236 = arith.addi %parallel_loop3A_226, %parallel_loop3A_235 : vector<16xi32>
        %parallel_loop3A_237 = arith.constant 2048 : i32
        %parallel_loop3A_238 = vector.broadcast %parallel_loop3A_237 : i32 to vector<16xi32>
        %parallel_loop3A_239 = arith.addi %parallel_loop3A_228, %parallel_loop3A_238 : vector<16xi32>
        %parallel_loop3A_240 = arith.constant 2048 : i32
        %parallel_loop3A_241 = vector.broadcast %parallel_loop3A_240 : i32 to vector<16xi32>
        %parallel_loop3A_242 = arith.addi %parallel_loop3A_230, %parallel_loop3A_241 : vector<16xi32>
        %parallel_loop3A_243 = tpu.vector_load_idx %arg6[%parallel_loop3A_233] : memref<32784xf32, #tpu.memory_space<vmem>>[vector<16xi32>], vector<16xf32>,
        %parallel_loop3A_244 = tpu.vector_load_idx %arg6[%parallel_loop3A_236] : memref<32784xf32, #tpu.memory_space<vmem>>[vector<16xi32>], vector<16xf32>,
        %parallel_loop3A_245 = tpu.vector_load_idx %arg6[%parallel_loop3A_239] : memref<32784xf32, #tpu.memory_space<vmem>>[vector<16xi32>], vector<16xf32>,
        %parallel_loop3A_246 = tpu.vector_load_idx %arg6[%parallel_loop3A_242] : memref<32784xf32, #tpu.memory_space<vmem>>[vector<16xi32>], vector<16xf32>,
        %parallel_loop3A_247 = arith.cmpf olt, %parallel_loop3A_243, %parallel_loop3A_150 : vector<16xf32>
        %parallel_loop3A_248 = arith.select %parallel_loop3A_247, %parallel_loop3A_233, %parallel_loop3A_224 : vector<16xi1>, vector<16xi32>
        %parallel_loop3A_249 = arith.cmpf olt, %parallel_loop3A_244, %parallel_loop3A_158 : vector<16xf32>
        %parallel_loop3A_250 = arith.select %parallel_loop3A_249, %parallel_loop3A_236, %parallel_loop3A_226 : vector<16xi1>, vector<16xi32>
        %parallel_loop3A_251 = arith.cmpf olt, %parallel_loop3A_245, %parallel_loop3A_166 : vector<16xf32>
        %parallel_loop3A_252 = arith.select %parallel_loop3A_251, %parallel_loop3A_239, %parallel_loop3A_228 : vector<16xi1>, vector<16xi32>
        %parallel_loop3A_253 = arith.cmpf olt, %parallel_loop3A_246, %parallel_loop3A_174 : vector<16xf32>
        %parallel_loop3A_254 = arith.select %parallel_loop3A_253, %parallel_loop3A_242, %parallel_loop3A_230 : vector<16xi1>, vector<16xi32>
        %parallel_loop3A_255 = arith.constant 1024 : i32
        %parallel_loop3A_256 = vector.broadcast %parallel_loop3A_255 : i32 to vector<16xi32>
        %parallel_loop3A_257 = arith.addi %parallel_loop3A_248, %parallel_loop3A_256 : vector<16xi32>
        %parallel_loop3A_258 = arith.constant 1024 : i32
        %parallel_loop3A_259 = vector.broadcast %parallel_loop3A_258 : i32 to vector<16xi32>
        %parallel_loop3A_260 = arith.addi %parallel_loop3A_250, %parallel_loop3A_259 : vector<16xi32>
        %parallel_loop3A_261 = arith.constant 1024 : i32
        %parallel_loop3A_262 = vector.broadcast %parallel_loop3A_261 : i32 to vector<16xi32>
        %parallel_loop3A_263 = arith.addi %parallel_loop3A_252, %parallel_loop3A_262 : vector<16xi32>
        %parallel_loop3A_264 = arith.constant 1024 : i32
        %parallel_loop3A_265 = vector.broadcast %parallel_loop3A_264 : i32 to vector<16xi32>
        %parallel_loop3A_266 = arith.addi %parallel_loop3A_254, %parallel_loop3A_265 : vector<16xi32>
        %parallel_loop3A_267 = tpu.vector_load_idx %arg6[%parallel_loop3A_257] : memref<32784xf32, #tpu.memory_space<vmem>>[vector<16xi32>], vector<16xf32>,
        %parallel_loop3A_268 = tpu.vector_load_idx %arg6[%parallel_loop3A_260] : memref<32784xf32, #tpu.memory_space<vmem>>[vector<16xi32>], vector<16xf32>,
        %parallel_loop3A_269 = tpu.vector_load_idx %arg6[%parallel_loop3A_263] : memref<32784xf32, #tpu.memory_space<vmem>>[vector<16xi32>], vector<16xf32>,
        %parallel_loop3A_270 = tpu.vector_load_idx %arg6[%parallel_loop3A_266] : memref<32784xf32, #tpu.memory_space<vmem>>[vector<16xi32>], vector<16xf32>,
        %parallel_loop3A_271 = arith.cmpf olt, %parallel_loop3A_267, %parallel_loop3A_150 : vector<16xf32>
        %parallel_loop3A_272 = arith.select %parallel_loop3A_271, %parallel_loop3A_257, %parallel_loop3A_248 : vector<16xi1>, vector<16xi32>
        %parallel_loop3A_273 = arith.cmpf olt, %parallel_loop3A_268, %parallel_loop3A_158 : vector<16xf32>
        %parallel_loop3A_274 = arith.select %parallel_loop3A_273, %parallel_loop3A_260, %parallel_loop3A_250 : vector<16xi1>, vector<16xi32>
        %parallel_loop3A_275 = arith.cmpf olt, %parallel_loop3A_269, %parallel_loop3A_166 : vector<16xf32>
        %parallel_loop3A_276 = arith.select %parallel_loop3A_275, %parallel_loop3A_263, %parallel_loop3A_252 : vector<16xi1>, vector<16xi32>
        %parallel_loop3A_277 = arith.cmpf olt, %parallel_loop3A_270, %parallel_loop3A_174 : vector<16xf32>
        %parallel_loop3A_278 = arith.select %parallel_loop3A_277, %parallel_loop3A_266, %parallel_loop3A_254 : vector<16xi1>, vector<16xi32>
        %parallel_loop3A_279 = arith.constant 512 : i32
        %parallel_loop3A_280 = vector.broadcast %parallel_loop3A_279 : i32 to vector<16xi32>
        %parallel_loop3A_281 = arith.addi %parallel_loop3A_272, %parallel_loop3A_280 : vector<16xi32>
        %parallel_loop3A_282 = arith.constant 512 : i32
        %parallel_loop3A_283 = vector.broadcast %parallel_loop3A_282 : i32 to vector<16xi32>
        %parallel_loop3A_284 = arith.addi %parallel_loop3A_274, %parallel_loop3A_283 : vector<16xi32>
        %parallel_loop3A_285 = arith.constant 512 : i32
        %parallel_loop3A_286 = vector.broadcast %parallel_loop3A_285 : i32 to vector<16xi32>
        %parallel_loop3A_287 = arith.addi %parallel_loop3A_276, %parallel_loop3A_286 : vector<16xi32>
        %parallel_loop3A_288 = arith.constant 512 : i32
        %parallel_loop3A_289 = vector.broadcast %parallel_loop3A_288 : i32 to vector<16xi32>
        %parallel_loop3A_290 = arith.addi %parallel_loop3A_278, %parallel_loop3A_289 : vector<16xi32>
        %parallel_loop3A_291 = tpu.vector_load_idx %arg6[%parallel_loop3A_281] : memref<32784xf32, #tpu.memory_space<vmem>>[vector<16xi32>], vector<16xf32>,
        %parallel_loop3A_292 = tpu.vector_load_idx %arg6[%parallel_loop3A_284] : memref<32784xf32, #tpu.memory_space<vmem>>[vector<16xi32>], vector<16xf32>,
        %parallel_loop3A_293 = tpu.vector_load_idx %arg6[%parallel_loop3A_287] : memref<32784xf32, #tpu.memory_space<vmem>>[vector<16xi32>], vector<16xf32>,
        %parallel_loop3A_294 = tpu.vector_load_idx %arg6[%parallel_loop3A_290] : memref<32784xf32, #tpu.memory_space<vmem>>[vector<16xi32>], vector<16xf32>,
        %parallel_loop3A_295 = arith.cmpf olt, %parallel_loop3A_291, %parallel_loop3A_150 : vector<16xf32>
        %parallel_loop3A_296 = arith.select %parallel_loop3A_295, %parallel_loop3A_281, %parallel_loop3A_272 : vector<16xi1>, vector<16xi32>
        %parallel_loop3A_297 = arith.cmpf olt, %parallel_loop3A_292, %parallel_loop3A_158 : vector<16xf32>
        %parallel_loop3A_298 = arith.select %parallel_loop3A_297, %parallel_loop3A_284, %parallel_loop3A_274 : vector<16xi1>, vector<16xi32>
        %parallel_loop3A_299 = arith.cmpf olt, %parallel_loop3A_293, %parallel_loop3A_166 : vector<16xf32>
        %parallel_loop3A_300 = arith.select %parallel_loop3A_299, %parallel_loop3A_287, %parallel_loop3A_276 : vector<16xi1>, vector<16xi32>
        %parallel_loop3A_301 = arith.cmpf olt, %parallel_loop3A_294, %parallel_loop3A_174 : vector<16xf32>
        %parallel_loop3A_302 = arith.select %parallel_loop3A_301, %parallel_loop3A_290, %parallel_loop3A_278 : vector<16xi1>, vector<16xi32>
        %parallel_loop3A_303 = arith.constant 256 : i32
        %parallel_loop3A_304 = vector.broadcast %parallel_loop3A_303 : i32 to vector<16xi32>
        %parallel_loop3A_305 = arith.addi %parallel_loop3A_296, %parallel_loop3A_304 : vector<16xi32>
        %parallel_loop3A_306 = arith.constant 256 : i32
        %parallel_loop3A_307 = vector.broadcast %parallel_loop3A_306 : i32 to vector<16xi32>
        %parallel_loop3A_308 = arith.addi %parallel_loop3A_298, %parallel_loop3A_307 : vector<16xi32>
        %parallel_loop3A_309 = arith.constant 256 : i32
        %parallel_loop3A_310 = vector.broadcast %parallel_loop3A_309 : i32 to vector<16xi32>
        %parallel_loop3A_311 = arith.addi %parallel_loop3A_300, %parallel_loop3A_310 : vector<16xi32>
        %parallel_loop3A_312 = arith.constant 256 : i32
        %parallel_loop3A_313 = vector.broadcast %parallel_loop3A_312 : i32 to vector<16xi32>
        %parallel_loop3A_314 = arith.addi %parallel_loop3A_302, %parallel_loop3A_313 : vector<16xi32>
        %parallel_loop3A_315 = tpu.vector_load_idx %arg6[%parallel_loop3A_305] : memref<32784xf32, #tpu.memory_space<vmem>>[vector<16xi32>], vector<16xf32>,
        %parallel_loop3A_316 = tpu.vector_load_idx %arg6[%parallel_loop3A_308] : memref<32784xf32, #tpu.memory_space<vmem>>[vector<16xi32>], vector<16xf32>,
        %parallel_loop3A_317 = tpu.vector_load_idx %arg6[%parallel_loop3A_311] : memref<32784xf32, #tpu.memory_space<vmem>>[vector<16xi32>], vector<16xf32>,
        %parallel_loop3A_318 = tpu.vector_load_idx %arg6[%parallel_loop3A_314] : memref<32784xf32, #tpu.memory_space<vmem>>[vector<16xi32>], vector<16xf32>,
        %parallel_loop3A_319 = arith.cmpf olt, %parallel_loop3A_315, %parallel_loop3A_150 : vector<16xf32>
        %parallel_loop3A_320 = arith.select %parallel_loop3A_319, %parallel_loop3A_305, %parallel_loop3A_296 : vector<16xi1>, vector<16xi32>
        %parallel_loop3A_321 = arith.cmpf olt, %parallel_loop3A_316, %parallel_loop3A_158 : vector<16xf32>
        %parallel_loop3A_322 = arith.select %parallel_loop3A_321, %parallel_loop3A_308, %parallel_loop3A_298 : vector<16xi1>, vector<16xi32>
        %parallel_loop3A_323 = arith.cmpf olt, %parallel_loop3A_317, %parallel_loop3A_166 : vector<16xf32>
        %parallel_loop3A_324 = arith.select %parallel_loop3A_323, %parallel_loop3A_311, %parallel_loop3A_300 : vector<16xi1>, vector<16xi32>
        %parallel_loop3A_325 = arith.cmpf olt, %parallel_loop3A_318, %parallel_loop3A_174 : vector<16xf32>
        %parallel_loop3A_326 = arith.select %parallel_loop3A_325, %parallel_loop3A_314, %parallel_loop3A_302 : vector<16xi1>, vector<16xi32>
        %parallel_loop3A_327 = arith.constant 128 : i32
        %parallel_loop3A_328 = vector.broadcast %parallel_loop3A_327 : i32 to vector<16xi32>
        %parallel_loop3A_329 = arith.addi %parallel_loop3A_320, %parallel_loop3A_328 : vector<16xi32>
        %parallel_loop3A_330 = arith.constant 128 : i32
        %parallel_loop3A_331 = vector.broadcast %parallel_loop3A_330 : i32 to vector<16xi32>
        %parallel_loop3A_332 = arith.addi %parallel_loop3A_322, %parallel_loop3A_331 : vector<16xi32>
        %parallel_loop3A_333 = arith.constant 128 : i32
        %parallel_loop3A_334 = vector.broadcast %parallel_loop3A_333 : i32 to vector<16xi32>
        %parallel_loop3A_335 = arith.addi %parallel_loop3A_324, %parallel_loop3A_334 : vector<16xi32>
        %parallel_loop3A_336 = arith.constant 128 : i32
        %parallel_loop3A_337 = vector.broadcast %parallel_loop3A_336 : i32 to vector<16xi32>
        %parallel_loop3A_338 = arith.addi %parallel_loop3A_326, %parallel_loop3A_337 : vector<16xi32>
        %parallel_loop3A_339 = tpu.vector_load_idx %arg6[%parallel_loop3A_329] : memref<32784xf32, #tpu.memory_space<vmem>>[vector<16xi32>], vector<16xf32>,
        %parallel_loop3A_340 = tpu.vector_load_idx %arg6[%parallel_loop3A_332] : memref<32784xf32, #tpu.memory_space<vmem>>[vector<16xi32>], vector<16xf32>,
        %parallel_loop3A_341 = tpu.vector_load_idx %arg6[%parallel_loop3A_335] : memref<32784xf32, #tpu.memory_space<vmem>>[vector<16xi32>], vector<16xf32>,
        %parallel_loop3A_342 = tpu.vector_load_idx %arg6[%parallel_loop3A_338] : memref<32784xf32, #tpu.memory_space<vmem>>[vector<16xi32>], vector<16xf32>,
        %parallel_loop3A_343 = arith.cmpf olt, %parallel_loop3A_339, %parallel_loop3A_150 : vector<16xf32>
        %parallel_loop3A_344 = arith.select %parallel_loop3A_343, %parallel_loop3A_329, %parallel_loop3A_320 : vector<16xi1>, vector<16xi32>
        %parallel_loop3A_345 = arith.cmpf olt, %parallel_loop3A_340, %parallel_loop3A_158 : vector<16xf32>
        %parallel_loop3A_346 = arith.select %parallel_loop3A_345, %parallel_loop3A_332, %parallel_loop3A_322 : vector<16xi1>, vector<16xi32>
        %parallel_loop3A_347 = arith.cmpf olt, %parallel_loop3A_341, %parallel_loop3A_166 : vector<16xf32>
        %parallel_loop3A_348 = arith.select %parallel_loop3A_347, %parallel_loop3A_335, %parallel_loop3A_324 : vector<16xi1>, vector<16xi32>
        %parallel_loop3A_349 = arith.cmpf olt, %parallel_loop3A_342, %parallel_loop3A_174 : vector<16xf32>
        %parallel_loop3A_350 = arith.select %parallel_loop3A_349, %parallel_loop3A_338, %parallel_loop3A_326 : vector<16xi1>, vector<16xi32>
        %parallel_loop3A_351 = arith.constant 64 : i32
        %parallel_loop3A_352 = vector.broadcast %parallel_loop3A_351 : i32 to vector<16xi32>
        %parallel_loop3A_353 = arith.addi %parallel_loop3A_344, %parallel_loop3A_352 : vector<16xi32>
        %parallel_loop3A_354 = arith.constant 64 : i32
        %parallel_loop3A_355 = vector.broadcast %parallel_loop3A_354 : i32 to vector<16xi32>
        %parallel_loop3A_356 = arith.addi %parallel_loop3A_346, %parallel_loop3A_355 : vector<16xi32>
        %parallel_loop3A_357 = arith.constant 64 : i32
        %parallel_loop3A_358 = vector.broadcast %parallel_loop3A_357 : i32 to vector<16xi32>
        %parallel_loop3A_359 = arith.addi %parallel_loop3A_348, %parallel_loop3A_358 : vector<16xi32>
        %parallel_loop3A_360 = arith.constant 64 : i32
        %parallel_loop3A_361 = vector.broadcast %parallel_loop3A_360 : i32 to vector<16xi32>
        %parallel_loop3A_362 = arith.addi %parallel_loop3A_350, %parallel_loop3A_361 : vector<16xi32>
        %parallel_loop3A_363 = tpu.vector_load_idx %arg6[%parallel_loop3A_353] : memref<32784xf32, #tpu.memory_space<vmem>>[vector<16xi32>], vector<16xf32>,
        %parallel_loop3A_364 = tpu.vector_load_idx %arg6[%parallel_loop3A_356] : memref<32784xf32, #tpu.memory_space<vmem>>[vector<16xi32>], vector<16xf32>,
        %parallel_loop3A_365 = tpu.vector_load_idx %arg6[%parallel_loop3A_359] : memref<32784xf32, #tpu.memory_space<vmem>>[vector<16xi32>], vector<16xf32>,
        %parallel_loop3A_366 = tpu.vector_load_idx %arg6[%parallel_loop3A_362] : memref<32784xf32, #tpu.memory_space<vmem>>[vector<16xi32>], vector<16xf32>,
        %parallel_loop3A_367 = arith.cmpf olt, %parallel_loop3A_363, %parallel_loop3A_150 : vector<16xf32>
        %parallel_loop3A_368 = arith.select %parallel_loop3A_367, %parallel_loop3A_353, %parallel_loop3A_344 : vector<16xi1>, vector<16xi32>
        %parallel_loop3A_369 = arith.cmpf olt, %parallel_loop3A_364, %parallel_loop3A_158 : vector<16xf32>
        %parallel_loop3A_370 = arith.select %parallel_loop3A_369, %parallel_loop3A_356, %parallel_loop3A_346 : vector<16xi1>, vector<16xi32>
        %parallel_loop3A_371 = arith.cmpf olt, %parallel_loop3A_365, %parallel_loop3A_166 : vector<16xf32>
        %parallel_loop3A_372 = arith.select %parallel_loop3A_371, %parallel_loop3A_359, %parallel_loop3A_348 : vector<16xi1>, vector<16xi32>
        %parallel_loop3A_373 = arith.cmpf olt, %parallel_loop3A_366, %parallel_loop3A_174 : vector<16xf32>
        %parallel_loop3A_374 = arith.select %parallel_loop3A_373, %parallel_loop3A_362, %parallel_loop3A_350 : vector<16xi1>, vector<16xi32>
        %parallel_loop3A_375 = arith.constant 32 : i32
        %parallel_loop3A_376 = vector.broadcast %parallel_loop3A_375 : i32 to vector<16xi32>
        %parallel_loop3A_377 = arith.addi %parallel_loop3A_368, %parallel_loop3A_376 : vector<16xi32>
        %parallel_loop3A_378 = arith.constant 32 : i32
        %parallel_loop3A_379 = vector.broadcast %parallel_loop3A_378 : i32 to vector<16xi32>
        %parallel_loop3A_380 = arith.addi %parallel_loop3A_370, %parallel_loop3A_379 : vector<16xi32>
        %parallel_loop3A_381 = arith.constant 32 : i32
        %parallel_loop3A_382 = vector.broadcast %parallel_loop3A_381 : i32 to vector<16xi32>
        %parallel_loop3A_383 = arith.addi %parallel_loop3A_372, %parallel_loop3A_382 : vector<16xi32>
        %parallel_loop3A_384 = arith.constant 32 : i32
        %parallel_loop3A_385 = vector.broadcast %parallel_loop3A_384 : i32 to vector<16xi32>
        %parallel_loop3A_386 = arith.addi %parallel_loop3A_374, %parallel_loop3A_385 : vector<16xi32>
        %parallel_loop3A_387 = tpu.vector_load_idx %arg6[%parallel_loop3A_377] : memref<32784xf32, #tpu.memory_space<vmem>>[vector<16xi32>], vector<16xf32>,
        %parallel_loop3A_388 = tpu.vector_load_idx %arg6[%parallel_loop3A_380] : memref<32784xf32, #tpu.memory_space<vmem>>[vector<16xi32>], vector<16xf32>,
        %parallel_loop3A_389 = tpu.vector_load_idx %arg6[%parallel_loop3A_383] : memref<32784xf32, #tpu.memory_space<vmem>>[vector<16xi32>], vector<16xf32>,
        %parallel_loop3A_390 = tpu.vector_load_idx %arg6[%parallel_loop3A_386] : memref<32784xf32, #tpu.memory_space<vmem>>[vector<16xi32>], vector<16xf32>,
        %parallel_loop3A_391 = arith.cmpf olt, %parallel_loop3A_387, %parallel_loop3A_150 : vector<16xf32>
        %parallel_loop3A_392 = arith.select %parallel_loop3A_391, %parallel_loop3A_377, %parallel_loop3A_368 : vector<16xi1>, vector<16xi32>
        %parallel_loop3A_393 = arith.cmpf olt, %parallel_loop3A_388, %parallel_loop3A_158 : vector<16xf32>
        %parallel_loop3A_394 = arith.select %parallel_loop3A_393, %parallel_loop3A_380, %parallel_loop3A_370 : vector<16xi1>, vector<16xi32>
        %parallel_loop3A_395 = arith.cmpf olt, %parallel_loop3A_389, %parallel_loop3A_166 : vector<16xf32>
        %parallel_loop3A_396 = arith.select %parallel_loop3A_395, %parallel_loop3A_383, %parallel_loop3A_372 : vector<16xi1>, vector<16xi32>
        %parallel_loop3A_397 = arith.cmpf olt, %parallel_loop3A_390, %parallel_loop3A_174 : vector<16xf32>
        %parallel_loop3A_398 = arith.select %parallel_loop3A_397, %parallel_loop3A_386, %parallel_loop3A_374 : vector<16xi1>, vector<16xi32>
        %parallel_loop3A_399 = arith.constant 16 : i32
        %parallel_loop3A_400 = vector.broadcast %parallel_loop3A_399 : i32 to vector<16xi32>
        %parallel_loop3A_401 = arith.addi %parallel_loop3A_392, %parallel_loop3A_400 : vector<16xi32>
        %parallel_loop3A_402 = arith.constant 16 : i32
        %parallel_loop3A_403 = vector.broadcast %parallel_loop3A_402 : i32 to vector<16xi32>
        %parallel_loop3A_404 = arith.addi %parallel_loop3A_394, %parallel_loop3A_403 : vector<16xi32>
        %parallel_loop3A_405 = arith.constant 16 : i32
        %parallel_loop3A_406 = vector.broadcast %parallel_loop3A_405 : i32 to vector<16xi32>
        %parallel_loop3A_407 = arith.addi %parallel_loop3A_396, %parallel_loop3A_406 : vector<16xi32>
        %parallel_loop3A_408 = arith.constant 16 : i32
        %parallel_loop3A_409 = vector.broadcast %parallel_loop3A_408 : i32 to vector<16xi32>
        %parallel_loop3A_410 = arith.addi %parallel_loop3A_398, %parallel_loop3A_409 : vector<16xi32>
        %parallel_loop3A_411 = tpu.vector_load_idx %arg6[%parallel_loop3A_401] : memref<32784xf32, #tpu.memory_space<vmem>>[vector<16xi32>], vector<16xf32>,
        %parallel_loop3A_412 = tpu.vector_load_idx %arg6[%parallel_loop3A_404] : memref<32784xf32, #tpu.memory_space<vmem>>[vector<16xi32>], vector<16xf32>,
        %parallel_loop3A_413 = tpu.vector_load_idx %arg6[%parallel_loop3A_407] : memref<32784xf32, #tpu.memory_space<vmem>>[vector<16xi32>], vector<16xf32>,
        %parallel_loop3A_414 = tpu.vector_load_idx %arg6[%parallel_loop3A_410] : memref<32784xf32, #tpu.memory_space<vmem>>[vector<16xi32>], vector<16xf32>,
        %parallel_loop3A_415 = arith.cmpf olt, %parallel_loop3A_411, %parallel_loop3A_150 : vector<16xf32>
        %parallel_loop3A_416 = arith.select %parallel_loop3A_415, %parallel_loop3A_401, %parallel_loop3A_392 : vector<16xi1>, vector<16xi32>
        %parallel_loop3A_417 = arith.cmpf olt, %parallel_loop3A_412, %parallel_loop3A_158 : vector<16xf32>
        %parallel_loop3A_418 = arith.select %parallel_loop3A_417, %parallel_loop3A_404, %parallel_loop3A_394 : vector<16xi1>, vector<16xi32>
        %parallel_loop3A_419 = arith.cmpf olt, %parallel_loop3A_413, %parallel_loop3A_166 : vector<16xf32>
        %parallel_loop3A_420 = arith.select %parallel_loop3A_419, %parallel_loop3A_407, %parallel_loop3A_396 : vector<16xi1>, vector<16xi32>
        %parallel_loop3A_421 = arith.cmpf olt, %parallel_loop3A_414, %parallel_loop3A_174 : vector<16xf32>
        %parallel_loop3A_422 = arith.select %parallel_loop3A_421, %parallel_loop3A_410, %parallel_loop3A_398 : vector<16xi1>, vector<16xi32>
        %parallel_loop3A_423 = arith.maxsi %parallel_loop3A_416, %add3A_54 : vector<16xi32>
        %parallel_loop3A_424 = arith.minsi %parallel_loop3A_423, %add3A_57 : vector<16xi32>
        %parallel_loop3A_425 = tpu.vector_load_idx %arg6[%parallel_loop3A_424] : memref<32784xf32, #tpu.memory_space<vmem>>[vector<16xi32>], vector<16xf32>,
        %parallel_loop3A_426 = tpu.vector_load_idx %arg7[%parallel_loop3A_424] : memref<32000xf32, #tpu.memory_space<vmem>>[vector<16xi32>], vector<16xf32>,
        %parallel_loop3A_427 = tpu.vector_load_idx %arg8[%parallel_loop3A_424] : memref<32016xf32, #tpu.memory_space<vmem>>[vector<16xi32>], vector<16xf32>,
        %parallel_loop3A_428 = arith.subf %parallel_loop3A_150, %parallel_loop3A_425 : vector<16xf32>
        %parallel_loop3A_429 = arith.mulf %parallel_loop3A_428, %parallel_loop3A_427 : vector<16xf32>
        %parallel_loop3A_430 = arith.subf %parallel_loop3A_426, %parallel_loop3A_429 : vector<16xf32>
        %parallel_loop3A_431 = vector.broadcast %squeeze3A : f32 to vector<16xf32>
        %parallel_loop3A_432 = arith.cmpf ole, %parallel_loop3A_150, %parallel_loop3A_431 : vector<16xf32>
        %parallel_loop3A_433 = arith.constant 0.000000e+00 : f32
        %parallel_loop3A_434 = vector.broadcast %parallel_loop3A_433 : f32 to vector<16xf32>
        %parallel_loop3A_435 = arith.select %parallel_loop3A_432, %parallel_loop3A_434, %parallel_loop3A_430 : vector<16xi1>, vector<16xf32>
        %parallel_loop3A_436 = vector.broadcast %squeeze3A_26 : f32 to vector<16xf32>
        %parallel_loop3A_437 = arith.cmpf oge, %parallel_loop3A_150, %parallel_loop3A_436 : vector<16xf32>
        %parallel_loop3A_438 = arith.constant 1.000000e+00 : f32
        %parallel_loop3A_439 = vector.broadcast %parallel_loop3A_438 : f32 to vector<16xf32>
        %parallel_loop3A_440 = arith.select %parallel_loop3A_437, %parallel_loop3A_439, %parallel_loop3A_435 : vector<16xi1>, vector<16xf32>
        %parallel_loop3A_441 = arith.constant 4 : i32
        %parallel_loop3A_442 = arith.muli %parallel_loop3A_142, %parallel_loop3A_441 : i32
        %parallel_loop3A_443 = arith.constant 0 : i32
        %parallel_loop3A_444 = arith.addi %parallel_loop3A_442, %parallel_loop3A_443 : i32
        %parallel_loop3A_445 = arith.constant 16 : i32
        %parallel_loop3A_446 = arith.muli %parallel_loop3A_444, %parallel_loop3A_445 : i32
        %parallel_loop3A_447 = arith.index_cast %parallel_loop3A_446 : i32 to index
        %parallel_loop3A_448 = tpu.vector_load %arg11[%parallel_loop3A_447] {strides = array<i32>} : memref<8192xf32, #tpu.memory_space<vmem>>, vector<16xf32>,
        tpu.vector_store %arg11[%parallel_loop3A_447], %parallel_loop3A_440 {strides = array<i32>} : memref<8192xf32, #tpu.memory_space<vmem>>, vector<16xf32>,
        %parallel_loop3A_449 = arith.maxsi %parallel_loop3A_418, %add3A_54 : vector<16xi32>
        %parallel_loop3A_450 = arith.minsi %parallel_loop3A_449, %add3A_57 : vector<16xi32>
        %parallel_loop3A_451 = tpu.vector_load_idx %arg6[%parallel_loop3A_450] : memref<32784xf32, #tpu.memory_space<vmem>>[vector<16xi32>], vector<16xf32>,
        %parallel_loop3A_452 = tpu.vector_load_idx %arg7[%parallel_loop3A_450] : memref<32000xf32, #tpu.memory_space<vmem>>[vector<16xi32>], vector<16xf32>,
        %parallel_loop3A_453 = tpu.vector_load_idx %arg8[%parallel_loop3A_450] : memref<32016xf32, #tpu.memory_space<vmem>>[vector<16xi32>], vector<16xf32>,
        %parallel_loop3A_454 = arith.subf %parallel_loop3A_158, %parallel_loop3A_451 : vector<16xf32>
        %parallel_loop3A_455 = arith.mulf %parallel_loop3A_454, %parallel_loop3A_453 : vector<16xf32>
        %parallel_loop3A_456 = arith.subf %parallel_loop3A_452, %parallel_loop3A_455 : vector<16xf32>
        %parallel_loop3A_457 = vector.broadcast %squeeze3A : f32 to vector<16xf32>
        %parallel_loop3A_458 = arith.cmpf ole, %parallel_loop3A_158, %parallel_loop3A_457 : vector<16xf32>
        %parallel_loop3A_459 = arith.constant 0.000000e+00 : f32
        %parallel_loop3A_460 = vector.broadcast %parallel_loop3A_459 : f32 to vector<16xf32>
        %parallel_loop3A_461 = arith.select %parallel_loop3A_458, %parallel_loop3A_460, %parallel_loop3A_456 : vector<16xi1>, vector<16xf32>
        %parallel_loop3A_462 = vector.broadcast %squeeze3A_26 : f32 to vector<16xf32>
        %parallel_loop3A_463 = arith.cmpf oge, %parallel_loop3A_158, %parallel_loop3A_462 : vector<16xf32>
        %parallel_loop3A_464 = arith.constant 1.000000e+00 : f32
        %parallel_loop3A_465 = vector.broadcast %parallel_loop3A_464 : f32 to vector<16xf32>
        %parallel_loop3A_466 = arith.select %parallel_loop3A_463, %parallel_loop3A_465, %parallel_loop3A_461 : vector<16xi1>, vector<16xf32>
        %parallel_loop3A_467 = arith.constant 4 : i32
        %parallel_loop3A_468 = arith.muli %parallel_loop3A_142, %parallel_loop3A_467 : i32
        %parallel_loop3A_469 = arith.constant 1 : i32
        %parallel_loop3A_470 = arith.addi %parallel_loop3A_468, %parallel_loop3A_469 : i32
        %parallel_loop3A_471 = arith.constant 16 : i32
        %parallel_loop3A_472 = arith.muli %parallel_loop3A_470, %parallel_loop3A_471 : i32
        %parallel_loop3A_473 = arith.index_cast %parallel_loop3A_472 : i32 to index
        %parallel_loop3A_474 = tpu.vector_load %arg11[%parallel_loop3A_473] {strides = array<i32>} : memref<8192xf32, #tpu.memory_space<vmem>>, vector<16xf32>,
        tpu.vector_store %arg11[%parallel_loop3A_473], %parallel_loop3A_466 {strides = array<i32>} : memref<8192xf32, #tpu.memory_space<vmem>>, vector<16xf32>,
        %parallel_loop3A_475 = arith.maxsi %parallel_loop3A_420, %add3A_54 : vector<16xi32>
        %parallel_loop3A_476 = arith.minsi %parallel_loop3A_475, %add3A_57 : vector<16xi32>
        %parallel_loop3A_477 = tpu.vector_load_idx %arg6[%parallel_loop3A_476] : memref<32784xf32, #tpu.memory_space<vmem>>[vector<16xi32>], vector<16xf32>,
        %parallel_loop3A_478 = tpu.vector_load_idx %arg7[%parallel_loop3A_476] : memref<32000xf32, #tpu.memory_space<vmem>>[vector<16xi32>], vector<16xf32>,
        %parallel_loop3A_479 = tpu.vector_load_idx %arg8[%parallel_loop3A_476] : memref<32016xf32, #tpu.memory_space<vmem>>[vector<16xi32>], vector<16xf32>,
        %parallel_loop3A_480 = arith.subf %parallel_loop3A_166, %parallel_loop3A_477 : vector<16xf32>
        %parallel_loop3A_481 = arith.mulf %parallel_loop3A_480, %parallel_loop3A_479 : vector<16xf32>
        %parallel_loop3A_482 = arith.subf %parallel_loop3A_478, %parallel_loop3A_481 : vector<16xf32>
        %parallel_loop3A_483 = vector.broadcast %squeeze3A : f32 to vector<16xf32>
        %parallel_loop3A_484 = arith.cmpf ole, %parallel_loop3A_166, %parallel_loop3A_483 : vector<16xf32>
        %parallel_loop3A_485 = arith.constant 0.000000e+00 : f32
        %parallel_loop3A_486 = vector.broadcast %parallel_loop3A_485 : f32 to vector<16xf32>
        %parallel_loop3A_487 = arith.select %parallel_loop3A_484, %parallel_loop3A_486, %parallel_loop3A_482 : vector<16xi1>, vector<16xf32>
        %parallel_loop3A_488 = vector.broadcast %squeeze3A_26 : f32 to vector<16xf32>
        %parallel_loop3A_489 = arith.cmpf oge, %parallel_loop3A_166, %parallel_loop3A_488 : vector<16xf32>
        %parallel_loop3A_490 = arith.constant 1.000000e+00 : f32
        %parallel_loop3A_491 = vector.broadcast %parallel_loop3A_490 : f32 to vector<16xf32>
        %parallel_loop3A_492 = arith.select %parallel_loop3A_489, %parallel_loop3A_491, %parallel_loop3A_487 : vector<16xi1>, vector<16xf32>
        %parallel_loop3A_493 = arith.constant 4 : i32
        %parallel_loop3A_494 = arith.muli %parallel_loop3A_142, %parallel_loop3A_493 : i32
        %parallel_loop3A_495 = arith.constant 2 : i32
        %parallel_loop3A_496 = arith.addi %parallel_loop3A_494, %parallel_loop3A_495 : i32
        %parallel_loop3A_497 = arith.constant 16 : i32
        %parallel_loop3A_498 = arith.muli %parallel_loop3A_496, %parallel_loop3A_497 : i32
        %parallel_loop3A_499 = arith.index_cast %parallel_loop3A_498 : i32 to index
        %parallel_loop3A_500 = tpu.vector_load %arg11[%parallel_loop3A_499] {strides = array<i32>} : memref<8192xf32, #tpu.memory_space<vmem>>, vector<16xf32>,
        tpu.vector_store %arg11[%parallel_loop3A_499], %parallel_loop3A_492 {strides = array<i32>} : memref<8192xf32, #tpu.memory_space<vmem>>, vector<16xf32>,
        %parallel_loop3A_501 = arith.maxsi %parallel_loop3A_422, %add3A_54 : vector<16xi32>
        %parallel_loop3A_502 = arith.minsi %parallel_loop3A_501, %add3A_57 : vector<16xi32>
        %parallel_loop3A_503 = tpu.vector_load_idx %arg6[%parallel_loop3A_502] : memref<32784xf32, #tpu.memory_space<vmem>>[vector<16xi32>], vector<16xf32>,
        %parallel_loop3A_504 = tpu.vector_load_idx %arg7[%parallel_loop3A_502] : memref<32000xf32, #tpu.memory_space<vmem>>[vector<16xi32>], vector<16xf32>,
        %parallel_loop3A_505 = tpu.vector_load_idx %arg8[%parallel_loop3A_502] : memref<32016xf32, #tpu.memory_space<vmem>>[vector<16xi32>], vector<16xf32>,
        %parallel_loop3A_506 = arith.subf %parallel_loop3A_174, %parallel_loop3A_503 : vector<16xf32>
        %parallel_loop3A_507 = arith.mulf %parallel_loop3A_506, %parallel_loop3A_505 : vector<16xf32>
        %parallel_loop3A_508 = arith.subf %parallel_loop3A_504, %parallel_loop3A_507 : vector<16xf32>
        %parallel_loop3A_509 = vector.broadcast %squeeze3A : f32 to vector<16xf32>
        %parallel_loop3A_510 = arith.cmpf ole, %parallel_loop3A_174, %parallel_loop3A_509 : vector<16xf32>
        %parallel_loop3A_511 = arith.constant 0.000000e+00 : f32
        %parallel_loop3A_512 = vector.broadcast %parallel_loop3A_511 : f32 to vector<16xf32>
        %parallel_loop3A_513 = arith.select %parallel_loop3A_510, %parallel_loop3A_512, %parallel_loop3A_508 : vector<16xi1>, vector<16xf32>
        %parallel_loop3A_514 = vector.broadcast %squeeze3A_26 : f32 to vector<16xf32>
        %parallel_loop3A_515 = arith.cmpf oge, %parallel_loop3A_174, %parallel_loop3A_514 : vector<16xf32>
        %parallel_loop3A_516 = arith.constant 1.000000e+00 : f32
        %parallel_loop3A_517 = vector.broadcast %parallel_loop3A_516 : f32 to vector<16xf32>
        %parallel_loop3A_518 = arith.select %parallel_loop3A_515, %parallel_loop3A_517, %parallel_loop3A_513 : vector<16xi1>, vector<16xf32>
        %parallel_loop3A_519 = arith.constant 4 : i32
        %parallel_loop3A_520 = arith.muli %parallel_loop3A_142, %parallel_loop3A_519 : i32
        %parallel_loop3A_521 = arith.constant 3 : i32
        %parallel_loop3A_522 = arith.addi %parallel_loop3A_520, %parallel_loop3A_521 : i32
        %parallel_loop3A_523 = arith.constant 16 : i32
        %parallel_loop3A_524 = arith.muli %parallel_loop3A_522, %parallel_loop3A_523 : i32
        %parallel_loop3A_525 = arith.index_cast %parallel_loop3A_524 : i32 to index
        %parallel_loop3A_526 = tpu.vector_load %arg11[%parallel_loop3A_525] {strides = array<i32>} : memref<8192xf32, #tpu.memory_space<vmem>>, vector<16xf32>,
        tpu.vector_store %arg11[%parallel_loop3A_525], %parallel_loop3A_518 {strides = array<i32>} : memref<8192xf32, #tpu.memory_space<vmem>>, vector<16xf32>,
      } {sc.loop_unroll_factor = 2 : i64, sc.parallel_access}
      %mul3A_110 = arith.constant 8192 : i32
      %mul3A_111 = arith.muli %add3A_94, %mul3A_110 : i32
      %add3A_112 = arith.addi %mul3A_2, %mul3A_111 : i32
      %dma_start3A_113 = tpu.memref_slice %arg5[%add3A_112] : memref<8388608xf32, #tpu.memory_space<hbm>> -> memref<8192xf32, #tpu.memory_space<hbm>>
      %dma_start3A_114 = tpu.memref_slice %arg5[%add3A_112] : memref<8388608xf32, #tpu.memory_space<hbm>> -> memref<8192xf32, #tpu.memory_space<hbm>>
      tpu.enqueue_dma source(%arg11 : memref<8192xf32, #tpu.memory_space<vmem>>) target(%dma_start3A_114 : memref<8192xf32, #tpu.memory_space<hbm>>) target_semaphore(%arg15 : memref<!tpu.dma_semaphore, #tpu.memory_space<semaphore_mem>>)
      %add3A_115 = arith.constant 1 : i32
      %add3A_116 = arith.addi %add3A_92, %add3A_115 : i32
      %add3A_117 = arith.constant 1 : i32
      %add3A_118 = arith.addi %add3A_116, %add3A_117 : i32
      %lt3A_119 = arith.constant 32 : i32
      %lt3A_120 = arith.cmpi slt, %add3A_118, %lt3A_119 : i32
      %convert_element_type3A_121 = arith.extui %lt3A_120 : i1 to i32
      %cond3A_122 = arith.constant 0 : i32
      %cond3A_123 = arith.cmpi ne, %convert_element_type3A_121, %cond3A_122 : i32
      scf.if %cond3A_123 {
        %add3A_142 = arith.constant 1 : i32
        %add3A_143 = arith.addi %add3A_116, %add3A_142 : i32
        %mul3A_144 = arith.constant 8192 : i32
        %mul3A_145 = arith.muli %add3A_143, %mul3A_144 : i32
        %add3A_146 = arith.addi %mul3A_2, %mul3A_145 : i32
        %dma_start3A_147 = tpu.memref_slice %arg2[%add3A_146] : memref<8388608xf32, #tpu.memory_space<hbm>> -> memref<8192xf32, #tpu.memory_space<hbm>>
        %dma_start3A_148 = tpu.memref_slice %arg2[%add3A_146] : memref<8388608xf32, #tpu.memory_space<hbm>> -> memref<8192xf32, #tpu.memory_space<hbm>>
        tpu.enqueue_dma source(%dma_start3A_148 : memref<8192xf32, #tpu.memory_space<hbm>>) target(%arg9 : memref<8192xf32, #tpu.memory_space<vmem>>) target_semaphore(%arg13 : memref<!tpu.dma_semaphore, #tpu.memory_space<semaphore_mem>>)
      } else {
      }
      %mul3A_124 = arith.constant 8192 : i32
      %mul3A_125 = arith.muli %add3A_116, %mul3A_124 : i32
      %add3A_126 = arith.addi %mul3A_2, %mul3A_125 : i32
      %dma_wait3A_127 = tpu.memref_slice %arg2[%add3A_126] : memref<8388608xf32, #tpu.memory_space<hbm>> -> memref<8192xf32, #tpu.memory_space<hbm>>
      %dma_wait3A_128 = tpu.memref_slice %arg2[%add3A_126] : memref<8388608xf32, #tpu.memory_space<hbm>> -> memref<8192xf32, #tpu.memory_space<hbm>>
      tpu.wait_dma2 semaphore(%arg14 : memref<!tpu.dma_semaphore, #tpu.memory_space<semaphore_mem>>) src(%dma_wait3A_128 : memref<8192xf32, #tpu.memory_space<hbm>>) dst(%arg10 : memref<8192xf32, #tpu.memory_space<vmem>>)
      %ge3A_129 = arith.constant 2 : i32
      %ge3A_130 = arith.cmpi sge, %add3A_116, %ge3A_129 : i32
      %convert_element_type3A_131 = arith.extui %ge3A_130 : i1 to i32
      %cond3A_132 = arith.constant 0 : i32
      %cond3A_133 = arith.cmpi ne, %convert_element_type3A_131, %cond3A_132 : i32
      scf.if %cond3A_133 {
        %sub3A = arith.constant 2 : i32
        %sub3A_142 = arith.subi %add3A_116, %sub3A : i32
        %mul3A_143 = arith.constant 8192 : i32
        %mul3A_144 = arith.muli %sub3A_142, %mul3A_143 : i32
        %add3A_145 = arith.addi %mul3A_2, %mul3A_144 : i32
        %dma_wait3A_146 = tpu.memref_slice %arg5[%add3A_145] : memref<8388608xf32, #tpu.memory_space<hbm>> -> memref<8192xf32, #tpu.memory_space<hbm>>
        %dma_wait3A_147 = tpu.memref_slice %arg5[%add3A_145] : memref<8388608xf32, #tpu.memory_space<hbm>> -> memref<8192xf32, #tpu.memory_space<hbm>>
        tpu.wait_dma2 semaphore(%arg16 : memref<!tpu.dma_semaphore, #tpu.memory_space<semaphore_mem>>) src(%arg12 : memref<8192xf32, #tpu.memory_space<vmem>>) dst(%dma_wait3A_147 : memref<8192xf32, #tpu.memory_space<hbm>>)
      } else {
      }
      %parallel_loop3A_134 = arith.constant 0 : i32
      %parallel_loop3A_135 = arith.constant 128 : i32
      %parallel_loop3A_136 = arith.constant 1 : i32
      scf.for %parallel_loop3A_142 = %parallel_loop3A_134 to %parallel_loop3A_135 step %parallel_loop3A_136  : i32 {
        %parallel_loop3A_143 = arith.constant 4 : i32
        %parallel_loop3A_144 = arith.muli %parallel_loop3A_142, %parallel_loop3A_143 : i32
        %parallel_loop3A_145 = arith.constant 0 : i32
        %parallel_loop3A_146 = arith.addi %parallel_loop3A_144, %parallel_loop3A_145 : i32
        %parallel_loop3A_147 = arith.constant 16 : i32
        %parallel_loop3A_148 = arith.muli %parallel_loop3A_146, %parallel_loop3A_147 : i32
        %parallel_loop3A_149 = arith.index_cast %parallel_loop3A_148 : i32 to index
        %parallel_loop3A_150 = tpu.vector_load %arg10[%parallel_loop3A_149] {strides = array<i32>} : memref<8192xf32, #tpu.memory_space<vmem>>, vector<16xf32>,
        %parallel_loop3A_151 = arith.constant 4 : i32
        %parallel_loop3A_152 = arith.muli %parallel_loop3A_142, %parallel_loop3A_151 : i32
        %parallel_loop3A_153 = arith.constant 1 : i32
        %parallel_loop3A_154 = arith.addi %parallel_loop3A_152, %parallel_loop3A_153 : i32
        %parallel_loop3A_155 = arith.constant 16 : i32
        %parallel_loop3A_156 = arith.muli %parallel_loop3A_154, %parallel_loop3A_155 : i32
        %parallel_loop3A_157 = arith.index_cast %parallel_loop3A_156 : i32 to index
        %parallel_loop3A_158 = tpu.vector_load %arg10[%parallel_loop3A_157] {strides = array<i32>} : memref<8192xf32, #tpu.memory_space<vmem>>, vector<16xf32>,
        %parallel_loop3A_159 = arith.constant 4 : i32
        %parallel_loop3A_160 = arith.muli %parallel_loop3A_142, %parallel_loop3A_159 : i32
        %parallel_loop3A_161 = arith.constant 2 : i32
        %parallel_loop3A_162 = arith.addi %parallel_loop3A_160, %parallel_loop3A_161 : i32
        %parallel_loop3A_163 = arith.constant 16 : i32
        %parallel_loop3A_164 = arith.muli %parallel_loop3A_162, %parallel_loop3A_163 : i32
        %parallel_loop3A_165 = arith.index_cast %parallel_loop3A_164 : i32 to index
        %parallel_loop3A_166 = tpu.vector_load %arg10[%parallel_loop3A_165] {strides = array<i32>} : memref<8192xf32, #tpu.memory_space<vmem>>, vector<16xf32>,
        %parallel_loop3A_167 = arith.constant 4 : i32
        %parallel_loop3A_168 = arith.muli %parallel_loop3A_142, %parallel_loop3A_167 : i32
        %parallel_loop3A_169 = arith.constant 3 : i32
        %parallel_loop3A_170 = arith.addi %parallel_loop3A_168, %parallel_loop3A_169 : i32
        %parallel_loop3A_171 = arith.constant 16 : i32
        %parallel_loop3A_172 = arith.muli %parallel_loop3A_170, %parallel_loop3A_171 : i32
        %parallel_loop3A_173 = arith.index_cast %parallel_loop3A_172 : i32 to index
        %parallel_loop3A_174 = tpu.vector_load %arg10[%parallel_loop3A_173] {strides = array<i32>} : memref<8192xf32, #tpu.memory_space<vmem>>, vector<16xf32>,
        %parallel_loop3A_175 = arith.cmpf olt, %broadcast_in_dim3A_62, %parallel_loop3A_150 : vector<16xf32>
        %parallel_loop3A_176 = arith.cmpf olt, %broadcast_in_dim3A_62, %parallel_loop3A_158 : vector<16xf32>
        %parallel_loop3A_177 = arith.cmpf olt, %broadcast_in_dim3A_62, %parallel_loop3A_166 : vector<16xf32>
        %parallel_loop3A_178 = arith.cmpf olt, %broadcast_in_dim3A_62, %parallel_loop3A_174 : vector<16xf32>
        %parallel_loop3A_179 = arith.select %parallel_loop3A_175, %add3A_51, %iota3A : vector<16xi1>, vector<16xi32>
        %parallel_loop3A_180 = arith.select %parallel_loop3A_176, %add3A_51, %iota3A : vector<16xi1>, vector<16xi32>
        %parallel_loop3A_181 = arith.select %parallel_loop3A_177, %add3A_51, %iota3A : vector<16xi1>, vector<16xi32>
        %parallel_loop3A_182 = arith.select %parallel_loop3A_178, %add3A_51, %iota3A : vector<16xi1>, vector<16xi32>
        %parallel_loop3A_183 = arith.select %parallel_loop3A_175, %broadcast_in_dim3A_72, %broadcast_in_dim3A_67 : vector<16xi1>, vector<16xf32>
        %parallel_loop3A_184 = arith.select %parallel_loop3A_176, %broadcast_in_dim3A_72, %broadcast_in_dim3A_67 : vector<16xi1>, vector<16xf32>
        %parallel_loop3A_185 = arith.select %parallel_loop3A_177, %broadcast_in_dim3A_72, %broadcast_in_dim3A_67 : vector<16xi1>, vector<16xf32>
        %parallel_loop3A_186 = arith.select %parallel_loop3A_178, %broadcast_in_dim3A_72, %broadcast_in_dim3A_67 : vector<16xi1>, vector<16xf32>
        %parallel_loop3A_187 = arith.cmpf olt, %parallel_loop3A_183, %parallel_loop3A_150 : vector<16xf32>
        %parallel_loop3A_188 = arith.constant 8192 : i32
        %parallel_loop3A_189 = vector.broadcast %parallel_loop3A_188 : i32 to vector<16xi32>
        %parallel_loop3A_190 = arith.addi %parallel_loop3A_179, %parallel_loop3A_189 : vector<16xi32>
        %parallel_loop3A_191 = arith.select %parallel_loop3A_187, %parallel_loop3A_190, %parallel_loop3A_179 : vector<16xi1>, vector<16xi32>
        %parallel_loop3A_192 = arith.cmpf olt, %parallel_loop3A_184, %parallel_loop3A_158 : vector<16xf32>
        %parallel_loop3A_193 = arith.constant 8192 : i32
        %parallel_loop3A_194 = vector.broadcast %parallel_loop3A_193 : i32 to vector<16xi32>
        %parallel_loop3A_195 = arith.addi %parallel_loop3A_180, %parallel_loop3A_194 : vector<16xi32>
        %parallel_loop3A_196 = arith.select %parallel_loop3A_192, %parallel_loop3A_195, %parallel_loop3A_180 : vector<16xi1>, vector<16xi32>
        %parallel_loop3A_197 = arith.cmpf olt, %parallel_loop3A_185, %parallel_loop3A_166 : vector<16xf32>
        %parallel_loop3A_198 = arith.constant 8192 : i32
        %parallel_loop3A_199 = vector.broadcast %parallel_loop3A_198 : i32 to vector<16xi32>
        %parallel_loop3A_200 = arith.addi %parallel_loop3A_181, %parallel_loop3A_199 : vector<16xi32>
        %parallel_loop3A_201 = arith.select %parallel_loop3A_197, %parallel_loop3A_200, %parallel_loop3A_181 : vector<16xi1>, vector<16xi32>
        %parallel_loop3A_202 = arith.cmpf olt, %parallel_loop3A_186, %parallel_loop3A_174 : vector<16xf32>
        %parallel_loop3A_203 = arith.constant 8192 : i32
        %parallel_loop3A_204 = vector.broadcast %parallel_loop3A_203 : i32 to vector<16xi32>
        %parallel_loop3A_205 = arith.addi %parallel_loop3A_182, %parallel_loop3A_204 : vector<16xi32>
        %parallel_loop3A_206 = arith.select %parallel_loop3A_202, %parallel_loop3A_205, %parallel_loop3A_182 : vector<16xi1>, vector<16xi32>
        %parallel_loop3A_207 = arith.constant 4096 : i32
        %parallel_loop3A_208 = vector.broadcast %parallel_loop3A_207 : i32 to vector<16xi32>
        %parallel_loop3A_209 = arith.addi %parallel_loop3A_191, %parallel_loop3A_208 : vector<16xi32>
        %parallel_loop3A_210 = arith.constant 4096 : i32
        %parallel_loop3A_211 = vector.broadcast %parallel_loop3A_210 : i32 to vector<16xi32>
        %parallel_loop3A_212 = arith.addi %parallel_loop3A_196, %parallel_loop3A_211 : vector<16xi32>
        %parallel_loop3A_213 = arith.constant 4096 : i32
        %parallel_loop3A_214 = vector.broadcast %parallel_loop3A_213 : i32 to vector<16xi32>
        %parallel_loop3A_215 = arith.addi %parallel_loop3A_201, %parallel_loop3A_214 : vector<16xi32>
        %parallel_loop3A_216 = arith.constant 4096 : i32
        %parallel_loop3A_217 = vector.broadcast %parallel_loop3A_216 : i32 to vector<16xi32>
        %parallel_loop3A_218 = arith.addi %parallel_loop3A_206, %parallel_loop3A_217 : vector<16xi32>
        %parallel_loop3A_219 = tpu.vector_load_idx %arg6[%parallel_loop3A_209] : memref<32784xf32, #tpu.memory_space<vmem>>[vector<16xi32>], vector<16xf32>,
        %parallel_loop3A_220 = tpu.vector_load_idx %arg6[%parallel_loop3A_212] : memref<32784xf32, #tpu.memory_space<vmem>>[vector<16xi32>], vector<16xf32>,
        %parallel_loop3A_221 = tpu.vector_load_idx %arg6[%parallel_loop3A_215] : memref<32784xf32, #tpu.memory_space<vmem>>[vector<16xi32>], vector<16xf32>,
        %parallel_loop3A_222 = tpu.vector_load_idx %arg6[%parallel_loop3A_218] : memref<32784xf32, #tpu.memory_space<vmem>>[vector<16xi32>], vector<16xf32>,
        %parallel_loop3A_223 = arith.cmpf olt, %parallel_loop3A_219, %parallel_loop3A_150 : vector<16xf32>
        %parallel_loop3A_224 = arith.select %parallel_loop3A_223, %parallel_loop3A_209, %parallel_loop3A_191 : vector<16xi1>, vector<16xi32>
        %parallel_loop3A_225 = arith.cmpf olt, %parallel_loop3A_220, %parallel_loop3A_158 : vector<16xf32>
        %parallel_loop3A_226 = arith.select %parallel_loop3A_225, %parallel_loop3A_212, %parallel_loop3A_196 : vector<16xi1>, vector<16xi32>
        %parallel_loop3A_227 = arith.cmpf olt, %parallel_loop3A_221, %parallel_loop3A_166 : vector<16xf32>
        %parallel_loop3A_228 = arith.select %parallel_loop3A_227, %parallel_loop3A_215, %parallel_loop3A_201 : vector<16xi1>, vector<16xi32>
        %parallel_loop3A_229 = arith.cmpf olt, %parallel_loop3A_222, %parallel_loop3A_174 : vector<16xf32>
        %parallel_loop3A_230 = arith.select %parallel_loop3A_229, %parallel_loop3A_218, %parallel_loop3A_206 : vector<16xi1>, vector<16xi32>
        %parallel_loop3A_231 = arith.constant 2048 : i32
        %parallel_loop3A_232 = vector.broadcast %parallel_loop3A_231 : i32 to vector<16xi32>
        %parallel_loop3A_233 = arith.addi %parallel_loop3A_224, %parallel_loop3A_232 : vector<16xi32>
        %parallel_loop3A_234 = arith.constant 2048 : i32
        %parallel_loop3A_235 = vector.broadcast %parallel_loop3A_234 : i32 to vector<16xi32>
        %parallel_loop3A_236 = arith.addi %parallel_loop3A_226, %parallel_loop3A_235 : vector<16xi32>
        %parallel_loop3A_237 = arith.constant 2048 : i32
        %parallel_loop3A_238 = vector.broadcast %parallel_loop3A_237 : i32 to vector<16xi32>
        %parallel_loop3A_239 = arith.addi %parallel_loop3A_228, %parallel_loop3A_238 : vector<16xi32>
        %parallel_loop3A_240 = arith.constant 2048 : i32
        %parallel_loop3A_241 = vector.broadcast %parallel_loop3A_240 : i32 to vector<16xi32>
        %parallel_loop3A_242 = arith.addi %parallel_loop3A_230, %parallel_loop3A_241 : vector<16xi32>
        %parallel_loop3A_243 = tpu.vector_load_idx %arg6[%parallel_loop3A_233] : memref<32784xf32, #tpu.memory_space<vmem>>[vector<16xi32>], vector<16xf32>,
        %parallel_loop3A_244 = tpu.vector_load_idx %arg6[%parallel_loop3A_236] : memref<32784xf32, #tpu.memory_space<vmem>>[vector<16xi32>], vector<16xf32>,
        %parallel_loop3A_245 = tpu.vector_load_idx %arg6[%parallel_loop3A_239] : memref<32784xf32, #tpu.memory_space<vmem>>[vector<16xi32>], vector<16xf32>,
        %parallel_loop3A_246 = tpu.vector_load_idx %arg6[%parallel_loop3A_242] : memref<32784xf32, #tpu.memory_space<vmem>>[vector<16xi32>], vector<16xf32>,
        %parallel_loop3A_247 = arith.cmpf olt, %parallel_loop3A_243, %parallel_loop3A_150 : vector<16xf32>
        %parallel_loop3A_248 = arith.select %parallel_loop3A_247, %parallel_loop3A_233, %parallel_loop3A_224 : vector<16xi1>, vector<16xi32>
        %parallel_loop3A_249 = arith.cmpf olt, %parallel_loop3A_244, %parallel_loop3A_158 : vector<16xf32>
        %parallel_loop3A_250 = arith.select %parallel_loop3A_249, %parallel_loop3A_236, %parallel_loop3A_226 : vector<16xi1>, vector<16xi32>
        %parallel_loop3A_251 = arith.cmpf olt, %parallel_loop3A_245, %parallel_loop3A_166 : vector<16xf32>
        %parallel_loop3A_252 = arith.select %parallel_loop3A_251, %parallel_loop3A_239, %parallel_loop3A_228 : vector<16xi1>, vector<16xi32>
        %parallel_loop3A_253 = arith.cmpf olt, %parallel_loop3A_246, %parallel_loop3A_174 : vector<16xf32>
        %parallel_loop3A_254 = arith.select %parallel_loop3A_253, %parallel_loop3A_242, %parallel_loop3A_230 : vector<16xi1>, vector<16xi32>
        %parallel_loop3A_255 = arith.constant 1024 : i32
        %parallel_loop3A_256 = vector.broadcast %parallel_loop3A_255 : i32 to vector<16xi32>
        %parallel_loop3A_257 = arith.addi %parallel_loop3A_248, %parallel_loop3A_256 : vector<16xi32>
        %parallel_loop3A_258 = arith.constant 1024 : i32
        %parallel_loop3A_259 = vector.broadcast %parallel_loop3A_258 : i32 to vector<16xi32>
        %parallel_loop3A_260 = arith.addi %parallel_loop3A_250, %parallel_loop3A_259 : vector<16xi32>
        %parallel_loop3A_261 = arith.constant 1024 : i32
        %parallel_loop3A_262 = vector.broadcast %parallel_loop3A_261 : i32 to vector<16xi32>
        %parallel_loop3A_263 = arith.addi %parallel_loop3A_252, %parallel_loop3A_262 : vector<16xi32>
        %parallel_loop3A_264 = arith.constant 1024 : i32
        %parallel_loop3A_265 = vector.broadcast %parallel_loop3A_264 : i32 to vector<16xi32>
        %parallel_loop3A_266 = arith.addi %parallel_loop3A_254, %parallel_loop3A_265 : vector<16xi32>
        %parallel_loop3A_267 = tpu.vector_load_idx %arg6[%parallel_loop3A_257] : memref<32784xf32, #tpu.memory_space<vmem>>[vector<16xi32>], vector<16xf32>,
        %parallel_loop3A_268 = tpu.vector_load_idx %arg6[%parallel_loop3A_260] : memref<32784xf32, #tpu.memory_space<vmem>>[vector<16xi32>], vector<16xf32>,
        %parallel_loop3A_269 = tpu.vector_load_idx %arg6[%parallel_loop3A_263] : memref<32784xf32, #tpu.memory_space<vmem>>[vector<16xi32>], vector<16xf32>,
        %parallel_loop3A_270 = tpu.vector_load_idx %arg6[%parallel_loop3A_266] : memref<32784xf32, #tpu.memory_space<vmem>>[vector<16xi32>], vector<16xf32>,
        %parallel_loop3A_271 = arith.cmpf olt, %parallel_loop3A_267, %parallel_loop3A_150 : vector<16xf32>
        %parallel_loop3A_272 = arith.select %parallel_loop3A_271, %parallel_loop3A_257, %parallel_loop3A_248 : vector<16xi1>, vector<16xi32>
        %parallel_loop3A_273 = arith.cmpf olt, %parallel_loop3A_268, %parallel_loop3A_158 : vector<16xf32>
        %parallel_loop3A_274 = arith.select %parallel_loop3A_273, %parallel_loop3A_260, %parallel_loop3A_250 : vector<16xi1>, vector<16xi32>
        %parallel_loop3A_275 = arith.cmpf olt, %parallel_loop3A_269, %parallel_loop3A_166 : vector<16xf32>
        %parallel_loop3A_276 = arith.select %parallel_loop3A_275, %parallel_loop3A_263, %parallel_loop3A_252 : vector<16xi1>, vector<16xi32>
        %parallel_loop3A_277 = arith.cmpf olt, %parallel_loop3A_270, %parallel_loop3A_174 : vector<16xf32>
        %parallel_loop3A_278 = arith.select %parallel_loop3A_277, %parallel_loop3A_266, %parallel_loop3A_254 : vector<16xi1>, vector<16xi32>
        %parallel_loop3A_279 = arith.constant 512 : i32
        %parallel_loop3A_280 = vector.broadcast %parallel_loop3A_279 : i32 to vector<16xi32>
        %parallel_loop3A_281 = arith.addi %parallel_loop3A_272, %parallel_loop3A_280 : vector<16xi32>
        %parallel_loop3A_282 = arith.constant 512 : i32
        %parallel_loop3A_283 = vector.broadcast %parallel_loop3A_282 : i32 to vector<16xi32>
        %parallel_loop3A_284 = arith.addi %parallel_loop3A_274, %parallel_loop3A_283 : vector<16xi32>
        %parallel_loop3A_285 = arith.constant 512 : i32
        %parallel_loop3A_286 = vector.broadcast %parallel_loop3A_285 : i32 to vector<16xi32>
        %parallel_loop3A_287 = arith.addi %parallel_loop3A_276, %parallel_loop3A_286 : vector<16xi32>
        %parallel_loop3A_288 = arith.constant 512 : i32
        %parallel_loop3A_289 = vector.broadcast %parallel_loop3A_288 : i32 to vector<16xi32>
        %parallel_loop3A_290 = arith.addi %parallel_loop3A_278, %parallel_loop3A_289 : vector<16xi32>
        %parallel_loop3A_291 = tpu.vector_load_idx %arg6[%parallel_loop3A_281] : memref<32784xf32, #tpu.memory_space<vmem>>[vector<16xi32>], vector<16xf32>,
        %parallel_loop3A_292 = tpu.vector_load_idx %arg6[%parallel_loop3A_284] : memref<32784xf32, #tpu.memory_space<vmem>>[vector<16xi32>], vector<16xf32>,
        %parallel_loop3A_293 = tpu.vector_load_idx %arg6[%parallel_loop3A_287] : memref<32784xf32, #tpu.memory_space<vmem>>[vector<16xi32>], vector<16xf32>,
        %parallel_loop3A_294 = tpu.vector_load_idx %arg6[%parallel_loop3A_290] : memref<32784xf32, #tpu.memory_space<vmem>>[vector<16xi32>], vector<16xf32>,
        %parallel_loop3A_295 = arith.cmpf olt, %parallel_loop3A_291, %parallel_loop3A_150 : vector<16xf32>
        %parallel_loop3A_296 = arith.select %parallel_loop3A_295, %parallel_loop3A_281, %parallel_loop3A_272 : vector<16xi1>, vector<16xi32>
        %parallel_loop3A_297 = arith.cmpf olt, %parallel_loop3A_292, %parallel_loop3A_158 : vector<16xf32>
        %parallel_loop3A_298 = arith.select %parallel_loop3A_297, %parallel_loop3A_284, %parallel_loop3A_274 : vector<16xi1>, vector<16xi32>
        %parallel_loop3A_299 = arith.cmpf olt, %parallel_loop3A_293, %parallel_loop3A_166 : vector<16xf32>
        %parallel_loop3A_300 = arith.select %parallel_loop3A_299, %parallel_loop3A_287, %parallel_loop3A_276 : vector<16xi1>, vector<16xi32>
        %parallel_loop3A_301 = arith.cmpf olt, %parallel_loop3A_294, %parallel_loop3A_174 : vector<16xf32>
        %parallel_loop3A_302 = arith.select %parallel_loop3A_301, %parallel_loop3A_290, %parallel_loop3A_278 : vector<16xi1>, vector<16xi32>
        %parallel_loop3A_303 = arith.constant 256 : i32
        %parallel_loop3A_304 = vector.broadcast %parallel_loop3A_303 : i32 to vector<16xi32>
        %parallel_loop3A_305 = arith.addi %parallel_loop3A_296, %parallel_loop3A_304 : vector<16xi32>
        %parallel_loop3A_306 = arith.constant 256 : i32
        %parallel_loop3A_307 = vector.broadcast %parallel_loop3A_306 : i32 to vector<16xi32>
        %parallel_loop3A_308 = arith.addi %parallel_loop3A_298, %parallel_loop3A_307 : vector<16xi32>
        %parallel_loop3A_309 = arith.constant 256 : i32
        %parallel_loop3A_310 = vector.broadcast %parallel_loop3A_309 : i32 to vector<16xi32>
        %parallel_loop3A_311 = arith.addi %parallel_loop3A_300, %parallel_loop3A_310 : vector<16xi32>
        %parallel_loop3A_312 = arith.constant 256 : i32
        %parallel_loop3A_313 = vector.broadcast %parallel_loop3A_312 : i32 to vector<16xi32>
        %parallel_loop3A_314 = arith.addi %parallel_loop3A_302, %parallel_loop3A_313 : vector<16xi32>
        %parallel_loop3A_315 = tpu.vector_load_idx %arg6[%parallel_loop3A_305] : memref<32784xf32, #tpu.memory_space<vmem>>[vector<16xi32>], vector<16xf32>,
        %parallel_loop3A_316 = tpu.vector_load_idx %arg6[%parallel_loop3A_308] : memref<32784xf32, #tpu.memory_space<vmem>>[vector<16xi32>], vector<16xf32>,
        %parallel_loop3A_317 = tpu.vector_load_idx %arg6[%parallel_loop3A_311] : memref<32784xf32, #tpu.memory_space<vmem>>[vector<16xi32>], vector<16xf32>,
        %parallel_loop3A_318 = tpu.vector_load_idx %arg6[%parallel_loop3A_314] : memref<32784xf32, #tpu.memory_space<vmem>>[vector<16xi32>], vector<16xf32>,
        %parallel_loop3A_319 = arith.cmpf olt, %parallel_loop3A_315, %parallel_loop3A_150 : vector<16xf32>
        %parallel_loop3A_320 = arith.select %parallel_loop3A_319, %parallel_loop3A_305, %parallel_loop3A_296 : vector<16xi1>, vector<16xi32>
        %parallel_loop3A_321 = arith.cmpf olt, %parallel_loop3A_316, %parallel_loop3A_158 : vector<16xf32>
        %parallel_loop3A_322 = arith.select %parallel_loop3A_321, %parallel_loop3A_308, %parallel_loop3A_298 : vector<16xi1>, vector<16xi32>
        %parallel_loop3A_323 = arith.cmpf olt, %parallel_loop3A_317, %parallel_loop3A_166 : vector<16xf32>
        %parallel_loop3A_324 = arith.select %parallel_loop3A_323, %parallel_loop3A_311, %parallel_loop3A_300 : vector<16xi1>, vector<16xi32>
        %parallel_loop3A_325 = arith.cmpf olt, %parallel_loop3A_318, %parallel_loop3A_174 : vector<16xf32>
        %parallel_loop3A_326 = arith.select %parallel_loop3A_325, %parallel_loop3A_314, %parallel_loop3A_302 : vector<16xi1>, vector<16xi32>
        %parallel_loop3A_327 = arith.constant 128 : i32
        %parallel_loop3A_328 = vector.broadcast %parallel_loop3A_327 : i32 to vector<16xi32>
        %parallel_loop3A_329 = arith.addi %parallel_loop3A_320, %parallel_loop3A_328 : vector<16xi32>
        %parallel_loop3A_330 = arith.constant 128 : i32
        %parallel_loop3A_331 = vector.broadcast %parallel_loop3A_330 : i32 to vector<16xi32>
        %parallel_loop3A_332 = arith.addi %parallel_loop3A_322, %parallel_loop3A_331 : vector<16xi32>
        %parallel_loop3A_333 = arith.constant 128 : i32
        %parallel_loop3A_334 = vector.broadcast %parallel_loop3A_333 : i32 to vector<16xi32>
        %parallel_loop3A_335 = arith.addi %parallel_loop3A_324, %parallel_loop3A_334 : vector<16xi32>
        %parallel_loop3A_336 = arith.constant 128 : i32
        %parallel_loop3A_337 = vector.broadcast %parallel_loop3A_336 : i32 to vector<16xi32>
        %parallel_loop3A_338 = arith.addi %parallel_loop3A_326, %parallel_loop3A_337 : vector<16xi32>
        %parallel_loop3A_339 = tpu.vector_load_idx %arg6[%parallel_loop3A_329] : memref<32784xf32, #tpu.memory_space<vmem>>[vector<16xi32>], vector<16xf32>,
        %parallel_loop3A_340 = tpu.vector_load_idx %arg6[%parallel_loop3A_332] : memref<32784xf32, #tpu.memory_space<vmem>>[vector<16xi32>], vector<16xf32>,
        %parallel_loop3A_341 = tpu.vector_load_idx %arg6[%parallel_loop3A_335] : memref<32784xf32, #tpu.memory_space<vmem>>[vector<16xi32>], vector<16xf32>,
        %parallel_loop3A_342 = tpu.vector_load_idx %arg6[%parallel_loop3A_338] : memref<32784xf32, #tpu.memory_space<vmem>>[vector<16xi32>], vector<16xf32>,
        %parallel_loop3A_343 = arith.cmpf olt, %parallel_loop3A_339, %parallel_loop3A_150 : vector<16xf32>
        %parallel_loop3A_344 = arith.select %parallel_loop3A_343, %parallel_loop3A_329, %parallel_loop3A_320 : vector<16xi1>, vector<16xi32>
        %parallel_loop3A_345 = arith.cmpf olt, %parallel_loop3A_340, %parallel_loop3A_158 : vector<16xf32>
        %parallel_loop3A_346 = arith.select %parallel_loop3A_345, %parallel_loop3A_332, %parallel_loop3A_322 : vector<16xi1>, vector<16xi32>
        %parallel_loop3A_347 = arith.cmpf olt, %parallel_loop3A_341, %parallel_loop3A_166 : vector<16xf32>
        %parallel_loop3A_348 = arith.select %parallel_loop3A_347, %parallel_loop3A_335, %parallel_loop3A_324 : vector<16xi1>, vector<16xi32>
        %parallel_loop3A_349 = arith.cmpf olt, %parallel_loop3A_342, %parallel_loop3A_174 : vector<16xf32>
        %parallel_loop3A_350 = arith.select %parallel_loop3A_349, %parallel_loop3A_338, %parallel_loop3A_326 : vector<16xi1>, vector<16xi32>
        %parallel_loop3A_351 = arith.constant 64 : i32
        %parallel_loop3A_352 = vector.broadcast %parallel_loop3A_351 : i32 to vector<16xi32>
        %parallel_loop3A_353 = arith.addi %parallel_loop3A_344, %parallel_loop3A_352 : vector<16xi32>
        %parallel_loop3A_354 = arith.constant 64 : i32
        %parallel_loop3A_355 = vector.broadcast %parallel_loop3A_354 : i32 to vector<16xi32>
        %parallel_loop3A_356 = arith.addi %parallel_loop3A_346, %parallel_loop3A_355 : vector<16xi32>
        %parallel_loop3A_357 = arith.constant 64 : i32
        %parallel_loop3A_358 = vector.broadcast %parallel_loop3A_357 : i32 to vector<16xi32>
        %parallel_loop3A_359 = arith.addi %parallel_loop3A_348, %parallel_loop3A_358 : vector<16xi32>
        %parallel_loop3A_360 = arith.constant 64 : i32
        %parallel_loop3A_361 = vector.broadcast %parallel_loop3A_360 : i32 to vector<16xi32>
        %parallel_loop3A_362 = arith.addi %parallel_loop3A_350, %parallel_loop3A_361 : vector<16xi32>
        %parallel_loop3A_363 = tpu.vector_load_idx %arg6[%parallel_loop3A_353] : memref<32784xf32, #tpu.memory_space<vmem>>[vector<16xi32>], vector<16xf32>,
        %parallel_loop3A_364 = tpu.vector_load_idx %arg6[%parallel_loop3A_356] : memref<32784xf32, #tpu.memory_space<vmem>>[vector<16xi32>], vector<16xf32>,
        %parallel_loop3A_365 = tpu.vector_load_idx %arg6[%parallel_loop3A_359] : memref<32784xf32, #tpu.memory_space<vmem>>[vector<16xi32>], vector<16xf32>,
        %parallel_loop3A_366 = tpu.vector_load_idx %arg6[%parallel_loop3A_362] : memref<32784xf32, #tpu.memory_space<vmem>>[vector<16xi32>], vector<16xf32>,
        %parallel_loop3A_367 = arith.cmpf olt, %parallel_loop3A_363, %parallel_loop3A_150 : vector<16xf32>
        %parallel_loop3A_368 = arith.select %parallel_loop3A_367, %parallel_loop3A_353, %parallel_loop3A_344 : vector<16xi1>, vector<16xi32>
        %parallel_loop3A_369 = arith.cmpf olt, %parallel_loop3A_364, %parallel_loop3A_158 : vector<16xf32>
        %parallel_loop3A_370 = arith.select %parallel_loop3A_369, %parallel_loop3A_356, %parallel_loop3A_346 : vector<16xi1>, vector<16xi32>
        %parallel_loop3A_371 = arith.cmpf olt, %parallel_loop3A_365, %parallel_loop3A_166 : vector<16xf32>
        %parallel_loop3A_372 = arith.select %parallel_loop3A_371, %parallel_loop3A_359, %parallel_loop3A_348 : vector<16xi1>, vector<16xi32>
        %parallel_loop3A_373 = arith.cmpf olt, %parallel_loop3A_366, %parallel_loop3A_174 : vector<16xf32>
        %parallel_loop3A_374 = arith.select %parallel_loop3A_373, %parallel_loop3A_362, %parallel_loop3A_350 : vector<16xi1>, vector<16xi32>
        %parallel_loop3A_375 = arith.constant 32 : i32
        %parallel_loop3A_376 = vector.broadcast %parallel_loop3A_375 : i32 to vector<16xi32>
        %parallel_loop3A_377 = arith.addi %parallel_loop3A_368, %parallel_loop3A_376 : vector<16xi32>
        %parallel_loop3A_378 = arith.constant 32 : i32
        %parallel_loop3A_379 = vector.broadcast %parallel_loop3A_378 : i32 to vector<16xi32>
        %parallel_loop3A_380 = arith.addi %parallel_loop3A_370, %parallel_loop3A_379 : vector<16xi32>
        %parallel_loop3A_381 = arith.constant 32 : i32
        %parallel_loop3A_382 = vector.broadcast %parallel_loop3A_381 : i32 to vector<16xi32>
        %parallel_loop3A_383 = arith.addi %parallel_loop3A_372, %parallel_loop3A_382 : vector<16xi32>
        %parallel_loop3A_384 = arith.constant 32 : i32
        %parallel_loop3A_385 = vector.broadcast %parallel_loop3A_384 : i32 to vector<16xi32>
        %parallel_loop3A_386 = arith.addi %parallel_loop3A_374, %parallel_loop3A_385 : vector<16xi32>
        %parallel_loop3A_387 = tpu.vector_load_idx %arg6[%parallel_loop3A_377] : memref<32784xf32, #tpu.memory_space<vmem>>[vector<16xi32>], vector<16xf32>,
        %parallel_loop3A_388 = tpu.vector_load_idx %arg6[%parallel_loop3A_380] : memref<32784xf32, #tpu.memory_space<vmem>>[vector<16xi32>], vector<16xf32>,
        %parallel_loop3A_389 = tpu.vector_load_idx %arg6[%parallel_loop3A_383] : memref<32784xf32, #tpu.memory_space<vmem>>[vector<16xi32>], vector<16xf32>,
        %parallel_loop3A_390 = tpu.vector_load_idx %arg6[%parallel_loop3A_386] : memref<32784xf32, #tpu.memory_space<vmem>>[vector<16xi32>], vector<16xf32>,
        %parallel_loop3A_391 = arith.cmpf olt, %parallel_loop3A_387, %parallel_loop3A_150 : vector<16xf32>
        %parallel_loop3A_392 = arith.select %parallel_loop3A_391, %parallel_loop3A_377, %parallel_loop3A_368 : vector<16xi1>, vector<16xi32>
        %parallel_loop3A_393 = arith.cmpf olt, %parallel_loop3A_388, %parallel_loop3A_158 : vector<16xf32>
        %parallel_loop3A_394 = arith.select %parallel_loop3A_393, %parallel_loop3A_380, %parallel_loop3A_370 : vector<16xi1>, vector<16xi32>
        %parallel_loop3A_395 = arith.cmpf olt, %parallel_loop3A_389, %parallel_loop3A_166 : vector<16xf32>
        %parallel_loop3A_396 = arith.select %parallel_loop3A_395, %parallel_loop3A_383, %parallel_loop3A_372 : vector<16xi1>, vector<16xi32>
        %parallel_loop3A_397 = arith.cmpf olt, %parallel_loop3A_390, %parallel_loop3A_174 : vector<16xf32>
        %parallel_loop3A_398 = arith.select %parallel_loop3A_397, %parallel_loop3A_386, %parallel_loop3A_374 : vector<16xi1>, vector<16xi32>
        %parallel_loop3A_399 = arith.constant 16 : i32
        %parallel_loop3A_400 = vector.broadcast %parallel_loop3A_399 : i32 to vector<16xi32>
        %parallel_loop3A_401 = arith.addi %parallel_loop3A_392, %parallel_loop3A_400 : vector<16xi32>
        %parallel_loop3A_402 = arith.constant 16 : i32
        %parallel_loop3A_403 = vector.broadcast %parallel_loop3A_402 : i32 to vector<16xi32>
        %parallel_loop3A_404 = arith.addi %parallel_loop3A_394, %parallel_loop3A_403 : vector<16xi32>
        %parallel_loop3A_405 = arith.constant 16 : i32
        %parallel_loop3A_406 = vector.broadcast %parallel_loop3A_405 : i32 to vector<16xi32>
        %parallel_loop3A_407 = arith.addi %parallel_loop3A_396, %parallel_loop3A_406 : vector<16xi32>
        %parallel_loop3A_408 = arith.constant 16 : i32
        %parallel_loop3A_409 = vector.broadcast %parallel_loop3A_408 : i32 to vector<16xi32>
        %parallel_loop3A_410 = arith.addi %parallel_loop3A_398, %parallel_loop3A_409 : vector<16xi32>
        %parallel_loop3A_411 = tpu.vector_load_idx %arg6[%parallel_loop3A_401] : memref<32784xf32, #tpu.memory_space<vmem>>[vector<16xi32>], vector<16xf32>,
        %parallel_loop3A_412 = tpu.vector_load_idx %arg6[%parallel_loop3A_404] : memref<32784xf32, #tpu.memory_space<vmem>>[vector<16xi32>], vector<16xf32>,
        %parallel_loop3A_413 = tpu.vector_load_idx %arg6[%parallel_loop3A_407] : memref<32784xf32, #tpu.memory_space<vmem>>[vector<16xi32>], vector<16xf32>,
        %parallel_loop3A_414 = tpu.vector_load_idx %arg6[%parallel_loop3A_410] : memref<32784xf32, #tpu.memory_space<vmem>>[vector<16xi32>], vector<16xf32>,
        %parallel_loop3A_415 = arith.cmpf olt, %parallel_loop3A_411, %parallel_loop3A_150 : vector<16xf32>
        %parallel_loop3A_416 = arith.select %parallel_loop3A_415, %parallel_loop3A_401, %parallel_loop3A_392 : vector<16xi1>, vector<16xi32>
        %parallel_loop3A_417 = arith.cmpf olt, %parallel_loop3A_412, %parallel_loop3A_158 : vector<16xf32>
        %parallel_loop3A_418 = arith.select %parallel_loop3A_417, %parallel_loop3A_404, %parallel_loop3A_394 : vector<16xi1>, vector<16xi32>
        %parallel_loop3A_419 = arith.cmpf olt, %parallel_loop3A_413, %parallel_loop3A_166 : vector<16xf32>
        %parallel_loop3A_420 = arith.select %parallel_loop3A_419, %parallel_loop3A_407, %parallel_loop3A_396 : vector<16xi1>, vector<16xi32>
        %parallel_loop3A_421 = arith.cmpf olt, %parallel_loop3A_414, %parallel_loop3A_174 : vector<16xf32>
        %parallel_loop3A_422 = arith.select %parallel_loop3A_421, %parallel_loop3A_410, %parallel_loop3A_398 : vector<16xi1>, vector<16xi32>
        %parallel_loop3A_423 = arith.maxsi %parallel_loop3A_416, %add3A_54 : vector<16xi32>
        %parallel_loop3A_424 = arith.minsi %parallel_loop3A_423, %add3A_57 : vector<16xi32>
        %parallel_loop3A_425 = tpu.vector_load_idx %arg6[%parallel_loop3A_424] : memref<32784xf32, #tpu.memory_space<vmem>>[vector<16xi32>], vector<16xf32>,
        %parallel_loop3A_426 = tpu.vector_load_idx %arg7[%parallel_loop3A_424] : memref<32000xf32, #tpu.memory_space<vmem>>[vector<16xi32>], vector<16xf32>,
        %parallel_loop3A_427 = tpu.vector_load_idx %arg8[%parallel_loop3A_424] : memref<32016xf32, #tpu.memory_space<vmem>>[vector<16xi32>], vector<16xf32>,
        %parallel_loop3A_428 = arith.subf %parallel_loop3A_150, %parallel_loop3A_425 : vector<16xf32>
        %parallel_loop3A_429 = arith.mulf %parallel_loop3A_428, %parallel_loop3A_427 : vector<16xf32>
        %parallel_loop3A_430 = arith.subf %parallel_loop3A_426, %parallel_loop3A_429 : vector<16xf32>
        %parallel_loop3A_431 = vector.broadcast %squeeze3A : f32 to vector<16xf32>
        %parallel_loop3A_432 = arith.cmpf ole, %parallel_loop3A_150, %parallel_loop3A_431 : vector<16xf32>
        %parallel_loop3A_433 = arith.constant 0.000000e+00 : f32
        %parallel_loop3A_434 = vector.broadcast %parallel_loop3A_433 : f32 to vector<16xf32>
        %parallel_loop3A_435 = arith.select %parallel_loop3A_432, %parallel_loop3A_434, %parallel_loop3A_430 : vector<16xi1>, vector<16xf32>
        %parallel_loop3A_436 = vector.broadcast %squeeze3A_26 : f32 to vector<16xf32>
        %parallel_loop3A_437 = arith.cmpf oge, %parallel_loop3A_150, %parallel_loop3A_436 : vector<16xf32>
        %parallel_loop3A_438 = arith.constant 1.000000e+00 : f32
        %parallel_loop3A_439 = vector.broadcast %parallel_loop3A_438 : f32 to vector<16xf32>
        %parallel_loop3A_440 = arith.select %parallel_loop3A_437, %parallel_loop3A_439, %parallel_loop3A_435 : vector<16xi1>, vector<16xf32>
        %parallel_loop3A_441 = arith.constant 4 : i32
        %parallel_loop3A_442 = arith.muli %parallel_loop3A_142, %parallel_loop3A_441 : i32
        %parallel_loop3A_443 = arith.constant 0 : i32
        %parallel_loop3A_444 = arith.addi %parallel_loop3A_442, %parallel_loop3A_443 : i32
        %parallel_loop3A_445 = arith.constant 16 : i32
        %parallel_loop3A_446 = arith.muli %parallel_loop3A_444, %parallel_loop3A_445 : i32
        %parallel_loop3A_447 = arith.index_cast %parallel_loop3A_446 : i32 to index
        %parallel_loop3A_448 = tpu.vector_load %arg12[%parallel_loop3A_447] {strides = array<i32>} : memref<8192xf32, #tpu.memory_space<vmem>>, vector<16xf32>,
        tpu.vector_store %arg12[%parallel_loop3A_447], %parallel_loop3A_440 {strides = array<i32>} : memref<8192xf32, #tpu.memory_space<vmem>>, vector<16xf32>,
        %parallel_loop3A_449 = arith.maxsi %parallel_loop3A_418, %add3A_54 : vector<16xi32>
        %parallel_loop3A_450 = arith.minsi %parallel_loop3A_449, %add3A_57 : vector<16xi32>
        %parallel_loop3A_451 = tpu.vector_load_idx %arg6[%parallel_loop3A_450] : memref<32784xf32, #tpu.memory_space<vmem>>[vector<16xi32>], vector<16xf32>,
        %parallel_loop3A_452 = tpu.vector_load_idx %arg7[%parallel_loop3A_450] : memref<32000xf32, #tpu.memory_space<vmem>>[vector<16xi32>], vector<16xf32>,
        %parallel_loop3A_453 = tpu.vector_load_idx %arg8[%parallel_loop3A_450] : memref<32016xf32, #tpu.memory_space<vmem>>[vector<16xi32>], vector<16xf32>,
        %parallel_loop3A_454 = arith.subf %parallel_loop3A_158, %parallel_loop3A_451 : vector<16xf32>
        %parallel_loop3A_455 = arith.mulf %parallel_loop3A_454, %parallel_loop3A_453 : vector<16xf32>
        %parallel_loop3A_456 = arith.subf %parallel_loop3A_452, %parallel_loop3A_455 : vector<16xf32>
        %parallel_loop3A_457 = vector.broadcast %squeeze3A : f32 to vector<16xf32>
        %parallel_loop3A_458 = arith.cmpf ole, %parallel_loop3A_158, %parallel_loop3A_457 : vector<16xf32>
        %parallel_loop3A_459 = arith.constant 0.000000e+00 : f32
        %parallel_loop3A_460 = vector.broadcast %parallel_loop3A_459 : f32 to vector<16xf32>
        %parallel_loop3A_461 = arith.select %parallel_loop3A_458, %parallel_loop3A_460, %parallel_loop3A_456 : vector<16xi1>, vector<16xf32>
        %parallel_loop3A_462 = vector.broadcast %squeeze3A_26 : f32 to vector<16xf32>
        %parallel_loop3A_463 = arith.cmpf oge, %parallel_loop3A_158, %parallel_loop3A_462 : vector<16xf32>
        %parallel_loop3A_464 = arith.constant 1.000000e+00 : f32
        %parallel_loop3A_465 = vector.broadcast %parallel_loop3A_464 : f32 to vector<16xf32>
        %parallel_loop3A_466 = arith.select %parallel_loop3A_463, %parallel_loop3A_465, %parallel_loop3A_461 : vector<16xi1>, vector<16xf32>
        %parallel_loop3A_467 = arith.constant 4 : i32
        %parallel_loop3A_468 = arith.muli %parallel_loop3A_142, %parallel_loop3A_467 : i32
        %parallel_loop3A_469 = arith.constant 1 : i32
        %parallel_loop3A_470 = arith.addi %parallel_loop3A_468, %parallel_loop3A_469 : i32
        %parallel_loop3A_471 = arith.constant 16 : i32
        %parallel_loop3A_472 = arith.muli %parallel_loop3A_470, %parallel_loop3A_471 : i32
        %parallel_loop3A_473 = arith.index_cast %parallel_loop3A_472 : i32 to index
        %parallel_loop3A_474 = tpu.vector_load %arg12[%parallel_loop3A_473] {strides = array<i32>} : memref<8192xf32, #tpu.memory_space<vmem>>, vector<16xf32>,
        tpu.vector_store %arg12[%parallel_loop3A_473], %parallel_loop3A_466 {strides = array<i32>} : memref<8192xf32, #tpu.memory_space<vmem>>, vector<16xf32>,
        %parallel_loop3A_475 = arith.maxsi %parallel_loop3A_420, %add3A_54 : vector<16xi32>
        %parallel_loop3A_476 = arith.minsi %parallel_loop3A_475, %add3A_57 : vector<16xi32>
        %parallel_loop3A_477 = tpu.vector_load_idx %arg6[%parallel_loop3A_476] : memref<32784xf32, #tpu.memory_space<vmem>>[vector<16xi32>], vector<16xf32>,
        %parallel_loop3A_478 = tpu.vector_load_idx %arg7[%parallel_loop3A_476] : memref<32000xf32, #tpu.memory_space<vmem>>[vector<16xi32>], vector<16xf32>,
        %parallel_loop3A_479 = tpu.vector_load_idx %arg8[%parallel_loop3A_476] : memref<32016xf32, #tpu.memory_space<vmem>>[vector<16xi32>], vector<16xf32>,
        %parallel_loop3A_480 = arith.subf %parallel_loop3A_166, %parallel_loop3A_477 : vector<16xf32>
        %parallel_loop3A_481 = arith.mulf %parallel_loop3A_480, %parallel_loop3A_479 : vector<16xf32>
        %parallel_loop3A_482 = arith.subf %parallel_loop3A_478, %parallel_loop3A_481 : vector<16xf32>
        %parallel_loop3A_483 = vector.broadcast %squeeze3A : f32 to vector<16xf32>
        %parallel_loop3A_484 = arith.cmpf ole, %parallel_loop3A_166, %parallel_loop3A_483 : vector<16xf32>
        %parallel_loop3A_485 = arith.constant 0.000000e+00 : f32
        %parallel_loop3A_486 = vector.broadcast %parallel_loop3A_485 : f32 to vector<16xf32>
        %parallel_loop3A_487 = arith.select %parallel_loop3A_484, %parallel_loop3A_486, %parallel_loop3A_482 : vector<16xi1>, vector<16xf32>
        %parallel_loop3A_488 = vector.broadcast %squeeze3A_26 : f32 to vector<16xf32>
        %parallel_loop3A_489 = arith.cmpf oge, %parallel_loop3A_166, %parallel_loop3A_488 : vector<16xf32>
        %parallel_loop3A_490 = arith.constant 1.000000e+00 : f32
        %parallel_loop3A_491 = vector.broadcast %parallel_loop3A_490 : f32 to vector<16xf32>
        %parallel_loop3A_492 = arith.select %parallel_loop3A_489, %parallel_loop3A_491, %parallel_loop3A_487 : vector<16xi1>, vector<16xf32>
        %parallel_loop3A_493 = arith.constant 4 : i32
        %parallel_loop3A_494 = arith.muli %parallel_loop3A_142, %parallel_loop3A_493 : i32
        %parallel_loop3A_495 = arith.constant 2 : i32
        %parallel_loop3A_496 = arith.addi %parallel_loop3A_494, %parallel_loop3A_495 : i32
        %parallel_loop3A_497 = arith.constant 16 : i32
        %parallel_loop3A_498 = arith.muli %parallel_loop3A_496, %parallel_loop3A_497 : i32
        %parallel_loop3A_499 = arith.index_cast %parallel_loop3A_498 : i32 to index
        %parallel_loop3A_500 = tpu.vector_load %arg12[%parallel_loop3A_499] {strides = array<i32>} : memref<8192xf32, #tpu.memory_space<vmem>>, vector<16xf32>,
        tpu.vector_store %arg12[%parallel_loop3A_499], %parallel_loop3A_492 {strides = array<i32>} : memref<8192xf32, #tpu.memory_space<vmem>>, vector<16xf32>,
        %parallel_loop3A_501 = arith.maxsi %parallel_loop3A_422, %add3A_54 : vector<16xi32>
        %parallel_loop3A_502 = arith.minsi %parallel_loop3A_501, %add3A_57 : vector<16xi32>
        %parallel_loop3A_503 = tpu.vector_load_idx %arg6[%parallel_loop3A_502] : memref<32784xf32, #tpu.memory_space<vmem>>[vector<16xi32>], vector<16xf32>,
        %parallel_loop3A_504 = tpu.vector_load_idx %arg7[%parallel_loop3A_502] : memref<32000xf32, #tpu.memory_space<vmem>>[vector<16xi32>], vector<16xf32>,
        %parallel_loop3A_505 = tpu.vector_load_idx %arg8[%parallel_loop3A_502] : memref<32016xf32, #tpu.memory_space<vmem>>[vector<16xi32>], vector<16xf32>,
        %parallel_loop3A_506 = arith.subf %parallel_loop3A_174, %parallel_loop3A_503 : vector<16xf32>
        %parallel_loop3A_507 = arith.mulf %parallel_loop3A_506, %parallel_loop3A_505 : vector<16xf32>
        %parallel_loop3A_508 = arith.subf %parallel_loop3A_504, %parallel_loop3A_507 : vector<16xf32>
        %parallel_loop3A_509 = vector.broadcast %squeeze3A : f32 to vector<16xf32>
        %parallel_loop3A_510 = arith.cmpf ole, %parallel_loop3A_174, %parallel_loop3A_509 : vector<16xf32>
        %parallel_loop3A_511 = arith.constant 0.000000e+00 : f32
        %parallel_loop3A_512 = vector.broadcast %parallel_loop3A_511 : f32 to vector<16xf32>
        %parallel_loop3A_513 = arith.select %parallel_loop3A_510, %parallel_loop3A_512, %parallel_loop3A_508 : vector<16xi1>, vector<16xf32>
        %parallel_loop3A_514 = vector.broadcast %squeeze3A_26 : f32 to vector<16xf32>
        %parallel_loop3A_515 = arith.cmpf oge, %parallel_loop3A_174, %parallel_loop3A_514 : vector<16xf32>
        %parallel_loop3A_516 = arith.constant 1.000000e+00 : f32
        %parallel_loop3A_517 = vector.broadcast %parallel_loop3A_516 : f32 to vector<16xf32>
        %parallel_loop3A_518 = arith.select %parallel_loop3A_515, %parallel_loop3A_517, %parallel_loop3A_513 : vector<16xi1>, vector<16xf32>
        %parallel_loop3A_519 = arith.constant 4 : i32
        %parallel_loop3A_520 = arith.muli %parallel_loop3A_142, %parallel_loop3A_519 : i32
        %parallel_loop3A_521 = arith.constant 3 : i32
        %parallel_loop3A_522 = arith.addi %parallel_loop3A_520, %parallel_loop3A_521 : i32
        %parallel_loop3A_523 = arith.constant 16 : i32
        %parallel_loop3A_524 = arith.muli %parallel_loop3A_522, %parallel_loop3A_523 : i32
        %parallel_loop3A_525 = arith.index_cast %parallel_loop3A_524 : i32 to index
        %parallel_loop3A_526 = tpu.vector_load %arg12[%parallel_loop3A_525] {strides = array<i32>} : memref<8192xf32, #tpu.memory_space<vmem>>, vector<16xf32>,
        tpu.vector_store %arg12[%parallel_loop3A_525], %parallel_loop3A_518 {strides = array<i32>} : memref<8192xf32, #tpu.memory_space<vmem>>, vector<16xf32>,
      } {sc.loop_unroll_factor = 2 : i64, sc.parallel_access}
      %mul3A_137 = arith.constant 8192 : i32
      %mul3A_138 = arith.muli %add3A_116, %mul3A_137 : i32
      %add3A_139 = arith.addi %mul3A_2, %mul3A_138 : i32
      %dma_start3A_140 = tpu.memref_slice %arg5[%add3A_139] : memref<8388608xf32, #tpu.memory_space<hbm>> -> memref<8192xf32, #tpu.memory_space<hbm>>
      %dma_start3A_141 = tpu.memref_slice %arg5[%add3A_139] : memref<8388608xf32, #tpu.memory_space<hbm>> -> memref<8192xf32, #tpu.memory_space<hbm>>
      tpu.enqueue_dma source(%arg12 : memref<8192xf32, #tpu.memory_space<vmem>>) target(%dma_start3A_141 : memref<8192xf32, #tpu.memory_space<hbm>>) target_semaphore(%arg16 : memref<!tpu.dma_semaphore, #tpu.memory_space<semaphore_mem>>)
    }
    %scan3A_80 = arith.constant 16 : i32
    %add3A_81 = arith.constant 245760 : i32
    %add3A_82 = arith.addi %mul3A_2, %add3A_81 : i32
    %dma_wait3A = tpu.memref_slice %arg5[%add3A_82] : memref<8388608xf32, #tpu.memory_space<hbm>> -> memref<8192xf32, #tpu.memory_space<hbm>>
    %dma_wait3A_83 = tpu.memref_slice %arg5[%add3A_82] : memref<8388608xf32, #tpu.memory_space<hbm>> -> memref<8192xf32, #tpu.memory_space<hbm>>
    tpu.wait_dma2 semaphore(%arg15 : memref<!tpu.dma_semaphore, #tpu.memory_space<semaphore_mem>>) src(%arg11 : memref<8192xf32, #tpu.memory_space<vmem>>) dst(%dma_wait3A_83 : memref<8192xf32, #tpu.memory_space<hbm>>)
    %add3A_84 = arith.constant 253952 : i32
    %add3A_85 = arith.addi %mul3A_2, %add3A_84 : i32
    %dma_wait3A_86 = tpu.memref_slice %arg5[%add3A_85] : memref<8388608xf32, #tpu.memory_space<hbm>> -> memref<8192xf32, #tpu.memory_space<hbm>>
    %dma_wait3A_87 = tpu.memref_slice %arg5[%add3A_85] : memref<8388608xf32, #tpu.memory_space<hbm>> -> memref<8192xf32, #tpu.memory_space<hbm>>
    tpu.wait_dma2 semaphore(%arg16 : memref<!tpu.dma_semaphore, #tpu.memory_space<semaphore_mem>>) src(%arg12 : memref<8192xf32, #tpu.memory_space<vmem>>) dst(%dma_wait3A_87 : memref<8192xf32, #tpu.memory_space<hbm>>)
    return
  }
}

</mosaic_0001>

<sc_bundles>
// kernel: kernel.3.cloned.1.call-start
scs
__scs_entry_jumppad:
0x0: {  	(pc) =	sbr.rel $0x88, $3  }
0x1: {  	(tag) =	ssettag $0x0;
	lr =	simm.s32 $0x1  }
0x2: {  	[smem:$0x3F9E] =	sst lr;
	_ =	strace $0xD0000000  }
0x3: {  	_ = 	snop  }
0x4: {  	_ = 	snop  }
0x5: {  	_ = 	snop  }
0x6: {  	_ = 	snop  }
0x7: {  	_ = 	snop  }
__scs_overlays_trampoline_lowered:
0x8: {  	[smem:$0x3FAD] =	sst s0  }
0x9: {  	[smem:$0x3FAE] =	sst s1  }
0xa: {  	[smem:$0x3FAF] =	sst s2  }
0xb: {  	[smem:$0x3FB0] =	sst s3  }
0xc: {  	[smem:$0x3FB1] =	sst s4  }
0xd: {  	[smem:$0x3FB2] =	sst s5  }
0xe: {  	[smem:$0x3FB3] =	sst s6  }
0xf: {  	[smem:$0x3FB4] =	sst s7  }
0x10: {  	[smem:$0x3FB5] =	sst s8  }
0x11: {  	[smem:$0x3FB6] =	sst s9;
	s0 =	simm.s32 @!p0 $0x0  }
0x12: {  	s1 =	sld [smem:$0x3F9C];
	s0 =	simm.s32 @p0 $0x1  }
0x13: {  	[smem:$0x3FB7] =	sst s0;
	s0 =	simm.s32 @!p1 $0x0  }
0x14: {  	s2 =	sld [smem:$0x3F9B];
	s0 =	simm.s32 @p1 $0x1  }
0x15: {  	[smem:$0x3FB8] =	sst s0;
	s0 =	simm.s32 @!p2 $0x0  }
0x16: {  	s3 =	sld [smem:$0x3FDB];
	s0 =	simm.s32 @p2 $0x1  }
0x17: {  	s4 =	simm.s32 $0x1BF5;
	[smem:$0x3FBA] =	sst s0  }
0x18: {  	s0 =	sld [smem:$0x3F9D];
	_ =	swait.ge [sflag:s4], $0x0  }
0x19: {  	s7 =	sld [smem:$0x3F9E]  }
0x1a: {  	s8 =	sadd.s32 $0xFFFFE003, lr  }
0x1b: {  	s9 =	sadd.s32 $0xFFFFFEF7, lr;
	s5 =	simm.s32 $0xFFFFFFFF;
	p2 =	slt.u32 s8, $0xFFFFF086  }
0x1c: {  	p1 =	slt.u32 s9, $0xF7A;
	s5 =	simm.s32 @!p2 $0x0  }
0x1d: {  	s5 =	simm.s32 @p1 $0x1;
	p0 =	seq.s32 s7, s2  }
0x1e: {  	s7 =	smul.u32 @!p0 $0xF7A, s2;
	p2 =	seq.s32 @!p0 s5, $0x0  }
0x1f: {  	s9 =	smul.u32 $0xF7A, s1;
	s8 =	simm.s32 @!p0 $0x1BF5;
	p2 =	por !p2, p0  }
0x20: {  	[sflag:s8] =	ssyncset.s32 @!p0 $0xFFFFF086;
	s6 =	sadd.s32 @!p0 s3, s7;
	s7 =	simm.s32 @!p0 $0x108  }
0x21: {  	s3 =	sadd.s32 s3, s9;
	s6 =	sadd.s32 @!p0 $0x88, s6;
	s7 =	simm.s32 @p2 $0x1082  }
0x22: {  	[simem:s7], [sflag:s8] =	dma.local @!p0 [hbm:s6], $0xF7A  }
0x23: {  	s9 =	sor.u32 $0xD0000000, s2;
	s6 =	simm.s32 $0x108;
	_ =	swait.ge @!p0 [sflag:s8], $0x0  }
0x24: {  	s3 =	sadd.s32 $0x88, s3;
	s6 =	simm.s32 @!p1 $0x1082;
	[sflag:s4] =	ssyncset.s32 $0xFFFFF086  }
0x25: {  	[simem:s6], [sflag:s4] =	dma.local [hbm:s3], $0xF7A  }
0x26: {  	[smem:$0x3F9E] =	sst s1;
	(tag) =	ssettag s2;
	_ =	strace s9  }
0x27: {  	s1 =	sld [smem:$0x3FAE]  }
0x28: {  	s2 =	sld [smem:$0x3FAF]  }
0x29: {  	s4 =	sld [smem:$0x3FB1]  }
0x2a: {  	p0 =	seq.s32 s5, $0x0;
	s5 =	sld [smem:$0x3FB2]  }
0x2b: {  	s6 =	sld [smem:$0x3FB3]  }
0x2c: {  	s7 =	sld [smem:$0x3FB4]  }
0x2d: {  	s3 =	simm.s32 $0x108;
	s8 =	sld [smem:$0x3FB5]  }
0x2e: {  	s3 =	simm.s32 @!p0 $0x1082;
	s9 =	sld [smem:$0x3FB6]  }
0x2f: {  	lr =	sadd.s32 s0, s3;
	s0 =	sld [smem:$0x3FAD]  }
0x30: {  	s3 =	sld [smem:$0x3FB0]  }
0x31: {  	[smem:$0x3FB9] =	sst s10  }
0x32: {  	s10 =	sld [smem:$0x3FB7];
	_ =	sdelay $0x3  }
0x33: {  	p0 =	seq.s32 s10, $0x1;
	s10 =	sld [smem:$0x3FB9];
	_ =	sdelay $0x3  }
0x34: {  	[smem:$0x3FB9] =	sst s10  }
0x35: {  	s10 =	sld [smem:$0x3FB8];
	_ =	sdelay $0x3  }
0x36: {  	p1 =	seq.s32 s10, $0x1;
	s10 =	sld [smem:$0x3FB9];
	_ =	sdelay $0x3  }
0x37: {  	[smem:$0x3FB9] =	sst s10  }
0x38: {  	s10 =	sld [smem:$0x3FBA]  }
0x39: {  	_ = 	snop;
	(pc) =	sbr.ind lr, $3  }
0x3a: {  	_ = 	snop  }
0x3b: {  	_ = 	snop  }
0x3c: {  	p2 =	seq.s32 s10, $0x1;
	s10 =	sld [smem:$0x3FB9]  }
0x3d: {  	_ =	shalt  }
0x3e: {  	_ =	shalt  }
0x3f: {  	_ =	shalt  }
0x40: {  	_ =	shalt  }
0x41: {  	_ =	shalt  }
0x42: {  	_ =	shalt  }
0x43: {  	_ =	shalt  }
0x44: {  	_ =	shalt  }
0x45: {  	_ =	shalt  }
0x46: {  	_ =	shalt  }
0x47: {  	_ =	shalt  }
0x48: {  	_ =	shalt  }
0x49: {  	_ =	shalt  }
0x4a: {  	_ =	shalt  }
0x4b: {  	_ =	shalt  }
0x4c: {  	_ =	shalt  }
0x4d: {  	_ =	shalt  }
0x4e: {  	_ =	shalt  }
0x4f: {  	_ =	shalt  }
0x50: {  	_ =	shalt  }
0x51: {  	_ =	shalt  }
0x52: {  	_ =	shalt  }
0x53: {  	_ =	shalt  }
0x54: {  	_ =	shalt  }
0x55: {  	_ =	shalt  }
0x56: {  	_ =	shalt  }
0x57: {  	_ =	shalt  }
0x58: {  	_ =	shalt  }
0x59: {  	_ =	shalt  }
0x5a: {  	_ =	shalt  }
0x5b: {  	_ =	shalt  }
0x5c: {  	_ =	shalt  }
0x5d: {  	_ =	shalt  }
0x5e: {  	_ =	shalt  }
0x5f: {  	_ =	shalt  }
0x60: {  	_ =	shalt  }
0x61: {  	_ =	shalt  }
0x62: {  	_ =	shalt  }
0x63: {  	_ =	shalt  }
0x64: {  	_ =	shalt  }
0x65: {  	_ =	shalt  }
0x66: {  	_ =	shalt  }
0x67: {  	_ =	shalt  }
0x68: {  	_ =	shalt  }
0x69: {  	_ =	shalt  }
0x6a: {  	_ =	shalt  }
0x6b: {  	_ =	shalt  }
0x6c: {  	_ =	shalt  }
0x6d: {  	_ =	shalt  }
0x6e: {  	_ =	shalt  }
0x6f: {  	_ =	shalt  }
0x70: {  	_ =	shalt  }
0x71: {  	_ =	shalt  }
0x72: {  	_ =	shalt  }
0x73: {  	_ =	shalt  }
0x74: {  	_ =	shalt  }
0x75: {  	_ =	shalt  }
0x76: {  	_ =	shalt  }
0x77: {  	_ =	shalt  }
0x78: {  	_ =	shalt  }
0x79: {  	_ =	shalt  }
0x7a: {  	_ =	shalt  }
0x7b: {  	_ =	shalt  }
0x7c: {  	_ =	shalt  }
0x7d: {  	_ =	shalt  }
0x7e: {  	_ =	shalt  }
0x7f: {  	_ =	shalt  }
0x80: {  	_ =	shalt  }
0x81: {  	_ =	shalt  }
0x82: {  	_ =	shalt  }
0x83: {  	_ =	shalt  }
0x84: {  	_ =	shalt  }
0x85: {  	_ =	shalt  }
0x86: {  	_ =	shalt  }
0x87: {  	_ =	shalt  }
.Lfunc_end0:
.L_simem_size_0:
called_computation_lowered:
.L_overlay_start_0:
0x88: {  	s2 =	sld [smem:$0x3FD9]  }
0x89: {  	s3 =	sld [smem:$0x3FFE];
	_ =	sdelay $0x1  }
0x8a: {  	s1 =	srdreg.scid  }
0x8b: {  	s0 =	sand.u32 $0x1, s1  }
0x8c: {  	s18 =	sshll.u32 s0, $0xA;
	s2 =	sadd.s32 s3, s2  }
0x8d: {  	s2 =	sadd.s32 s2, s18  }
0x8e: {  	[smem:$0x3FC5] =	sst s2  }
0x8f: {  	_ = 	snop  }
0x90: {  	s2 =	sld [smem:$0x3FC9]  }
0x91: {  	s19 =	sld [smem:$0x3FC8]  }
0x92: {  	s4 =	sld [smem:$0x3FC7]  }
0x93: {  	s5 =	sld [smem:$0x3FD0];
	(tm) =	ssettm $0x1  }
0x94: {  	s6 =	sld [smem:$0x3FFB];
	_ =	sdelay $0x3  }
0x95: {  	_ =	strace s6  }
0x96: {  	s6 =	sld [smem:$0x3FFC];
	_ =	sdelay $0x3  }
0x97: {  	_ =	strace s6  }
0x98: {  	s6 =	sld [smem:$0x3FFD];
	_ =	sdelay $0x3  }
0x99: {  	_ =	strace s6  }
0x9a: {  	_ =	strace $0x8FFFFFFF  }
0x9b: {  	s20 =	sld [smem:$0x3FDB];
	_ =	sdelay $0x1  }
0x9c: {  	s7 =	simm.s32 $_scs_section_size  }
0x9d: {  	s8 =	simm.s32 $_size__tile_overlayer_lowered;
	s9 =	simm.s32 $_tile_overlayer_lowered  }
0x9e: {  	s23 =	simm.s32 $0x1BFF;
	s22 =	sshll.u32 s9, $0x1;
	s6 =	sadd.s32 s7, s20  }
0x9f: {  	s10 =	simm.s32 $0x0;
	s21 =	sshll.u32 s8, $0x1;
	s8 =	sadd.s32 s22, s6  }
0xa0: {  	[timem:s10], [sflag:s23] =	dma.local [hbm:s8], s21  }
0xa1: {  	_ =	swait.ge [sflag:s23], s21  }
0xa2: {  	s7 =	ssub.s32 $0x0, s21;
	[sflag:s23] =	ssyncset.done $0x0  }
0xa3: {  	[sflag:s23] =	ssyncadd.s32 s7;
	_ =	sdelay $0x1  }
0xa4: {  	s24 =	simm.s32 $0x1B8B  }
0xa5: {  	_ =	swait.ge [sflag:s24], $0x1  }
0xa6: {  	[sflag:s24] =	ssyncset.done $0x0  }
0xa7: {  	s25 =	simm.s32 $0x1B8E;
	[sflag:s24] =	ssyncadd.s32 $0xFFFFFFFF  }
0xa8: {  	s26 =	simm.s32 $execute0_lowered;
	[smem:$0x3FD2] =	sst s25  }
0xa9: {  	s7 =	sshll.u32 s26, $0x1;
	_ =	strace $0x80000046;
	[dreg:$0x1] =	wrdreg $0xFFFFFFFF  }
0xaa: {  	s28 =	simm.s32 $_size_execute0_lowered;
	s6 =	sadd.s32 s6, s7;
	[dreg:$0x0] =	wrdreg $0x0  }
0xab: {  	s7 =	sshll.u32 s28, $0x1;
	[dreg:$0x2] =	wrdreg s6  }
0xac: {  	[dreg:$0x3] =	wrdreg s7  }
0xad: {  	[dreg:$0x4] =	wrdreg $0xC0  }
0xae: {  	_ =	task [dreg:s10], $0x5FFFF  }
0xaf: {  	[dreg:$0x1] =	wrdreg $0xFFFFFFFF  }
0xb0: {  	[dreg:$0x0] =	wrdreg $0x60  }
0xb1: {  	[dreg:$0x2] =	wrdreg s2  }
0xb2: {  	[dreg:$0x3] =	wrdreg s19  }
0xb3: {  	[dreg:$0x4] =	wrdreg s4  }
0xb4: {  	[dreg:$0x5] =	wrdreg s5  }
0xb5: {  	[dreg:$0x6] =	wrdreg $0x9  }
0xb6: {  	_ =	task.clear_ibuf [dreg:s10], $0x7FFFF;
	_ =	strace $0x90000046  }
0xb7: {  	s29 =	simm.s32 $0x9;
	_ =	strace $0x80000048  }
0xb8: {  	_ =	swait.ge [sflag:s29], $0x1  }
0xb9: {  	[sflag:s29] =	ssyncadd.s32 $0xFFFFFFFF  }
0xba: {  	_ =	strace $0x90000048  }
0xbb: {  	_ =	sfence  }
0xbc: {  	s30 =	sld [smem:$0x0];
	_ =	sdelay $0x2  }
0xbd: {  	s31 =	sshll.u32 s1, $0xD;
	s1 =	sshrl.u32 s1, $0x2  }
0xbe: {  	s3 =	sand.u32 $0x4000, s31;
	s1 =	sadd.s32 s1, s30  }
0xbf: {  	s0 =	sor.u32 s3, s0;
	s1 =	sshll.u32 s1, $0x11  }
0xc0: {  	s0 =	sor.u32 s1, s0  }
0xc1: {  	s0 =	sadd.s32 $0x8F2B, s0  }
0xc2: {  	[sflag:s0] =	ssyncadd.remote.s32 $0x1  }
0xc3: {  	_ =	sfence.sel $0xFFFF  }
0xc4: {  	[dreg:$0x0] =	wrdreg $0xFFFFFFFF;
	(pc) =	sbr.abs _section_cstart, $3  }
0xc5: {  	[dreg:$0x1] =	wrdreg $0xFFFFFFFF  }
0xc6: {  	_ =	task.clear_ibuf [dreg:s10], $0x2FFFF;
	_ =	strace $0x9FFFFFFF  }
0xc7: {  	(tm) =	ssettm $0x7FFFFFFF  }
tec
execute0_lowered:
.L_overlay_start_1:
0x0: {  	(tag) =	ssettag $0x1  }
0x1: {  	s0 =	rddreg [dreg:$0x0]  }
0x2: {  	s3 =	rddreg [dreg:$0x1]  }
0x3: {  	s4 =	rddreg [dreg:$0x2];
	s1 =	srdreg.scid  }
0x4: {  	s5 =	rddreg [dreg:$0x3];
	s2 =	stileid.u32;
	s6 =	simm.s32 $0x0  }
0x5: {  	s12 =	simm.s32 $0x1DB00;
	s13 =	simm.s32 $0x5;
	s14 =	simm.s32 $0x1BB00  }
0x6: {  	s15 =	simm.s32 $0x17B00;
	s16 =	simm.s32 $0x19B00;
	s17 =	simm.s32 $0x1  }
0x7: {  	s18 =	simm.s32 $0x8080;
	s19 =	simm.s32 $0xFD80;
	s20 =	simm.s32 $0x2  }
0x8: {  	s21 =	simm.s32 $0x4;
	s22 =	simm.s32 $0x3;
	s23 =	simm.s32 $0x0  }
0x9: {  	s7 =	sand.u32 $0x1, s1;
	s1 =	rddreg [dreg:$0x4];
	s8 =	sshll.u32 s2, $0x13  }
0xa: {  	[smem:$0x7FF] =	sst s6;
	s9 =	sshll.u32 s7, $0x12;
	s10 =	ssub.s32 $0x2, s7  }
0xb: {  	_ =	strace $0x80000047;
	s7 =	sor.u32 s9, s8;
	s31 =	sshrl.u32 s10, $0x1  }
0xc: {  	v0 =	vimm.f32 $+Inf;
	v1 =	vimm.f32 $1.000000000e+00;
	v2 =	vlaneseq.u32;
	s9 =	sshrl.u32 s7, $0x3;
	s11 =	ssub.s32 s10, s31;
	s10 =	sor.u32 $0x4000, s7  }
0xd: {  	v3 =	vor.u32 $0x4000, v2;
	v4 =	vor.u32 $0x10, v2;
	v5 =	vor.u32 $0x7CF0, v2;
	s8 =	sadd.s32 s0, s9;
	s9 =	sor.u32 $0x2000, s7;
	s11 =	smax.u32 s11, $0x1  }
.LBB2_1:
0xe: {  	[tilespmem:s12], [sflag:$0x5] =	stream.linear.gather [hbm4b:s3+s6], $0x7D0, $0x38;
	[tilespmem:$0x1FB00] =	vst v63  }
0xf: {  	_ =	swait.ge [sflag:s13], $0x7D0  }
0x10: {  	[sflag:s13] =	ssyncset.done $0x0  }
0x11: {  	[sflag:s13] =	ssyncadd.s32 $0xFFFFF830  }
0x12: {  	[tilespmem:s14], [sflag:$0x5] =	stream.linear.gather [hbm4b:s4+s6], $0x7D0, $0x38;
	[tilespmem:$0x1FB00] =	vst v63  }
0x13: {  	_ =	swait.ge [sflag:s13], $0x7D0  }
0x14: {  	[sflag:s13] =	ssyncset.done $0x0  }
0x15: {  	[sflag:s13] =	ssyncadd.s32 $0xFFFFF830  }
0x16: {  	[tilespmem:$0x1E2D0] =	vst v0  }
0x17: {  	[tilespmem:$0x1E2E0] =	vst v0  }
0x18: {  	s26 =	simm.s32 $0x0;
	[tilespmem:$0x1E2F0] =	vst v0  }
0x19: {  	v6 =	vld [tilespmem:s26+$0x1BB00];
	_ =	sdelay $0x4  }
0x1a: {  	(xrf2) =	vadd.scan.msk.f32 $0xffff, v6;
	_ =	sdelay $0x8  }
0x1b: {  	v6 =	vmul.f32 $-5.000000000e-01, v6  }
0x1c: {  	v7, _, _ =	vpop (xrf2)  }
0x1d: {  	v6 =	vadd.f32 v6, v7;
	(v2sf) =	vpush v7, $0xF  }
0x1e: {  	s25 =	simm.f32 $0.0e+00  }
0x1f: {  	v6 =	vadd.f32 s25, v6;
	_ =	sdelay $0x1  }
0x20: {  	s24 =	simm.s32 $0x10;
	[tilespmem:s26+$0x1BB00] =	vst v6  }
0x21: {  	v6 =	vld [tilespmem:s24+$0x1BB00];
	_ =	sdelay $0x4  }
0x22: {  	(xrf2) =	vadd.scan.msk.f32 $0xffff, v6;
	_ =	sdelay $0x2  }
0x23: {  	s28 =	simm.s32 $0xC0;
	s26 =	simm.s32 $0x80  }
.LBB2_2:
0x24: {  	p0 =	sne.s32 s28, $0x1F00  }
0x25: {  	s29 =	spop (v2sf)  }
0x26: {  	s25 =	sadd.f32 s29, s25;
	_ =	sdelay $0x2  }
0x27: {  	v6 =	vmul.f32 $-5.000000000e-01, v6  }
0x28: {  	v7, _, _ =	vpop (xrf2)  }
0x29: {  	v6 =	vadd.f32 v6, v7;
	(v2sf) =	vpush v7, $0xF;
	_ =	sdelay $0x1  }
0x2a: {  	v6 =	vadd.f32 s25, v6;
	_ =	sdelay $0x1  }
0x2b: {  	[tilespmem:s24+$0x1BB00] =	vst v6;
	s24 =	sshra.s32 s26, $0x2;
	s26 =	smov.u32 s28  }
0x2c: {  	v6 =	vld [tilespmem:s24+$0x1BB00];
	_ =	sdelay $0x3  }
.Ltmp0:
0x2d: {  	(pc) =	sbr.rel @p0 .LBB2_2-.Ltmp0, $2  }
0x2e: {  	(xrf2) =	vadd.scan.msk.f32 $0xffff, v6;
	_ =	sdelay $0x2  }
0x2f: {  	s28 =	sadd.s32 $0x40, s28  }
0x30: {  	_ =	sdelay $0x4  }
0x31: {  	v6 =	vmul.f32 $-5.000000000e-01, v6  }
0x32: {  	s28 =	spop (v2sf);
	v7, _, _ =	vpop (xrf2)  }
0x33: {  	s25 =	sadd.f32 s28, s25;
	v6 =	vadd.f32 v6, v7;
	_ =	sdelay $0x1  }
0x34: {  	v6 =	vadd.f32 s25, v6;
	_ =	sdelay $0x1  }
0x35: {  	s26 =	sshra.s32 s26, $0x2;
	[tilespmem:s24+$0x1BB00] =	vst v6  }
0x36: {  	v6 =	vld [tilespmem:s26+$0x1BB00];
	_ =	sdelay $0x4  }
0x37: {  	(xrf2) =	vadd.scan.msk.f32 $0xffff, v6;
	_ =	sdelay $0x8  }
0x38: {  	(v2sf) =	vpush v7, $0xF  }
0x39: {  	v7, _, _ =	vpop (xrf2)  }
0x3a: {  	(v2sf) =	vpush v7, $0xF;
	_ =	sdelay $0xc  }
0x3b: {  	s30 =	spop (v2sf)  }
0x3c: {  	s24 =	sadd.f32 s30, s25  }
0x3d: {  	s31 =	spop (v2sf)  }
0x3e: {  	s25 =	sadd.f32 s31, s24;
	_ =	sdelay $0x1  }
0x3f: {  	v8 =	vmov s25  }
0x40: {  	(erf) = vrcp.f32 v8  }
0x41: {  	v6 =	vmul.f32 $-5.000000000e-01, v6;
	_ =	sdelay $0x1  }
0x42: {  	v6 =	vadd.f32 v6, v7;
	_ =	sdelay $0x1  }
0x43: {  	v6 =	vadd.f32 s24, v6;
	_ =	sdelay $0x1  }
0x44: {  	[tilespmem:s26+$0x1BB00] =	vst v6  }
0x45: {  	v9 =	vld [tilespmem:$0x1DB00]  }
0x46: {  	v10 =	vld [tilespmem:$0x1E2C0];
	s24 =	simm.s32 $0x0;
	s25 =	simm.s32 $0x40;
	v6 =	vpop (erf)  }
.LBB2_4:
0x47: {  	p0 =	sne.s32 s25, $0x1F00;
	v7 =	vld [tilespmem:s24+$0x1BB00];
	_ =	sdelay $0x2  }
.Ltmp1:
0x48: {  	(pc) =	sbr.rel @p0 .LBB2_4-.Ltmp1, $3  }
0x49: {  	_ = 	snop  }
0x4a: {  	v7 =	vmul.f32 v7, v6;
	_ =	sdelay $0x1  }
0x4b: {  	[tilespmem:s24+$0x1BB00] =	vst v7;
	s24 =	sshra.s32 s25, $0x2;
	s25 =	sadd.s32 $0x40, s25  }
0x4c: {  	v7 =	vld [tilespmem:s24+$0x1BB00];
	_ =	sdelay $0x4  }
0x4d: {  	v6 =	vmul.f32 v7, v6;
	_ =	sdelay $0x1  }
0x4e: {  	[tilespmem:s24+$0x1BB00] =	vst v6  }
0x4f: {  	s31 =	simm.s32 $0x0;
	[tilespmem:$0x1C2D0] =	vst v1  }
0x50: {  	v6 =	vld [tilespmem:s31+$0x1DB00];
	_ =	sdelay $0x4  }
0x51: {  	v7 =	vbroadcast v6, $0x0  }
0x52: {  	s24 =	simm.s32 $0x80;
	v8 =	vbroadcast v6, $0x1  }
0x53: {  	v11 =	vbroadcast v6, $0x2;
	[tilespmem:s24+$0xFFFFFF90] =	vst v7  }
0x54: {  	v7 =	vbroadcast v6, $0x3;
	[tilespmem:s24+$0xFFFFFFA0] =	vst v8  }
0x55: {  	v8 =	vbroadcast v6, $0x4;
	[tilespmem:s24+$0xFFFFFFB0] =	vst v11  }
0x56: {  	v11 =	vbroadcast v6, $0x5;
	[tilespmem:s24+$0xFFFFFFC0] =	vst v7  }
0x57: {  	v7 =	vbroadcast v6, $0x6;
	[tilespmem:s24+$0xFFFFFFD0] =	vst v8  }
0x58: {  	v8 =	vbroadcast v6, $0x7;
	[tilespmem:s24+$0xFFFFFFE0] =	vst v11  }
0x59: {  	v11 =	vbroadcast v6, $0x8;
	[tilespmem:s24+$0xFFFFFFF0] =	vst v7  }
0x5a: {  	v7 =	vbroadcast v6, $0x9;
	[tilespmem:s24+$0x0] =	vst v8  }
0x5b: {  	v8 =	vbroadcast v6, $0xA;
	[tilespmem:s24+$0x10] =	vst v11  }
0x5c: {  	v11 =	vbroadcast v6, $0xB;
	[tilespmem:s24+$0x20] =	vst v7  }
0x5d: {  	v7 =	vbroadcast v6, $0xC;
	[tilespmem:s24+$0x30] =	vst v8  }
0x5e: {  	v8 =	vbroadcast v6, $0xD;
	[tilespmem:s24+$0x40] =	vst v11  }
0x5f: {  	v11 =	vbroadcast v6, $0xE;
	[tilespmem:s24+$0x50] =	vst v7  }
0x60: {  	v6 =	vbroadcast v6, $0xF;
	[tilespmem:s24+$0x60] =	vst v8  }
0x61: {  	[tilespmem:s24+$0x70] =	vst v11  }
0x62: {  	s26 =	simm.s32 $0x10;
	s25 =	simm.s32 $0x80;
	[tilespmem:s24+$0x80] =	vst v6  }
.LBB2_6:
0x63: {  	p0 =	sne.s32 s25, $0x1FC0;
	v6 =	vld [tilespmem:s26+$0x1DB00];
	_ =	sdelay $0x4  }
0x64: {  	v7 =	vbroadcast v6, $0x0;
	v8 =	vbroadcast v6, $0x1  }
0x65: {  	s24 =	sadd.s32 $0x100, s24;
	v11 =	vbroadcast v6, $0x2;
	v12 =	vbroadcast v6, $0x3  }
0x66: {  	v13 =	vbroadcast v6, $0x5;
	[tilespmem:s24+$0xFFFFFF90] =	vst v7;
	v7 =	vbroadcast v6, $0x4  }
0x67: {  	v14 =	vbroadcast v6, $0x7;
	[tilespmem:s24+$0xFFFFFFA0] =	vst v8;
	v8 =	vbroadcast v6, $0x6  }
0x68: {  	v15 =	vbroadcast v6, $0x9;
	[tilespmem:s24+$0xFFFFFFB0] =	vst v11;
	v11 =	vbroadcast v6, $0x8  }
0x69: {  	v16 =	vbroadcast v6, $0xB;
	[tilespmem:s24+$0xFFFFFFC0] =	vst v12;
	v12 =	vbroadcast v6, $0xA  }
0x6a: {  	v17 =	vbroadcast v6, $0xD;
	[tilespmem:s24+$0xFFFFFFD0] =	vst v7;
	v7 =	vbroadcast v6, $0xC  }
0x6b: {  	[tilespmem:s24+$0xFFFFFFE0] =	vst v13;
	v13 =	vbroadcast v6, $0xE;
	v6 =	vbroadcast v6, $0xF  }
0x6c: {  	[tilespmem:s24+$0xFFFFFFF0] =	vst v8  }
0x6d: {  	[tilespmem:s24+$0x0] =	vst v14  }
0x6e: {  	[tilespmem:s24+$0x10] =	vst v11  }
0x6f: {  	[tilespmem:s24+$0x20] =	vst v15  }
0x70: {  	[tilespmem:s24+$0x30] =	vst v12  }
.Ltmp2:
0x71: {  	[tilespmem:s24+$0x40] =	vst v16;
	(pc) =	sbr.rel @p0 .LBB2_6-.Ltmp2, $4  }
0x72: {  	[tilespmem:s24+$0x50] =	vst v7  }
0x73: {  	[tilespmem:s24+$0x60] =	vst v17  }
0x74: {  	[tilespmem:s24+$0x70] =	vst v13  }
0x75: {  	s26 =	sshra.s32 s25, $0x2;
	s25 =	sadd.s32 $0x40, s25;
	[tilespmem:s24+$0x80] =	vst v6  }
0x76: {  	v6 =	vld [tilespmem:s26+$0x1DB00];
	_ =	sdelay $0x4  }
0x77: {  	v7 =	vbroadcast v6, $0x0  }
0x78: {  	s24 =	sadd.s32 $0x100, s24;
	v8 =	vbroadcast v6, $0x1  }
0x79: {  	v11 =	vbroadcast v6, $0x2;
	[tilespmem:s24+$0xFFFFFF90] =	vst v7  }
0x7a: {  	v7 =	vbroadcast v6, $0x3;
	[tilespmem:s24+$0xFFFFFFA0] =	vst v8  }
0x7b: {  	v8 =	vbroadcast v6, $0x4;
	[tilespmem:s24+$0xFFFFFFB0] =	vst v11  }
0x7c: {  	v11 =	vbroadcast v6, $0x5;
	[tilespmem:s24+$0xFFFFFFC0] =	vst v7  }
0x7d: {  	v7 =	vbroadcast v6, $0x6;
	[tilespmem:s24+$0xFFFFFFD0] =	vst v8  }
0x7e: {  	v8 =	vbroadcast v6, $0x7;
	[tilespmem:s24+$0xFFFFFFE0] =	vst v11  }
0x7f: {  	v11 =	vbroadcast v6, $0x8;
	[tilespmem:s24+$0xFFFFFFF0] =	vst v7  }
0x80: {  	v7 =	vbroadcast v6, $0x9;
	[tilespmem:s24+$0x0] =	vst v8  }
0x81: {  	v8 =	vbroadcast v6, $0xA;
	[tilespmem:s24+$0x10] =	vst v11  }
0x82: {  	v11 =	vbroadcast v6, $0xB;
	[tilespmem:s24+$0x20] =	vst v7  }
0x83: {  	v7 =	vbroadcast v6, $0xC;
	[tilespmem:s24+$0x30] =	vst v8  }
0x84: {  	v8 =	vbroadcast v6, $0xD;
	[tilespmem:s24+$0x40] =	vst v11  }
0x85: {  	v11 =	vbroadcast v6, $0xE;
	[tilespmem:s24+$0x50] =	vst v7  }
0x86: {  	v6 =	vbroadcast v6, $0xF;
	[tilespmem:s24+$0x60] =	vst v8  }
0x87: {  	[tilespmem:s24+$0x70] =	vst v11  }
0x88: {  	s31 =	simm.s32 $0x1;
	[tilespmem:s24+$0x80] =	vst v6  }
0x89: {  	v6 =	vld [tilespmem:s31+$0x1DAFF]  }
0x8a: {  	v7 =	vld [tilespmem:s31+$0x1DB00];
	_ =	sdelay $0x4  }
0x8b: {  	v6 =	vsub.f32 v7, v6;
	_ =	sdelay $0x1  }
0x8c: {  	vm0 =	vgt.f32 v6, $0.0e+00  }
0x8d: {  	v6 =	vnsel vm0, $0x3F800000, v6  }
0x8e: {  	(erf) = vrcp.f32 v6;
	_ =	sdelay $0x1  }
0x8f: {  	v7 =	vld [tilespmem:s31+$0x1BAFF]  }
0x90: {  	v6 =	vld [tilespmem:s31+$0x1BB00];
	_ =	sdelay $0x4  }
0x91: {  	v6 =	vsub.f32 v6, v7  }
0x92: {  	v8 =	vpop (erf)  }
0x93: {  	v6 =	vmul.f32 v8, v6;
	_ =	sdelay $0x1  }
0x94: {  	v8 =	vbroadcast v7, $0x0;
	v6 =	vnsel vm0, $0x0, v6  }
0x95: {  	s24 =	simm.s32 $0x8100;
	v11 =	vbroadcast v6, $0x0  }
0x96: {  	s25 =	simm.s32 $0xFE00;
	[tilespmem:s24+$0xFFFFFF80] =	vst v8;
	v8 =	vbroadcast v7, $0x1  }
0x97: {  	v12 =	vbroadcast v6, $0x1;
	[tilespmem:s25+$0xFFFFFF90] =	vst v11  }
0x98: {  	v11 =	vbroadcast v7, $0x2;
	[tilespmem:s24+$0xFFFFFF90] =	vst v8  }
0x99: {  	v8 =	vbroadcast v6, $0x2;
	[tilespmem:s25+$0xFFFFFFA0] =	vst v12  }
0x9a: {  	v56 =	vbroadcast v7, $0x3;
	[tilespmem:s24+$0xFFFFFFA0] =	vst v11  }
0x9b: {  	v11 =	vbroadcast v6, $0x3;
	[tilespmem:s25+$0xFFFFFFB0] =	vst v8  }
0x9c: {  	v8 =	vbroadcast v7, $0x4;
	[tilespmem:s24+$0xFFFFFFB0] =	vst v56  }
0x9d: {  	v57 =	vbroadcast v6, $0x4;
	[tilespmem:s25+$0xFFFFFFC0] =	vst v11  }
0x9e: {  	v11 =	vbroadcast v7, $0x5;
	[tilespmem:s24+$0xFFFFFFC0] =	vst v8  }
0x9f: {  	v8 =	vbroadcast v6, $0x5;
	[tilespmem:s25+$0xFFFFFFD0] =	vst v57  }
0xa0: {  	v58 =	vbroadcast v7, $0x6;
	[tilespmem:s24+$0xFFFFFFD0] =	vst v11  }
0xa1: {  	v11 =	vbroadcast v6, $0x6;
	[tilespmem:s25+$0xFFFFFFE0] =	vst v8  }
0xa2: {  	v8 =	vbroadcast v7, $0x7;
	[tilespmem:s24+$0xFFFFFFE0] =	vst v58  }
0xa3: {  	v59 =	vbroadcast v6, $0x7;
	[tilespmem:s25+$0xFFFFFFF0] =	vst v11  }
0xa4: {  	v11 =	vbroadcast v7, $0x8;
	[tilespmem:s24+$0xFFFFFFF0] =	vst v8  }
0xa5: {  	v8 =	vbroadcast v6, $0x8;
	[tilespmem:s25+$0x0] =	vst v59  }
0xa6: {  	v60 =	vbroadcast v7, $0x9;
	[tilespmem:s24+$0x0] =	vst v11  }
0xa7: {  	v11 =	vbroadcast v6, $0x9;
	[tilespmem:s25+$0x10] =	vst v8  }
0xa8: {  	v8 =	vbroadcast v7, $0xA;
	[tilespmem:s24+$0x10] =	vst v60  }
0xa9: {  	v61 =	vbroadcast v6, $0xA;
	[tilespmem:s25+$0x20] =	vst v11  }
0xaa: {  	v11 =	vbroadcast v7, $0xB;
	[tilespmem:s24+$0x20] =	vst v8  }
0xab: {  	v8 =	vbroadcast v6, $0xB;
	[tilespmem:s25+$0x30] =	vst v61  }
0xac: {  	v62 =	vbroadcast v7, $0xC;
	[tilespmem:s24+$0x30] =	vst v11  }
0xad: {  	v11 =	vbroadcast v6, $0xC;
	[tilespmem:s25+$0x40] =	vst v8  }
0xae: {  	v8 =	vbroadcast v7, $0xD;
	[tilespmem:s24+$0x40] =	vst v62  }
0xaf: {  	v63 =	vbroadcast v6, $0xD;
	[tilespmem:s25+$0x50] =	vst v11  }
0xb0: {  	v11 =	vbroadcast v7, $0xE;
	[tilespmem:s24+$0x50] =	vst v8  }
0xb1: {  	v8 =	vbroadcast v6, $0xE;
	[tilespmem:s25+$0x60] =	vst v63  }
0xb2: {  	v7 =	vbroadcast v7, $0xF;
	[tilespmem:s24+$0x60] =	vst v11  }
0xb3: {  	s26 =	simm.s32 $0x44;
	s28 =	simm.s32 $0xFE00;
	v6 =	vbroadcast v6, $0xF;
	[tilespmem:s25+$0x70] =	vst v8  }
.LBB2_8:
0xb4: {  	p0 =	sne.s32 s26, $0x1F04;
	[tilespmem:s24+$0x70] =	vst v7;
	s24 =	sadd.s32 $0x100, s24;
	s25 =	sadd.s32 $0x100, s25  }
0xb5: {  	s29 =	sshra.s32 s26, $0x2;
	s26 =	sadd.s32 $0x40, s26;
	[tilespmem:s28+$0x80] =	vst v6;
	s28 =	smov.u32 s25  }
0xb6: {  	v6 =	vld [tilespmem:s29+$0x1DAFF]  }
0xb7: {  	v7 =	vld [tilespmem:s29+$0x1DB00];
	_ =	sdelay $0x4  }
0xb8: {  	v6 =	vsub.f32 v7, v6;
	_ =	sdelay $0x1  }
0xb9: {  	vm0 =	vgt.f32 v6, $0.0e+00  }
0xba: {  	v6 =	vnsel vm0, $0x3F800000, v6  }
0xbb: {  	(erf) = vrcp.f32 v6  }
0xbc: {  	v6 =	vld [tilespmem:s29+$0x1BB00]  }
0xbd: {  	v7 =	vld [tilespmem:s29+$0x1BAFF];
	_ =	sdelay $0x4  }
0xbe: {  	v6 =	vsub.f32 v6, v7;
	v8 =	vbroadcast v7, $0x0;
	_ =	sdelay $0x1  }
0xbf: {  	v11 =	vpop (erf)  }
0xc0: {  	v6 =	vmul.f32 v11, v6;
	_ =	sdelay $0x1  }
0xc1: {  	v6 =	vnsel vm0, $0x0, v6  }
0xc2: {  	v11 =	vbroadcast v7, $0x1;
	[tilespmem:s24+$0xFFFFFF80] =	vst v8;
	v8 =	vbroadcast v6, $0x0  }
0xc3: {  	v12 =	vbroadcast v6, $0x1  }
0xc4: {  	[tilespmem:s25+$0xFFFFFF90] =	vst v8;
	v8 =	vbroadcast v7, $0x2  }
0xc5: {  	[tilespmem:s24+$0xFFFFFF90] =	vst v11;
	v11 =	vbroadcast v6, $0x2  }
0xc6: {  	[tilespmem:s25+$0xFFFFFFA0] =	vst v12;
	v12 =	vbroadcast v7, $0x3  }
0xc7: {  	[tilespmem:s24+$0xFFFFFFA0] =	vst v8;
	v8 =	vbroadcast v6, $0x3  }
0xc8: {  	[tilespmem:s25+$0xFFFFFFB0] =	vst v11;
	v11 =	vbroadcast v7, $0x4  }
0xc9: {  	[tilespmem:s24+$0xFFFFFFB0] =	vst v12;
	v12 =	vbroadcast v6, $0x4  }
0xca: {  	[tilespmem:s25+$0xFFFFFFC0] =	vst v8;
	v8 =	vbroadcast v7, $0x5  }
0xcb: {  	[tilespmem:s24+$0xFFFFFFC0] =	vst v11;
	v11 =	vbroadcast v6, $0x5  }
0xcc: {  	[tilespmem:s25+$0xFFFFFFD0] =	vst v12;
	v12 =	vbroadcast v7, $0x6  }
0xcd: {  	[tilespmem:s24+$0xFFFFFFD0] =	vst v8;
	v8 =	vbroadcast v6, $0x6  }
0xce: {  	[tilespmem:s25+$0xFFFFFFE0] =	vst v11;
	v11 =	vbroadcast v7, $0x7  }
0xcf: {  	[tilespmem:s24+$0xFFFFFFE0] =	vst v12;
	v12 =	vbroadcast v6, $0x7  }
0xd0: {  	[tilespmem:s25+$0xFFFFFFF0] =	vst v8;
	v8 =	vbroadcast v7, $0x8  }
0xd1: {  	[tilespmem:s24+$0xFFFFFFF0] =	vst v11;
	v11 =	vbroadcast v6, $0x8  }
0xd2: {  	[tilespmem:s25+$0x0] =	vst v12;
	v12 =	vbroadcast v7, $0x9  }
0xd3: {  	[tilespmem:s24+$0x0] =	vst v8;
	v8 =	vbroadcast v6, $0x9  }
0xd4: {  	[tilespmem:s25+$0x10] =	vst v11;
	v11 =	vbroadcast v7, $0xA  }
0xd5: {  	[tilespmem:s24+$0x10] =	vst v12;
	v12 =	vbroadcast v6, $0xA  }
0xd6: {  	[tilespmem:s25+$0x20] =	vst v8;
	v8 =	vbroadcast v7, $0xB  }
0xd7: {  	[tilespmem:s24+$0x20] =	vst v11;
	v11 =	vbroadcast v6, $0xB  }
0xd8: {  	[tilespmem:s25+$0x30] =	vst v12;
	v12 =	vbroadcast v7, $0xC  }
0xd9: {  	[tilespmem:s24+$0x30] =	vst v8;
	v8 =	vbroadcast v6, $0xC  }
0xda: {  	[tilespmem:s25+$0x40] =	vst v11;
	v11 =	vbroadcast v7, $0xD  }
0xdb: {  	[tilespmem:s24+$0x40] =	vst v12;
	v12 =	vbroadcast v6, $0xD  }
.Ltmp3:
0xdc: {  	[tilespmem:s25+$0x50] =	vst v8;
	v8 =	vbroadcast v7, $0xE;
	(pc) =	sbr.rel @p0 .LBB2_8-.Ltmp3, $4  }
0xdd: {  	[tilespmem:s24+$0x50] =	vst v11;
	v11 =	vbroadcast v6, $0xE  }
0xde: {  	v7 =	vbroadcast v7, $0xF;
	[tilespmem:s25+$0x60] =	vst v12  }
0xdf: {  	v6 =	vbroadcast v6, $0xF;
	[tilespmem:s24+$0x60] =	vst v8  }
0xe0: {  	[tilespmem:s25+$0x70] =	vst v11  }
0xe1: {  	[tilespmem:s24+$0x70] =	vst v7  }
0xe2: {  	[tilespmem:s28+$0x80] =	vst v6  }
0xe3: {  	v6 =	vld [tilespmem:$0x1DEF0]  }
0xe4: {  	v7 =	vld [tilespmem:$0x1DCF0]  }
0xe5: {  	v8 =	vld [tilespmem:$0x1E0F0];
	_ =	sdelay $0x2  }
0xe6: {  	v9 =	vbroadcast v9, $0x0  }
0xe7: {  	s24 =	simm.s32 $0x0;
	v10 =	vbroadcast v10, $0xF;
	v6 =	vbroadcast v6, $0xF  }
0xe8: {  	[tilespmem:s15], [sflag:$0x1] =	stream.linear.gather [hbm4b:s8+s24], $0x2000, $0x38;
	v7 =	vbroadcast v7, $0xF;
	v8 =	vbroadcast v8, $0xF;
	[tilespmem:$0x1FB00] =	vst v63  }
.LBB2_10:
0xe9: {  	s26 =	sshll.u32 s24, $0xE  }
0xea: {  	s25 =	sadd.s32 s9, s26  }
0xeb: {  	s25 =	sshrl.u32 s25, $0x3  }
0xec: {  	s28 =	sadd.s32 s0, s25  }
0xed: {  	[tilespmem:s16], [sflag:$0x2] =	stream.linear.gather [hbm4b:s28+s6], $0x2000, $0x38;
	[tilespmem:$0x1FB00] =	vst v63  }
0xee: {  	_ =	swait.ge [sflag:s17], $0x2000  }
0xef: {  	p0 =	seq.s32 s24, $0x0;
	[sflag:s17] =	ssyncset.done $0x0  }
0xf0: {  	s28 =	simm.s32 @!p0 $0x3;
	[sflag:s17] =	ssyncadd.s32 $0xFFFFE000  }
0xf1: {  	_ =	swait.ge @!p0 [sflag:s28], $0x2000  }
0xf2: {  	[sflag:s28] =	ssyncset.done @!p0 $0x0  }
0xf3: {  	[sflag:s28] =	ssyncadd.s32 @!p0 $0xFFFFE000;
	s28 =	simm.s32 $0x17B40  }
0xf4: {  	v11 =	vld [tilespmem:s28+$0x0];
	_ =	sdelay $0x4  }
0xf5: {  	vm0 =	vlt.f32 v6, v11  }
0xf6: {  	v12 =	vsel vm0, v3, v2;
	v13 =	vsel vm0, v8, v7  }
0xf7: {  	vm0 =	vlt.f32 v13, v11;
	v13 =	vor.u32 $0x2000, v12  }
0xf8: {  	v12 =	vsel vm0, v13, v12  }
0xf9: {  	v13 =	vor.u32 $0x1000, v12  }
0xfa: {  	v14 =	vand.u32 $0x7000, v13  }
0xfb: {  	v14 =	vor.u32 v2, v14  }
0xfc: {  	v23 =	vld [tilespmem:s28+$0xFFFFFFC0]  }
0xfd: {  	v25 =	vld [tilespmem:s28+$0x10];
	_ =	sdelay $0x1  }
0xfe: {  	v22 =	vld [tilespmem:s28+$0xFFFFFFD0]  }
0xff: {  	v14 =	vld.idx.msk [tilespmem:v14+s6+$0x0], $0xffff  }
0x100: {  	vm0 =	vlt.f32 v6, v23  }
0x101: {  	v20 =	vld [tilespmem:s28+$0x30];
	vm2 =	vlt.f32 v6, v25;
	v15 =	vsel vm0, v3, v2;
	v16 =	vsel vm0, v8, v7  }
0x102: {  	v18 =	vsel vm2, v8, v7;
	v17 =	vor.u32 $0x2000, v15;
	vm1 =	vlt.f32 v16, v23  }
0x103: {  	vm0 =	vlt.f32 v6, v22;
	v15 =	vsel vm1, v17, v15;
	v17 =	vsel vm2, v3, v2  }
0x104: {  	vm1 =	vlt.f32 v18, v25;
	v18 =	vor.u32 $0x2000, v17;
	vm2 =	vlt.f32 v14, v11  }
0x105: {  	v24 =	vld [tilespmem:s28+$0x20];
	v16 =	vsel vm0, v3, v2;
	v17 =	vsel vm1, v18, v17;
	v12 =	vsel vm2, v13, v12  }
0x106: {  	vm1 =	vlt.f32 v6, v20;
	v18 =	vor.u32 $0x1000, v17;
	v26 =	vor.u32 $0x800, v12  }
0x107: {  	v29 =	vsel vm1, v3, v2;
	v21 =	vand.u32 $0x7000, v18;
	v27 =	vand.u32 $0xFFFFFF8F, v26  }
0x108: {  	v31 =	vsel vm1, v8, v7;
	v21 =	vor.u32 v2, v21;
	v13 =	vsel vm0, v8, v7  }
0x109: {  	v14 =	vor.u32 $0x1000, v15;
	vm0 =	vlt.f32 v13, v22;
	v13 =	vor.u32 $0x2000, v16  }
0x10a: {  	v19 =	vand.u32 $0x7000, v14;
	v13 =	vsel vm0, v13, v16;
	vm0 =	vlt.f32 v6, v24  }
0x10b: {  	v28 =	vor.u32 v2, v19;
	v19 =	vsel vm0, v3, v2;
	v30 =	vsel vm0, v8, v7  }
0x10c: {  	vm1 =	vlt.f32 v31, v20;
	vm0 =	vlt.f32 v30, v24;
	v30 =	vor.u32 $0x2000, v19;
	v27 =	vld.idx.msk [tilespmem:v27+s6+$0x0], $0xffff  }
0x10d: {  	v31 =	vld.idx.msk [tilespmem:v21+s6+$0x0], $0xffff;
	v16 =	vor.u32 $0x1000, v13;
	v30 =	vsel vm0, v30, v19;
	v19 =	vor.u32 $0x2000, v29  }
0x10e: {  	v21 =	vand.u32 $0x7000, v16;
	v29 =	vsel vm1, v19, v29;
	v32 =	vor.u32 $0x1000, v30  }
0x10f: {  	v33 =	vor.u32 v2, v21;
	v34 =	vor.u32 $0x1000, v29;
	v19 =	vand.u32 $0x7000, v32  }
0x110: {  	v21 =	vld [tilespmem:s28+$0xFFFFFFE0];
	v35 =	vor.u32 v2, v19;
	v36 =	vand.u32 $0x7000, v34  }
0x111: {  	v19 =	vld [tilespmem:s28+$0xFFFFFFF0];
	v36 =	vor.u32 v2, v36;
	vm0 =	vlt.f32 v27, v11  }
0x112: {  	vm1 =	vlt.f32 v31, v25;
	v27 =	vld.idx.msk [tilespmem:v28+s6+$0x0], $0xffff;
	v12 =	vsel vm0, v26, v12  }
0x113: {  	v17 =	vsel vm1, v18, v17;
	v18 =	vadd.s32 $0x400, v12  }
0x114: {  	v28 =	vor.u32 $0x800, v17;
	v26 =	vld.idx.msk [tilespmem:v33+s6+$0x0], $0xffff  }
0x115: {  	v31 =	vld.idx.msk [tilespmem:v35+s6+$0x0], $0xffff;
	v50 =	vand.u32 $0xFFFFFF8F, v28  }
0x116: {  	v51 =	vld.idx.msk [tilespmem:v36+s6+$0x0], $0xffff  }
0x117: {  	vm0 =	vlt.f32 v6, v21;
	vm1 =	vlt.f32 v6, v19;
	vm2 =	vlt.f32 v27, v23  }
0x118: {  	v52 =	vsel vm1, v3, v2;
	v37 =	vsel vm0, v8, v7;
	v14 =	vsel vm2, v14, v15;
	v15 =	vld.idx.msk [tilespmem:v18+s6+$0x0], $0xffff  }
0x119: {  	v27 =	vsel vm0, v3, v2;
	vm0 =	vlt.f32 v26, v22;
	v38 =	vor.u32 $0x800, v14  }
0x11a: {  	v13 =	vsel vm0, v16, v13;
	v16 =	vld.idx.msk [tilespmem:v50+s6+$0x0], $0xffff;
	vm0 =	vlt.f32 v31, v24;
	v26 =	vand.u32 $0xFFFFFF8F, v38  }
0x11b: {  	v31 =	vor.u32 $0x800, v13;
	v30 =	vsel vm0, v32, v30;
	vm0 =	vlt.f32 v51, v20  }
0x11c: {  	v53 =	vand.u32 $0xFFFFFF8F, v31;
	v29 =	vsel vm0, v34, v29;
	v54 =	vor.u32 $0x800, v30  }
0x11d: {  	v34 =	vor.u32 $0x800, v29;
	v55 =	vand.u32 $0xFFFFFF8F, v54;
	vm0 =	vlt.f32 v15, v11  }
0x11e: {  	v39 =	vand.u32 $0xFFFFFF8F, v34;
	v15 =	vsel vm1, v8, v7;
	v12 =	vsel vm0, v18, v12  }
0x11f: {  	vm1 =	vlt.f32 v16, v25;
	vm0 =	vlt.f32 v37, v21;
	v16 =	vadd.s32 $0x200, v12  }
0x120: {  	v18 =	vor.u32 $0x2000, v27;
	vm2 =	vlt.f32 v15, v19;
	v15 =	vld.idx.msk [tilespmem:v26+s6+$0x0], $0xffff;
	v17 =	vsel vm1, v28, v17  }
0x121: {  	v26 =	vor.u32 $0x2000, v52;
	v18 =	vsel vm0, v18, v27;
	v27 =	vld.idx.msk [tilespmem:v53+s6+$0x0], $0xffff;
	v28 =	vadd.s32 $0x400, v17  }
0x122: {  	v26 =	vsel vm2, v26, v52;
	v56 =	vor.u32 $0x1000, v18;
	v35 =	vld.idx.msk [tilespmem:v55+s6+$0x0], $0xffff  }
0x123: {  	v36 =	vor.u32 $0x1000, v26;
	v57 =	vand.u32 $0x7000, v56;
	v39 =	vld.idx.msk [tilespmem:v39+s6+$0x0], $0xffff  }
0x124: {  	v40 =	vand.u32 $0x7000, v36;
	v37 =	vor.u32 v2, v57;
	v41 =	vld.idx.msk [tilespmem:v16+s6+$0x0], $0xffff  }
0x125: {  	v40 =	vor.u32 v2, v40;
	vm0 =	vlt.f32 v15, v23  }
0x126: {  	v14 =	vsel vm0, v38, v14;
	vm0 =	vlt.f32 v27, v22;
	v15 =	vld.idx.msk [tilespmem:v28+s6+$0x0], $0xffff  }
0x127: {  	v27 =	vadd.s32 $0x400, v14;
	v13 =	vsel vm0, v31, v13;
	vm0 =	vlt.f32 v35, v24  }
0x128: {  	v31 =	vadd.s32 $0x400, v13;
	v30 =	vsel vm0, v54, v30;
	vm0 =	vlt.f32 v39, v20  }
0x129: {  	v58 =	vld.idx.msk [tilespmem:v37+s6+$0x0], $0xffff;
	v29 =	vsel vm0, v34, v29;
	v59 =	vadd.s32 $0x400, v30;
	vm0 =	vlt.f32 v41, v11  }
0x12a: {  	v60 =	vld.idx.msk [tilespmem:v40+s6+$0x0], $0xffff;
	v61 =	vadd.s32 $0x400, v29;
	v12 =	vsel vm0, v16, v12  }
0x12b: {  	vm0 =	vlt.f32 v15, v25;
	v15 =	vadd.s32 $0x100, v12  }
0x12c: {  	v16 =	vld.idx.msk [tilespmem:v27+s6+$0x0], $0xffff;
	v17 =	vsel vm0, v28, v17  }
0x12d: {  	v28 =	vld.idx.msk [tilespmem:v31+s6+$0x0], $0xffff;
	v62 =	vadd.s32 $0x200, v17  }
0x12e: {  	vm0 =	vlt.f32 v58, v21;
	v63 =	vld.idx.msk [tilespmem:v59+s6+$0x0], $0xffff  }
0x12f: {  	v18 =	vsel vm0, v56, v18;
	vm0 =	vlt.f32 v60, v19;
	v44 =	vld.idx.msk [tilespmem:v61+s6+$0x0], $0xffff  }
0x130: {  	v26 =	vsel vm0, v36, v26;
	v45 =	vor.u32 $0x800, v18;
	v46 =	vld.idx.msk [tilespmem:v15+s6+$0x0], $0xffff  }
0x131: {  	v47 =	vor.u32 $0x800, v26;
	v48 =	vand.u32 $0xFFFFFF8F, v45;
	vm0 =	vlt.f32 v16, v23  }
0x132: {  	v16 =	vand.u32 $0xFFFFFF8F, v47;
	v14 =	vsel vm0, v27, v14;
	vm0 =	vlt.f32 v28, v22;
	v27 =	vld.idx.msk [tilespmem:v62+s6+$0x0], $0xffff  }
0x133: {  	v28 =	vadd.s32 $0x200, v14;
	v13 =	vsel vm0, v31, v13;
	vm0 =	vlt.f32 v63, v24  }
0x134: {  	v31 =	vadd.s32 $0x200, v13;
	v30 =	vsel vm0, v59, v30;
	vm0 =	vlt.f32 v44, v20  }
0x135: {  	v29 =	vsel vm0, v61, v29;
	v49 =	vadd.s32 $0x200, v30;
	vm0 =	vlt.f32 v46, v11  }
0x136: {  	v50 =	vld.idx.msk [tilespmem:v48+s6+$0x0], $0xffff;
	v51 =	vadd.s32 $0x200, v29;
	v12 =	vsel vm0, v15, v12  }
0x137: {  	v15 =	vld.idx.msk [tilespmem:v16+s6+$0x0], $0xffff;
	vm0 =	vlt.f32 v27, v25;
	v16 =	vadd.s32 $0x80, v12  }
0x138: {  	v27 =	vld.idx.msk [tilespmem:v28+s6+$0x0], $0xffff;
	v17 =	vsel vm0, v62, v17  }
0x139: {  	v52 =	vld.idx.msk [tilespmem:v31+s6+$0x0], $0xffff;
	v53 =	vadd.s32 $0x100, v17  }
0x13a: {  	v54 =	vld.idx.msk [tilespmem:v49+s6+$0x0], $0xffff  }
0x13b: {  	vm0 =	vlt.f32 v50, v21;
	v55 =	vld.idx.msk [tilespmem:v51+s6+$0x0], $0xffff  }
0x13c: {  	v18 =	vsel vm0, v45, v18;
	vm0 =	vlt.f32 v15, v19;
	v15 =	vld.idx.msk [tilespmem:v16+s6+$0x0], $0xffff  }
0x13d: {  	v35 =	vadd.s32 $0x400, v18;
	v26 =	vsel vm0, v47, v26;
	vm0 =	vlt.f32 v27, v23  }
0x13e: {  	v27 =	vadd.s32 $0x400, v26;
	v14 =	vsel vm0, v28, v14;
	vm0 =	vlt.f32 v52, v22;
	v28 =	vld.idx.msk [tilespmem:v53+s6+$0x0], $0xffff  }
0x13f: {  	v56 =	vadd.s32 $0x100, v14;
	v13 =	vsel vm0, v31, v13;
	vm0 =	vlt.f32 v54, v24  }
0x140: {  	v31 =	vadd.s32 $0x100, v13;
	v30 =	vsel vm0, v49, v30;
	vm0 =	vlt.f32 v55, v20  }
0x141: {  	v29 =	vsel vm0, v51, v29;
	v32 =	vadd.s32 $0x100, v30;
	vm0 =	vlt.f32 v15, v11  }
0x142: {  	v15 =	vld.idx.msk [tilespmem:v35+s6+$0x0], $0xffff;
	v57 =	vadd.s32 $0x100, v29;
	v12 =	vsel vm0, v16, v12  }
0x143: {  	v16 =	vld.idx.msk [tilespmem:v27+s6+$0x0], $0xffff;
	vm0 =	vlt.f32 v28, v25;
	v28 =	vadd.s32 $0x40, v12  }
0x144: {  	v58 =	vld.idx.msk [tilespmem:v56+s6+$0x0], $0xffff;
	v17 =	vsel vm0, v53, v17  }
0x145: {  	v59 =	vld.idx.msk [tilespmem:v31+s6+$0x0], $0xffff;
	v60 =	vadd.s32 $0x80, v17  }
0x146: {  	v61 =	vld.idx.msk [tilespmem:v32+s6+$0x0], $0xffff  }
0x147: {  	vm0 =	vlt.f32 v15, v21;
	v15 =	vld.idx.msk [tilespmem:v57+s6+$0x0], $0xffff  }
0x148: {  	v18 =	vsel vm0, v35, v18;
	vm0 =	vlt.f32 v16, v19;
	v16 =	vld.idx.msk [tilespmem:v28+s6+$0x0], $0xffff  }
0x149: {  	v35 =	vadd.s32 $0x200, v18;
	v26 =	vsel vm0, v27, v26;
	vm0 =	vlt.f32 v58, v23  }
0x14a: {  	v27 =	vadd.s32 $0x200, v26;
	v14 =	vsel vm0, v56, v14;
	vm0 =	vlt.f32 v59, v22;
	v62 =	vld.idx.msk [tilespmem:v60+s6+$0x0], $0xffff  }
0x14b: {  	v36 =	vadd.s32 $0x80, v14;
	v13 =	vsel vm0, v31, v13;
	vm0 =	vlt.f32 v61, v24  }
0x14c: {  	v31 =	vadd.s32 $0x80, v13;
	v30 =	vsel vm0, v32, v30;
	vm0 =	vlt.f32 v15, v20  }
0x14d: {  	v15 =	vsel vm0, v57, v29;
	v29 =	vadd.s32 $0x80, v30;
	vm0 =	vlt.f32 v16, v11  }
0x14e: {  	v16 =	vld.idx.msk [tilespmem:v35+s6+$0x0], $0xffff;
	v63 =	vadd.s32 $0x80, v15;
	v12 =	vsel vm0, v28, v12  }
0x14f: {  	v28 =	vld.idx.msk [tilespmem:v27+s6+$0x0], $0xffff;
	vm0 =	vlt.f32 v62, v25;
	v42 =	vadd.s32 $0x20, v12  }
0x150: {  	v43 =	vld.idx.msk [tilespmem:v36+s6+$0x0], $0xffff;
	v17 =	vsel vm0, v60, v17  }
0x151: {  	v44 =	vld.idx.msk [tilespmem:v31+s6+$0x0], $0xffff;
	v38 =	vadd.s32 $0x40, v17  }
0x152: {  	v45 =	vld.idx.msk [tilespmem:v29+s6+$0x0], $0xffff  }
0x153: {  	vm0 =	vlt.f32 v16, v21;
	v16 =	vld.idx.msk [tilespmem:v63+s6+$0x0], $0xffff  }
0x154: {  	v18 =	vsel vm0, v35, v18;
	vm0 =	vlt.f32 v28, v19;
	v28 =	vld.idx.msk [tilespmem:v42+s6+$0x0], $0xffff  }
0x155: {  	v35 =	vadd.s32 $0x100, v18;
	v26 =	vsel vm0, v27, v26;
	vm0 =	vlt.f32 v43, v23  }
0x156: {  	v27 =	vadd.s32 $0x100, v26;
	v14 =	vsel vm0, v36, v14;
	vm0 =	vlt.f32 v44, v22;
	v46 =	vld.idx.msk [tilespmem:v38+s6+$0x0], $0xffff  }
0x157: {  	v36 =	vadd.s32 $0x40, v14;
	v13 =	vsel vm0, v31, v13;
	vm0 =	vlt.f32 v45, v24  }
0x158: {  	v31 =	vadd.s32 $0x40, v13;
	v29 =	vsel vm0, v29, v30;
	vm0 =	vlt.f32 v16, v20  }
0x159: {  	v15 =	vsel vm0, v63, v15;
	v16 =	vadd.s32 $0x40, v29;
	vm0 =	vlt.f32 v28, v11  }
0x15a: {  	v28 =	vld.idx.msk [tilespmem:v35+s6+$0x0], $0xffff;
	v30 =	vadd.s32 $0x40, v15;
	v12 =	vsel vm0, v42, v12  }
0x15b: {  	v47 =	vld.idx.msk [tilespmem:v27+s6+$0x0], $0xffff;
	vm0 =	vlt.f32 v46, v25;
	v33 =	vadd.s32 $0x10, v12  }
0x15c: {  	v48 =	vld.idx.msk [tilespmem:v36+s6+$0x0], $0xffff;
	v17 =	vsel vm0, v38, v17  }
0x15d: {  	v49 =	vld.idx.msk [tilespmem:v31+s6+$0x0], $0xffff;
	v38 =	vadd.s32 $0x20, v17  }
0x15e: {  	v50 =	vld.idx.msk [tilespmem:v16+s6+$0x0], $0xffff  }
0x15f: {  	vm0 =	vlt.f32 v28, v21;
	v28 =	vld.idx.msk [tilespmem:v30+s6+$0x0], $0xffff  }
0x160: {  	v18 =	vsel vm0, v35, v18;
	v51 =	vld.idx.msk [tilespmem:v33+s6+$0x0], $0xffff  }
0x161: {  	vm0 =	vlt.f32 v47, v19;
	v52 =	vadd.s32 $0x80, v18  }
0x162: {  	v26 =	vsel vm0, v27, v26;
	vm0 =	vlt.f32 v48, v23;
	vm1 =	vlt.f32 v49, v22;
	v27 =	vld.idx.msk [tilespmem:v38+s6+$0x0], $0xffff  }
0x163: {  	v53 =	vadd.s32 $0x80, v26;
	v14 =	vsel vm0, v36, v14;
	v13 =	vsel vm1, v31, v13  }
0x164: {  	v31 =	vadd.s32 $0x20, v14;
	vm0 =	vlt.f32 v50, v24;
	v54 =	vadd.s32 $0x20, v13  }
0x165: {  	v16 =	vsel vm0, v16, v29;
	vm0 =	vlt.f32 v28, v20;
	vm1 =	vlt.f32 v51, v11  }
0x166: {  	v15 =	vsel vm0, v30, v15;
	v28 =	vadd.s32 $0x20, v16;
	v12 =	vsel vm1, v33, v12  }
0x167: {  	v29 =	vld.idx.msk [tilespmem:v52+s6+$0x0], $0xffff;
	v30 =	vadd.s32 $0x20, v15;
	vm0 =	vlt.f32 v27, v25;
	v12 =	vmax.u32 v12, v4  }
0x168: {  	v27 =	vld.idx.msk [tilespmem:v53+s6+$0x0], $0xffff;
	v17 =	vsel vm0, v38, v17;
	v12 =	vmin.u32 v12, v5  }
0x169: {  	v55 =	vld.idx.msk [tilespmem:v31+s6+$0x0], $0xffff;
	v56 =	vadd.s32 $0x10, v17  }
0x16a: {  	v57 =	vld.idx.msk [tilespmem:v54+s6+$0x0], $0xffff  }
0x16b: {  	v58 =	vld.idx.msk [tilespmem:v28+s6+$0x0], $0xffff  }
0x16c: {  	vm0 =	vlt.f32 v29, v21;
	v29 =	vld.idx.msk [tilespmem:v30+s6+$0x0], $0xffff  }
0x16d: {  	v59 =	vld.idx.msk [tilespmem:v12+s6+$0x0], $0xffff  }
0x16e: {  	v18 =	vsel vm0, v52, v18;
	vm0 =	vlt.f32 v27, v19;
	v61 =	vld.idx.msk [tilespmem:v56+s6+$0x0], $0xffff  }
0x16f: {  	s29 =	simm.s32 $0x17BC0;
	v60 =	vadd.s32 $0x40, v18;
	v34 =	vsel vm0, v53, v26;
	vm0 =	vlt.f32 v55, v23;
	v62 =	vld.idx.msk [tilespmem:v12+s19+$0x0], $0xffff  }
0x170: {  	vm1 =	vlt.f32 v57, v22;
	v63 =	vadd.s32 $0x40, v34;
	v48 =	vsel vm0, v31, v14;
	v14 =	vld [tilespmem:s29+$0x0]  }
0x171: {  	v12 =	vld.idx.msk [tilespmem:v12+s18+$0x0], $0xffff;
	v26 =	vsel vm1, v54, v13;
	v49 =	vadd.s32 $0x10, v48;
	vm0 =	vlt.f32 v58, v24  }
0x172: {  	v27 =	vadd.s32 $0x10, v26;
	vm1 =	vlt.f32 v29, v20;
	v13 =	vsub.f32 v11, v59  }
0x173: {  	v16 =	vsel vm0, v28, v16;
	v29 =	vsel vm1, v30, v15;
	vm0 =	vlt.f32 v61, v25  }
0x174: {  	v50 =	vadd.s32 $0x10, v16;
	v15 =	vld.idx.msk [tilespmem:v60+s6+$0x0], $0xffff;
	v17 =	vsel vm0, v56, v17;
	v13 =	vmul.f32 v62, v13  }
0x175: {  	v30 =	vadd.s32 $0x10, v29;
	v28 =	vld.idx.msk [tilespmem:v63+s6+$0x0], $0xffff;
	vm0 =	vlt.f32 v6, v14;
	v17 =	vmax.u32 v17, v4  }
0x176: {  	v51 =	vld.idx.msk [tilespmem:v49+s6+$0x0], $0xffff;
	v31 =	vsel vm0, v8, v7;
	v12 =	vsub.f32 v12, v13;
	v13 =	vsel vm0, v3, v2  }
0x177: {  	v42 =	vmin.u32 v17, v5;
	v17 =	vld [tilespmem:s29+$0xFFFFFFC0];
	vm0 =	vlt.f32 v31, v14;
	v31 =	vor.u32 $0x2000, v13  }
0x178: {  	vm1 =	vle.f32 v11, v9;
	v52 =	vld.idx.msk [tilespmem:v27+s6+$0x0], $0xffff;
	v43 =	vsel vm0, v31, v13  }
0x179: {  	v12 =	vsel vm1, $0x0, v12;
	vm0 =	vge.f32 v11, v10;
	v11 =	vld.idx.msk [tilespmem:v50+s6+$0x0], $0xffff;
	v44 =	vor.u32 $0x1000, v43  }
0x17a: {  	s28 =	simm.s32 $0x1BB40;
	v31 =	vld.idx.msk [tilespmem:v30+s6+$0x0], $0xffff;
	v12 =	vsel vm0, $0x3F800000, v12;
	vm0 =	vlt.f32 v15, v21;
	v53 =	vand.u32 $0x7000, v44  }
0x17b: {  	v13 =	vld [tilespmem:s29+$0xFFFFFFD0];
	[tilespmem:s28+$0x0] =	vst v12;
	v32 =	vsel vm0, v60, v18;
	vm0 =	vlt.f32 v28, v19;
	v12 =	vor.u32 v2, v53  }
0x17c: {  	vm5 =	vle.f32 v25, v9;
	v28 =	vsel vm0, v63, v34;
	vm0 =	vlt.f32 v6, v17  }
0x17d: {  	vm8 =	vge.f32 v25, v10;
	vm1 =	vlt.f32 v51, v23;
	v15 =	vld.idx.msk [tilespmem:v42+s6+$0x0], $0xffff;
	v18 =	vsel vm0, v8, v7  }
0x17e: {  	v34 =	vsel vm1, v49, v48;
	v54 =	vsel vm0, v3, v2;
	vm1 =	vlt.f32 v18, v17;
	v18 =	vld [tilespmem:s29+$0x10]  }
0x17f: {  	v33 =	vadd.s32 $0x20, v32;
	v55 =	vld.idx.msk [tilespmem:v42+s19+$0x0], $0xffff;
	vm0 =	vlt.f32 v52, v22;
	v56 =	vor.u32 $0x2000, v54  }
0x180: {  	vm2 =	vlt.f32 v6, v13;
	v35 =	vsel vm1, v56, v54;
	vm1 =	vlt.f32 v11, v24;
	v57 =	vld.idx.msk [tilespmem:v12+s6+$0x0], $0xffff  }
0x181: {  	v58 =	vsel vm2, v3, v2;
	v40 =	vor.u32 $0x1000, v35;
	v38 =	vsel vm1, v50, v16  }
0x182: {  	v11 =	vor.u32 $0x2000, v58;
	v12 =	vsub.f32 v25, v15;
	v15 =	vsel vm2, v8, v7  }
0x183: {  	v59 =	vand.u32 $0x7000, v40;
	vm1 =	vlt.f32 v15, v13;
	vm2 =	vlt.f32 v6, v18  }
0x184: {  	v16 =	vld [tilespmem:s29+$0xFFFFFFE0];
	v37 =	vmul.f32 v55, v12;
	v15 =	vsel vm2, v3, v2;
	v45 =	vsel vm2, v8, v7  }
0x185: {  	v12 =	vld [tilespmem:s29+$0x20];
	vm3 =	vlt.f32 v45, v18;
	v60 =	vor.u32 $0x2000, v15;
	vm2 =	vlt.f32 v57, v14  }
0x186: {  	v41 =	vor.u32 v2, v59;
	v36 =	vsel vm3, v60, v15;
	v43 =	vsel vm2, v44, v43  }
0x187: {  	v39 =	vsel vm1, v11, v58;
	v11 =	vld [tilespmem:s29+$0x30];
	v61 =	vor.u32 $0x1000, v36;
	v44 =	vor.u32 $0x800, v43  }
0x188: {  	v46 =	vor.u32 $0x1000, v39;
	v15 =	vand.u32 $0x7000, v61;
	v62 =	vand.u32 $0xFFFFFF8F, v44  }
0x189: {  	v34 =	vmax.u32 v34, v4;
	v48 =	vand.u32 $0x7000, v46;
	v47 =	vor.u32 v2, v15  }
0x18a: {  	vm1 =	vlt.f32 v6, v16;
	v48 =	vor.u32 v2, v48;
	vm2 =	vlt.f32 v6, v12  }
0x18b: {  	v53 =	vsel vm1, v3, v2;
	v41 =	vld.idx.msk [tilespmem:v41+s6+$0x0], $0xffff;
	v49 =	vsel vm2, v3, v2;
	v50 =	vsel vm2, v8, v7  }
0x18c: {  	v15 =	vld [tilespmem:s29+$0xFFFFFFF0];
	vm2 =	vlt.f32 v6, v11;
	vm3 =	vlt.f32 v50, v12;
	v63 =	vor.u32 $0x2000, v49  }
0x18d: {  	v51 =	vsel vm2, v3, v2;
	v52 =	vsel vm2, v8, v7;
	v49 =	vsel vm3, v63, v49;
	v45 =	vld.idx.msk [tilespmem:v62+s6+$0x0], $0xffff  }
0x18e: {  	vm2 =	vlt.f32 v52, v11;
	v56 =	vor.u32 $0x2000, v51;
	v52 =	vor.u32 $0x1000, v49;
	v47 =	vld.idx.msk [tilespmem:v47+s6+$0x0], $0xffff  }
0x18f: {  	v59 =	vsel vm1, v8, v7;
	v50 =	vsel vm2, v56, v51;
	v57 =	vand.u32 $0x7000, v52  }
0x190: {  	vm3 =	vlt.f32 v41, v17;
	v25 =	vor.u32 $0x1000, v50;
	v51 =	vor.u32 v2, v57  }
0x191: {  	vm1 =	vlt.f32 v59, v16;
	v35 =	vsel vm3, v40, v35;
	v54 =	vand.u32 $0x7000, v25  }
0x192: {  	vm2 =	vlt.f32 v6, v15;
	v58 =	vor.u32 v2, v54;
	vm6 =	vlt.f32 v45, v14  }
0x193: {  	v42 =	vld.idx.msk [tilespmem:v42+s18+$0x0], $0xffff;
	v55 =	vsel vm2, v8, v7;
	vm3 =	vlt.f32 v47, v18;
	v40 =	vsel vm6, v44, v43  }
0x194: {  	v43 =	vld.idx.msk [tilespmem:v48+s6+$0x0], $0xffff;
	v44 =	vor.u32 $0x800, v35;
	v36 =	vsel vm3, v61, v36;
	v47 =	vadd.s32 $0x400, v40  }
0x195: {  	v60 =	vld.idx.msk [tilespmem:v51+s6+$0x0], $0xffff;
	v61 =	vor.u32 $0x2000, v53;
	v54 =	vand.u32 $0xFFFFFF8F, v44;
	v51 =	vor.u32 $0x800, v36  }
0x196: {  	v45 =	vsel vm2, v3, v2;
	v48 =	vsel vm1, v61, v53;
	v62 =	vand.u32 $0xFFFFFF8F, v51  }
0x197: {  	v41 =	vld.idx.msk [tilespmem:v58+s6+$0x0], $0xffff;
	v63 =	vor.u32 $0x2000, v45;
	vm1 =	vlt.f32 v55, v15;
	v56 =	vor.u32 $0x1000, v48  }
0x198: {  	v37 =	vsub.f32 v42, v37;
	v45 =	vsel vm1, v63, v45;
	v58 =	vand.u32 $0x7000, v56  }
0x199: {  	v42 =	vor.u32 $0x1000, v45;
	vm1 =	vlt.f32 v43, v13;
	v43 =	vor.u32 v2, v58;
	v59 =	vld.idx.msk [tilespmem:v47+s6+$0x0], $0xffff  }
0x19a: {  	vm2 =	vlt.f32 v60, v12;
	v60 =	vand.u32 $0x7000, v42;
	v54 =	vld.idx.msk [tilespmem:v54+s6+$0x0], $0xffff;
	v39 =	vsel vm1, v46, v39  }
0x19b: {  	v49 =	vsel vm2, v52, v49;
	v46 =	vor.u32 v2, v60;
	v52 =	vor.u32 $0x800, v39;
	v53 =	vld.idx.msk [tilespmem:v62+s6+$0x0], $0xffff  }
0x19c: {  	v34 =	vmin.u32 v34, v5;
	vm1 =	vlt.f32 v41, v11;
	v61 =	vand.u32 $0xFFFFFF8F, v52  }
0x19d: {  	v38 =	vmax.u32 v38, v4;
	v25 =	vsel vm1, v25, v50;
	v50 =	vor.u32 $0x800, v49  }
0x19e: {  	v62 =	vand.u32 $0xFFFFFF8F, v50;
	v63 =	vor.u32 $0x800, v25;
	v43 =	vld.idx.msk [tilespmem:v43+s6+$0x0], $0xffff;
	vm2 =	vlt.f32 v59, v14  }
0x19f: {  	v58 =	vld.idx.msk [tilespmem:v33+s6+$0x0], $0xffff;
	vm3 =	vlt.f32 v54, v17;
	v59 =	vand.u32 $0xFFFFFF8F, v63;
	v40 =	vsel vm2, v47, v40  }
0x1a0: {  	v46 =	vld.idx.msk [tilespmem:v46+s6+$0x0], $0xffff;
	v35 =	vsel vm3, v44, v35;
	vm3 =	vlt.f32 v53, v18;
	v53 =	vadd.s32 $0x200, v40  }
0x1a1: {  	v38 =	vmin.u32 v38, v5;
	v41 =	vld.idx.msk [tilespmem:v61+s6+$0x0], $0xffff  }
0x1a2: {  	vm4 =	vle.f32 v23, v9;
	v54 =	vld.idx.msk [tilespmem:v34+s6+$0x0], $0xffff;
	v36 =	vsel vm3, v51, v36;
	v51 =	vadd.s32 $0x20, v28  }
0x1a3: {  	v37 =	vsel vm5, $0x0, v37;
	v55 =	vld.idx.msk [tilespmem:v62+s6+$0x0], $0xffff;
	vm9 =	vlt.f32 v43, v16;
	v43 =	vadd.s32 $0x400, v36  }
0x1a4: {  	vm7 =	vge.f32 v23, v10;
	v37 =	vsel vm8, $0x3F800000, v37;
	vm10 =	vlt.f32 v58, v21;
	v44 =	vld.idx.msk [tilespmem:v59+s6+$0x0], $0xffff  }
0x1a5: {  	v26 =	vsel vm0, v27, v26;
	[tilespmem:s28+$0x10] =	vst v37;
	v32 =	vsel vm10, v33, v32;
	v37 =	vadd.s32 $0x400, v35;
	v60 =	vld.idx.msk [tilespmem:v53+s6+$0x0], $0xffff  }
0x1a6: {  	v61 =	vld.idx.msk [tilespmem:v38+s6+$0x0], $0xffff;
	v47 =	vsel vm9, v56, v48;
	vm8 =	vlt.f32 v46, v15;
	vm9 =	vlt.f32 v41, v13  }
0x1a7: {  	v42 =	vsel vm8, v42, v45;
	v45 =	vor.u32 $0x800, v47;
	v56 =	vld.idx.msk [tilespmem:v51+s6+$0x0], $0xffff;
	v39 =	vsel vm9, v52, v39  }
0x1a8: {  	vm8 =	vlt.f32 v55, v12;
	v55 =	vor.u32 $0x800, v42;
	v46 =	vadd.s32 $0x400, v39;
	v52 =	vld.idx.msk [tilespmem:v43+s6+$0x0], $0xffff  }
0x1a9: {  	v62 =	vand.u32 $0xFFFFFF8F, v45;
	v49 =	vsel vm8, v50, v49;
	v50 =	vld.idx.msk [tilespmem:v38+s19+$0x0], $0xffff;
	vm8 =	vlt.f32 v44, v11  }
0x1aa: {  	v25 =	vsel vm8, v63, v25;
	v63 =	vand.u32 $0xFFFFFF8F, v55;
	vm8 =	vlt.f32 v60, v14;
	v60 =	vld.idx.msk [tilespmem:v37+s6+$0x0], $0xffff  }
0x1ab: {  	vm10 =	vge.f32 v24, v10;
	v38 =	vld.idx.msk [tilespmem:v38+s18+$0x0], $0xffff;
	v40 =	vsel vm8, v53, v40;
	v53 =	vadd.s32 $0x400, v49  }
0x1ac: {  	v41 =	vsub.f32 v24, v61;
	vm8 =	vlt.f32 v56, v19;
	v56 =	vadd.s32 $0x400, v25  }
0x1ad: {  	v23 =	vsub.f32 v23, v54;
	v61 =	vld.idx.msk [tilespmem:v46+s6+$0x0], $0xffff;
	vm9 =	vlt.f32 v52, v18;
	v52 =	vadd.s32 $0x100, v40  }
0x1ae: {  	v44 =	vld.idx.msk [tilespmem:v62+s6+$0x0], $0xffff;
	v41 =	vmul.f32 v50, v41;
	v50 =	vadd.s32 $0x10, v32;
	v36 =	vsel vm9, v43, v36  }
0x1af: {  	vm9 =	vlt.f32 v31, v20;
	v31 =	vld.idx.msk [tilespmem:v63+s6+$0x0], $0xffff;
	v43 =	vadd.s32 $0x200, v36;
	vm11 =	vlt.f32 v60, v17  }
0x1b0: {  	v29 =	vsel vm9, v30, v29;
	v30 =	vsub.f32 v38, v41;
	v35 =	vsel vm11, v37, v35;
	v62 =	vld.idx.msk [tilespmem:v53+s6+$0x0], $0xffff  }
0x1b1: {  	vm9 =	vle.f32 v24, v9;
	v24 =	vmax.u32 v29, v4;
	v63 =	vld.idx.msk [tilespmem:v56+s6+$0x0], $0xffff;
	v29 =	vadd.s32 $0x200, v35  }
0x1b2: {  	v41 =	vmin.u32 v24, v5;
	v24 =	vsel vm9, $0x0, v30;
	vm9 =	vlt.f32 v61, v13;
	v30 =	vld.idx.msk [tilespmem:v52+s6+$0x0], $0xffff  }
0x1b3: {  	v58 =	vld.idx.msk [tilespmem:v34+s19+$0x0], $0xffff;
	v24 =	vsel vm10, $0x3F800000, v24;
	vm10 =	vlt.f32 v44, v16;
	v39 =	vsel vm9, v46, v39  }
0x1b4: {  	v44 =	vsel vm10, v45, v47;
	vm9 =	vlt.f32 v31, v15;
	v31 =	vadd.s32 $0x200, v39;
	v57 =	vld.idx.msk [tilespmem:v43+s6+$0x0], $0xffff  }
0x1b5: {  	v47 =	vadd.s32 $0x400, v44;
	v42 =	vsel vm9, v55, v42;
	vm9 =	vlt.f32 v62, v12  }
0x1b6: {  	v60 =	vadd.s32 $0x400, v42;
	v59 =	vld.idx.msk [tilespmem:v29+s6+$0x0], $0xffff;
	v49 =	vsel vm9, v53, v49;
	vm9 =	vlt.f32 v63, v11  }
0x1b7: {  	v34 =	vld.idx.msk [tilespmem:v34+s18+$0x0], $0xffff;
	v25 =	vsel vm9, v56, v25;
	v61 =	vadd.s32 $0x200, v49;
	vm9 =	vlt.f32 v30, v14  }
0x1b8: {  	v46 =	vmul.f32 v58, v23;
	v58 =	vld.idx.msk [tilespmem:v50+s6+$0x0], $0xffff;
	v33 =	vadd.s32 $0x200, v25;
	v40 =	vsel vm9, v52, v40  }
0x1b9: {  	v26 =	vmax.u32 v26, v4;
	v27 =	vld.idx.msk [tilespmem:v31+s6+$0x0], $0xffff;
	vm0 =	vlt.f32 v57, v18;
	v45 =	vadd.s32 $0x80, v40  }
0x1ba: {  	vm4 =	vmmov vm4;
	v26 =	vmin.u32 v26, v5;
	v62 =	vld.idx.msk [tilespmem:v47+s6+$0x0], $0xffff;
	v36 =	vsel vm0, v43, v36  }
0x1bb: {  	v23 =	vsel vm8, v51, v28;
	v28 =	vld.idx.msk [tilespmem:v60+s6+$0x0], $0xffff;
	v37 =	vadd.s32 $0x100, v36;
	vm0 =	vlt.f32 v59, v17  }
0x1bc: {  	[tilespmem:s28+$0x20] =	vst v24;
	v24 =	vadd.s32 $0x10, v23;
	v34 =	vsub.f32 v34, v46;
	v29 =	vsel vm0, v29, v35;
	v63 =	vld.idx.msk [tilespmem:v61+s6+$0x0], $0xffff  }
0x1bd: {  	vm5 =	vle.f32 v19, v9;
	vm6 =	vle.f32 v21, v9;
	v56 =	vadd.s32 $0x100, v29;
	v57 =	vld.idx.msk [tilespmem:v33+s6+$0x0], $0xffff  }
0x1be: {  	v34 =	vsel vm4, $0x0, v34;
	vm0 =	vmmov vm7;
	vm4 =	vlt.f32 v27, v13;
	v27 =	vld.idx.msk [tilespmem:v45+s6+$0x0], $0xffff  }
0x1bf: {  	v30 =	vld.idx.msk [tilespmem:v41+s6+$0x0], $0xffff;
	v34 =	vsel vm0, $0x3F800000, v34;
	vm0 =	vlt.f32 v62, v16;
	v31 =	vsel vm4, v31, v39  }
0x1c0: {  	v39 =	vsel vm0, v47, v44;
	vm0 =	vlt.f32 v28, v15;
	v28 =	vadd.s32 $0x100, v31;
	v59 =	vld.idx.msk [tilespmem:v37+s6+$0x0], $0xffff  }
0x1c1: {  	v47 =	vld.idx.msk [tilespmem:v24+s6+$0x0], $0xffff;
	v52 =	vadd.s32 $0x200, v39;
	v42 =	vsel vm0, v60, v42;
	vm0 =	vlt.f32 v63, v12  }
0x1c2: {  	v48 =	vadd.s32 $0x200, v42;
	v60 =	vld.idx.msk [tilespmem:v56+s6+$0x0], $0xffff;
	v38 =	vsel vm0, v61, v49;
	vm0 =	vlt.f32 v57, v11  }
0x1c3: {  	[tilespmem:s28+$0xFFFFFFC0] =	vst v34;
	v61 =	vld.idx.msk [tilespmem:v41+s19+$0x0], $0xffff;
	v25 =	vsel vm0, v33, v25;
	v33 =	vadd.s32 $0x100, v38;
	vm0 =	vlt.f32 v27, v14  }
0x1c4: {  	vm1 =	vle.f32 v22, v9;
	v27 =	vld.idx.msk [tilespmem:v26+s6+$0x0], $0xffff;
	v34 =	vadd.s32 $0x100, v25;
	v40 =	vsel vm0, v45, v40  }
0x1c5: {  	vm2 =	vge.f32 v22, v10;
	v62 =	vld.idx.msk [tilespmem:v28+s6+$0x0], $0xffff;
	vm0 =	vlt.f32 v59, v18;
	v44 =	vadd.s32 $0x40, v40  }
0x1c6: {  	vm3 =	vge.f32 v21, v10;
	vm8 =	vmmov vm1;
	v63 =	vld.idx.msk [tilespmem:v52+s6+$0x0], $0xffff;
	v36 =	vsel vm0, v37, v36  }
0x1c7: {  	vm9 =	vmmov vm2;
	v54 =	vld.idx.msk [tilespmem:v48+s6+$0x0], $0xffff;
	v55 =	vadd.s32 $0x80, v36;
	vm1 =	vlt.f32 v60, v17  }
0x1c8: {  	v30 =	vsub.f32 v20, v30;
	vm4 =	vlt.f32 v58, v21;
	v29 =	vsel vm1, v56, v29;
	v56 =	vld.idx.msk [tilespmem:v33+s6+$0x0], $0xffff  }
0x1c9: {  	vm2 =	vmmov vm6;
	v32 =	vsel vm4, v50, v32;
	vm0 =	vmmov vm5;
	v58 =	vld.idx.msk [tilespmem:v34+s6+$0x0], $0xffff  }
0x1ca: {  	v30 =	vmul.f32 v61, v30;
	v57 =	vadd.s32 $0x80, v29;
	vm4 =	vlt.f32 v62, v13;
	v59 =	vld.idx.msk [tilespmem:v44+s6+$0x0], $0xffff  }
0x1cb: {  	v60 =	vld.idx.msk [tilespmem:v26+s19+$0x0], $0xffff;
	v22 =	vsub.f32 v22, v27;
	vm5 =	vlt.f32 v63, v16;
	v27 =	vsel vm4, v28, v31  }
0x1cc: {  	v28 =	vsel vm5, v52, v39;
	vm4 =	vlt.f32 v54, v15;
	v31 =	vadd.s32 $0x80, v27;
	v61 =	vld.idx.msk [tilespmem:v55+s6+$0x0], $0xffff  }
0x1cd: {  	v26 =	vld.idx.msk [tilespmem:v26+s18+$0x0], $0xffff;
	v39 =	vadd.s32 $0x100, v28;
	v42 =	vsel vm4, v48, v42;
	vm4 =	vlt.f32 v56, v12  }
0x1ce: {  	v63 =	vld.idx.msk [tilespmem:v41+s18+$0x0], $0xffff;
	v48 =	vadd.s32 $0x100, v42;
	v33 =	vsel vm4, v33, v38;
	vm4 =	vlt.f32 v58, v11  }
0x1cf: {  	v62 =	vld.idx.msk [tilespmem:v57+s6+$0x0], $0xffff;
	v25 =	vsel vm4, v34, v25;
	v49 =	vadd.s32 $0x80, v33;
	vm4 =	vlt.f32 v59, v14  }
0x1d0: {  	v22 =	vmul.f32 v60, v22;
	v50 =	vadd.s32 $0x80, v25;
	v40 =	vsel vm4, v44, v40  }
0x1d1: {  	v32 =	vmax.u32 v32, v4;
	v51 =	vld.idx.msk [tilespmem:v31+s6+$0x0], $0xffff;
	vm4 =	vlt.f32 v61, v18;
	v52 =	vadd.s32 $0x20, v40  }
0x1d2: {  	v32 =	vmin.u32 v32, v5;
	v22 =	vsub.f32 v26, v22;
	v26 =	vld.idx.msk [tilespmem:v39+s6+$0x0], $0xffff;
	v35 =	vsel vm4, v55, v36  }
0x1d3: {  	vm6 =	vle.f32 v20, v9;
	vm7 =	vge.f32 v19, v10;
	v53 =	vld.idx.msk [tilespmem:v48+s6+$0x0], $0xffff;
	v54 =	vadd.s32 $0x40, v35  }
0x1d4: {  	v30 =	vsub.f32 v63, v30;
	v22 =	vsel vm8, $0x0, v22;
	vm5 =	vlt.f32 v62, v17;
	v55 =	vld.idx.msk [tilespmem:v49+s6+$0x0], $0xffff  }
0x1d5: {  	vm8 =	vmmov vm7;
	v22 =	vsel vm9, $0x3F800000, v22;
	v29 =	vsel vm5, v57, v29;
	v57 =	vld.idx.msk [tilespmem:v50+s6+$0x0], $0xffff  }
0x1d6: {  	[tilespmem:s28+$0xFFFFFFD0] =	vst v22;
	vm5 =	vge.f32 v20, v10;
	v56 =	vadd.s32 $0x40, v29;
	vm7 =	vlt.f32 v51, v13;
	v20 =	vld.idx.msk [tilespmem:v52+s6+$0x0], $0xffff  }
0x1d7: {  	v22 =	vsel vm6, $0x0, v30;
	v30 =	vld.idx.msk [tilespmem:v32+s6+$0x0], $0xffff;
	vm6 =	vlt.f32 v26, v16;
	v26 =	vsel vm7, v31, v27  }
0x1d8: {  	v27 =	vsel vm6, v39, v28;
	vm6 =	vlt.f32 v53, v15;
	v28 =	vadd.s32 $0x40, v26;
	v31 =	vld.idx.msk [tilespmem:v54+s6+$0x0], $0xffff  }
0x1d9: {  	v58 =	vld.idx.msk [tilespmem:v32+s19+$0x0], $0xffff;
	v39 =	vadd.s32 $0x80, v27;
	v42 =	vsel vm6, v48, v42;
	vm6 =	vlt.f32 v55, v12  }
0x1da: {  	v32 =	vld.idx.msk [tilespmem:v32+s18+$0x0], $0xffff;
	v60 =	vadd.s32 $0x80, v42;
	v33 =	vsel vm6, v49, v33;
	vm6 =	vlt.f32 v57, v11  }
0x1db: {  	v59 =	vld.idx.msk [tilespmem:v56+s6+$0x0], $0xffff;
	v25 =	vsel vm6, v50, v25;
	v34 =	vadd.s32 $0x40, v33;
	vm6 =	vlt.f32 v20, v14  }
0x1dc: {  	v20 =	vsub.f32 v21, v30;
	v21 =	vadd.s32 $0x40, v25;
	v30 =	vsel vm6, v52, v40  }
0x1dd: {  	vm6 =	vlt.f32 v47, v19;
	v61 =	vld.idx.msk [tilespmem:v28+s6+$0x0], $0xffff;
	vm7 =	vlt.f32 v31, v18;
	v31 =	vadd.s32 $0x10, v30  }
0x1de: {  	v23 =	vsel vm6, v24, v23;
	v20 =	vmul.f32 v58, v20;
	v24 =	vld.idx.msk [tilespmem:v39+s6+$0x0], $0xffff;
	v35 =	vsel vm7, v54, v35  }
0x1df: {  	vm3 =	vmmov vm3;
	v23 =	vmax.u32 v23, v4;
	v62 =	vld.idx.msk [tilespmem:v60+s6+$0x0], $0xffff;
	v63 =	vadd.s32 $0x20, v35  }
0x1e0: {  	vm6 =	vlt.f32 v59, v17;
	v23 =	vmin.u32 v23, v5;
	v20 =	vsub.f32 v32, v20  }
0x1e1: {  	vm11 =	vge.f32 v15, v10;
	v46 =	vsel vm5, $0x3F800000, v22;
	v29 =	vsel vm6, v56, v29;
	v45 =	vld.idx.msk [tilespmem:v34+s6+$0x0], $0xffff  }
0x1e2: {  	v22 =	vadd.s32 $0x20, v29;
	v47 =	vld.idx.msk [tilespmem:v21+s6+$0x0], $0xffff;
	v20 =	vsel vm2, $0x0, v20;
	vm2 =	vlt.f32 v61, v13  }
0x1e3: {  	v48 =	vld.idx.msk [tilespmem:v31+s6+$0x0], $0xffff;
	v20 =	vsel vm3, $0x3F800000, v20;
	vm3 =	vlt.f32 v24, v16;
	v24 =	vsel vm2, v28, v26  }
0x1e4: {  	[tilespmem:s28+$0xFFFFFFE0] =	vst v20;
	v20 =	vsel vm3, v39, v27;
	vm3 =	vlt.f32 v62, v15;
	v26 =	vadd.s32 $0x20, v24;
	v27 =	vld.idx.msk [tilespmem:v63+s6+$0x0], $0xffff  }
0x1e5: {  	vm10 =	vle.f32 v15, v9;
	v28 =	vld.idx.msk [tilespmem:v23+s6+$0x0], $0xffff;
	v49 =	vadd.s32 $0x40, v20;
	v50 =	vsel vm3, v60, v42  }
0x1e6: {  	vm1 =	vle.f32 v17, v9;
	vm4 =	vge.f32 v17, v10;
	v53 =	vld.idx.msk [tilespmem:v23+s19+$0x0], $0xffff;
	v52 =	vadd.s32 $0x40, v50  }
0x1e7: {  	vm9 =	vge.f32 v13, v10;
	vm5 =	vle.f32 v13, v9;
	vm6 =	vlt.f32 v45, v12;
	v51 =	vld.idx.msk [tilespmem:v22+s6+$0x0], $0xffff  }
0x1e8: {  	v23 =	vld.idx.msk [tilespmem:v23+s18+$0x0], $0xffff;
	v33 =	vsel vm6, v34, v33;
	vm6 =	vlt.f32 v47, v11;
	vm7 =	vlt.f32 v48, v14  }
0x1e9: {  	v54 =	vsel vm6, v21, v25;
	v55 =	vadd.s32 $0x20, v33;
	v21 =	vsel vm7, v31, v30;
	v25 =	vld.idx.msk [tilespmem:v26+s6+$0x0], $0xffff  }
0x1ea: {  	v56 =	vadd.s32 $0x20, v54;
	vm6 =	vlt.f32 v27, v18;
	v21 =	vmax.u32 v21, v4;
	v30 =	vld.idx.msk [tilespmem:v49+s6+$0x0], $0xffff  }
0x1eb: {  	v35 =	vsel vm6, v63, v35;
	v19 =	vsub.f32 v19, v28;
	v31 =	vmin.u32 v21, v5;
	v28 =	vld.idx.msk [tilespmem:v52+s6+$0x0], $0xffff  }
0x1ec: {  	vm7 =	vmmov vm1;
	v38 =	vadd.s32 $0x10, v35;
	vm6 =	vlt.f32 v51, v17  }
0x1ed: {  	v19 =	vmul.f32 v53, v19;
	v21 =	vsel vm6, v22, v29;
	vm6 =	vmmov vm4  }
0x1ee: {  	v57 =	vld.idx.msk [tilespmem:v55+s6+$0x0], $0xffff;
	vm4 =	vmmov vm9;
	v27 =	vadd.s32 $0x10, v21;
	vm1 =	vlt.f32 v25, v13  }
0x1ef: {  	v58 =	vld.idx.msk [tilespmem:v56+s6+$0x0], $0xffff;
	v29 =	vsub.f32 v23, v19;
	vm9 =	vlt.f32 v30, v16;
	v19 =	vsel vm1, v26, v24  }
0x1f0: {  	v24 =	vld.idx.msk [tilespmem:v31+s6+$0x0], $0xffff;
	v20 =	vsel vm9, v49, v20;
	vm1 =	vlt.f32 v28, v15;
	v22 =	vadd.s32 $0x10, v19  }
0x1f1: {  	vm5 =	vmmov vm5;
	v26 =	vld.idx.msk [tilespmem:v38+s6+$0x0], $0xffff;
	v23 =	vadd.s32 $0x20, v20;
	v25 =	vsel vm1, v52, v50  }
0x1f2: {  	vm2 =	vle.f32 v16, v9;
	vm3 =	vge.f32 v16, v10;
	v59 =	vld.idx.msk [tilespmem:v31+s19+$0x0], $0xffff;
	v28 =	vadd.s32 $0x20, v25  }
0x1f3: {  	vm2 =	vmmov vm2;
	vm3 =	vmmov vm3;
	v29 =	vsel vm0, $0x0, v29;
	v60 =	vld.idx.msk [tilespmem:v27+s6+$0x0], $0xffff  }
0x1f4: {  	vm0 =	vmmov vm10;
	v61 =	vsel vm8, $0x3F800000, v29;
	v29 =	vld.idx.msk [tilespmem:v31+s18+$0x0], $0xffff;
	vm8 =	vlt.f32 v57, v12  }
0x1f5: {  	vm1 =	vmmov vm11;
	v31 =	vsel vm8, v55, v33;
	v62 =	vsub.f32 v14, v24;
	v30 =	vld.idx.msk [tilespmem:v22+s6+$0x0], $0xffff  }
0x1f6: {  	[tilespmem:s28+$0x30] =	vst v46;
	vm9 =	vlt.f32 v58, v11;
	v32 =	vadd.s32 $0x10, v31;
	vm8 =	vlt.f32 v26, v18;
	v33 =	vld.idx.msk [tilespmem:v23+s6+$0x0], $0xffff  }
0x1f7: {  	v24 =	vsel vm9, v56, v54;
	v63 =	vsel vm8, v38, v35;
	v35 =	vmul.f32 v59, v62;
	v34 =	vld.idx.msk [tilespmem:v28+s6+$0x0], $0xffff  }
0x1f8: {  	s30 =	simm.s32 $0x2;
	s31 =	simm.s32 $0x17C40;
	s29 =	sor.u32 s7, s26;
	[tilespmem:s28+$0xFFFFFFF0] =	vst v61;
	v26 =	vadd.s32 $0x10, v24;
	v36 =	vmax.u32 v63, v4;
	vm8 =	vlt.f32 v60, v17  }
.LBB2_11:
0x1f9: {  	v37 =	vld [tilespmem:s31+$0x0];
	s30 =	sadd.s32 $0x2, s30;
	v21 =	vsel vm8, v27, v21;
	v29 =	vsub.f32 v29, v35;
	v35 =	vmin.u32 v36, v5  }
0x1fa: {  	vm8 =	vlt.f32 v30, v13;
	vm9 =	vle.f32 v14, v9;
	v27 =	vld [tilespmem:s31+$0xFFFFFFC0];
	p1 =	slt.u32 s30, $0x7E;
	v30 =	vmax.u32 v21, v4  }
0x1fb: {  	v21 =	vld [tilespmem:s31+$0xFFFFFFD0];
	v36 =	vmin.u32 v30, v5;
	v29 =	vsel vm9, $0x0, v29;
	vm9 =	vge.f32 v14, v10  }
0x1fc: {  	s28 =	sadd.s32 $0x80, s28;
	vm10 =	vlt.f32 v33, v16;
	vm11 =	vlt.f32 v34, v15;
	v33 =	vld.idx.msk [tilespmem:v32+s6+$0x0], $0xffff;
	v14 =	vsel vm9, $0x3F800000, v29  }
0x1fd: {  	v19 =	vsel vm8, v22, v19;
	v23 =	vsel vm10, v23, v20;
	v34 =	vld.idx.msk [tilespmem:v26+s6+$0x0], $0xffff;
	[tilespmem:s28+$0x0] =	vst v14  }
0x1fe: {  	v22 =	vsel vm11, v28, v25;
	v25 =	vmax.u32 v19, v4;
	vm8 =	vlt.f32 v6, v37;
	v28 =	vld.idx.msk [tilespmem:v35+s6+$0x0], $0xffff  }
0x1ff: {  	v20 =	vld [tilespmem:s31+$0xFFFFFFE0];
	vm9 =	vlt.f32 v6, v27;
	v29 =	vsel vm8, v3, v2;
	v19 =	vsel vm8, v8, v7;
	v14 =	vmovc v37  }
0x200: {  	v30 =	vsel vm9, v3, v2;
	vm8 =	vlt.f32 v19, v14;
	v37 =	vor.u32 $0x2000, v29;
	v38 =	vld.idx.msk [tilespmem:v35+s19+$0x0], $0xffff  }
0x201: {  	v39 =	vsel vm9, v8, v7;
	v19 =	vld [tilespmem:s31+$0xFFFFFFF0];
	v40 =	vor.u32 $0x2000, v30;
	v37 =	vsel vm8, v37, v29  }
0x202: {  	vm8 =	vlt.f32 v6, v21;
	vm9 =	vlt.f32 v39, v27;
	v39 =	vor.u32 $0x1000, v37;
	v35 =	vld.idx.msk [tilespmem:v35+s18+$0x0], $0xffff  }
0x203: {  	v41 =	vsel vm8, v3, v2;
	v40 =	vsel vm9, v40, v30;
	v29 =	vand.u32 $0x7000, v39;
	v30 =	vld.idx.msk [tilespmem:v36+s6+$0x0], $0xffff  }
0x204: {  	v42 =	vor.u32 $0x1000, v40;
	v44 =	vsub.f32 v18, v28;
	v43 =	vor.u32 v2, v29;
	v29 =	vld.idx.msk [tilespmem:v36+s19+$0x0], $0xffff  }
0x205: {  	v45 =	vsel vm8, v8, v7;
	vm8 =	vlt.f32 v33, v12;
	v46 =	vand.u32 $0x7000, v42;
	v28 =	vld.idx.msk [tilespmem:v36+s18+$0x0], $0xffff  }
0x206: {  	v31 =	vsel vm8, v32, v31;
	v33 =	vor.u32 v2, v46;
	v32 =	vmul.f32 v38, v44  }
0x207: {  	vm8 =	vlt.f32 v45, v21;
	v31 =	vmax.u32 v31, v4;
	v36 =	vor.u32 $0x2000, v41  }
0x208: {  	v31 =	vmin.u32 v31, v5;
	v36 =	vsel vm8, v36, v41;
	v32 =	vsub.f32 v35, v32;
	v38 =	vld [tilespmem:s31+$0x10]  }
0x209: {  	vm9 =	vle.f32 v18, v9;
	vm8 =	vlt.f32 v6, v20;
	v35 =	vor.u32 $0x1000, v36;
	v41 =	vld.idx.msk [tilespmem:v43+s6+$0x0], $0xffff  }
0x20a: {  	v43 =	vand.u32 $0x7000, v35;
	v32 =	vsel vm9, $0x0, v32;
	vm9 =	vge.f32 v18, v10  }
0x20b: {  	vm10 =	vlt.f32 v6, v19;
	v43 =	vor.u32 v2, v43;
	v18 =	vsel vm9, $0x3F800000, v32;
	v33 =	vld.idx.msk [tilespmem:v33+s6+$0x0], $0xffff  }
0x20c: {  	v44 =	vsel vm10, v3, v2;
	v45 =	vsel vm8, v8, v7;
	v32 =	vsel vm8, v3, v2;
	v46 =	vld [tilespmem:s31+$0x20];
	[tilespmem:s28+$0x10] =	vst v18  }
0x20d: {  	v47 =	vsel vm10, v8, v7;
	vm8 =	vlt.f32 v45, v20;
	vm9 =	vlt.f32 v6, v38;
	v45 =	vld.idx.msk [tilespmem:v31+s6+$0x0], $0xffff  }
0x20e: {  	v48 =	vor.u32 $0x2000, v32;
	v18 =	vmovc v38;
	v49 =	vld [tilespmem:s31+$0x30];
	v50 =	vsel vm9, v3, v2;
	v51 =	vsel vm9, v8, v7  }
0x20f: {  	vm11 =	vlt.f32 v41, v14;
	vm10 =	vlt.f32 v51, v18;
	v38 =	vor.u32 $0x2000, v50;
	v41 =	vld.idx.msk [tilespmem:v31+s19+$0x0], $0xffff  }
0x210: {  	vm9 =	vlt.f32 v47, v19;
	v37 =	vsel vm11, v39, v37;
	v43 =	vld.idx.msk [tilespmem:v43+s6+$0x0], $0xffff;
	v38 =	vsel vm10, v38, v50  }
0x211: {  	vm10 =	vlt.f32 v33, v27;
	v39 =	vor.u32 $0x800, v37;
	v33 =	vor.u32 $0x1000, v38;
	v31 =	vld.idx.msk [tilespmem:v31+s18+$0x0], $0xffff  }
0x212: {  	vm11 =	vge.f32 v12, v10;
	v50 =	vand.u32 $0xFFFFFF8F, v39;
	v47 =	vand.u32 $0x7000, v33  }
0x213: {  	vm12 =	vle.f32 v12, v9;
	v45 =	vsub.f32 v12, v45;
	v12 =	vmovc v46;
	v47 =	vor.u32 v2, v47  }
0x214: {  	vm15 =	vlt.f32 v34, v11;
	vm13 =	vlt.f32 v6, v12;
	vm14 =	vlt.f32 v6, v49  }
0x215: {  	v24 =	vsel vm15, v26, v24;
	v34 =	vsel vm13, v3, v2;
	v26 =	vmul.f32 v41, v45  }
0x216: {  	v24 =	vmax.u32 v24, v4;
	v41 =	vsel vm14, v3, v2;
	v45 =	vsel vm13, v8, v7  }
0x217: {  	v24 =	vmin.u32 v24, v5;
	v46 =	vsel vm14, v8, v7;
	v26 =	vsub.f32 v31, v26;
	v50 =	vld.idx.msk [tilespmem:v50+s6+$0x0], $0xffff  }
0x218: {  	vm13 =	vlt.f32 v45, v12;
	vm14 =	vlt.f32 v46, v49;
	v31 =	vor.u32 $0x2000, v34;
	v45 =	vld.idx.msk [tilespmem:v47+s6+$0x0], $0xffff  }
0x219: {  	v31 =	vsel vm13, v31, v34;
	v34 =	vor.u32 $0x2000, v41;
	v26 =	vsel vm12, $0x0, v26  }
0x21a: {  	v34 =	vsel vm14, v34, v41;
	v41 =	vor.u32 $0x1000, v31;
	v26 =	vsel vm11, $0x3F800000, v26  }
0x21b: {  	v40 =	vsel vm10, v42, v40;
	v42 =	vor.u32 $0x1000, v34;
	v46 =	vand.u32 $0x7000, v41;
	[tilespmem:s28+$0x20] =	vst v26  }
0x21c: {  	v46 =	vor.u32 v2, v46;
	v47 =	vand.u32 $0x7000, v42;
	v26 =	vor.u32 $0x800, v40;
	v51 =	vld.idx.msk [tilespmem:v24+s6+$0x0], $0xffff  }
0x21d: {  	v47 =	vor.u32 v2, v47;
	v52 =	vand.u32 $0xFFFFFF8F, v26;
	vm10 =	vlt.f32 v50, v14  }
0x21e: {  	v50 =	vor.u32 $0x2000, v44;
	vm11 =	vlt.f32 v45, v18;
	v37 =	vsel vm10, v39, v37;
	v39 =	vld.idx.msk [tilespmem:v24+s19+$0x0], $0xffff  }
0x21f: {  	v32 =	vsel vm8, v48, v32;
	v33 =	vsel vm11, v33, v38;
	v38 =	vadd.s32 $0x400, v37  }
0x220: {  	vm8 =	vlt.f32 v43, v21;
	v44 =	vsel vm9, v50, v44;
	v43 =	vor.u32 $0x800, v33;
	v24 =	vld.idx.msk [tilespmem:v24+s18+$0x0], $0xffff  }
0x221: {  	v45 =	vor.u32 $0x1000, v32;
	v48 =	vor.u32 $0x1000, v44;
	v50 =	vand.u32 $0xFFFFFF8F, v43;
	v46 =	vld.idx.msk [tilespmem:v46+s6+$0x0], $0xffff  }
0x222: {  	v35 =	vsel vm8, v35, v36;
	v53 =	vand.u32 $0x7000, v45;
	v36 =	vld.idx.msk [tilespmem:v47+s6+$0x0], $0xffff;
	v47 =	vsub.f32 v11, v51  }
0x223: {  	v54 =	vor.u32 $0x800, v35;
	v51 =	vor.u32 v2, v53;
	v53 =	vand.u32 $0x7000, v48;
	v52 =	vld.idx.msk [tilespmem:v52+s6+$0x0], $0xffff  }
0x224: {  	v55 =	vand.u32 $0xFFFFFF8F, v54;
	v53 =	vor.u32 v2, v53;
	v56 =	vld.idx.msk [tilespmem:v38+s6+$0x0], $0xffff;
	v39 =	vmul.f32 v39, v47  }
0x225: {  	v30 =	vsub.f32 v17, v30;
	v17 =	vmovc v27;
	vm13 =	vle.f32 v27, v9;
	vm11 =	vge.f32 v27, v10  }
0x226: {  	v47 =	vadd.s32 $0x10, v23;
	v27 =	vld.idx.msk [tilespmem:v50+s6+$0x0], $0xffff;
	v50 =	vadd.s32 $0x10, v22;
	v24 =	vsub.f32 v24, v39  }
0x227: {  	vm9 =	vle.f32 v11, v9;
	vm10 =	vge.f32 v11, v10;
	v11 =	vmovc v49;
	vm8 =	vlt.f32 v46, v12  }
0x228: {  	v31 =	vsel vm8, v41, v31;
	vm8 =	vlt.f32 v36, v11;
	v39 =	vld.idx.msk [tilespmem:v51+s6+$0x0], $0xffff;
	v24 =	vsel vm9, $0x0, v24  }
0x229: {  	v34 =	vsel vm8, v42, v34;
	v41 =	vor.u32 $0x800, v31;
	v36 =	vld.idx.msk [tilespmem:v53+s6+$0x0], $0xffff;
	v24 =	vsel vm10, $0x3F800000, v24  }
0x22a: {  	v46 =	vor.u32 $0x800, v34;
	v49 =	vand.u32 $0xFFFFFF8F, v41;
	vm8 =	vlt.f32 v56, v14;
	v42 =	vld.idx.msk [tilespmem:v55+s6+$0x0], $0xffff;
	[tilespmem:s28+$0x30] =	vst v24  }
0x22b: {  	vm9 =	vlt.f32 v52, v17;
	v24 =	vand.u32 $0xFFFFFF8F, v46;
	v37 =	vsel vm8, v38, v37;
	v38 =	vld.idx.msk [tilespmem:v47+s6+$0x0], $0xffff  }
0x22c: {  	v26 =	vsel vm9, v26, v40;
	vm8 =	vlt.f32 v27, v18;
	v27 =	vadd.s32 $0x200, v37;
	v40 =	vld.idx.msk [tilespmem:v50+s6+$0x0], $0xffff  }
0x22d: {  	v29 =	vmul.f32 v29, v30;
	v51 =	vadd.s32 $0x400, v26;
	v33 =	vsel vm8, v43, v33  }
0x22e: {  	v25 =	vmin.u32 v25, v5;
	vm8 =	vlt.f32 v39, v20;
	v30 =	vadd.s32 $0x400, v33  }
0x22f: {  	v28 =	vsub.f32 v28, v29;
	v32 =	vsel vm8, v45, v32;
	vm8 =	vlt.f32 v36, v19;
	v36 =	vld.idx.msk [tilespmem:v49+s6+$0x0], $0xffff  }
0x230: {  	v29 =	vsel vm8, v48, v44;
	v39 =	vor.u32 $0x800, v32;
	vm8 =	vlt.f32 v42, v21;
	v24 =	vld.idx.msk [tilespmem:v24+s6+$0x0], $0xffff  }
0x231: {  	v42 =	vor.u32 $0x800, v29;
	v43 =	vand.u32 $0xFFFFFF8F, v39;
	v35 =	vsel vm8, v54, v35;
	v44 =	vld.idx.msk [tilespmem:v27+s6+$0x0], $0xffff  }
0x232: {  	v28 =	vsel vm7, $0x0, v28;
	v45 =	vand.u32 $0xFFFFFF8F, v42;
	v48 =	vadd.s32 $0x400, v35;
	v49 =	vld.idx.msk [tilespmem:v51+s6+$0x0], $0xffff  }
0x233: {  	v28 =	vsel vm6, $0x3F800000, v28;
	vm14 =	vle.f32 v21, v9;
	vm7 =	vlt.f32 v38, v16;
	v52 =	vld.idx.msk [tilespmem:v30+s6+$0x0], $0xffff  }
0x234: {  	vm15 =	vge.f32 v21, v10;
	v23 =	vsel vm7, v47, v23;
	vm6 =	vlt.f32 v40, v15;
	[tilespmem:s28+$0xFFFFFFC0] =	vst v28  }
0x235: {  	vm10 =	vle.f32 v20, v9;
	v23 =	vmax.u32 v23, v4;
	vm7 =	vlt.f32 v36, v12;
	v28 =	vld.idx.msk [tilespmem:v25+s6+$0x0], $0xffff  }
0x236: {  	v23 =	vmin.u32 v23, v5;
	v31 =	vsel vm7, v41, v31;
	vm7 =	vlt.f32 v24, v11;
	v36 =	vld.idx.msk [tilespmem:v43+s6+$0x0], $0xffff  }
0x237: {  	v34 =	vsel vm7, v46, v34;
	v38 =	vadd.s32 $0x400, v31;
	vm7 =	vlt.f32 v44, v14;
	v24 =	vld.idx.msk [tilespmem:v48+s6+$0x0], $0xffff  }
0x238: {  	vm8 =	vlt.f32 v49, v17;
	v41 =	vadd.s32 $0x400, v34;
	v27 =	vsel vm7, v27, v37;
	v40 =	vld.idx.msk [tilespmem:v45+s6+$0x0], $0xffff  }
0x239: {  	v26 =	vsel vm8, v51, v26;
	vm7 =	vlt.f32 v52, v18;
	v37 =	vadd.s32 $0x100, v27;
	v43 =	vld.idx.msk [tilespmem:v25+s19+$0x0], $0xffff  }
0x23a: {  	v22 =	vsel vm6, v50, v22;
	v44 =	vadd.s32 $0x200, v26;
	v30 =	vsel vm7, v30, v33;
	v25 =	vld.idx.msk [tilespmem:v25+s18+$0x0], $0xffff  }
0x23b: {  	vm12 =	vge.f32 v20, v10;
	v33 =	vadd.s32 $0x200, v30;
	v28 =	vsub.f32 v13, v28;
	v13 =	vmovc v21  }
0x23c: {  	vm8 =	vle.f32 v19, v9;
	v21 =	vmax.u32 v22, v4;
	vm6 =	vlt.f32 v36, v20;
	v36 =	vld.idx.msk [tilespmem:v38+s6+$0x0], $0xffff  }
0x23d: {  	v21 =	vmin.u32 v21, v5;
	v22 =	vsel vm6, v39, v32;
	vm6 =	vlt.f32 v24, v13;
	v24 =	vld.idx.msk [tilespmem:v41+s6+$0x0], $0xffff  }
0x23e: {  	vm7 =	vlt.f32 v40, v19;
	v32 =	vadd.s32 $0x400, v22;
	v35 =	vsel vm6, v48, v35;
	v39 =	vld.idx.msk [tilespmem:v37+s6+$0x0], $0xffff  }
0x23f: {  	v29 =	vsel vm7, v42, v29;
	v40 =	vadd.s32 $0x200, v35;
	v28 =	vmul.f32 v43, v28;
	v42 =	vld.idx.msk [tilespmem:v44+s6+$0x0], $0xffff  }
0x240: {  	vm9 =	vge.f32 v19, v10;
	vm7 =	vmmov vm13;
	v43 =	vadd.s32 $0x400, v29;
	v45 =	vld.idx.msk [tilespmem:v33+s6+$0x0], $0xffff  }
0x241: {  	vm6 =	vmmov vm11;
	v25 =	vsub.f32 v25, v28  }
0x242: {  	vm11 =	vlt.f32 v36, v12  }
0x243: {  	v31 =	vsel vm11, v38, v31;
	vm11 =	vlt.f32 v24, v11;
	v24 =	vsel vm5, $0x0, v25;
	v28 =	vld.idx.msk [tilespmem:v32+s6+$0x0], $0xffff  }
0x244: {  	v34 =	vsel vm11, v41, v34;
	v36 =	vadd.s32 $0x200, v31;
	vm5 =	vlt.f32 v39, v14;
	v25 =	vld.idx.msk [tilespmem:v40+s6+$0x0], $0xffff  }
0x245: {  	vm11 =	vlt.f32 v42, v17;
	v39 =	vadd.s32 $0x200, v34;
	v27 =	vsel vm5, v37, v27;
	v38 =	vld.idx.msk [tilespmem:v43+s6+$0x0], $0xffff  }
0x246: {  	v26 =	vsel vm11, v44, v26;
	vm5 =	vlt.f32 v45, v18;
	v37 =	vadd.s32 $0x80, v27  }
0x247: {  	v24 =	vsel vm4, $0x3F800000, v24;
	v41 =	vadd.s32 $0x100, v26;
	v30 =	vsel vm5, v33, v30  }
0x248: {  	vm4 =	vmmov vm15;
	vm5 =	vmmov vm14;
	v33 =	vadd.s32 $0x100, v30;
	[tilespmem:s28+$0xFFFFFFD0] =	vst v24  }
0x249: {  	vm11 =	vlt.f32 v28, v20;
	v24 =	vld.idx.msk [tilespmem:v36+s6+$0x0], $0xffff  }
0x24a: {  	v22 =	vsel vm11, v32, v22;
	vm11 =	vlt.f32 v25, v13;
	v25 =	vld.idx.msk [tilespmem:v39+s6+$0x0], $0xffff  }
0x24b: {  	vm13 =	vlt.f32 v38, v19;
	v28 =	vadd.s32 $0x200, v22;
	v32 =	vsel vm11, v40, v35;
	v35 =	vld.idx.msk [tilespmem:v37+s6+$0x0], $0xffff  }
0x24c: {  	v29 =	vsel vm13, v43, v29;
	v38 =	vadd.s32 $0x100, v32;
	v40 =	vld.idx.msk [tilespmem:v41+s6+$0x0], $0xffff  }
0x24d: {  	v42 =	vadd.s32 $0x200, v29;
	v43 =	vld.idx.msk [tilespmem:v33+s6+$0x0], $0xffff  }
0x24e: {  	v44 =	vld.idx.msk [tilespmem:v23+s6+$0x0], $0xffff  }
0x24f: {  	vm11 =	vlt.f32 v24, v12;
	v24 =	vld.idx.msk [tilespmem:v23+s19+$0x0], $0xffff  }
0x250: {  	v31 =	vsel vm11, v36, v31;
	vm11 =	vlt.f32 v25, v11;
	v45 =	vld.idx.msk [tilespmem:v28+s6+$0x0], $0xffff  }
0x251: {  	v34 =	vsel vm11, v39, v34;
	v36 =	vadd.s32 $0x100, v31;
	vm11 =	vlt.f32 v35, v14;
	v25 =	vld.idx.msk [tilespmem:v38+s6+$0x0], $0xffff  }
0x252: {  	vm13 =	vlt.f32 v40, v17;
	v39 =	vadd.s32 $0x100, v34;
	v27 =	vsel vm11, v37, v27;
	v35 =	vld.idx.msk [tilespmem:v42+s6+$0x0], $0xffff  }
0x253: {  	v26 =	vsel vm13, v41, v26;
	vm11 =	vlt.f32 v43, v18;
	v37 =	vadd.s32 $0x40, v27;
	v23 =	vld.idx.msk [tilespmem:v23+s18+$0x0], $0xffff  }
0x254: {  	v40 =	vadd.s32 $0x80, v26;
	v30 =	vsel vm11, v33, v30;
	v33 =	vsub.f32 v16, v44;
	v16 =	vmovc v20  }
0x255: {  	v20 =	vadd.s32 $0x80, v30  }
0x256: {  	vm11 =	vlt.f32 v45, v16;
	v24 =	vmul.f32 v24, v33;
	v41 =	vld.idx.msk [tilespmem:v36+s6+$0x0], $0xffff  }
0x257: {  	v22 =	vsel vm11, v28, v22;
	vm11 =	vlt.f32 v25, v13;
	v25 =	vld.idx.msk [tilespmem:v39+s6+$0x0], $0xffff  }
0x258: {  	vm13 =	vlt.f32 v35, v19;
	v28 =	vadd.s32 $0x100, v22;
	v32 =	vsel vm11, v38, v32;
	v33 =	vld.idx.msk [tilespmem:v37+s6+$0x0], $0xffff  }
0x259: {  	v29 =	vsel vm13, v42, v29;
	v35 =	vadd.s32 $0x80, v32;
	v23 =	vsub.f32 v23, v24;
	v38 =	vld.idx.msk [tilespmem:v40+s6+$0x0], $0xffff  }
0x25a: {  	v24 =	vadd.s32 $0x100, v29;
	v42 =	vld.idx.msk [tilespmem:v20+s6+$0x0], $0xffff  }
0x25b: {  	v23 =	vsel vm2, $0x0, v23;
	vm2 =	vmmov vm10  }
0x25c: {  	vm10 =	vlt.f32 v41, v12;
	v23 =	vsel vm3, $0x3F800000, v23;
	vm3 =	vmmov vm12  }
0x25d: {  	v31 =	vsel vm10, v36, v31;
	vm10 =	vlt.f32 v25, v11;
	v41 =	vld.idx.msk [tilespmem:v28+s6+$0x0], $0xffff;
	[tilespmem:s28+$0xFFFFFFE0] =	vst v23  }
0x25e: {  	v25 =	vsel vm10, v39, v34;
	v34 =	vadd.s32 $0x80, v31;
	vm10 =	vlt.f32 v33, v14;
	v23 =	vld.idx.msk [tilespmem:v35+s6+$0x0], $0xffff  }
0x25f: {  	vm11 =	vlt.f32 v38, v17;
	v36 =	vadd.s32 $0x80, v25;
	v27 =	vsel vm10, v37, v27;
	v33 =	vld.idx.msk [tilespmem:v24+s6+$0x0], $0xffff  }
0x260: {  	v26 =	vsel vm11, v40, v26;
	vm10 =	vlt.f32 v42, v18;
	v37 =	vadd.s32 $0x20, v27;
	v38 =	vld.idx.msk [tilespmem:v21+s6+$0x0], $0xffff  }
0x261: {  	v39 =	vadd.s32 $0x40, v26;
	v20 =	vsel vm10, v20, v30;
	v30 =	vld.idx.msk [tilespmem:v21+s19+$0x0], $0xffff  }
0x262: {  	v40 =	vadd.s32 $0x40, v20;
	v21 =	vld.idx.msk [tilespmem:v21+s18+$0x0], $0xffff  }
0x263: {  	vm10 =	vlt.f32 v41, v16;
	v41 =	vld.idx.msk [tilespmem:v34+s6+$0x0], $0xffff  }
0x264: {  	v22 =	vsel vm10, v28, v22;
	vm10 =	vlt.f32 v23, v13;
	v23 =	vld.idx.msk [tilespmem:v36+s6+$0x0], $0xffff  }
0x265: {  	vm11 =	vlt.f32 v33, v19;
	v28 =	vadd.s32 $0x80, v22;
	v32 =	vsel vm10, v35, v32;
	v33 =	vld.idx.msk [tilespmem:v37+s6+$0x0], $0xffff  }
0x266: {  	v24 =	vsel vm11, v24, v29;
	v29 =	vadd.s32 $0x40, v32;
	v38 =	vsub.f32 v15, v38;
	v15 =	vmovc v19;
	v35 =	vld.idx.msk [tilespmem:v39+s6+$0x0], $0xffff  }
0x267: {  	v19 =	vadd.s32 $0x80, v24;
	v42 =	vld.idx.msk [tilespmem:v40+s6+$0x0], $0xffff  }
0x268: {  	v30 =	vmul.f32 v30, v38  }
0x269: {  	vm10 =	vlt.f32 v41, v12  }
0x26a: {  	v31 =	vsel vm10, v34, v31;
	vm10 =	vlt.f32 v23, v11;
	v21 =	vsub.f32 v21, v30;
	v38 =	vld.idx.msk [tilespmem:v28+s6+$0x0], $0xffff  }
0x26b: {  	v25 =	vsel vm10, v36, v25;
	v30 =	vadd.s32 $0x40, v31;
	vm10 =	vlt.f32 v33, v14;
	v23 =	vld.idx.msk [tilespmem:v29+s6+$0x0], $0xffff  }
0x26c: {  	vm11 =	vlt.f32 v35, v17;
	v34 =	vadd.s32 $0x40, v25;
	v27 =	vsel vm10, v37, v27;
	v33 =	vld.idx.msk [tilespmem:v19+s6+$0x0], $0xffff  }
0x26d: {  	v26 =	vsel vm11, v39, v26;
	vm10 =	vlt.f32 v42, v18;
	v35 =	vadd.s32 $0x10, v27  }
0x26e: {  	v21 =	vsel vm0, $0x0, v21;
	v36 =	vadd.s32 $0x20, v26;
	v20 =	vsel vm10, v40, v20  }
0x26f: {  	vm0 =	vmmov vm8;
	v21 =	vsel vm1, $0x3F800000, v21;
	v37 =	vadd.s32 $0x20, v20  }
0x270: {  	vm1 =	vmmov vm9;
	vm8 =	vlt.f32 v38, v16;
	v38 =	vld.idx.msk [tilespmem:v30+s6+$0x0], $0xffff;
	[tilespmem:s28+$0xFFFFFFF0] =	vst v21  }
0x271: {  	v22 =	vsel vm8, v28, v22;
	vm8 =	vlt.f32 v23, v13;
	v21 =	vld.idx.msk [tilespmem:v34+s6+$0x0], $0xffff  }
0x272: {  	vm9 =	vlt.f32 v33, v15;
	v23 =	vadd.s32 $0x40, v22;
	v28 =	vsel vm8, v29, v32;
	v29 =	vld.idx.msk [tilespmem:v35+s6+$0x0], $0xffff  }
0x273: {  	v24 =	vsel vm9, v19, v24;
	v19 =	vadd.s32 $0x20, v28;
	v32 =	vld.idx.msk [tilespmem:v36+s6+$0x0], $0xffff  }
0x274: {  	v33 =	vadd.s32 $0x40, v24;
	v39 =	vld.idx.msk [tilespmem:v37+s6+$0x0], $0xffff;
	_ =	sdelay $0x2  }
0x275: {  	vm8 =	vlt.f32 v38, v12;
	v40 =	vld.idx.msk [tilespmem:v23+s6+$0x0], $0xffff  }
0x276: {  	v31 =	vsel vm8, v30, v31;
	vm8 =	vlt.f32 v21, v11;
	vm9 =	vlt.f32 v29, v14;
	v38 =	vld.idx.msk [tilespmem:v19+s6+$0x0], $0xffff  }
0x277: {  	v41 =	vsel vm8, v34, v25;
	v42 =	vadd.s32 $0x20, v31;
	v21 =	vsel vm9, v35, v27;
	v29 =	vld.idx.msk [tilespmem:v33+s6+$0x0], $0xffff  }
0x278: {  	v35 =	vadd.s32 $0x20, v41;
	vm8 =	vlt.f32 v39, v18;
	v21 =	vmax.u32 v21, v4  }
0x279: {  	vm9 =	vlt.f32 v32, v17;
	v37 =	vsel vm8, v37, v20;
	v30 =	vmin.u32 v21, v5  }
0x27a: {  	v21 =	vsel vm9, v36, v26;
	v26 =	vadd.s32 $0x10, v37  }
0x27b: {  	v27 =	vadd.s32 $0x10, v21;
	vm8 =	vlt.f32 v40, v16  }
0x27c: {  	v20 =	vsel vm8, v23, v22;
	vm8 =	vlt.f32 v38, v13;
	v32 =	vld.idx.msk [tilespmem:v42+s6+$0x0], $0xffff  }
0x27d: {  	vm9 =	vlt.f32 v29, v15;
	v23 =	vadd.s32 $0x20, v20;
	v19 =	vsel vm8, v19, v28;
	v34 =	vld.idx.msk [tilespmem:v35+s6+$0x0], $0xffff  }
0x27e: {  	v25 =	vsel vm9, v33, v24;
	v22 =	vadd.s32 $0x10, v19;
	v24 =	vld.idx.msk [tilespmem:v30+s6+$0x0], $0xffff  }
0x27f: {  	v28 =	vadd.s32 $0x20, v25;
	v36 =	vld.idx.msk [tilespmem:v26+s6+$0x0], $0xffff  }
0x280: {  	v38 =	vld.idx.msk [tilespmem:v30+s19+$0x0], $0xffff  }
0x281: {  	v39 =	vld.idx.msk [tilespmem:v27+s6+$0x0], $0xffff  }
0x282: {  	v29 =	vld.idx.msk [tilespmem:v30+s18+$0x0], $0xffff  }
.Ltmp4:
0x283: {  	v30 =	vld.idx.msk [tilespmem:v22+s6+$0x0], $0xffff;
	(pc) =	sbr.rel @p1 .LBB2_11-.Ltmp4, $4  }
0x284: {  	vm8 =	vlt.f32 v32, v12;
	vm9 =	vlt.f32 v34, v11;
	v40 =	vsub.f32 v14, v24;
	v33 =	vld.idx.msk [tilespmem:v23+s6+$0x0], $0xffff  }
0x285: {  	v31 =	vsel vm8, v42, v31;
	v24 =	vsel vm9, v35, v41;
	vm8 =	vlt.f32 v36, v18;
	v34 =	vld.idx.msk [tilespmem:v28+s6+$0x0], $0xffff  }
0x286: {  	v32 =	vadd.s32 $0x10, v31;
	v36 =	vsel vm8, v26, v37;
	v35 =	vmul.f32 v38, v40  }
0x287: {  	s31 =	sadd.s32 $0x80, s31;
	v26 =	vadd.s32 $0x10, v24;
	vm8 =	vlt.f32 v39, v17;
	v36 =	vmax.u32 v36, v4  }
0x288: {  	v21 =	vsel vm8, v27, v21  }
0x289: {  	v21 =	vmax.u32 v21, v4  }
0x28a: {  	v21 =	vmin.u32 v21, v5;
	_ =	sdelay $0x4  }
0x28b: {  	v61 =	vld.idx.msk [tilespmem:v21+s6+$0x0], $0xffff;
	_ =	sdelay $0x1  }
0x28c: {  	v37 =	vld.idx.msk [tilespmem:v21+s19+$0x0], $0xffff;
	_ =	sdelay $0x1  }
0x28d: {  	vm13 =	vlt.f32 v33, v16;
	v21 =	vld.idx.msk [tilespmem:v21+s18+$0x0], $0xffff  }
0x28e: {  	vm9 =	vlt.f32 v34, v15;
	v20 =	vsel vm13, v23, v20;
	v17 =	vsub.f32 v17, v61  }
0x28f: {  	vm14 =	vlt.f32 v30, v13;
	v62 =	vsel vm9, v28, v25;
	v63 =	vadd.s32 $0x10, v20  }
0x290: {  	v19 =	vsel vm14, v22, v19;
	v38 =	vadd.s32 $0x10, v62;
	v17 =	vmul.f32 v37, v17  }
0x291: {  	v39 =	vsub.f32 v29, v35;
	v40 =	vmin.u32 v36, v5;
	v19 =	vmax.u32 v19, v4  }
0x292: {  	vm15 =	vle.f32 v14, v9;
	v41 =	vld.idx.msk [tilespmem:v32+s6+$0x0], $0xffff;
	v19 =	vmin.u32 v19, v5;
	v17 =	vsub.f32 v21, v17  }
0x293: {  	vm12 =	vge.f32 v14, v10;
	v43 =	vld.idx.msk [tilespmem:v26+s6+$0x0], $0xffff;
	v42 =	vsel vm15, $0x0, v39  }
0x294: {  	s28 =	sadd.s32 $0x80, s28;
	v44 =	vld.idx.msk [tilespmem:v63+s6+$0x0], $0xffff;
	v21 =	vsel vm12, $0x3F800000, v42;
	v17 =	vsel vm7, $0x0, v17  }
0x295: {  	v45 =	vld.idx.msk [tilespmem:v38+s6+$0x0], $0xffff;
	[tilespmem:s28+$0x0] =	vst v21;
	v17 =	vsel vm6, $0x3F800000, v17  }
0x296: {  	v46 =	vld.idx.msk [tilespmem:v40+s6+$0x0], $0xffff;
	[tilespmem:s28+$0xFFFFFFC0] =	vst v17  }
0x297: {  	v17 =	vld.idx.msk [tilespmem:v19+s6+$0x0], $0xffff  }
0x298: {  	v47 =	vld.idx.msk [tilespmem:v40+s19+$0x0], $0xffff  }
0x299: {  	v48 =	vld.idx.msk [tilespmem:v19+s19+$0x0], $0xffff  }
0x29a: {  	v28 =	vld.idx.msk [tilespmem:v40+s18+$0x0], $0xffff  }
0x29b: {  	v19 =	vld.idx.msk [tilespmem:v19+s18+$0x0], $0xffff;
	v30 =	vsub.f32 v18, v46  }
0x29c: {  	vm13 =	vlt.f32 v41, v12;
	v49 =	vsub.f32 v13, v17  }
0x29d: {  	v50 =	vsel vm13, v32, v31;
	vm14 =	vlt.f32 v44, v16;
	v51 =	vmul.f32 v47, v30  }
0x29e: {  	v20 =	vsel vm14, v63, v20;
	v17 =	vmax.u32 v50, v4;
	v13 =	vmul.f32 v48, v49  }
0x29f: {  	v20 =	vmax.u32 v20, v4;
	v52 =	vsub.f32 v28, v51;
	v17 =	vmin.u32 v17, v5  }
0x2a0: {  	vm15 =	vle.f32 v18, v9;
	v20 =	vmin.u32 v20, v5;
	v13 =	vsub.f32 v19, v13  }
0x2a1: {  	vm9 =	vge.f32 v18, v10;
	v53 =	vsel vm15, $0x0, v52  }
0x2a2: {  	v18 =	vsel vm9, $0x3F800000, v53;
	v13 =	vsel vm5, $0x0, v13  }
0x2a3: {  	[tilespmem:s28+$0x10] =	vst v18;
	v13 =	vsel vm4, $0x3F800000, v13  }
0x2a4: {  	v18 =	vld.idx.msk [tilespmem:v17+s6+$0x0], $0xffff;
	[tilespmem:s28+$0xFFFFFFD0] =	vst v13  }
0x2a5: {  	v13 =	vld.idx.msk [tilespmem:v20+s6+$0x0], $0xffff  }
0x2a6: {  	v54 =	vld.idx.msk [tilespmem:v17+s19+$0x0], $0xffff  }
0x2a7: {  	v55 =	vld.idx.msk [tilespmem:v20+s19+$0x0], $0xffff  }
0x2a8: {  	v17 =	vld.idx.msk [tilespmem:v17+s18+$0x0], $0xffff  }
0x2a9: {  	v20 =	vld.idx.msk [tilespmem:v20+s18+$0x0], $0xffff;
	v18 =	vsub.f32 v12, v18  }
0x2aa: {  	vm10 =	vlt.f32 v43, v11;
	v13 =	vsub.f32 v16, v13  }
0x2ab: {  	v14 =	vsel vm10, v26, v24;
	vm11 =	vlt.f32 v45, v15;
	v56 =	vmul.f32 v54, v18  }
0x2ac: {  	v14 =	vmax.u32 v14, v4;
	v57 =	vsel vm11, v38, v62;
	v13 =	vmul.f32 v55, v13  }
0x2ad: {  	v14 =	vmin.u32 v14, v5;
	v58 =	vmax.u32 v57, v4;
	v16 =	vsub.f32 v17, v56  }
0x2ae: {  	vm12 =	vle.f32 v12, v9;
	v17 =	vmin.u32 v58, v5;
	v13 =	vsub.f32 v20, v13  }
0x2af: {  	vm13 =	vge.f32 v12, v10;
	v59 =	vsel vm12, $0x0, v16  }
0x2b0: {  	v12 =	vsel vm13, $0x3F800000, v59;
	v13 =	vsel vm2, $0x0, v13  }
0x2b1: {  	[tilespmem:s28+$0x20] =	vst v12;
	v60 =	vsel vm3, $0x3F800000, v13  }
0x2b2: {  	v61 =	vld.idx.msk [tilespmem:v14+s6+$0x0], $0xffff;
	[tilespmem:s28+$0xFFFFFFE0] =	vst v60  }
0x2b3: {  	v12 =	vld.idx.msk [tilespmem:v17+s6+$0x0], $0xffff  }
0x2b4: {  	v62 =	vld.idx.msk [tilespmem:v14+s19+$0x0], $0xffff  }
0x2b5: {  	v63 =	vld.idx.msk [tilespmem:v17+s19+$0x0], $0xffff  }
0x2b6: {  	v14 =	vld.idx.msk [tilespmem:v14+s18+$0x0], $0xffff  }
0x2b7: {  	v17 =	vld.idx.msk [tilespmem:v17+s18+$0x0], $0xffff;
	v13 =	vsub.f32 v11, v61  }
0x2b8: {  	v12 =	vsub.f32 v15, v12  }
0x2b9: {  	v13 =	vmul.f32 v62, v13  }
0x2ba: {  	v12 =	vmul.f32 v63, v12  }
0x2bb: {  	v13 =	vsub.f32 v14, v13  }
0x2bc: {  	p1 =	sne.s32 s24, $0xF;
	vm14 =	vle.f32 v11, v9;
	v12 =	vsub.f32 v17, v12  }
.Ltmp5:
0x2bd: {  	vm15 =	vge.f32 v11, v10;
	v11 =	vsel vm14, $0x0, v13;
	(pc) =	sbr.rel @p1 .LBB2_14-.Ltmp5, $4  }
0x2be: {  	v11 =	vsel vm15, $0x3F800000, v11;
	v12 =	vsel vm0, $0x0, v12  }
0x2bf: {  	s29 =	sshrl.u32 s29, $0x3;
	[tilespmem:s28+$0x30] =	vst v11;
	v11 =	vsel vm1, $0x3F800000, v12  }
0x2c0: {  	s31 =	sadd.s32 s5, s29;
	[tilespmem:s28+$0xFFFFFFF0] =	vst v11  }
0x2c1: {  	[hbm4b:s31+s6] =	stream.linear.scatter [tilespmem:s14], [sflag:$0x3], $0x2000, $0x38;
	[tilespmem:$0x1FB00] =	vst v63  }
.Ltmp6:
0x2c2: {  	(pc) =	sbr.rel .LBB2_15-.Ltmp6, $4  }
0x2c3: {  	_ = 	snop  }
0x2c4: {  	_ =	swait.ge [sflag:s20], $0x2000  }
0x2c5: {  	[sflag:s20] =	ssyncset.done $0x0  }
0x2c6: {  	[sflag:s20] =	ssyncadd.s32 $0xFFFFE000  }
.LBB2_14:
0x2c7: {  	s26 =	sadd.s32 s26, s10  }
0x2c8: {  	s26 =	sshrl.u32 s26, $0x3  }
.Ltmp7:
0x2c9: {  	s26 =	sadd.s32 s0, s26;
	(pc) =	sbr.rel @p0 .LBB2_16-.Ltmp7, $4  }
0x2ca: {  	[tilespmem:s15], [sflag:$0x1] =	stream.linear.gather [hbm4b:s26+s6], $0x2000, $0x38;
	[tilespmem:$0x1FB00] =	vst v63  }
0x2cb: {  	_ =	swait.ge [sflag:s20], $0x2000  }
0x2cc: {  	[sflag:s20] =	ssyncset.done $0x0  }
0x2cd: {  	[sflag:s20] =	ssyncadd.s32 $0xFFFFE000  }
.LBB2_15:
0x2ce: {  	_ =	swait.ge [sflag:s21], $0x2000  }
0x2cf: {  	[sflag:s21] =	ssyncset.done $0x0  }
0x2d0: {  	[sflag:s21] =	ssyncadd.s32 $0xFFFFE000  }
.LBB2_16:
0x2d1: {  	s26 =	simm.s32 $0x19B40  }
0x2d2: {  	v11 =	vld [tilespmem:s26+$0x0];
	_ =	sdelay $0x4  }
0x2d3: {  	vm0 =	vlt.f32 v6, v11  }
0x2d4: {  	v12 =	vsel vm0, v3, v2;
	v13 =	vsel vm0, v8, v7  }
0x2d5: {  	vm0 =	vlt.f32 v13, v11;
	v13 =	vor.u32 $0x2000, v12  }
0x2d6: {  	v12 =	vsel vm0, v13, v12  }
0x2d7: {  	v13 =	vor.u32 $0x1000, v12  }
0x2d8: {  	v14 =	vand.u32 $0x7000, v13  }
0x2d9: {  	v14 =	vor.u32 v2, v14  }
0x2da: {  	v23 =	vld [tilespmem:s26+$0xFFFFFFC0]  }
0x2db: {  	v25 =	vld [tilespmem:s26+$0x10];
	_ =	sdelay $0x1  }
0x2dc: {  	v22 =	vld [tilespmem:s26+$0xFFFFFFD0]  }
0x2dd: {  	v14 =	vld.idx.msk [tilespmem:v14+s6+$0x0], $0xffff  }
0x2de: {  	vm0 =	vlt.f32 v6, v23  }
0x2df: {  	v20 =	vld [tilespmem:s26+$0x30];
	vm2 =	vlt.f32 v6, v25;
	v15 =	vsel vm0, v3, v2;
	v16 =	vsel vm0, v8, v7  }
0x2e0: {  	v18 =	vsel vm2, v8, v7;
	v17 =	vor.u32 $0x2000, v15;
	vm1 =	vlt.f32 v16, v23  }
0x2e1: {  	vm0 =	vlt.f32 v6, v22;
	v15 =	vsel vm1, v17, v15;
	v17 =	vsel vm2, v3, v2  }
0x2e2: {  	vm1 =	vlt.f32 v18, v25;
	v18 =	vor.u32 $0x2000, v17;
	vm2 =	vlt.f32 v14, v11  }
0x2e3: {  	v24 =	vld [tilespmem:s26+$0x20];
	v16 =	vsel vm0, v3, v2;
	v17 =	vsel vm1, v18, v17;
	v12 =	vsel vm2, v13, v12  }
0x2e4: {  	vm1 =	vlt.f32 v6, v20;
	v18 =	vor.u32 $0x1000, v17;
	v26 =	vor.u32 $0x800, v12  }
0x2e5: {  	v29 =	vsel vm1, v3, v2;
	v21 =	vand.u32 $0x7000, v18;
	v27 =	vand.u32 $0xFFFFFF8F, v26  }
0x2e6: {  	v31 =	vsel vm1, v8, v7;
	v21 =	vor.u32 v2, v21;
	v13 =	vsel vm0, v8, v7  }
0x2e7: {  	v14 =	vor.u32 $0x1000, v15;
	vm0 =	vlt.f32 v13, v22;
	v13 =	vor.u32 $0x2000, v16  }
0x2e8: {  	v19 =	vand.u32 $0x7000, v14;
	v13 =	vsel vm0, v13, v16;
	vm0 =	vlt.f32 v6, v24  }
0x2e9: {  	v28 =	vor.u32 v2, v19;
	v19 =	vsel vm0, v3, v2;
	v30 =	vsel vm0, v8, v7  }
0x2ea: {  	vm1 =	vlt.f32 v31, v20;
	vm0 =	vlt.f32 v30, v24;
	v30 =	vor.u32 $0x2000, v19;
	v27 =	vld.idx.msk [tilespmem:v27+s6+$0x0], $0xffff  }
0x2eb: {  	v31 =	vld.idx.msk [tilespmem:v21+s6+$0x0], $0xffff;
	v16 =	vor.u32 $0x1000, v13;
	v30 =	vsel vm0, v30, v19;
	v19 =	vor.u32 $0x2000, v29  }
0x2ec: {  	v21 =	vand.u32 $0x7000, v16;
	v29 =	vsel vm1, v19, v29;
	v32 =	vor.u32 $0x1000, v30  }
0x2ed: {  	v33 =	vor.u32 v2, v21;
	v34 =	vor.u32 $0x1000, v29;
	v19 =	vand.u32 $0x7000, v32  }
0x2ee: {  	v21 =	vld [tilespmem:s26+$0xFFFFFFE0];
	v35 =	vor.u32 v2, v19;
	v36 =	vand.u32 $0x7000, v34  }
0x2ef: {  	v19 =	vld [tilespmem:s26+$0xFFFFFFF0];
	v36 =	vor.u32 v2, v36;
	vm0 =	vlt.f32 v27, v11  }
0x2f0: {  	vm1 =	vlt.f32 v31, v25;
	v27 =	vld.idx.msk [tilespmem:v28+s6+$0x0], $0xffff;
	v12 =	vsel vm0, v26, v12  }
0x2f1: {  	v17 =	vsel vm1, v18, v17;
	v18 =	vadd.s32 $0x400, v12  }
0x2f2: {  	v28 =	vor.u32 $0x800, v17;
	v26 =	vld.idx.msk [tilespmem:v33+s6+$0x0], $0xffff  }
0x2f3: {  	v31 =	vld.idx.msk [tilespmem:v35+s6+$0x0], $0xffff;
	v50 =	vand.u32 $0xFFFFFF8F, v28  }
0x2f4: {  	v51 =	vld.idx.msk [tilespmem:v36+s6+$0x0], $0xffff  }
0x2f5: {  	vm0 =	vlt.f32 v6, v21;
	vm1 =	vlt.f32 v6, v19;
	vm2 =	vlt.f32 v27, v23  }
0x2f6: {  	v52 =	vsel vm1, v3, v2;
	v37 =	vsel vm0, v8, v7;
	v14 =	vsel vm2, v14, v15;
	v15 =	vld.idx.msk [tilespmem:v18+s6+$0x0], $0xffff  }
0x2f7: {  	v27 =	vsel vm0, v3, v2;
	vm0 =	vlt.f32 v26, v22;
	v38 =	vor.u32 $0x800, v14  }
0x2f8: {  	v13 =	vsel vm0, v16, v13;
	v16 =	vld.idx.msk [tilespmem:v50+s6+$0x0], $0xffff;
	vm0 =	vlt.f32 v31, v24;
	v26 =	vand.u32 $0xFFFFFF8F, v38  }
0x2f9: {  	v31 =	vor.u32 $0x800, v13;
	v30 =	vsel vm0, v32, v30;
	vm0 =	vlt.f32 v51, v20  }
0x2fa: {  	v53 =	vand.u32 $0xFFFFFF8F, v31;
	v29 =	vsel vm0, v34, v29;
	v54 =	vor.u32 $0x800, v30  }
0x2fb: {  	v34 =	vor.u32 $0x800, v29;
	v55 =	vand.u32 $0xFFFFFF8F, v54;
	vm0 =	vlt.f32 v15, v11  }
0x2fc: {  	v39 =	vand.u32 $0xFFFFFF8F, v34;
	v15 =	vsel vm1, v8, v7;
	v12 =	vsel vm0, v18, v12  }
0x2fd: {  	vm1 =	vlt.f32 v16, v25;
	vm0 =	vlt.f32 v37, v21;
	v16 =	vadd.s32 $0x200, v12  }
0x2fe: {  	v18 =	vor.u32 $0x2000, v27;
	vm2 =	vlt.f32 v15, v19;
	v15 =	vld.idx.msk [tilespmem:v26+s6+$0x0], $0xffff;
	v17 =	vsel vm1, v28, v17  }
0x2ff: {  	v26 =	vor.u32 $0x2000, v52;
	v18 =	vsel vm0, v18, v27;
	v27 =	vld.idx.msk [tilespmem:v53+s6+$0x0], $0xffff;
	v28 =	vadd.s32 $0x400, v17  }
0x300: {  	v26 =	vsel vm2, v26, v52;
	v56 =	vor.u32 $0x1000, v18;
	v35 =	vld.idx.msk [tilespmem:v55+s6+$0x0], $0xffff  }
0x301: {  	v36 =	vor.u32 $0x1000, v26;
	v57 =	vand.u32 $0x7000, v56;
	v39 =	vld.idx.msk [tilespmem:v39+s6+$0x0], $0xffff  }
0x302: {  	v40 =	vand.u32 $0x7000, v36;
	v37 =	vor.u32 v2, v57;
	v41 =	vld.idx.msk [tilespmem:v16+s6+$0x0], $0xffff  }
0x303: {  	v40 =	vor.u32 v2, v40;
	vm0 =	vlt.f32 v15, v23  }
0x304: {  	v14 =	vsel vm0, v38, v14;
	vm0 =	vlt.f32 v27, v22;
	v15 =	vld.idx.msk [tilespmem:v28+s6+$0x0], $0xffff  }
0x305: {  	v27 =	vadd.s32 $0x400, v14;
	v13 =	vsel vm0, v31, v13;
	vm0 =	vlt.f32 v35, v24  }
0x306: {  	v31 =	vadd.s32 $0x400, v13;
	v30 =	vsel vm0, v54, v30;
	vm0 =	vlt.f32 v39, v20  }
0x307: {  	v58 =	vld.idx.msk [tilespmem:v37+s6+$0x0], $0xffff;
	v29 =	vsel vm0, v34, v29;
	v59 =	vadd.s32 $0x400, v30;
	vm0 =	vlt.f32 v41, v11  }
0x308: {  	v60 =	vld.idx.msk [tilespmem:v40+s6+$0x0], $0xffff;
	v61 =	vadd.s32 $0x400, v29;
	v12 =	vsel vm0, v16, v12  }
0x309: {  	vm0 =	vlt.f32 v15, v25;
	v15 =	vadd.s32 $0x100, v12  }
0x30a: {  	v16 =	vld.idx.msk [tilespmem:v27+s6+$0x0], $0xffff;
	v17 =	vsel vm0, v28, v17  }
0x30b: {  	v28 =	vld.idx.msk [tilespmem:v31+s6+$0x0], $0xffff;
	v62 =	vadd.s32 $0x200, v17  }
0x30c: {  	vm0 =	vlt.f32 v58, v21;
	v63 =	vld.idx.msk [tilespmem:v59+s6+$0x0], $0xffff  }
0x30d: {  	v18 =	vsel vm0, v56, v18;
	vm0 =	vlt.f32 v60, v19;
	v44 =	vld.idx.msk [tilespmem:v61+s6+$0x0], $0xffff  }
0x30e: {  	v26 =	vsel vm0, v36, v26;
	v45 =	vor.u32 $0x800, v18;
	v46 =	vld.idx.msk [tilespmem:v15+s6+$0x0], $0xffff  }
0x30f: {  	v47 =	vor.u32 $0x800, v26;
	v48 =	vand.u32 $0xFFFFFF8F, v45;
	vm0 =	vlt.f32 v16, v23  }
0x310: {  	v16 =	vand.u32 $0xFFFFFF8F, v47;
	v14 =	vsel vm0, v27, v14;
	vm0 =	vlt.f32 v28, v22;
	v27 =	vld.idx.msk [tilespmem:v62+s6+$0x0], $0xffff  }
0x311: {  	v28 =	vadd.s32 $0x200, v14;
	v13 =	vsel vm0, v31, v13;
	vm0 =	vlt.f32 v63, v24  }
0x312: {  	v31 =	vadd.s32 $0x200, v13;
	v30 =	vsel vm0, v59, v30;
	vm0 =	vlt.f32 v44, v20  }
0x313: {  	v29 =	vsel vm0, v61, v29;
	v49 =	vadd.s32 $0x200, v30;
	vm0 =	vlt.f32 v46, v11  }
0x314: {  	v50 =	vld.idx.msk [tilespmem:v48+s6+$0x0], $0xffff;
	v51 =	vadd.s32 $0x200, v29;
	v12 =	vsel vm0, v15, v12  }
0x315: {  	v15 =	vld.idx.msk [tilespmem:v16+s6+$0x0], $0xffff;
	vm0 =	vlt.f32 v27, v25;
	v16 =	vadd.s32 $0x80, v12  }
0x316: {  	v27 =	vld.idx.msk [tilespmem:v28+s6+$0x0], $0xffff;
	v17 =	vsel vm0, v62, v17  }
0x317: {  	v52 =	vld.idx.msk [tilespmem:v31+s6+$0x0], $0xffff;
	v53 =	vadd.s32 $0x100, v17  }
0x318: {  	v54 =	vld.idx.msk [tilespmem:v49+s6+$0x0], $0xffff  }
0x319: {  	vm0 =	vlt.f32 v50, v21;
	v55 =	vld.idx.msk [tilespmem:v51+s6+$0x0], $0xffff  }
0x31a: {  	v18 =	vsel vm0, v45, v18;
	vm0 =	vlt.f32 v15, v19;
	v15 =	vld.idx.msk [tilespmem:v16+s6+$0x0], $0xffff  }
0x31b: {  	v35 =	vadd.s32 $0x400, v18;
	v26 =	vsel vm0, v47, v26;
	vm0 =	vlt.f32 v27, v23  }
0x31c: {  	v27 =	vadd.s32 $0x400, v26;
	v14 =	vsel vm0, v28, v14;
	vm0 =	vlt.f32 v52, v22;
	v28 =	vld.idx.msk [tilespmem:v53+s6+$0x0], $0xffff  }
0x31d: {  	v56 =	vadd.s32 $0x100, v14;
	v13 =	vsel vm0, v31, v13;
	vm0 =	vlt.f32 v54, v24  }
0x31e: {  	v31 =	vadd.s32 $0x100, v13;
	v30 =	vsel vm0, v49, v30;
	vm0 =	vlt.f32 v55, v20  }
0x31f: {  	v29 =	vsel vm0, v51, v29;
	v32 =	vadd.s32 $0x100, v30;
	vm0 =	vlt.f32 v15, v11  }
0x320: {  	v15 =	vld.idx.msk [tilespmem:v35+s6+$0x0], $0xffff;
	v57 =	vadd.s32 $0x100, v29;
	v12 =	vsel vm0, v16, v12  }
0x321: {  	v16 =	vld.idx.msk [tilespmem:v27+s6+$0x0], $0xffff;
	vm0 =	vlt.f32 v28, v25;
	v28 =	vadd.s32 $0x40, v12  }
0x322: {  	v58 =	vld.idx.msk [tilespmem:v56+s6+$0x0], $0xffff;
	v17 =	vsel vm0, v53, v17  }
0x323: {  	v59 =	vld.idx.msk [tilespmem:v31+s6+$0x0], $0xffff;
	v60 =	vadd.s32 $0x80, v17  }
0x324: {  	v61 =	vld.idx.msk [tilespmem:v32+s6+$0x0], $0xffff  }
0x325: {  	vm0 =	vlt.f32 v15, v21;
	v15 =	vld.idx.msk [tilespmem:v57+s6+$0x0], $0xffff  }
0x326: {  	v18 =	vsel vm0, v35, v18;
	vm0 =	vlt.f32 v16, v19;
	v16 =	vld.idx.msk [tilespmem:v28+s6+$0x0], $0xffff  }
0x327: {  	v35 =	vadd.s32 $0x200, v18;
	v26 =	vsel vm0, v27, v26;
	vm0 =	vlt.f32 v58, v23  }
0x328: {  	v27 =	vadd.s32 $0x200, v26;
	v14 =	vsel vm0, v56, v14;
	vm0 =	vlt.f32 v59, v22;
	v62 =	vld.idx.msk [tilespmem:v60+s6+$0x0], $0xffff  }
0x329: {  	v36 =	vadd.s32 $0x80, v14;
	v13 =	vsel vm0, v31, v13;
	vm0 =	vlt.f32 v61, v24  }
0x32a: {  	v31 =	vadd.s32 $0x80, v13;
	v30 =	vsel vm0, v32, v30;
	vm0 =	vlt.f32 v15, v20  }
0x32b: {  	v15 =	vsel vm0, v57, v29;
	v29 =	vadd.s32 $0x80, v30;
	vm0 =	vlt.f32 v16, v11  }
0x32c: {  	v16 =	vld.idx.msk [tilespmem:v35+s6+$0x0], $0xffff;
	v63 =	vadd.s32 $0x80, v15;
	v12 =	vsel vm0, v28, v12  }
0x32d: {  	v28 =	vld.idx.msk [tilespmem:v27+s6+$0x0], $0xffff;
	vm0 =	vlt.f32 v62, v25;
	v42 =	vadd.s32 $0x20, v12  }
0x32e: {  	v43 =	vld.idx.msk [tilespmem:v36+s6+$0x0], $0xffff;
	v17 =	vsel vm0, v60, v17  }
0x32f: {  	v44 =	vld.idx.msk [tilespmem:v31+s6+$0x0], $0xffff;
	v38 =	vadd.s32 $0x40, v17  }
0x330: {  	v45 =	vld.idx.msk [tilespmem:v29+s6+$0x0], $0xffff  }
0x331: {  	vm0 =	vlt.f32 v16, v21;
	v16 =	vld.idx.msk [tilespmem:v63+s6+$0x0], $0xffff  }
0x332: {  	v18 =	vsel vm0, v35, v18;
	vm0 =	vlt.f32 v28, v19;
	v28 =	vld.idx.msk [tilespmem:v42+s6+$0x0], $0xffff  }
0x333: {  	v35 =	vadd.s32 $0x100, v18;
	v26 =	vsel vm0, v27, v26;
	vm0 =	vlt.f32 v43, v23  }
0x334: {  	v27 =	vadd.s32 $0x100, v26;
	v14 =	vsel vm0, v36, v14;
	vm0 =	vlt.f32 v44, v22;
	v46 =	vld.idx.msk [tilespmem:v38+s6+$0x0], $0xffff  }
0x335: {  	v36 =	vadd.s32 $0x40, v14;
	v13 =	vsel vm0, v31, v13;
	vm0 =	vlt.f32 v45, v24  }
0x336: {  	v31 =	vadd.s32 $0x40, v13;
	v29 =	vsel vm0, v29, v30;
	vm0 =	vlt.f32 v16, v20  }
0x337: {  	v15 =	vsel vm0, v63, v15;
	v16 =	vadd.s32 $0x40, v29;
	vm0 =	vlt.f32 v28, v11  }
0x338: {  	v28 =	vld.idx.msk [tilespmem:v35+s6+$0x0], $0xffff;
	v30 =	vadd.s32 $0x40, v15;
	v12 =	vsel vm0, v42, v12  }
0x339: {  	v47 =	vld.idx.msk [tilespmem:v27+s6+$0x0], $0xffff;
	vm0 =	vlt.f32 v46, v25;
	v33 =	vadd.s32 $0x10, v12  }
0x33a: {  	v48 =	vld.idx.msk [tilespmem:v36+s6+$0x0], $0xffff;
	v17 =	vsel vm0, v38, v17  }
0x33b: {  	v49 =	vld.idx.msk [tilespmem:v31+s6+$0x0], $0xffff;
	v38 =	vadd.s32 $0x20, v17  }
0x33c: {  	v50 =	vld.idx.msk [tilespmem:v16+s6+$0x0], $0xffff  }
0x33d: {  	vm0 =	vlt.f32 v28, v21;
	v28 =	vld.idx.msk [tilespmem:v30+s6+$0x0], $0xffff  }
0x33e: {  	v18 =	vsel vm0, v35, v18;
	v51 =	vld.idx.msk [tilespmem:v33+s6+$0x0], $0xffff  }
0x33f: {  	vm0 =	vlt.f32 v47, v19;
	v52 =	vadd.s32 $0x80, v18  }
0x340: {  	v26 =	vsel vm0, v27, v26;
	vm0 =	vlt.f32 v48, v23;
	vm1 =	vlt.f32 v49, v22;
	v27 =	vld.idx.msk [tilespmem:v38+s6+$0x0], $0xffff  }
0x341: {  	v53 =	vadd.s32 $0x80, v26;
	v14 =	vsel vm0, v36, v14;
	v13 =	vsel vm1, v31, v13  }
0x342: {  	v31 =	vadd.s32 $0x20, v14;
	vm0 =	vlt.f32 v50, v24;
	v54 =	vadd.s32 $0x20, v13  }
0x343: {  	v16 =	vsel vm0, v16, v29;
	vm0 =	vlt.f32 v28, v20;
	vm1 =	vlt.f32 v51, v11  }
0x344: {  	v15 =	vsel vm0, v30, v15;
	v28 =	vadd.s32 $0x20, v16;
	v12 =	vsel vm1, v33, v12  }
0x345: {  	v29 =	vld.idx.msk [tilespmem:v52+s6+$0x0], $0xffff;
	v30 =	vadd.s32 $0x20, v15;
	vm0 =	vlt.f32 v27, v25;
	v12 =	vmax.u32 v12, v4  }
0x346: {  	v27 =	vld.idx.msk [tilespmem:v53+s6+$0x0], $0xffff;
	v17 =	vsel vm0, v38, v17;
	v12 =	vmin.u32 v12, v5  }
0x347: {  	v55 =	vld.idx.msk [tilespmem:v31+s6+$0x0], $0xffff;
	v56 =	vadd.s32 $0x10, v17  }
0x348: {  	v57 =	vld.idx.msk [tilespmem:v54+s6+$0x0], $0xffff  }
0x349: {  	v58 =	vld.idx.msk [tilespmem:v28+s6+$0x0], $0xffff  }
0x34a: {  	vm0 =	vlt.f32 v29, v21;
	v29 =	vld.idx.msk [tilespmem:v30+s6+$0x0], $0xffff  }
0x34b: {  	v59 =	vld.idx.msk [tilespmem:v12+s6+$0x0], $0xffff  }
0x34c: {  	v18 =	vsel vm0, v52, v18;
	vm0 =	vlt.f32 v27, v19;
	v61 =	vld.idx.msk [tilespmem:v56+s6+$0x0], $0xffff  }
0x34d: {  	s28 =	simm.s32 $0x19BC0;
	v60 =	vadd.s32 $0x40, v18;
	v34 =	vsel vm0, v53, v26;
	vm0 =	vlt.f32 v55, v23;
	v62 =	vld.idx.msk [tilespmem:v12+s19+$0x0], $0xffff  }
0x34e: {  	vm1 =	vlt.f32 v57, v22;
	v63 =	vadd.s32 $0x40, v34;
	v48 =	vsel vm0, v31, v14;
	v14 =	vld [tilespmem:s28+$0x0]  }
0x34f: {  	v12 =	vld.idx.msk [tilespmem:v12+s18+$0x0], $0xffff;
	v26 =	vsel vm1, v54, v13;
	v49 =	vadd.s32 $0x10, v48;
	vm0 =	vlt.f32 v58, v24  }
0x350: {  	v27 =	vadd.s32 $0x10, v26;
	vm1 =	vlt.f32 v29, v20;
	v13 =	vsub.f32 v11, v59  }
0x351: {  	v16 =	vsel vm0, v28, v16;
	v29 =	vsel vm1, v30, v15;
	vm0 =	vlt.f32 v61, v25  }
0x352: {  	v50 =	vadd.s32 $0x10, v16;
	v15 =	vld.idx.msk [tilespmem:v60+s6+$0x0], $0xffff;
	v17 =	vsel vm0, v56, v17;
	v13 =	vmul.f32 v62, v13  }
0x353: {  	v30 =	vadd.s32 $0x10, v29;
	v28 =	vld.idx.msk [tilespmem:v63+s6+$0x0], $0xffff;
	vm0 =	vlt.f32 v6, v14;
	v17 =	vmax.u32 v17, v4  }
0x354: {  	v51 =	vld.idx.msk [tilespmem:v49+s6+$0x0], $0xffff;
	v31 =	vsel vm0, v8, v7;
	v12 =	vsub.f32 v12, v13;
	v13 =	vsel vm0, v3, v2  }
0x355: {  	v42 =	vmin.u32 v17, v5;
	v17 =	vld [tilespmem:s28+$0xFFFFFFC0];
	vm0 =	vlt.f32 v31, v14;
	v31 =	vor.u32 $0x2000, v13  }
0x356: {  	vm1 =	vle.f32 v11, v9;
	v52 =	vld.idx.msk [tilespmem:v27+s6+$0x0], $0xffff;
	v43 =	vsel vm0, v31, v13  }
0x357: {  	v12 =	vsel vm1, $0x0, v12;
	vm0 =	vge.f32 v11, v10;
	v11 =	vld.idx.msk [tilespmem:v50+s6+$0x0], $0xffff;
	v44 =	vor.u32 $0x1000, v43  }
0x358: {  	s26 =	simm.s32 $0x1DB40;
	v31 =	vld.idx.msk [tilespmem:v30+s6+$0x0], $0xffff;
	v12 =	vsel vm0, $0x3F800000, v12;
	vm0 =	vlt.f32 v15, v21;
	v53 =	vand.u32 $0x7000, v44  }
0x359: {  	v13 =	vld [tilespmem:s28+$0xFFFFFFD0];
	[tilespmem:s26+$0x0] =	vst v12;
	v32 =	vsel vm0, v60, v18;
	vm0 =	vlt.f32 v28, v19;
	v12 =	vor.u32 v2, v53  }
0x35a: {  	vm5 =	vle.f32 v25, v9;
	v28 =	vsel vm0, v63, v34;
	vm0 =	vlt.f32 v6, v17  }
0x35b: {  	vm8 =	vge.f32 v25, v10;
	vm1 =	vlt.f32 v51, v23;
	v15 =	vld.idx.msk [tilespmem:v42+s6+$0x0], $0xffff;
	v18 =	vsel vm0, v8, v7  }
0x35c: {  	v34 =	vsel vm1, v49, v48;
	v54 =	vsel vm0, v3, v2;
	vm1 =	vlt.f32 v18, v17;
	v18 =	vld [tilespmem:s28+$0x10]  }
0x35d: {  	v33 =	vadd.s32 $0x20, v32;
	v55 =	vld.idx.msk [tilespmem:v42+s19+$0x0], $0xffff;
	vm0 =	vlt.f32 v52, v22;
	v56 =	vor.u32 $0x2000, v54  }
0x35e: {  	vm2 =	vlt.f32 v6, v13;
	v35 =	vsel vm1, v56, v54;
	vm1 =	vlt.f32 v11, v24;
	v57 =	vld.idx.msk [tilespmem:v12+s6+$0x0], $0xffff  }
0x35f: {  	v58 =	vsel vm2, v3, v2;
	v40 =	vor.u32 $0x1000, v35;
	v38 =	vsel vm1, v50, v16  }
0x360: {  	v11 =	vor.u32 $0x2000, v58;
	v12 =	vsub.f32 v25, v15;
	v15 =	vsel vm2, v8, v7  }
0x361: {  	v59 =	vand.u32 $0x7000, v40;
	vm1 =	vlt.f32 v15, v13;
	vm2 =	vlt.f32 v6, v18  }
0x362: {  	v16 =	vld [tilespmem:s28+$0xFFFFFFE0];
	v37 =	vmul.f32 v55, v12;
	v15 =	vsel vm2, v3, v2;
	v45 =	vsel vm2, v8, v7  }
0x363: {  	v12 =	vld [tilespmem:s28+$0x20];
	vm3 =	vlt.f32 v45, v18;
	v60 =	vor.u32 $0x2000, v15;
	vm2 =	vlt.f32 v57, v14  }
0x364: {  	v41 =	vor.u32 v2, v59;
	v36 =	vsel vm3, v60, v15;
	v43 =	vsel vm2, v44, v43  }
0x365: {  	v39 =	vsel vm1, v11, v58;
	v11 =	vld [tilespmem:s28+$0x30];
	v61 =	vor.u32 $0x1000, v36;
	v44 =	vor.u32 $0x800, v43  }
0x366: {  	v46 =	vor.u32 $0x1000, v39;
	v15 =	vand.u32 $0x7000, v61;
	v62 =	vand.u32 $0xFFFFFF8F, v44  }
0x367: {  	v34 =	vmax.u32 v34, v4;
	v48 =	vand.u32 $0x7000, v46;
	v47 =	vor.u32 v2, v15  }
0x368: {  	vm1 =	vlt.f32 v6, v16;
	v48 =	vor.u32 v2, v48;
	vm2 =	vlt.f32 v6, v12  }
0x369: {  	v53 =	vsel vm1, v3, v2;
	v41 =	vld.idx.msk [tilespmem:v41+s6+$0x0], $0xffff;
	v49 =	vsel vm2, v3, v2;
	v50 =	vsel vm2, v8, v7  }
0x36a: {  	v15 =	vld [tilespmem:s28+$0xFFFFFFF0];
	vm2 =	vlt.f32 v6, v11;
	vm3 =	vlt.f32 v50, v12;
	v63 =	vor.u32 $0x2000, v49  }
0x36b: {  	v51 =	vsel vm2, v3, v2;
	v52 =	vsel vm2, v8, v7;
	v49 =	vsel vm3, v63, v49;
	v45 =	vld.idx.msk [tilespmem:v62+s6+$0x0], $0xffff  }
0x36c: {  	vm2 =	vlt.f32 v52, v11;
	v56 =	vor.u32 $0x2000, v51;
	v52 =	vor.u32 $0x1000, v49;
	v47 =	vld.idx.msk [tilespmem:v47+s6+$0x0], $0xffff  }
0x36d: {  	v59 =	vsel vm1, v8, v7;
	v50 =	vsel vm2, v56, v51;
	v57 =	vand.u32 $0x7000, v52  }
0x36e: {  	vm3 =	vlt.f32 v41, v17;
	v25 =	vor.u32 $0x1000, v50;
	v51 =	vor.u32 v2, v57  }
0x36f: {  	vm1 =	vlt.f32 v59, v16;
	v35 =	vsel vm3, v40, v35;
	v54 =	vand.u32 $0x7000, v25  }
0x370: {  	vm2 =	vlt.f32 v6, v15;
	v58 =	vor.u32 v2, v54;
	vm6 =	vlt.f32 v45, v14  }
0x371: {  	v42 =	vld.idx.msk [tilespmem:v42+s18+$0x0], $0xffff;
	v55 =	vsel vm2, v8, v7;
	vm3 =	vlt.f32 v47, v18;
	v40 =	vsel vm6, v44, v43  }
0x372: {  	v43 =	vld.idx.msk [tilespmem:v48+s6+$0x0], $0xffff;
	v44 =	vor.u32 $0x800, v35;
	v36 =	vsel vm3, v61, v36;
	v47 =	vadd.s32 $0x400, v40  }
0x373: {  	v60 =	vld.idx.msk [tilespmem:v51+s6+$0x0], $0xffff;
	v61 =	vor.u32 $0x2000, v53;
	v54 =	vand.u32 $0xFFFFFF8F, v44;
	v51 =	vor.u32 $0x800, v36  }
0x374: {  	v45 =	vsel vm2, v3, v2;
	v48 =	vsel vm1, v61, v53;
	v62 =	vand.u32 $0xFFFFFF8F, v51  }
0x375: {  	v41 =	vld.idx.msk [tilespmem:v58+s6+$0x0], $0xffff;
	v63 =	vor.u32 $0x2000, v45;
	vm1 =	vlt.f32 v55, v15;
	v56 =	vor.u32 $0x1000, v48  }
0x376: {  	v37 =	vsub.f32 v42, v37;
	v45 =	vsel vm1, v63, v45;
	v58 =	vand.u32 $0x7000, v56  }
0x377: {  	v42 =	vor.u32 $0x1000, v45;
	vm1 =	vlt.f32 v43, v13;
	v43 =	vor.u32 v2, v58;
	v59 =	vld.idx.msk [tilespmem:v47+s6+$0x0], $0xffff  }
0x378: {  	vm2 =	vlt.f32 v60, v12;
	v60 =	vand.u32 $0x7000, v42;
	v54 =	vld.idx.msk [tilespmem:v54+s6+$0x0], $0xffff;
	v39 =	vsel vm1, v46, v39  }
0x379: {  	v49 =	vsel vm2, v52, v49;
	v46 =	vor.u32 v2, v60;
	v52 =	vor.u32 $0x800, v39;
	v53 =	vld.idx.msk [tilespmem:v62+s6+$0x0], $0xffff  }
0x37a: {  	v34 =	vmin.u32 v34, v5;
	vm1 =	vlt.f32 v41, v11;
	v61 =	vand.u32 $0xFFFFFF8F, v52  }
0x37b: {  	v38 =	vmax.u32 v38, v4;
	v25 =	vsel vm1, v25, v50;
	v50 =	vor.u32 $0x800, v49  }
0x37c: {  	v62 =	vand.u32 $0xFFFFFF8F, v50;
	v63 =	vor.u32 $0x800, v25;
	v43 =	vld.idx.msk [tilespmem:v43+s6+$0x0], $0xffff;
	vm2 =	vlt.f32 v59, v14  }
0x37d: {  	v58 =	vld.idx.msk [tilespmem:v33+s6+$0x0], $0xffff;
	vm3 =	vlt.f32 v54, v17;
	v59 =	vand.u32 $0xFFFFFF8F, v63;
	v40 =	vsel vm2, v47, v40  }
0x37e: {  	v46 =	vld.idx.msk [tilespmem:v46+s6+$0x0], $0xffff;
	v35 =	vsel vm3, v44, v35;
	vm3 =	vlt.f32 v53, v18;
	v53 =	vadd.s32 $0x200, v40  }
0x37f: {  	v38 =	vmin.u32 v38, v5;
	v41 =	vld.idx.msk [tilespmem:v61+s6+$0x0], $0xffff  }
0x380: {  	vm4 =	vle.f32 v23, v9;
	v54 =	vld.idx.msk [tilespmem:v34+s6+$0x0], $0xffff;
	v36 =	vsel vm3, v51, v36;
	v51 =	vadd.s32 $0x20, v28  }
0x381: {  	v37 =	vsel vm5, $0x0, v37;
	v55 =	vld.idx.msk [tilespmem:v62+s6+$0x0], $0xffff;
	vm9 =	vlt.f32 v43, v16;
	v43 =	vadd.s32 $0x400, v36  }
0x382: {  	vm7 =	vge.f32 v23, v10;
	v37 =	vsel vm8, $0x3F800000, v37;
	vm10 =	vlt.f32 v58, v21;
	v44 =	vld.idx.msk [tilespmem:v59+s6+$0x0], $0xffff  }
0x383: {  	v26 =	vsel vm0, v27, v26;
	[tilespmem:s26+$0x10] =	vst v37;
	v32 =	vsel vm10, v33, v32;
	v37 =	vadd.s32 $0x400, v35;
	v60 =	vld.idx.msk [tilespmem:v53+s6+$0x0], $0xffff  }
0x384: {  	v61 =	vld.idx.msk [tilespmem:v38+s6+$0x0], $0xffff;
	v47 =	vsel vm9, v56, v48;
	vm8 =	vlt.f32 v46, v15;
	vm9 =	vlt.f32 v41, v13  }
0x385: {  	v42 =	vsel vm8, v42, v45;
	v45 =	vor.u32 $0x800, v47;
	v56 =	vld.idx.msk [tilespmem:v51+s6+$0x0], $0xffff;
	v39 =	vsel vm9, v52, v39  }
0x386: {  	vm8 =	vlt.f32 v55, v12;
	v55 =	vor.u32 $0x800, v42;
	v46 =	vadd.s32 $0x400, v39;
	v52 =	vld.idx.msk [tilespmem:v43+s6+$0x0], $0xffff  }
0x387: {  	v62 =	vand.u32 $0xFFFFFF8F, v45;
	v49 =	vsel vm8, v50, v49;
	v50 =	vld.idx.msk [tilespmem:v38+s19+$0x0], $0xffff;
	vm8 =	vlt.f32 v44, v11  }
0x388: {  	v25 =	vsel vm8, v63, v25;
	v63 =	vand.u32 $0xFFFFFF8F, v55;
	vm8 =	vlt.f32 v60, v14;
	v60 =	vld.idx.msk [tilespmem:v37+s6+$0x0], $0xffff  }
0x389: {  	vm10 =	vge.f32 v24, v10;
	v38 =	vld.idx.msk [tilespmem:v38+s18+$0x0], $0xffff;
	v40 =	vsel vm8, v53, v40;
	v53 =	vadd.s32 $0x400, v49  }
0x38a: {  	v41 =	vsub.f32 v24, v61;
	vm8 =	vlt.f32 v56, v19;
	v56 =	vadd.s32 $0x400, v25  }
0x38b: {  	v23 =	vsub.f32 v23, v54;
	v61 =	vld.idx.msk [tilespmem:v46+s6+$0x0], $0xffff;
	vm9 =	vlt.f32 v52, v18;
	v52 =	vadd.s32 $0x100, v40  }
0x38c: {  	v44 =	vld.idx.msk [tilespmem:v62+s6+$0x0], $0xffff;
	v41 =	vmul.f32 v50, v41;
	v50 =	vadd.s32 $0x10, v32;
	v36 =	vsel vm9, v43, v36  }
0x38d: {  	vm9 =	vlt.f32 v31, v20;
	v31 =	vld.idx.msk [tilespmem:v63+s6+$0x0], $0xffff;
	v43 =	vadd.s32 $0x200, v36;
	vm11 =	vlt.f32 v60, v17  }
0x38e: {  	v29 =	vsel vm9, v30, v29;
	v30 =	vsub.f32 v38, v41;
	v35 =	vsel vm11, v37, v35;
	v62 =	vld.idx.msk [tilespmem:v53+s6+$0x0], $0xffff  }
0x38f: {  	vm9 =	vle.f32 v24, v9;
	v24 =	vmax.u32 v29, v4;
	v63 =	vld.idx.msk [tilespmem:v56+s6+$0x0], $0xffff;
	v29 =	vadd.s32 $0x200, v35  }
0x390: {  	v41 =	vmin.u32 v24, v5;
	v24 =	vsel vm9, $0x0, v30;
	vm9 =	vlt.f32 v61, v13;
	v30 =	vld.idx.msk [tilespmem:v52+s6+$0x0], $0xffff  }
0x391: {  	v58 =	vld.idx.msk [tilespmem:v34+s19+$0x0], $0xffff;
	v24 =	vsel vm10, $0x3F800000, v24;
	vm10 =	vlt.f32 v44, v16;
	v39 =	vsel vm9, v46, v39  }
0x392: {  	v44 =	vsel vm10, v45, v47;
	vm9 =	vlt.f32 v31, v15;
	v31 =	vadd.s32 $0x200, v39;
	v57 =	vld.idx.msk [tilespmem:v43+s6+$0x0], $0xffff  }
0x393: {  	v47 =	vadd.s32 $0x400, v44;
	v42 =	vsel vm9, v55, v42;
	vm9 =	vlt.f32 v62, v12  }
0x394: {  	v60 =	vadd.s32 $0x400, v42;
	v59 =	vld.idx.msk [tilespmem:v29+s6+$0x0], $0xffff;
	v49 =	vsel vm9, v53, v49;
	vm9 =	vlt.f32 v63, v11  }
0x395: {  	v34 =	vld.idx.msk [tilespmem:v34+s18+$0x0], $0xffff;
	v25 =	vsel vm9, v56, v25;
	v61 =	vadd.s32 $0x200, v49;
	vm9 =	vlt.f32 v30, v14  }
0x396: {  	v46 =	vmul.f32 v58, v23;
	v58 =	vld.idx.msk [tilespmem:v50+s6+$0x0], $0xffff;
	v33 =	vadd.s32 $0x200, v25;
	v40 =	vsel vm9, v52, v40  }
0x397: {  	v26 =	vmax.u32 v26, v4;
	v27 =	vld.idx.msk [tilespmem:v31+s6+$0x0], $0xffff;
	vm0 =	vlt.f32 v57, v18;
	v45 =	vadd.s32 $0x80, v40  }
0x398: {  	vm4 =	vmmov vm4;
	v26 =	vmin.u32 v26, v5;
	v62 =	vld.idx.msk [tilespmem:v47+s6+$0x0], $0xffff;
	v36 =	vsel vm0, v43, v36  }
0x399: {  	v23 =	vsel vm8, v51, v28;
	v28 =	vld.idx.msk [tilespmem:v60+s6+$0x0], $0xffff;
	v37 =	vadd.s32 $0x100, v36;
	vm0 =	vlt.f32 v59, v17  }
0x39a: {  	[tilespmem:s26+$0x20] =	vst v24;
	v24 =	vadd.s32 $0x10, v23;
	v34 =	vsub.f32 v34, v46;
	v29 =	vsel vm0, v29, v35;
	v63 =	vld.idx.msk [tilespmem:v61+s6+$0x0], $0xffff  }
0x39b: {  	vm5 =	vle.f32 v19, v9;
	vm6 =	vle.f32 v21, v9;
	v56 =	vadd.s32 $0x100, v29;
	v57 =	vld.idx.msk [tilespmem:v33+s6+$0x0], $0xffff  }
0x39c: {  	v34 =	vsel vm4, $0x0, v34;
	vm0 =	vmmov vm7;
	vm4 =	vlt.f32 v27, v13;
	v27 =	vld.idx.msk [tilespmem:v45+s6+$0x0], $0xffff  }
0x39d: {  	v30 =	vld.idx.msk [tilespmem:v41+s6+$0x0], $0xffff;
	v34 =	vsel vm0, $0x3F800000, v34;
	vm0 =	vlt.f32 v62, v16;
	v31 =	vsel vm4, v31, v39  }
0x39e: {  	v39 =	vsel vm0, v47, v44;
	vm0 =	vlt.f32 v28, v15;
	v28 =	vadd.s32 $0x100, v31;
	v59 =	vld.idx.msk [tilespmem:v37+s6+$0x0], $0xffff  }
0x39f: {  	v47 =	vld.idx.msk [tilespmem:v24+s6+$0x0], $0xffff;
	v52 =	vadd.s32 $0x200, v39;
	v42 =	vsel vm0, v60, v42;
	vm0 =	vlt.f32 v63, v12  }
0x3a0: {  	v48 =	vadd.s32 $0x200, v42;
	v60 =	vld.idx.msk [tilespmem:v56+s6+$0x0], $0xffff;
	v38 =	vsel vm0, v61, v49;
	vm0 =	vlt.f32 v57, v11  }
0x3a1: {  	[tilespmem:s26+$0xFFFFFFC0] =	vst v34;
	v61 =	vld.idx.msk [tilespmem:v41+s19+$0x0], $0xffff;
	v25 =	vsel vm0, v33, v25;
	v33 =	vadd.s32 $0x100, v38;
	vm0 =	vlt.f32 v27, v14  }
0x3a2: {  	vm1 =	vle.f32 v22, v9;
	v27 =	vld.idx.msk [tilespmem:v26+s6+$0x0], $0xffff;
	v34 =	vadd.s32 $0x100, v25;
	v40 =	vsel vm0, v45, v40  }
0x3a3: {  	vm2 =	vge.f32 v22, v10;
	v62 =	vld.idx.msk [tilespmem:v28+s6+$0x0], $0xffff;
	vm0 =	vlt.f32 v59, v18;
	v44 =	vadd.s32 $0x40, v40  }
0x3a4: {  	vm3 =	vge.f32 v21, v10;
	vm8 =	vmmov vm1;
	v63 =	vld.idx.msk [tilespmem:v52+s6+$0x0], $0xffff;
	v36 =	vsel vm0, v37, v36  }
0x3a5: {  	vm9 =	vmmov vm2;
	v54 =	vld.idx.msk [tilespmem:v48+s6+$0x0], $0xffff;
	v55 =	vadd.s32 $0x80, v36;
	vm1 =	vlt.f32 v60, v17  }
0x3a6: {  	v30 =	vsub.f32 v20, v30;
	vm4 =	vlt.f32 v58, v21;
	v29 =	vsel vm1, v56, v29;
	v56 =	vld.idx.msk [tilespmem:v33+s6+$0x0], $0xffff  }
0x3a7: {  	vm2 =	vmmov vm6;
	v32 =	vsel vm4, v50, v32;
	vm0 =	vmmov vm5;
	v58 =	vld.idx.msk [tilespmem:v34+s6+$0x0], $0xffff  }
0x3a8: {  	v30 =	vmul.f32 v61, v30;
	v57 =	vadd.s32 $0x80, v29;
	vm4 =	vlt.f32 v62, v13;
	v59 =	vld.idx.msk [tilespmem:v44+s6+$0x0], $0xffff  }
0x3a9: {  	v60 =	vld.idx.msk [tilespmem:v26+s19+$0x0], $0xffff;
	v22 =	vsub.f32 v22, v27;
	vm5 =	vlt.f32 v63, v16;
	v27 =	vsel vm4, v28, v31  }
0x3aa: {  	v28 =	vsel vm5, v52, v39;
	vm4 =	vlt.f32 v54, v15;
	v31 =	vadd.s32 $0x80, v27;
	v61 =	vld.idx.msk [tilespmem:v55+s6+$0x0], $0xffff  }
0x3ab: {  	v26 =	vld.idx.msk [tilespmem:v26+s18+$0x0], $0xffff;
	v39 =	vadd.s32 $0x100, v28;
	v42 =	vsel vm4, v48, v42;
	vm4 =	vlt.f32 v56, v12  }
0x3ac: {  	v63 =	vld.idx.msk [tilespmem:v41+s18+$0x0], $0xffff;
	v48 =	vadd.s32 $0x100, v42;
	v33 =	vsel vm4, v33, v38;
	vm4 =	vlt.f32 v58, v11  }
0x3ad: {  	v62 =	vld.idx.msk [tilespmem:v57+s6+$0x0], $0xffff;
	v25 =	vsel vm4, v34, v25;
	v49 =	vadd.s32 $0x80, v33;
	vm4 =	vlt.f32 v59, v14  }
0x3ae: {  	v22 =	vmul.f32 v60, v22;
	v50 =	vadd.s32 $0x80, v25;
	v40 =	vsel vm4, v44, v40  }
0x3af: {  	v32 =	vmax.u32 v32, v4;
	v51 =	vld.idx.msk [tilespmem:v31+s6+$0x0], $0xffff;
	vm4 =	vlt.f32 v61, v18;
	v52 =	vadd.s32 $0x20, v40  }
0x3b0: {  	v32 =	vmin.u32 v32, v5;
	v22 =	vsub.f32 v26, v22;
	v26 =	vld.idx.msk [tilespmem:v39+s6+$0x0], $0xffff;
	v35 =	vsel vm4, v55, v36  }
0x3b1: {  	vm6 =	vle.f32 v20, v9;
	vm7 =	vge.f32 v19, v10;
	v53 =	vld.idx.msk [tilespmem:v48+s6+$0x0], $0xffff;
	v54 =	vadd.s32 $0x40, v35  }
0x3b2: {  	v30 =	vsub.f32 v63, v30;
	v22 =	vsel vm8, $0x0, v22;
	vm5 =	vlt.f32 v62, v17;
	v55 =	vld.idx.msk [tilespmem:v49+s6+$0x0], $0xffff  }
0x3b3: {  	vm8 =	vmmov vm7;
	v22 =	vsel vm9, $0x3F800000, v22;
	v29 =	vsel vm5, v57, v29;
	v57 =	vld.idx.msk [tilespmem:v50+s6+$0x0], $0xffff  }
0x3b4: {  	[tilespmem:s26+$0xFFFFFFD0] =	vst v22;
	vm5 =	vge.f32 v20, v10;
	v56 =	vadd.s32 $0x40, v29;
	vm7 =	vlt.f32 v51, v13;
	v20 =	vld.idx.msk [tilespmem:v52+s6+$0x0], $0xffff  }
0x3b5: {  	v22 =	vsel vm6, $0x0, v30;
	v30 =	vld.idx.msk [tilespmem:v32+s6+$0x0], $0xffff;
	vm6 =	vlt.f32 v26, v16;
	v26 =	vsel vm7, v31, v27  }
0x3b6: {  	v27 =	vsel vm6, v39, v28;
	vm6 =	vlt.f32 v53, v15;
	v28 =	vadd.s32 $0x40, v26;
	v31 =	vld.idx.msk [tilespmem:v54+s6+$0x0], $0xffff  }
0x3b7: {  	v58 =	vld.idx.msk [tilespmem:v32+s19+$0x0], $0xffff;
	v39 =	vadd.s32 $0x80, v27;
	v42 =	vsel vm6, v48, v42;
	vm6 =	vlt.f32 v55, v12  }
0x3b8: {  	v32 =	vld.idx.msk [tilespmem:v32+s18+$0x0], $0xffff;
	v60 =	vadd.s32 $0x80, v42;
	v33 =	vsel vm6, v49, v33;
	vm6 =	vlt.f32 v57, v11  }
0x3b9: {  	v59 =	vld.idx.msk [tilespmem:v56+s6+$0x0], $0xffff;
	v25 =	vsel vm6, v50, v25;
	v34 =	vadd.s32 $0x40, v33;
	vm6 =	vlt.f32 v20, v14  }
0x3ba: {  	v20 =	vsub.f32 v21, v30;
	v21 =	vadd.s32 $0x40, v25;
	v30 =	vsel vm6, v52, v40  }
0x3bb: {  	vm6 =	vlt.f32 v47, v19;
	v61 =	vld.idx.msk [tilespmem:v28+s6+$0x0], $0xffff;
	vm7 =	vlt.f32 v31, v18;
	v31 =	vadd.s32 $0x10, v30  }
0x3bc: {  	v23 =	vsel vm6, v24, v23;
	v20 =	vmul.f32 v58, v20;
	v24 =	vld.idx.msk [tilespmem:v39+s6+$0x0], $0xffff;
	v35 =	vsel vm7, v54, v35  }
0x3bd: {  	vm3 =	vmmov vm3;
	v23 =	vmax.u32 v23, v4;
	v62 =	vld.idx.msk [tilespmem:v60+s6+$0x0], $0xffff;
	v63 =	vadd.s32 $0x20, v35  }
0x3be: {  	vm6 =	vlt.f32 v59, v17;
	v23 =	vmin.u32 v23, v5;
	v20 =	vsub.f32 v32, v20  }
0x3bf: {  	vm11 =	vge.f32 v15, v10;
	v46 =	vsel vm5, $0x3F800000, v22;
	v29 =	vsel vm6, v56, v29;
	v45 =	vld.idx.msk [tilespmem:v34+s6+$0x0], $0xffff  }
0x3c0: {  	v22 =	vadd.s32 $0x20, v29;
	v47 =	vld.idx.msk [tilespmem:v21+s6+$0x0], $0xffff;
	v20 =	vsel vm2, $0x0, v20;
	vm2 =	vlt.f32 v61, v13  }
0x3c1: {  	v48 =	vld.idx.msk [tilespmem:v31+s6+$0x0], $0xffff;
	v20 =	vsel vm3, $0x3F800000, v20;
	vm3 =	vlt.f32 v24, v16;
	v24 =	vsel vm2, v28, v26  }
0x3c2: {  	[tilespmem:s26+$0xFFFFFFE0] =	vst v20;
	v20 =	vsel vm3, v39, v27;
	vm3 =	vlt.f32 v62, v15;
	v26 =	vadd.s32 $0x20, v24;
	v27 =	vld.idx.msk [tilespmem:v63+s6+$0x0], $0xffff  }
0x3c3: {  	vm10 =	vle.f32 v15, v9;
	v28 =	vld.idx.msk [tilespmem:v23+s6+$0x0], $0xffff;
	v49 =	vadd.s32 $0x40, v20;
	v50 =	vsel vm3, v60, v42  }
0x3c4: {  	vm1 =	vle.f32 v17, v9;
	vm4 =	vge.f32 v17, v10;
	v53 =	vld.idx.msk [tilespmem:v23+s19+$0x0], $0xffff;
	v52 =	vadd.s32 $0x40, v50  }
0x3c5: {  	vm9 =	vge.f32 v13, v10;
	vm5 =	vle.f32 v13, v9;
	vm6 =	vlt.f32 v45, v12;
	v51 =	vld.idx.msk [tilespmem:v22+s6+$0x0], $0xffff  }
0x3c6: {  	v23 =	vld.idx.msk [tilespmem:v23+s18+$0x0], $0xffff;
	v33 =	vsel vm6, v34, v33;
	vm6 =	vlt.f32 v47, v11;
	vm7 =	vlt.f32 v48, v14  }
0x3c7: {  	v54 =	vsel vm6, v21, v25;
	v55 =	vadd.s32 $0x20, v33;
	v21 =	vsel vm7, v31, v30;
	v25 =	vld.idx.msk [tilespmem:v26+s6+$0x0], $0xffff  }
0x3c8: {  	v56 =	vadd.s32 $0x20, v54;
	vm6 =	vlt.f32 v27, v18;
	v21 =	vmax.u32 v21, v4;
	v30 =	vld.idx.msk [tilespmem:v49+s6+$0x0], $0xffff  }
0x3c9: {  	v35 =	vsel vm6, v63, v35;
	v19 =	vsub.f32 v19, v28;
	v31 =	vmin.u32 v21, v5;
	v28 =	vld.idx.msk [tilespmem:v52+s6+$0x0], $0xffff  }
0x3ca: {  	vm7 =	vmmov vm1;
	v38 =	vadd.s32 $0x10, v35;
	vm6 =	vlt.f32 v51, v17  }
0x3cb: {  	v19 =	vmul.f32 v53, v19;
	v21 =	vsel vm6, v22, v29;
	vm6 =	vmmov vm4  }
0x3cc: {  	v57 =	vld.idx.msk [tilespmem:v55+s6+$0x0], $0xffff;
	vm4 =	vmmov vm9;
	v27 =	vadd.s32 $0x10, v21;
	vm1 =	vlt.f32 v25, v13  }
0x3cd: {  	v58 =	vld.idx.msk [tilespmem:v56+s6+$0x0], $0xffff;
	v29 =	vsub.f32 v23, v19;
	vm9 =	vlt.f32 v30, v16;
	v19 =	vsel vm1, v26, v24  }
0x3ce: {  	v24 =	vld.idx.msk [tilespmem:v31+s6+$0x0], $0xffff;
	v20 =	vsel vm9, v49, v20;
	vm1 =	vlt.f32 v28, v15;
	v22 =	vadd.s32 $0x10, v19  }
0x3cf: {  	vm5 =	vmmov vm5;
	v26 =	vld.idx.msk [tilespmem:v38+s6+$0x0], $0xffff;
	v23 =	vadd.s32 $0x20, v20;
	v25 =	vsel vm1, v52, v50  }
0x3d0: {  	vm2 =	vle.f32 v16, v9;
	vm3 =	vge.f32 v16, v10;
	v59 =	vld.idx.msk [tilespmem:v31+s19+$0x0], $0xffff;
	v28 =	vadd.s32 $0x20, v25  }
0x3d1: {  	vm2 =	vmmov vm2;
	vm3 =	vmmov vm3;
	v29 =	vsel vm0, $0x0, v29;
	v60 =	vld.idx.msk [tilespmem:v27+s6+$0x0], $0xffff  }
0x3d2: {  	vm0 =	vmmov vm10;
	v61 =	vsel vm8, $0x3F800000, v29;
	v29 =	vld.idx.msk [tilespmem:v31+s18+$0x0], $0xffff;
	vm8 =	vlt.f32 v57, v12  }
0x3d3: {  	vm1 =	vmmov vm11;
	v31 =	vsel vm8, v55, v33;
	v62 =	vsub.f32 v14, v24;
	v30 =	vld.idx.msk [tilespmem:v22+s6+$0x0], $0xffff  }
0x3d4: {  	[tilespmem:s26+$0x30] =	vst v46;
	vm9 =	vlt.f32 v58, v11;
	v32 =	vadd.s32 $0x10, v31;
	vm8 =	vlt.f32 v26, v18;
	v33 =	vld.idx.msk [tilespmem:v23+s6+$0x0], $0xffff  }
0x3d5: {  	v24 =	vsel vm9, v56, v54;
	v63 =	vsel vm8, v38, v35;
	v35 =	vmul.f32 v59, v62;
	v34 =	vld.idx.msk [tilespmem:v28+s6+$0x0], $0xffff  }
0x3d6: {  	s29 =	simm.s32 $0x19C40;
	s28 =	simm.s32 $0x2;
	[tilespmem:s26+$0xFFFFFFF0] =	vst v61;
	v26 =	vadd.s32 $0x10, v24;
	v36 =	vmax.u32 v63, v4;
	vm8 =	vlt.f32 v60, v17  }
.LBB2_17:
0x3d7: {  	v37 =	vld [tilespmem:s29+$0x0];
	s28 =	sadd.s32 $0x2, s28;
	v21 =	vsel vm8, v27, v21;
	v29 =	vsub.f32 v29, v35;
	v35 =	vmin.u32 v36, v5  }
0x3d8: {  	vm8 =	vlt.f32 v30, v13;
	vm9 =	vle.f32 v14, v9;
	v27 =	vld [tilespmem:s29+$0xFFFFFFC0];
	p0 =	slt.u32 s28, $0x7E;
	v30 =	vmax.u32 v21, v4  }
0x3d9: {  	v21 =	vld [tilespmem:s29+$0xFFFFFFD0];
	v36 =	vmin.u32 v30, v5;
	v29 =	vsel vm9, $0x0, v29;
	vm9 =	vge.f32 v14, v10  }
0x3da: {  	s26 =	sadd.s32 $0x80, s26;
	vm10 =	vlt.f32 v33, v16;
	vm11 =	vlt.f32 v34, v15;
	v33 =	vld.idx.msk [tilespmem:v32+s6+$0x0], $0xffff;
	v14 =	vsel vm9, $0x3F800000, v29  }
0x3db: {  	v19 =	vsel vm8, v22, v19;
	v23 =	vsel vm10, v23, v20;
	v34 =	vld.idx.msk [tilespmem:v26+s6+$0x0], $0xffff;
	[tilespmem:s26+$0x0] =	vst v14  }
0x3dc: {  	v22 =	vsel vm11, v28, v25;
	v25 =	vmax.u32 v19, v4;
	vm8 =	vlt.f32 v6, v37;
	v28 =	vld.idx.msk [tilespmem:v35+s6+$0x0], $0xffff  }
0x3dd: {  	v20 =	vld [tilespmem:s29+$0xFFFFFFE0];
	vm9 =	vlt.f32 v6, v27;
	v29 =	vsel vm8, v3, v2;
	v19 =	vsel vm8, v8, v7;
	v14 =	vmovc v37  }
0x3de: {  	v30 =	vsel vm9, v3, v2;
	vm8 =	vlt.f32 v19, v14;
	v37 =	vor.u32 $0x2000, v29;
	v38 =	vld.idx.msk [tilespmem:v35+s19+$0x0], $0xffff  }
0x3df: {  	v39 =	vsel vm9, v8, v7;
	v19 =	vld [tilespmem:s29+$0xFFFFFFF0];
	v40 =	vor.u32 $0x2000, v30;
	v37 =	vsel vm8, v37, v29  }
0x3e0: {  	vm8 =	vlt.f32 v6, v21;
	vm9 =	vlt.f32 v39, v27;
	v39 =	vor.u32 $0x1000, v37;
	v35 =	vld.idx.msk [tilespmem:v35+s18+$0x0], $0xffff  }
0x3e1: {  	v41 =	vsel vm8, v3, v2;
	v40 =	vsel vm9, v40, v30;
	v29 =	vand.u32 $0x7000, v39;
	v30 =	vld.idx.msk [tilespmem:v36+s6+$0x0], $0xffff  }
0x3e2: {  	v42 =	vor.u32 $0x1000, v40;
	v44 =	vsub.f32 v18, v28;
	v43 =	vor.u32 v2, v29;
	v29 =	vld.idx.msk [tilespmem:v36+s19+$0x0], $0xffff  }
0x3e3: {  	v45 =	vsel vm8, v8, v7;
	vm8 =	vlt.f32 v33, v12;
	v46 =	vand.u32 $0x7000, v42;
	v28 =	vld.idx.msk [tilespmem:v36+s18+$0x0], $0xffff  }
0x3e4: {  	v31 =	vsel vm8, v32, v31;
	v33 =	vor.u32 v2, v46;
	v32 =	vmul.f32 v38, v44  }
0x3e5: {  	vm8 =	vlt.f32 v45, v21;
	v31 =	vmax.u32 v31, v4;
	v36 =	vor.u32 $0x2000, v41  }
0x3e6: {  	v31 =	vmin.u32 v31, v5;
	v36 =	vsel vm8, v36, v41;
	v32 =	vsub.f32 v35, v32;
	v38 =	vld [tilespmem:s29+$0x10]  }
0x3e7: {  	vm9 =	vle.f32 v18, v9;
	vm8 =	vlt.f32 v6, v20;
	v35 =	vor.u32 $0x1000, v36;
	v41 =	vld.idx.msk [tilespmem:v43+s6+$0x0], $0xffff  }
0x3e8: {  	v43 =	vand.u32 $0x7000, v35;
	v32 =	vsel vm9, $0x0, v32;
	vm9 =	vge.f32 v18, v10  }
0x3e9: {  	vm10 =	vlt.f32 v6, v19;
	v43 =	vor.u32 v2, v43;
	v18 =	vsel vm9, $0x3F800000, v32;
	v33 =	vld.idx.msk [tilespmem:v33+s6+$0x0], $0xffff  }
0x3ea: {  	v44 =	vsel vm10, v3, v2;
	v45 =	vsel vm8, v8, v7;
	v32 =	vsel vm8, v3, v2;
	v46 =	vld [tilespmem:s29+$0x20];
	[tilespmem:s26+$0x10] =	vst v18  }
0x3eb: {  	v47 =	vsel vm10, v8, v7;
	vm8 =	vlt.f32 v45, v20;
	vm9 =	vlt.f32 v6, v38;
	v45 =	vld.idx.msk [tilespmem:v31+s6+$0x0], $0xffff  }
0x3ec: {  	v48 =	vor.u32 $0x2000, v32;
	v18 =	vmovc v38;
	v49 =	vld [tilespmem:s29+$0x30];
	v50 =	vsel vm9, v3, v2;
	v51 =	vsel vm9, v8, v7  }
0x3ed: {  	vm11 =	vlt.f32 v41, v14;
	vm10 =	vlt.f32 v51, v18;
	v38 =	vor.u32 $0x2000, v50;
	v41 =	vld.idx.msk [tilespmem:v31+s19+$0x0], $0xffff  }
0x3ee: {  	vm9 =	vlt.f32 v47, v19;
	v37 =	vsel vm11, v39, v37;
	v43 =	vld.idx.msk [tilespmem:v43+s6+$0x0], $0xffff;
	v38 =	vsel vm10, v38, v50  }
0x3ef: {  	vm10 =	vlt.f32 v33, v27;
	v39 =	vor.u32 $0x800, v37;
	v33 =	vor.u32 $0x1000, v38;
	v31 =	vld.idx.msk [tilespmem:v31+s18+$0x0], $0xffff  }
0x3f0: {  	vm11 =	vge.f32 v12, v10;
	v50 =	vand.u32 $0xFFFFFF8F, v39;
	v47 =	vand.u32 $0x7000, v33  }
0x3f1: {  	vm12 =	vle.f32 v12, v9;
	v45 =	vsub.f32 v12, v45;
	v12 =	vmovc v46;
	v47 =	vor.u32 v2, v47  }
0x3f2: {  	vm15 =	vlt.f32 v34, v11;
	vm13 =	vlt.f32 v6, v12;
	vm14 =	vlt.f32 v6, v49  }
0x3f3: {  	v24 =	vsel vm15, v26, v24;
	v34 =	vsel vm13, v3, v2;
	v26 =	vmul.f32 v41, v45  }
0x3f4: {  	v24 =	vmax.u32 v24, v4;
	v41 =	vsel vm14, v3, v2;
	v45 =	vsel vm13, v8, v7  }
0x3f5: {  	v24 =	vmin.u32 v24, v5;
	v46 =	vsel vm14, v8, v7;
	v26 =	vsub.f32 v31, v26;
	v50 =	vld.idx.msk [tilespmem:v50+s6+$0x0], $0xffff  }
0x3f6: {  	vm13 =	vlt.f32 v45, v12;
	vm14 =	vlt.f32 v46, v49;
	v31 =	vor.u32 $0x2000, v34;
	v45 =	vld.idx.msk [tilespmem:v47+s6+$0x0], $0xffff  }
0x3f7: {  	v31 =	vsel vm13, v31, v34;
	v34 =	vor.u32 $0x2000, v41;
	v26 =	vsel vm12, $0x0, v26  }
0x3f8: {  	v34 =	vsel vm14, v34, v41;
	v41 =	vor.u32 $0x1000, v31;
	v26 =	vsel vm11, $0x3F800000, v26  }
0x3f9: {  	v40 =	vsel vm10, v42, v40;
	v42 =	vor.u32 $0x1000, v34;
	v46 =	vand.u32 $0x7000, v41;
	[tilespmem:s26+$0x20] =	vst v26  }
0x3fa: {  	v46 =	vor.u32 v2, v46;
	v47 =	vand.u32 $0x7000, v42;
	v26 =	vor.u32 $0x800, v40;
	v51 =	vld.idx.msk [tilespmem:v24+s6+$0x0], $0xffff  }
0x3fb: {  	v47 =	vor.u32 v2, v47;
	v52 =	vand.u32 $0xFFFFFF8F, v26;
	vm10 =	vlt.f32 v50, v14  }
0x3fc: {  	v50 =	vor.u32 $0x2000, v44;
	vm11 =	vlt.f32 v45, v18;
	v37 =	vsel vm10, v39, v37;
	v39 =	vld.idx.msk [tilespmem:v24+s19+$0x0], $0xffff  }
0x3fd: {  	v32 =	vsel vm8, v48, v32;
	v33 =	vsel vm11, v33, v38;
	v38 =	vadd.s32 $0x400, v37  }
0x3fe: {  	vm8 =	vlt.f32 v43, v21;
	v44 =	vsel vm9, v50, v44;
	v43 =	vor.u32 $0x800, v33;
	v24 =	vld.idx.msk [tilespmem:v24+s18+$0x0], $0xffff  }
0x3ff: {  	v45 =	vor.u32 $0x1000, v32;
	v48 =	vor.u32 $0x1000, v44;
	v50 =	vand.u32 $0xFFFFFF8F, v43;
	v46 =	vld.idx.msk [tilespmem:v46+s6+$0x0], $0xffff  }
0x400: {  	v35 =	vsel vm8, v35, v36;
	v53 =	vand.u32 $0x7000, v45;
	v36 =	vld.idx.msk [tilespmem:v47+s6+$0x0], $0xffff;
	v47 =	vsub.f32 v11, v51  }
0x401: {  	v54 =	vor.u32 $0x800, v35;
	v51 =	vor.u32 v2, v53;
	v53 =	vand.u32 $0x7000, v48;
	v52 =	vld.idx.msk [tilespmem:v52+s6+$0x0], $0xffff  }
0x402: {  	v55 =	vand.u32 $0xFFFFFF8F, v54;
	v53 =	vor.u32 v2, v53;
	v56 =	vld.idx.msk [tilespmem:v38+s6+$0x0], $0xffff;
	v39 =	vmul.f32 v39, v47  }
0x403: {  	v30 =	vsub.f32 v17, v30;
	v17 =	vmovc v27;
	vm13 =	vle.f32 v27, v9;
	vm11 =	vge.f32 v27, v10  }
0x404: {  	v47 =	vadd.s32 $0x10, v23;
	v27 =	vld.idx.msk [tilespmem:v50+s6+$0x0], $0xffff;
	v50 =	vadd.s32 $0x10, v22;
	v24 =	vsub.f32 v24, v39  }
0x405: {  	vm9 =	vle.f32 v11, v9;
	vm10 =	vge.f32 v11, v10;
	v11 =	vmovc v49;
	vm8 =	vlt.f32 v46, v12  }
0x406: {  	v31 =	vsel vm8, v41, v31;
	vm8 =	vlt.f32 v36, v11;
	v39 =	vld.idx.msk [tilespmem:v51+s6+$0x0], $0xffff;
	v24 =	vsel vm9, $0x0, v24  }
0x407: {  	v34 =	vsel vm8, v42, v34;
	v41 =	vor.u32 $0x800, v31;
	v36 =	vld.idx.msk [tilespmem:v53+s6+$0x0], $0xffff;
	v24 =	vsel vm10, $0x3F800000, v24  }
0x408: {  	v46 =	vor.u32 $0x800, v34;
	v49 =	vand.u32 $0xFFFFFF8F, v41;
	vm8 =	vlt.f32 v56, v14;
	v42 =	vld.idx.msk [tilespmem:v55+s6+$0x0], $0xffff;
	[tilespmem:s26+$0x30] =	vst v24  }
0x409: {  	vm9 =	vlt.f32 v52, v17;
	v24 =	vand.u32 $0xFFFFFF8F, v46;
	v37 =	vsel vm8, v38, v37;
	v38 =	vld.idx.msk [tilespmem:v47+s6+$0x0], $0xffff  }
0x40a: {  	v26 =	vsel vm9, v26, v40;
	vm8 =	vlt.f32 v27, v18;
	v27 =	vadd.s32 $0x200, v37;
	v40 =	vld.idx.msk [tilespmem:v50+s6+$0x0], $0xffff  }
0x40b: {  	v29 =	vmul.f32 v29, v30;
	v51 =	vadd.s32 $0x400, v26;
	v33 =	vsel vm8, v43, v33  }
0x40c: {  	v25 =	vmin.u32 v25, v5;
	vm8 =	vlt.f32 v39, v20;
	v30 =	vadd.s32 $0x400, v33  }
0x40d: {  	v28 =	vsub.f32 v28, v29;
	v32 =	vsel vm8, v45, v32;
	vm8 =	vlt.f32 v36, v19;
	v36 =	vld.idx.msk [tilespmem:v49+s6+$0x0], $0xffff  }
0x40e: {  	v29 =	vsel vm8, v48, v44;
	v39 =	vor.u32 $0x800, v32;
	vm8 =	vlt.f32 v42, v21;
	v24 =	vld.idx.msk [tilespmem:v24+s6+$0x0], $0xffff  }
0x40f: {  	v42 =	vor.u32 $0x800, v29;
	v43 =	vand.u32 $0xFFFFFF8F, v39;
	v35 =	vsel vm8, v54, v35;
	v44 =	vld.idx.msk [tilespmem:v27+s6+$0x0], $0xffff  }
0x410: {  	v28 =	vsel vm7, $0x0, v28;
	v45 =	vand.u32 $0xFFFFFF8F, v42;
	v48 =	vadd.s32 $0x400, v35;
	v49 =	vld.idx.msk [tilespmem:v51+s6+$0x0], $0xffff  }
0x411: {  	v28 =	vsel vm6, $0x3F800000, v28;
	vm14 =	vle.f32 v21, v9;
	vm7 =	vlt.f32 v38, v16;
	v52 =	vld.idx.msk [tilespmem:v30+s6+$0x0], $0xffff  }
0x412: {  	vm15 =	vge.f32 v21, v10;
	v23 =	vsel vm7, v47, v23;
	vm6 =	vlt.f32 v40, v15;
	[tilespmem:s26+$0xFFFFFFC0] =	vst v28  }
0x413: {  	vm10 =	vle.f32 v20, v9;
	v23 =	vmax.u32 v23, v4;
	vm7 =	vlt.f32 v36, v12;
	v28 =	vld.idx.msk [tilespmem:v25+s6+$0x0], $0xffff  }
0x414: {  	v23 =	vmin.u32 v23, v5;
	v31 =	vsel vm7, v41, v31;
	vm7 =	vlt.f32 v24, v11;
	v36 =	vld.idx.msk [tilespmem:v43+s6+$0x0], $0xffff  }
0x415: {  	v34 =	vsel vm7, v46, v34;
	v38 =	vadd.s32 $0x400, v31;
	vm7 =	vlt.f32 v44, v14;
	v24 =	vld.idx.msk [tilespmem:v48+s6+$0x0], $0xffff  }
0x416: {  	vm8 =	vlt.f32 v49, v17;
	v41 =	vadd.s32 $0x400, v34;
	v27 =	vsel vm7, v27, v37;
	v40 =	vld.idx.msk [tilespmem:v45+s6+$0x0], $0xffff  }
0x417: {  	v26 =	vsel vm8, v51, v26;
	vm7 =	vlt.f32 v52, v18;
	v37 =	vadd.s32 $0x100, v27;
	v43 =	vld.idx.msk [tilespmem:v25+s19+$0x0], $0xffff  }
0x418: {  	v22 =	vsel vm6, v50, v22;
	v44 =	vadd.s32 $0x200, v26;
	v30 =	vsel vm7, v30, v33;
	v25 =	vld.idx.msk [tilespmem:v25+s18+$0x0], $0xffff  }
0x419: {  	vm12 =	vge.f32 v20, v10;
	v33 =	vadd.s32 $0x200, v30;
	v28 =	vsub.f32 v13, v28;
	v13 =	vmovc v21  }
0x41a: {  	vm8 =	vle.f32 v19, v9;
	v21 =	vmax.u32 v22, v4;
	vm6 =	vlt.f32 v36, v20;
	v36 =	vld.idx.msk [tilespmem:v38+s6+$0x0], $0xffff  }
0x41b: {  	v21 =	vmin.u32 v21, v5;
	v22 =	vsel vm6, v39, v32;
	vm6 =	vlt.f32 v24, v13;
	v24 =	vld.idx.msk [tilespmem:v41+s6+$0x0], $0xffff  }
0x41c: {  	vm7 =	vlt.f32 v40, v19;
	v32 =	vadd.s32 $0x400, v22;
	v35 =	vsel vm6, v48, v35;
	v39 =	vld.idx.msk [tilespmem:v37+s6+$0x0], $0xffff  }
0x41d: {  	v29 =	vsel vm7, v42, v29;
	v40 =	vadd.s32 $0x200, v35;
	v28 =	vmul.f32 v43, v28;
	v42 =	vld.idx.msk [tilespmem:v44+s6+$0x0], $0xffff  }
0x41e: {  	vm9 =	vge.f32 v19, v10;
	vm7 =	vmmov vm13;
	v43 =	vadd.s32 $0x400, v29;
	v45 =	vld.idx.msk [tilespmem:v33+s6+$0x0], $0xffff  }
0x41f: {  	vm6 =	vmmov vm11;
	v25 =	vsub.f32 v25, v28  }
0x420: {  	vm11 =	vlt.f32 v36, v12  }
0x421: {  	v31 =	vsel vm11, v38, v31;
	vm11 =	vlt.f32 v24, v11;
	v24 =	vsel vm5, $0x0, v25;
	v28 =	vld.idx.msk [tilespmem:v32+s6+$0x0], $0xffff  }
0x422: {  	v34 =	vsel vm11, v41, v34;
	v36 =	vadd.s32 $0x200, v31;
	vm5 =	vlt.f32 v39, v14;
	v25 =	vld.idx.msk [tilespmem:v40+s6+$0x0], $0xffff  }
0x423: {  	vm11 =	vlt.f32 v42, v17;
	v39 =	vadd.s32 $0x200, v34;
	v27 =	vsel vm5, v37, v27;
	v38 =	vld.idx.msk [tilespmem:v43+s6+$0x0], $0xffff  }
0x424: {  	v26 =	vsel vm11, v44, v26;
	vm5 =	vlt.f32 v45, v18;
	v37 =	vadd.s32 $0x80, v27  }
0x425: {  	v24 =	vsel vm4, $0x3F800000, v24;
	v41 =	vadd.s32 $0x100, v26;
	v30 =	vsel vm5, v33, v30  }
0x426: {  	vm4 =	vmmov vm15;
	vm5 =	vmmov vm14;
	v33 =	vadd.s32 $0x100, v30;
	[tilespmem:s26+$0xFFFFFFD0] =	vst v24  }
0x427: {  	vm11 =	vlt.f32 v28, v20;
	v24 =	vld.idx.msk [tilespmem:v36+s6+$0x0], $0xffff  }
0x428: {  	v22 =	vsel vm11, v32, v22;
	vm11 =	vlt.f32 v25, v13;
	v25 =	vld.idx.msk [tilespmem:v39+s6+$0x0], $0xffff  }
0x429: {  	vm13 =	vlt.f32 v38, v19;
	v28 =	vadd.s32 $0x200, v22;
	v32 =	vsel vm11, v40, v35;
	v35 =	vld.idx.msk [tilespmem:v37+s6+$0x0], $0xffff  }
0x42a: {  	v29 =	vsel vm13, v43, v29;
	v38 =	vadd.s32 $0x100, v32;
	v40 =	vld.idx.msk [tilespmem:v41+s6+$0x0], $0xffff  }
0x42b: {  	v42 =	vadd.s32 $0x200, v29;
	v43 =	vld.idx.msk [tilespmem:v33+s6+$0x0], $0xffff  }
0x42c: {  	v44 =	vld.idx.msk [tilespmem:v23+s6+$0x0], $0xffff  }
0x42d: {  	vm11 =	vlt.f32 v24, v12;
	v24 =	vld.idx.msk [tilespmem:v23+s19+$0x0], $0xffff  }
0x42e: {  	v31 =	vsel vm11, v36, v31;
	vm11 =	vlt.f32 v25, v11;
	v45 =	vld.idx.msk [tilespmem:v28+s6+$0x0], $0xffff  }
0x42f: {  	v34 =	vsel vm11, v39, v34;
	v36 =	vadd.s32 $0x100, v31;
	vm11 =	vlt.f32 v35, v14;
	v25 =	vld.idx.msk [tilespmem:v38+s6+$0x0], $0xffff  }
0x430: {  	vm13 =	vlt.f32 v40, v17;
	v39 =	vadd.s32 $0x100, v34;
	v27 =	vsel vm11, v37, v27;
	v35 =	vld.idx.msk [tilespmem:v42+s6+$0x0], $0xffff  }
0x431: {  	v26 =	vsel vm13, v41, v26;
	vm11 =	vlt.f32 v43, v18;
	v37 =	vadd.s32 $0x40, v27;
	v23 =	vld.idx.msk [tilespmem:v23+s18+$0x0], $0xffff  }
0x432: {  	v40 =	vadd.s32 $0x80, v26;
	v30 =	vsel vm11, v33, v30;
	v33 =	vsub.f32 v16, v44;
	v16 =	vmovc v20  }
0x433: {  	v20 =	vadd.s32 $0x80, v30  }
0x434: {  	vm11 =	vlt.f32 v45, v16;
	v24 =	vmul.f32 v24, v33;
	v41 =	vld.idx.msk [tilespmem:v36+s6+$0x0], $0xffff  }
0x435: {  	v22 =	vsel vm11, v28, v22;
	vm11 =	vlt.f32 v25, v13;
	v25 =	vld.idx.msk [tilespmem:v39+s6+$0x0], $0xffff  }
0x436: {  	vm13 =	vlt.f32 v35, v19;
	v28 =	vadd.s32 $0x100, v22;
	v32 =	vsel vm11, v38, v32;
	v33 =	vld.idx.msk [tilespmem:v37+s6+$0x0], $0xffff  }
0x437: {  	v29 =	vsel vm13, v42, v29;
	v35 =	vadd.s32 $0x80, v32;
	v23 =	vsub.f32 v23, v24;
	v38 =	vld.idx.msk [tilespmem:v40+s6+$0x0], $0xffff  }
0x438: {  	v24 =	vadd.s32 $0x100, v29;
	v42 =	vld.idx.msk [tilespmem:v20+s6+$0x0], $0xffff  }
0x439: {  	v23 =	vsel vm2, $0x0, v23;
	vm2 =	vmmov vm10  }
0x43a: {  	vm10 =	vlt.f32 v41, v12;
	v23 =	vsel vm3, $0x3F800000, v23;
	vm3 =	vmmov vm12  }
0x43b: {  	v31 =	vsel vm10, v36, v31;
	vm10 =	vlt.f32 v25, v11;
	v41 =	vld.idx.msk [tilespmem:v28+s6+$0x0], $0xffff;
	[tilespmem:s26+$0xFFFFFFE0] =	vst v23  }
0x43c: {  	v25 =	vsel vm10, v39, v34;
	v34 =	vadd.s32 $0x80, v31;
	vm10 =	vlt.f32 v33, v14;
	v23 =	vld.idx.msk [tilespmem:v35+s6+$0x0], $0xffff  }
0x43d: {  	vm11 =	vlt.f32 v38, v17;
	v36 =	vadd.s32 $0x80, v25;
	v27 =	vsel vm10, v37, v27;
	v33 =	vld.idx.msk [tilespmem:v24+s6+$0x0], $0xffff  }
0x43e: {  	v26 =	vsel vm11, v40, v26;
	vm10 =	vlt.f32 v42, v18;
	v37 =	vadd.s32 $0x20, v27;
	v38 =	vld.idx.msk [tilespmem:v21+s6+$0x0], $0xffff  }
0x43f: {  	v39 =	vadd.s32 $0x40, v26;
	v20 =	vsel vm10, v20, v30;
	v30 =	vld.idx.msk [tilespmem:v21+s19+$0x0], $0xffff  }
0x440: {  	v40 =	vadd.s32 $0x40, v20;
	v21 =	vld.idx.msk [tilespmem:v21+s18+$0x0], $0xffff  }
0x441: {  	vm10 =	vlt.f32 v41, v16;
	v41 =	vld.idx.msk [tilespmem:v34+s6+$0x0], $0xffff  }
0x442: {  	v22 =	vsel vm10, v28, v22;
	vm10 =	vlt.f32 v23, v13;
	v23 =	vld.idx.msk [tilespmem:v36+s6+$0x0], $0xffff  }
0x443: {  	vm11 =	vlt.f32 v33, v19;
	v28 =	vadd.s32 $0x80, v22;
	v32 =	vsel vm10, v35, v32;
	v33 =	vld.idx.msk [tilespmem:v37+s6+$0x0], $0xffff  }
0x444: {  	v24 =	vsel vm11, v24, v29;
	v29 =	vadd.s32 $0x40, v32;
	v38 =	vsub.f32 v15, v38;
	v15 =	vmovc v19;
	v35 =	vld.idx.msk [tilespmem:v39+s6+$0x0], $0xffff  }
0x445: {  	v19 =	vadd.s32 $0x80, v24;
	v42 =	vld.idx.msk [tilespmem:v40+s6+$0x0], $0xffff  }
0x446: {  	v30 =	vmul.f32 v30, v38  }
0x447: {  	vm10 =	vlt.f32 v41, v12  }
0x448: {  	v31 =	vsel vm10, v34, v31;
	vm10 =	vlt.f32 v23, v11;
	v21 =	vsub.f32 v21, v30;
	v38 =	vld.idx.msk [tilespmem:v28+s6+$0x0], $0xffff  }
0x449: {  	v25 =	vsel vm10, v36, v25;
	v30 =	vadd.s32 $0x40, v31;
	vm10 =	vlt.f32 v33, v14;
	v23 =	vld.idx.msk [tilespmem:v29+s6+$0x0], $0xffff  }
0x44a: {  	vm11 =	vlt.f32 v35, v17;
	v34 =	vadd.s32 $0x40, v25;
	v27 =	vsel vm10, v37, v27;
	v33 =	vld.idx.msk [tilespmem:v19+s6+$0x0], $0xffff  }
0x44b: {  	v26 =	vsel vm11, v39, v26;
	vm10 =	vlt.f32 v42, v18;
	v35 =	vadd.s32 $0x10, v27  }
0x44c: {  	v21 =	vsel vm0, $0x0, v21;
	v36 =	vadd.s32 $0x20, v26;
	v20 =	vsel vm10, v40, v20  }
0x44d: {  	vm0 =	vmmov vm8;
	v21 =	vsel vm1, $0x3F800000, v21;
	v37 =	vadd.s32 $0x20, v20  }
0x44e: {  	vm1 =	vmmov vm9;
	vm8 =	vlt.f32 v38, v16;
	v38 =	vld.idx.msk [tilespmem:v30+s6+$0x0], $0xffff;
	[tilespmem:s26+$0xFFFFFFF0] =	vst v21  }
0x44f: {  	v22 =	vsel vm8, v28, v22;
	vm8 =	vlt.f32 v23, v13;
	v21 =	vld.idx.msk [tilespmem:v34+s6+$0x0], $0xffff  }
0x450: {  	vm9 =	vlt.f32 v33, v15;
	v23 =	vadd.s32 $0x40, v22;
	v28 =	vsel vm8, v29, v32;
	v29 =	vld.idx.msk [tilespmem:v35+s6+$0x0], $0xffff  }
0x451: {  	v24 =	vsel vm9, v19, v24;
	v19 =	vadd.s32 $0x20, v28;
	v32 =	vld.idx.msk [tilespmem:v36+s6+$0x0], $0xffff  }
0x452: {  	v33 =	vadd.s32 $0x40, v24;
	v39 =	vld.idx.msk [tilespmem:v37+s6+$0x0], $0xffff;
	_ =	sdelay $0x2  }
0x453: {  	vm8 =	vlt.f32 v38, v12;
	v40 =	vld.idx.msk [tilespmem:v23+s6+$0x0], $0xffff  }
0x454: {  	v31 =	vsel vm8, v30, v31;
	vm8 =	vlt.f32 v21, v11;
	vm9 =	vlt.f32 v29, v14;
	v38 =	vld.idx.msk [tilespmem:v19+s6+$0x0], $0xffff  }
0x455: {  	v41 =	vsel vm8, v34, v25;
	v42 =	vadd.s32 $0x20, v31;
	v21 =	vsel vm9, v35, v27;
	v29 =	vld.idx.msk [tilespmem:v33+s6+$0x0], $0xffff  }
0x456: {  	v35 =	vadd.s32 $0x20, v41;
	vm8 =	vlt.f32 v39, v18;
	v21 =	vmax.u32 v21, v4  }
0x457: {  	vm9 =	vlt.f32 v32, v17;
	v37 =	vsel vm8, v37, v20;
	v30 =	vmin.u32 v21, v5  }
0x458: {  	v21 =	vsel vm9, v36, v26;
	v26 =	vadd.s32 $0x10, v37  }
0x459: {  	v27 =	vadd.s32 $0x10, v21;
	vm8 =	vlt.f32 v40, v16  }
0x45a: {  	v20 =	vsel vm8, v23, v22;
	vm8 =	vlt.f32 v38, v13;
	v32 =	vld.idx.msk [tilespmem:v42+s6+$0x0], $0xffff  }
0x45b: {  	vm9 =	vlt.f32 v29, v15;
	v23 =	vadd.s32 $0x20, v20;
	v19 =	vsel vm8, v19, v28;
	v34 =	vld.idx.msk [tilespmem:v35+s6+$0x0], $0xffff  }
0x45c: {  	v25 =	vsel vm9, v33, v24;
	v22 =	vadd.s32 $0x10, v19;
	v24 =	vld.idx.msk [tilespmem:v30+s6+$0x0], $0xffff  }
0x45d: {  	v28 =	vadd.s32 $0x20, v25;
	v36 =	vld.idx.msk [tilespmem:v26+s6+$0x0], $0xffff  }
0x45e: {  	v38 =	vld.idx.msk [tilespmem:v30+s19+$0x0], $0xffff  }
0x45f: {  	v39 =	vld.idx.msk [tilespmem:v27+s6+$0x0], $0xffff  }
0x460: {  	v29 =	vld.idx.msk [tilespmem:v30+s18+$0x0], $0xffff  }
.Ltmp8:
0x461: {  	v30 =	vld.idx.msk [tilespmem:v22+s6+$0x0], $0xffff;
	(pc) =	sbr.rel @p0 .LBB2_17-.Ltmp8, $4  }
0x462: {  	vm8 =	vlt.f32 v32, v12;
	vm9 =	vlt.f32 v34, v11;
	v40 =	vsub.f32 v14, v24;
	v33 =	vld.idx.msk [tilespmem:v23+s6+$0x0], $0xffff  }
0x463: {  	v31 =	vsel vm8, v42, v31;
	v24 =	vsel vm9, v35, v41;
	vm8 =	vlt.f32 v36, v18;
	v34 =	vld.idx.msk [tilespmem:v28+s6+$0x0], $0xffff  }
0x464: {  	v32 =	vadd.s32 $0x10, v31;
	v36 =	vsel vm8, v26, v37;
	v35 =	vmul.f32 v38, v40  }
0x465: {  	s29 =	sadd.s32 $0x80, s29;
	v26 =	vadd.s32 $0x10, v24;
	vm8 =	vlt.f32 v39, v17;
	v36 =	vmax.u32 v36, v4  }
0x466: {  	v21 =	vsel vm8, v27, v21  }
0x467: {  	v21 =	vmax.u32 v21, v4  }
0x468: {  	v21 =	vmin.u32 v21, v5;
	_ =	sdelay $0x4  }
0x469: {  	v61 =	vld.idx.msk [tilespmem:v21+s6+$0x0], $0xffff;
	_ =	sdelay $0x1  }
0x46a: {  	v37 =	vld.idx.msk [tilespmem:v21+s19+$0x0], $0xffff;
	_ =	sdelay $0x1  }
0x46b: {  	vm13 =	vlt.f32 v33, v16;
	v21 =	vld.idx.msk [tilespmem:v21+s18+$0x0], $0xffff  }
0x46c: {  	vm9 =	vlt.f32 v34, v15;
	v20 =	vsel vm13, v23, v20;
	v17 =	vsub.f32 v17, v61  }
0x46d: {  	vm14 =	vlt.f32 v30, v13;
	v62 =	vsel vm9, v28, v25;
	v63 =	vadd.s32 $0x10, v20  }
0x46e: {  	v19 =	vsel vm14, v22, v19;
	v38 =	vadd.s32 $0x10, v62;
	v17 =	vmul.f32 v37, v17  }
0x46f: {  	v39 =	vsub.f32 v29, v35;
	v40 =	vmin.u32 v36, v5;
	v19 =	vmax.u32 v19, v4  }
0x470: {  	vm15 =	vle.f32 v14, v9;
	v41 =	vld.idx.msk [tilespmem:v32+s6+$0x0], $0xffff;
	v19 =	vmin.u32 v19, v5;
	v17 =	vsub.f32 v21, v17  }
0x471: {  	vm12 =	vge.f32 v14, v10;
	v43 =	vld.idx.msk [tilespmem:v26+s6+$0x0], $0xffff;
	v42 =	vsel vm15, $0x0, v39  }
0x472: {  	s26 =	sadd.s32 $0x80, s26;
	v44 =	vld.idx.msk [tilespmem:v63+s6+$0x0], $0xffff;
	v21 =	vsel vm12, $0x3F800000, v42;
	v17 =	vsel vm7, $0x0, v17  }
0x473: {  	v45 =	vld.idx.msk [tilespmem:v38+s6+$0x0], $0xffff;
	[tilespmem:s26+$0x0] =	vst v21;
	v17 =	vsel vm6, $0x3F800000, v17  }
0x474: {  	v46 =	vld.idx.msk [tilespmem:v40+s6+$0x0], $0xffff;
	[tilespmem:s26+$0xFFFFFFC0] =	vst v17  }
0x475: {  	v17 =	vld.idx.msk [tilespmem:v19+s6+$0x0], $0xffff  }
0x476: {  	v47 =	vld.idx.msk [tilespmem:v40+s19+$0x0], $0xffff  }
0x477: {  	v48 =	vld.idx.msk [tilespmem:v19+s19+$0x0], $0xffff  }
0x478: {  	v28 =	vld.idx.msk [tilespmem:v40+s18+$0x0], $0xffff  }
0x479: {  	v19 =	vld.idx.msk [tilespmem:v19+s18+$0x0], $0xffff;
	v30 =	vsub.f32 v18, v46  }
0x47a: {  	vm13 =	vlt.f32 v41, v12;
	v49 =	vsub.f32 v13, v17  }
0x47b: {  	v50 =	vsel vm13, v32, v31;
	vm14 =	vlt.f32 v44, v16;
	v51 =	vmul.f32 v47, v30  }
0x47c: {  	v20 =	vsel vm14, v63, v20;
	v17 =	vmax.u32 v50, v4;
	v13 =	vmul.f32 v48, v49  }
0x47d: {  	v20 =	vmax.u32 v20, v4;
	v52 =	vsub.f32 v28, v51;
	v17 =	vmin.u32 v17, v5  }
0x47e: {  	vm15 =	vle.f32 v18, v9;
	v20 =	vmin.u32 v20, v5;
	v13 =	vsub.f32 v19, v13  }
0x47f: {  	vm9 =	vge.f32 v18, v10;
	v53 =	vsel vm15, $0x0, v52  }
0x480: {  	v18 =	vsel vm9, $0x3F800000, v53;
	v13 =	vsel vm5, $0x0, v13  }
0x481: {  	[tilespmem:s26+$0x10] =	vst v18;
	v13 =	vsel vm4, $0x3F800000, v13  }
0x482: {  	v18 =	vld.idx.msk [tilespmem:v17+s6+$0x0], $0xffff;
	[tilespmem:s26+$0xFFFFFFD0] =	vst v13  }
0x483: {  	v13 =	vld.idx.msk [tilespmem:v20+s6+$0x0], $0xffff  }
0x484: {  	v54 =	vld.idx.msk [tilespmem:v17+s19+$0x0], $0xffff  }
0x485: {  	v55 =	vld.idx.msk [tilespmem:v20+s19+$0x0], $0xffff  }
0x486: {  	v17 =	vld.idx.msk [tilespmem:v17+s18+$0x0], $0xffff  }
0x487: {  	v20 =	vld.idx.msk [tilespmem:v20+s18+$0x0], $0xffff;
	v18 =	vsub.f32 v12, v18  }
0x488: {  	vm10 =	vlt.f32 v43, v11;
	v13 =	vsub.f32 v16, v13  }
0x489: {  	v14 =	vsel vm10, v26, v24;
	vm11 =	vlt.f32 v45, v15;
	v56 =	vmul.f32 v54, v18  }
0x48a: {  	v14 =	vmax.u32 v14, v4;
	v57 =	vsel vm11, v38, v62;
	v13 =	vmul.f32 v55, v13  }
0x48b: {  	v14 =	vmin.u32 v14, v5;
	v58 =	vmax.u32 v57, v4;
	v16 =	vsub.f32 v17, v56  }
0x48c: {  	vm12 =	vle.f32 v12, v9;
	v17 =	vmin.u32 v58, v5;
	v13 =	vsub.f32 v20, v13  }
0x48d: {  	vm13 =	vge.f32 v12, v10;
	v59 =	vsel vm12, $0x0, v16  }
0x48e: {  	v12 =	vsel vm13, $0x3F800000, v59;
	v13 =	vsel vm2, $0x0, v13  }
0x48f: {  	[tilespmem:s26+$0x20] =	vst v12;
	v60 =	vsel vm3, $0x3F800000, v13  }
0x490: {  	v61 =	vld.idx.msk [tilespmem:v14+s6+$0x0], $0xffff;
	[tilespmem:s26+$0xFFFFFFE0] =	vst v60  }
0x491: {  	v12 =	vld.idx.msk [tilespmem:v17+s6+$0x0], $0xffff  }
0x492: {  	v62 =	vld.idx.msk [tilespmem:v14+s19+$0x0], $0xffff  }
0x493: {  	v63 =	vld.idx.msk [tilespmem:v17+s19+$0x0], $0xffff  }
0x494: {  	v14 =	vld.idx.msk [tilespmem:v14+s18+$0x0], $0xffff  }
0x495: {  	v17 =	vld.idx.msk [tilespmem:v17+s18+$0x0], $0xffff;
	v13 =	vsub.f32 v11, v61  }
0x496: {  	v12 =	vsub.f32 v15, v12  }
0x497: {  	v13 =	vmul.f32 v62, v13  }
0x498: {  	v12 =	vmul.f32 v63, v12  }
0x499: {  	s24 =	sadd.s32 $0x1, s24;
	v13 =	vsub.f32 v14, v13  }
0x49a: {  	p0 =	sne.s32 s24, $0x10;
	vm14 =	vle.f32 v11, v9;
	v12 =	vsub.f32 v17, v12  }
.Ltmp9:
0x49b: {  	vm15 =	vge.f32 v11, v10;
	v11 =	vsel vm14, $0x0, v13;
	(pc) =	sbr.rel @p0 .LBB2_10-.Ltmp9, $4  }
0x49c: {  	v11 =	vsel vm15, $0x3F800000, v11;
	v12 =	vsel vm0, $0x0, v12  }
0x49d: {  	[tilespmem:s26+$0x30] =	vst v11;
	v11 =	vsel vm1, $0x3F800000, v12  }
0x49e: {  	s25 =	sadd.s32 s5, s25;
	[tilespmem:s26+$0xFFFFFFF0] =	vst v11  }
0x49f: {  	[hbm4b:s25+s6] =	stream.linear.scatter [tilespmem:s12], [sflag:$0x4], $0x2000, $0x38;
	[tilespmem:$0x1FB00] =	vst v63  }
0x4a0: {  	s23 =	sadd.s32 $0x1, s23  }
0x4a1: {  	_ =	swait.ge [sflag:s22], $0x2000;
	p0 =	sne.s32 s23, s11  }
.Ltmp10:
0x4a2: {  	[sflag:s22] =	ssyncset.done $0x0;
	(pc) =	sbr.rel @p0 .LBB2_1-.Ltmp10, $4  }
0x4a3: {  	[sflag:s22] =	ssyncadd.s32 $0xFFFFE000  }
0x4a4: {  	_ =	swait.ge [sflag:s21], $0x2000  }
0x4a5: {  	[sflag:s21] =	ssyncset.done $0x0  }
0x4a6: {  	[sflag:s21] =	ssyncadd.s32 $0xFFFFE000  }
0x4a7: {  	_ =	sfence.sel $0x180000  }
0x4a8: {  	[bflag:$0x0] =	sbarrier.arrive $0xFFFF  }
0x4a9: {  	p0 =	sne.s32 s2, $0x0;
	_ =	strace $0x90000047  }
0x4aa: {  	s0 =	sadd.s32 @!p0 $0x100000, s1;
	[bflag:$0x2] =	sbarrier.arrive $0xFFFF  }
0x4ab: {  	[sflag:s0] =	ssyncadd.tile.s32 @!p0 $0x1;
	_ =	shalt  }
.Lfunc_end2:
_tile_overlayer_lowered:
.L_overlay_start_2:
0x4ac: {  	(tag) =	ssettag $0x2  }
0x4ad: {  	s0 =	rddreg [dreg:$0x0];
	s2 =	stileid.u32  }
0x4ae: {  	s1 =	rddreg [dreg:$0x1];
	p0 =	sne.s32 s2, $0x0  }
0x4af: {  	s3 =	rddreg [dreg:$0x2];
	[bflag:$0x3] =	sbarrier.arrive $0xFFFF;
	s2 =	simm.s32 @!p0 $0x1C05  }
0x4b0: {  	[timem:s3], [sflag:s2] =	dma.local @!p0 [hbm:s0], s1  }
0x4b1: {  	s0 =	simm.s32 @!p0 $0x5  }
0x4b2: {  	_ =	swait.ge @!p0 [sflag:s0], s1  }
0x4b3: {  	s1 =	ssub.s32 @!p0 $0x0, s1;
	[sflag:s0] =	ssyncset.done @!p0 $0x0  }
0x4b4: {  	[sflag:s0] =	ssyncadd.s32 @!p0 s1  }
0x4b5: {  	[bflag:$0x3] =	sbarrier.arrive $0xFFFF  }
0x4b6: {  	_ =	shalt  }

</sc_bundles>
